<compile_context>
chip_gen: v7x
topology: tpu7x:2x2x1
jax: 0.10.2.dev20260603
libtpu: 0.0.44.dev20260713+nightly
codegen_flags: <defaults>
</compile_context>

<pallas_src>
import functools
import math

import jax
import jax.numpy as jnp
import jax.scipy.linalg
from jax import lax
from jax.experimental import pallas as pl
from jax.experimental.pallas import tpu as pltpu
from jax.experimental.pallas import tpu_sc as plsc

N_NODES = 50000
N_PAD = 50176
N_EDGES = 3200000
NC, NS, LANES = 2, 16, 16
NW = NC * NS
EDGES_PER_W = N_EDGES // NW
CHUNK = 400
NCHUNK = EDGES_PER_W // CHUNK
ROWS_PER_SUB = N_PAD // NS
TEMB_SCALE = math.pi / 1000.0
EA_FEATS = 7
BE = 3200
BN = 2000
F32 = jnp.float32



def _sc_edge_body(sd, pre16, xw16, z16, out,
                  sd0, sd1, pre0, pre1, gat0, gat1, table, acc,
                  sem0, sem1, gsem):
    cid = lax.axis_index("c")
    sid = lax.axis_index("s")
    w = sid * NC + cid
    r0 = pl.multiple_of(sid * ROWS_PER_SUB, 8)
    pltpu.sync_copy(xw16.at[pl.ds(r0, ROWS_PER_SUB)],
                    table.at[pl.ds(r0, ROWS_PER_SUB)])
    pltpu.sync_copy(z16.at[pl.ds(r0, ROWS_PER_SUB)],
                    acc.at[pl.ds(r0, ROWS_PER_SUB)])
    plsc.subcore_barrier()

    zero16 = jnp.zeros((LANES,), F32)
    bufs = ((sd0, pre0, gat0, sem0), (sd1, pre1, gat1, sem1))

    def fire(c, b):
        sd_v, pre_v, _, sem = bufs[b]
        base = pl.multiple_of(w * EDGES_PER_W + c * CHUNK, 8)
        pltpu.async_copy(sd.at[:, pl.ds(base, CHUNK)], sd_v, sem)
        pltpu.async_copy(pre16.at[pl.ds(base * 16, CHUNK * 16)], pre_v, sem)

    def process(b):
        sd_v, pre_v, gat_v, sem = bufs[b]
        pltpu.make_async_copy(sd.at[:, pl.ds(0, CHUNK)], sd_v, sem).wait()
        pltpu.make_async_copy(pre16.at[pl.ds(0, CHUNK * 16)], pre_v,
                              sem).wait()
        pltpu.async_copy(table.at[sd_v.at[0]], gat_v, gsem).wait()

        def edge_body(i, _):
            p = pre_v[pl.ds(i * 16, 16)]
            gat_v[i, :] = jnp.maximum(gat_v[i, :] + p, zero16)
            return 0

        lax.fori_loop(0, CHUNK, edge_body, 0, unroll=8)
        pltpu.sync_copy(gat_v, acc.at[sd_v.at[1]], add=True)

    fire(0, 0)

    def body2(m, _):
        fire(2 * m + 1, 1)
        process(0)

        @pl.when(m + 1 < NCHUNK // 2)
        def _():
            fire(2 * m + 2, 0)

        process(1)
        return 0

    lax.fori_loop(0, NCHUNK // 2, body2, 0)
    plsc.subcore_barrier()
    pltpu.sync_copy(acc.at[pl.ds(r0, ROWS_PER_SUB)],
                    out.at[cid, pl.ds(r0, ROWS_PER_SUB)])


def _sc_edge(sd, pre16, xw16, z16):
    fn = pl.kernel(
        _sc_edge_body,
        out_type=jax.ShapeDtypeStruct((2, N_PAD, 16), F32),
        mesh=plsc.VectorSubcoreMesh(core_axis_name="c", subcore_axis_name="s",
                                    num_cores=NC, num_subcores=NS),
        compiler_params=pltpu.CompilerParams(use_tc_tiling_on_sc=False),
        scratch_types=[
            pltpu.VMEM((2, CHUNK), jnp.int32),
            pltpu.VMEM((2, CHUNK), jnp.int32),
            pltpu.VMEM((CHUNK * 16,), F32),
            pltpu.VMEM((CHUNK * 16,), F32),
            pltpu.VMEM((CHUNK, 16), F32),
            pltpu.VMEM((CHUNK, 16), F32),
            pltpu.VMEM_SHARED((N_PAD, 16), F32),
            pltpu.VMEM_SHARED((N_PAD, 16), F32),
            pltpu.SemaphoreType.DMA,
            pltpu.SemaphoreType.DMA,
            pltpu.SemaphoreType.DMA,
        ],
    )
    return fn(sd, pre16, xw16, z16)



def _dotT(a, b):
    return lax.dot_general(a, b, (((0,), (0,)), ((), ())),
                           preferred_element_type=F32)


BER = 640


def _edge_prep_body(*refs):
    ea = refs[:8]
    wblk_ref, b128_ref, o_ref = refs[8:]
    cat = jnp.concatenate([r[...] for r in ea], axis=0)
    o_ref[...] = _dotT(cat, wblk_ref[...]) + b128_ref[...]


def _edge_prep(eaT, wblk, b128):
    eg = N_EDGES // 8 // BER
    in_specs = [pl.BlockSpec((7, BER), lambda i, k=k: (0, k * eg + i))
                for k in range(8)]
    in_specs += [pl.BlockSpec((56, 128), lambda i: (0, 0)),
                 pl.BlockSpec((1, 128), lambda i: (0, 0))]
    return pl.pallas_call(
        _edge_prep_body,
        grid=(eg,),
        in_specs=in_specs,
        out_specs=pl.BlockSpec((BER, 128), lambda i: (i, 0)),
        out_shape=jax.ShapeDtypeStruct((N_EDGES // 8, 128), F32),
    )(*([eaT] * 8), wblk, b128)


def _xw0_body(x_ref, w_ref, o_ref):
    o_ref[...] = jnp.dot(x_ref[...], w_ref[...], preferred_element_type=F32)


def _xw0(x0, w0p):
    return pl.pallas_call(
        _xw0_body,
        grid=(N_NODES // BN,),
        in_specs=[pl.BlockSpec((BN, 7), lambda i: (i, 0)),
                  pl.BlockSpec((7, 16), lambda i: (0, 0))],
        out_specs=pl.BlockSpec((BN, 16), lambda i: (i, 0)),
        out_shape=jax.ShapeDtypeStruct((N_PAD, 16), F32),
    )(x0, w0p)


def _node(l, Sp, S0, x, tn, conds, wl, out_dim, has_next):
    full = lambda a: pl.BlockSpec(a.shape, lambda i: (0,) * a.ndim)
    row = lambda w: pl.BlockSpec((BN, w), lambda i: (i, 0))
    p0 = pl.BlockSpec((1, BN, 16), lambda i: (0, i, 0))
    p1 = pl.BlockSpec((1, BN, 16), lambda i: (1, i, 0))
    weights = [wl['w2psi'], wl['b2psi'], wl['p1x'], wl['p1a'], wl['p1t0'],
               wl['p1t1'], wl['p1b'], wl['p2'], wl['p2b'], wl['wc'],
               wl['bc'], wl['g1'], wl['g1b'], wl['g2'], wl['g2b'],
               wl['e1'], wl['e1b'], wl['e2'], wl['e2b']]
    if has_next:
        weights.append(wl['wnext'])
    in_specs = ([p0, p1, p0, p1, row(x.shape[1]), row(1), row(4)]
                + [full(w) for w in weights])

    def body(*refs):
        sp0, sp1, c0, c1, x_r, tn_r, cond_r = refs[:7]
        wr = list(refs[7:])
        (w2psi, b2psi, p1x, p1a, p1t0, p1t1, p1b, p2, p2b, wc, bc,
         g1, g1b, g2, g2b, e1, e1b, e2, e2b) = wr[:19]
        wr = wr[19:]
        wnext = wr.pop(0) if has_next else None
        if has_next:
            out_ref, xwn_ref = wr
        else:
            (out_ref,) = wr
        relu = lambda v: jnp.maximum(v, 0.0)
        dot = functools.partial(jnp.dot, preferred_element_type=F32)

        S = sp0[0, :, 0:8] + sp1[0, :, 0:8]
        cnt = c0[0, :, 8:9] + c1[0, :, 8:9]
        inv = 1.0 / jnp.maximum(cnt, 1.0)
        agg = (dot(S, w2psi[...]) + cnt * b2psi[...]) * inv
        ce = dot(cond_r[...], wc[...]) + bc[...]
        gam = dot(relu(dot(ce, g1[...]) + g1b[...]), g2[...]) + g2b[...]
        bet = dot(relu(dot(ce, e1[...]) + e1b[...]), e2[...]) + e2b[...]
        ang = tn_r[...] * TEMB_SCALE
        u = (dot(x_r[...], p1x[...]) + dot(agg, p1a[...])
             + jnp.cos(ang) * p1t0[...] + jnp.sin(ang) * p1t1[...]
             + p1b[...])
        h = dot(relu(u), p2[...]) + p2b[...]
        o = gam * h + bet
        out_ref[...] = o
        if has_next:
            xwn_ref[...] = dot(o, wnext[...])

    out_specs = [row(out_dim)]
    out_shape = [jax.ShapeDtypeStruct((N_NODES, out_dim), F32)]
    if has_next:
        out_specs.append(row(16))
        out_shape.append(jax.ShapeDtypeStruct((N_PAD, 16), F32))
    res = pl.pallas_call(
        body,
        grid=(N_NODES // BN,),
        in_specs=in_specs,
        out_specs=out_specs,
        out_shape=out_shape,
    )(Sp, Sp, S0, S0, x, tn, conds, *weights)
    return res if has_next else (res[0], None)



_INS = (7, 8, 8)
_OUTS = (8, 8, 5)


def _prep_layer(p, in_dim, nxt_w1x):
    (w1, b1), (w2, b2) = p['psi']
    (q1, q1b), (q2, q2b) = p['phi']
    (g1, g1b), (g2, g2b) = p['gamma']
    (e1, e1b), (e2, e2b) = p['beta']
    wl = {
        'w1e': w1[in_dim:], 'b1': b1.reshape(1, -1),
        'w2psi': w2, 'b2psi': b2.reshape(1, -1),
        'p1x': q1[:in_dim], 'p1a': q1[in_dim:in_dim + 8],
        'p1t0': q1[in_dim + 8:in_dim + 9], 'p1t1': q1[in_dim + 9:in_dim + 10],
        'p1b': q1b.reshape(1, -1), 'p2': q2, 'p2b': q2b.reshape(1, -1),
        'g1': g1, 'g1b': g1b.reshape(1, -1), 'g2': g2, 'g2b': g2b.reshape(1, -1),
        'e1': e1, 'e1b': e1b.reshape(1, -1), 'e2': e2, 'e2b': e2b.reshape(1, -1),
    }
    if nxt_w1x is not None:
        wl['wnext'] = jnp.concatenate(
            [nxt_w1x, jnp.zeros_like(nxt_w1x)], axis=1)
    return wl


def kernel(x_t, active_sites, edge_index, edge_attr, conds, time_node, params):
    layers = [params['l0'], params['l1'], params['l2']]
    w1xs = [p['psi'][0][0][:din] for p, din in zip(layers, _INS)]
    wls = [_prep_layer(p, din, w1xs[i + 1] if i < 2 else None)
           for i, (p, din) in enumerate(zip(layers, _INS))]
    for wl in wls:
        wl['wc'] = params['cond'][0]
        wl['bc'] = params['cond'][1].reshape(1, -1)

    eaT = edge_attr.T
    x0 = jnp.concatenate([x_t, active_sites], axis=1)
    tn = time_node.reshape(N_NODES, 1)
    z16 = jnp.zeros((N_PAD, 16), F32)
    w0p = jnp.concatenate([w1xs[0], jnp.zeros((_INS[0], 8), F32)], axis=1)
    sd = jnp.transpose(
        edge_index.reshape(2, 8, N_EDGES // 8), (0, 2, 1)).reshape(2, -1)

    def wblk(l, e8):
        wpad = jnp.concatenate(
            [wls[l]['w1e'],
             jnp.zeros((EA_FEATS, 8), F32)], axis=1)
        blk = jax.scipy.linalg.block_diag(*([wpad] * 8))
        brow = jnp.concatenate(
            [wls[l]['b1'], jnp.full((1, 1), e8, F32),
             jnp.zeros((1, 7), F32)], axis=1)
        return blk, jnp.tile(brow, (1, 8))

    wb0, bb0 = wblk(0, 1.0)
    wb1, bb1 = wblk(1, 0.0)
    wb2, bb2 = wblk(2, 0.0)

    pre0 = _edge_prep(eaT, wb0, bb0).reshape(-1)
    xw16 = _xw0(x0, w0p)
    Sp0 = _sc_edge(sd, pre0, xw16, z16)
    pre1 = _edge_prep(eaT, wb1, bb1).reshape(-1)
    x1, xw16 = _node(0, Sp0, Sp0, x0, tn, conds, wls[0], 8, True)
    Sp1 = _sc_edge(sd, pre1, xw16, z16)
    pre2 = _edge_prep(eaT, wb2, bb2).reshape(-1)
    x2, xw16 = _node(1, Sp1, Sp0, x1, tn, conds, wls[1], 8, True)
    Sp2 = _sc_edge(sd, pre2, xw16, z16)
    x3, _ = _node(2, Sp2, Sp0, x2, tn, conds, wls[2], 5, False)
    return x3

# --- scband reference (transcript-rebuilt; emitter-appended) ---
"""Pipeline reference for scband-discrete-gnndenoiser-8169027797463 (READ-ONLY COPY).

The authoritative reference and input builder live on the scoring server;
editing this copy changes nothing except your own understanding.
"""

import jax, jax.numpy as jnp
import numpy as np

N = 50000
E = 3200000
NEL = 5
IN_DIM = NEL + 2
EA_DIM = NEL + 2
MSG = 8
HID = 8
COND_IN = 4
COND_DIM = 8
T_INIT, T_FINAL = 0.0, 1000.0


def _lin(key, fi, fo):
    k1, k2 = jax.random.split(key)
    W = jax.random.normal(k1, (fi, fo), jnp.float32) * (1.0 / np.sqrt(fi))
    b = jax.random.normal(k2, (fo,), jnp.float32) * 0.01
    return (W, b)


def _mlp2(key, fi, fh, fo):
    k1, k2 = jax.random.split(key)
    return (_lin(k1, fi, fh), _lin(k2, fh, fo))


def _layer_params(key, in_dim, out_dim, msg_dim, ea_dim, cond_dim):
    ks = jax.random.split(key, 4)
    return {
        'psi': _mlp2(ks[0], in_dim + ea_dim, msg_dim, msg_dim),
        'phi': _mlp2(ks[1], msg_dim + in_dim + 2, msg_dim + out_dim, out_dim),
        'gamma': _mlp2(ks[2], cond_dim, cond_dim, out_dim),
        'beta': _mlp2(ks[3], cond_dim, cond_dim, out_dim),
    }


def setup_inputs(seed: int = 0):
    key = jax.random.key(seed)
    ks = jax.random.split(key, 8)
    x_t = jax.random.normal(ks[0], (N, NEL), jnp.float32)
    active_sites = jax.random.normal(ks[1], (N, 2), jnp.float32)
    edge_index = jax.random.randint(ks[2], (2, E), 0, N, jnp.int32)
    edge_attr = jax.random.normal(ks[3], (E, EA_DIM), jnp.float32)
    conds = jax.random.normal(ks[4], (N, COND_IN), jnp.float32)
    time_node = jax.random.uniform(ks[5], (N,), jnp.float32, 0.0, T_FINAL)
    pk = jax.random.split(ks[6], 4)
    params = {
        'cond': _lin(pk[0], COND_IN, COND_DIM),
        'l0': _layer_params(pk[1], IN_DIM, MSG, MSG, EA_DIM, COND_DIM),
        'l1': _layer_params(pk[2], MSG, HID, MSG, EA_DIM, COND_DIM),
        'l2': _layer_params(pk[3], HID, NEL, MSG, EA_DIM, COND_DIM),
    }
    return {'x_t': x_t, 'active_sites': active_sites, 'edge_index': edge_index,
            'edge_attr': edge_attr, 'conds': conds, 'time_node': time_node,
            'params': params}


def _apply_lin(p, x):
    W, b = p
    return x @ W + b


def _apply_mlp2(p, x):
    (W1, b1), (W2, b2) = p
    h = jax.nn.relu(x @ W1 + b1)
    return h @ W2 + b2


def _time_embedding(t):
    ang = jnp.pi / (T_FINAL - T_INIT) * t
    return jnp.stack([jnp.cos(ang), jnp.sin(ang)], axis=-1)


def _message_layer(p, x, edge_index, edge_attr, cond_emb, t_emb):
    src = edge_index[0]
    dst = edge_index[1]
    x_j = jnp.take(x, src, axis=0)
    m = _apply_mlp2(p['psi'], jnp.concatenate([x_j, edge_attr], axis=1))
    n = x.shape[0]
    s = jax.ops.segment_sum(m, dst, num_segments=n)
    cnt = jax.ops.segment_sum(jnp.ones((dst.shape[0],), m.dtype), dst, num_segments=n)
    agg = s / jnp.maximum(cnt, 1.0)[:, None]
    h = _apply_mlp2(p['phi'], jnp.concatenate([x, agg, t_emb], axis=1))
    gamma = _apply_mlp2(p['gamma'], cond_emb)
    beta = _apply_mlp2(p['beta'], cond_emb)
    return gamma * h + beta


def _forward(x_t, active_sites, edge_attr, conds, time_node, params, edge_index):
    t_emb = _time_embedding(time_node)
    # ConditioningEmbedder with drop_condition=False -> linear embedding
    cond_emb = _apply_lin(params['cond'], conds)
    x = jnp.concatenate([x_t, active_sites], axis=1)  # mark_active_sites
    x = _message_layer(params['l0'], x, edge_index, edge_attr, cond_emb, t_emb)
    x = _message_layer(params['l1'], x, edge_index, edge_attr, cond_emb, t_emb)
    x = _message_layer(params['l2'], x, edge_index, edge_attr, cond_emb, t_emb)
    return x


def reference(x_t, active_sites, edge_index, edge_attr, conds, time_node, params):
    return _forward(x_t, active_sites, edge_attr, conds, time_node, params, edge_index)

if __name__ == "__main__":
    import jax
    _d = setup_inputs()
    print(jax.jit(kernel)(*tuple(_d.values())))

</pallas_src>

<mosaic_0001>
#map = affine_map<(d0, d1) -> (0, 0)>
#map1 = affine_map<(d0, d1) -> (0)>
#map2 = affine_map<(d0, d1) -> (0, 0, 0)>
module attributes {stable_mosaic.version = 14 : i64} {
  func.func @_sc_edge_body(%arg0: i32, %arg1: i32, %arg2: memref<2x3200000xi32, #tpu.memory_space<hbm>>, %arg3: memref<51200000xf32, #tpu.memory_space<hbm>>, %arg4: memref<50176x16xf32, #tpu.memory_space<hbm>>, %arg5: memref<50176x16xf32, #tpu.memory_space<hbm>>, %arg6: memref<2x50176x16xf32, #tpu.memory_space<hbm>>, %arg7: memref<2x400xi32, #tpu.memory_space<vmem>>, %arg8: memref<2x400xi32, #tpu.memory_space<vmem>>, %arg9: memref<6400xf32, #tpu.memory_space<vmem>>, %arg10: memref<6400xf32, #tpu.memory_space<vmem>>, %arg11: memref<400x16xf32, #tpu.memory_space<vmem>>, %arg12: memref<400x16xf32, #tpu.memory_space<vmem>>, %arg13: memref<50176x16xf32, #tpu.memory_space<vmem_shared>>, %arg14: memref<50176x16xf32, #tpu.memory_space<vmem_shared>>, %arg15: memref<!tpu.dma_semaphore, #tpu.memory_space<semaphore_mem>>, %arg16: memref<!tpu.dma_semaphore, #tpu.memory_space<semaphore_mem>>, %arg17: memref<!tpu.dma_semaphore, #tpu.memory_space<semaphore_mem>>) attributes {dimension_semantics = [#tpu.dimension_semantics<core_parallel>, #tpu.dimension_semantics<subcore_parallel>], iteration_bounds = array<i64: 2, 16>, scalar_prefetch = 0 : i64, scratch_operands = 11 : i64, tpu.core_type = #tpu.core_type<sc_vector_subcore>, window_params = [{transform_indices = #map}, {transform_indices = #map1}, {transform_indices = #map}, {transform_indices = #map}, {transform_indices = #map2}]} {
    %mul3A = arith.constant 2 : i32
    %mul3A_0 = arith.muli %arg1, %mul3A : i32
    %add3A = arith.addi %mul3A_0, %arg0 : i32
    %mul3A_1 = arith.constant 3136 : i32
    %mul3A_2 = arith.muli %arg1, %mul3A_1 : i32
    %multiple_of3A = tpu.assume_multiple %mul3A_2, 8 : i32
    "tpu.region"() ({
      %run_scoped3A = tpu.sem_alloc : memref<!tpu.dma_semaphore, #tpu.memory_space<semaphore_mem>>
      %dma_start3A_23 = arith.constant 0 : i32
      %dma_start3A_24 = tpu.memref_slice %arg13[%multiple_of3A, %dma_start3A_23] : memref<50176x16xf32, #tpu.memory_space<vmem_shared>> -> memref<3136x16xf32, #tpu.memory_space<vmem_shared>>
      %dma_start3A_25 = arith.constant 0 : i32
      %dma_start3A_26 = tpu.memref_slice %arg4[%multiple_of3A, %dma_start3A_25] : memref<50176x16xf32, #tpu.memory_space<hbm>> -> memref<3136x16xf32, #tpu.memory_space<hbm>>
      tpu.enqueue_dma source(%dma_start3A_26 : memref<3136x16xf32, #tpu.memory_space<hbm>>) target(%dma_start3A_24 : memref<3136x16xf32, #tpu.memory_space<vmem_shared>>) target_semaphore(%run_scoped3A : memref<!tpu.dma_semaphore, #tpu.memory_space<semaphore_mem>>)
      %dma_wait3A = arith.constant 0 : i32
      %dma_wait3A_27 = tpu.memref_slice %arg13[%multiple_of3A, %dma_wait3A] : memref<50176x16xf32, #tpu.memory_space<vmem_shared>> -> memref<3136x16xf32, #tpu.memory_space<vmem_shared>>
      %dma_wait3A_28 = arith.constant 0 : i32
      %dma_wait3A_29 = tpu.memref_slice %arg4[%multiple_of3A, %dma_wait3A_28] : memref<50176x16xf32, #tpu.memory_space<hbm>> -> memref<3136x16xf32, #tpu.memory_space<hbm>>
      tpu.wait_dma2 semaphore(%run_scoped3A : memref<!tpu.dma_semaphore, #tpu.memory_space<semaphore_mem>>) src(%dma_wait3A_29 : memref<3136x16xf32, #tpu.memory_space<hbm>>) dst(%dma_wait3A_27 : memref<3136x16xf32, #tpu.memory_space<vmem_shared>>)
      tpu.yield
    }) : () -> ()
    "tpu.region"() ({
      %run_scoped3A = tpu.sem_alloc : memref<!tpu.dma_semaphore, #tpu.memory_space<semaphore_mem>>
      %dma_start3A_23 = arith.constant 0 : i32
      %dma_start3A_24 = tpu.memref_slice %arg14[%multiple_of3A, %dma_start3A_23] : memref<50176x16xf32, #tpu.memory_space<vmem_shared>> -> memref<3136x16xf32, #tpu.memory_space<vmem_shared>>
      %dma_start3A_25 = arith.constant 0 : i32
      %dma_start3A_26 = tpu.memref_slice %arg5[%multiple_of3A, %dma_start3A_25] : memref<50176x16xf32, #tpu.memory_space<hbm>> -> memref<3136x16xf32, #tpu.memory_space<hbm>>
      tpu.enqueue_dma source(%dma_start3A_26 : memref<3136x16xf32, #tpu.memory_space<hbm>>) target(%dma_start3A_24 : memref<3136x16xf32, #tpu.memory_space<vmem_shared>>) target_semaphore(%run_scoped3A : memref<!tpu.dma_semaphore, #tpu.memory_space<semaphore_mem>>)
      %dma_wait3A = arith.constant 0 : i32
      %dma_wait3A_27 = tpu.memref_slice %arg14[%multiple_of3A, %dma_wait3A] : memref<50176x16xf32, #tpu.memory_space<vmem_shared>> -> memref<3136x16xf32, #tpu.memory_space<vmem_shared>>
      %dma_wait3A_28 = arith.constant 0 : i32
      %dma_wait3A_29 = tpu.memref_slice %arg5[%multiple_of3A, %dma_wait3A_28] : memref<50176x16xf32, #tpu.memory_space<hbm>> -> memref<3136x16xf32, #tpu.memory_space<hbm>>
      tpu.wait_dma2 semaphore(%run_scoped3A : memref<!tpu.dma_semaphore, #tpu.memory_space<semaphore_mem>>) src(%dma_wait3A_29 : memref<3136x16xf32, #tpu.memory_space<hbm>>) dst(%dma_wait3A_27 : memref<3136x16xf32, #tpu.memory_space<vmem_shared>>)
      tpu.yield
    }) : () -> ()
    %barrier3A = arith.constant 0 : index
    tpu.barrier barrier_id(%barrier3A)
    %broadcast_in_dim3A = arith.constant 0.000000e+00 : f32
    %broadcast_in_dim3A_3 = vector.broadcast %broadcast_in_dim3A : f32 to vector<16xf32>
    %mul3A_4 = arith.constant 100000 : i32
    %mul3A_5 = arith.muli %add3A, %mul3A_4 : i32
    %add3A_6 = arith.constant 0 : i32
    %add3A_7 = arith.addi %mul3A_5, %add3A_6 : i32
    %multiple_of3A_8 = tpu.assume_multiple %add3A_7, 8 : i32
    %dma_start3A = arith.constant 0 : i32
    %dma_start3A_9 = tpu.memref_slice %arg2[%dma_start3A, %multiple_of3A_8] : memref<2x3200000xi32, #tpu.memory_space<hbm>> -> memref<2x400xi32, #tpu.memory_space<hbm>>
    %dma_start3A_10 = arith.constant 0 : i32
    %dma_start3A_11 = tpu.memref_slice %arg2[%dma_start3A_10, %multiple_of3A_8] : memref<2x3200000xi32, #tpu.memory_space<hbm>> -> memref<2x400xi32, #tpu.memory_space<hbm>>
    tpu.enqueue_dma source(%dma_start3A_11 : memref<2x400xi32, #tpu.memory_space<hbm>>) target(%arg7 : memref<2x400xi32, #tpu.memory_space<vmem>>) target_semaphore(%arg15 : memref<!tpu.dma_semaphore, #tpu.memory_space<semaphore_mem>>)
    %mul3A_12 = arith.constant 16 : i32
    %mul3A_13 = arith.muli %multiple_of3A_8, %mul3A_12 : i32
    %dma_start3A_14 = tpu.memref_slice %arg3[%mul3A_13] : memref<51200000xf32, #tpu.memory_space<hbm>> -> memref<6400xf32, #tpu.memory_space<hbm>>
    %dma_start3A_15 = tpu.memref_slice %arg3[%mul3A_13] : memref<51200000xf32, #tpu.memory_space<hbm>> -> memref<6400xf32, #tpu.memory_space<hbm>>
    tpu.enqueue_dma source(%dma_start3A_15 : memref<6400xf32, #tpu.memory_space<hbm>>) target(%arg9 : memref<6400xf32, #tpu.memory_space<vmem>>) target_semaphore(%arg15 : memref<!tpu.dma_semaphore, #tpu.memory_space<semaphore_mem>>)
    %scan3A = arith.constant 0 : i32
    %scan3A_16 = arith.constant 0 : i32
    %scan3A_17 = arith.constant 125 : i32
    %scan3A_18 = arith.addi %scan3A_16, %scan3A_17 : i32
    %scan3A_19 = arith.constant 1 : i32
    %scan3A_20 = scf.for %scan3A_23 = %scan3A_16 to %scan3A_18 step %scan3A_19 iter_args(%scan3A_24 = %scan3A) -> (i32)  : i32 {
      %mul3A_25 = arith.constant 2 : i32
      %mul3A_26 = arith.muli %mul3A_25, %scan3A_23 : i32
      %add3A_27 = arith.constant 1 : i32
      %add3A_28 = arith.addi %mul3A_26, %add3A_27 : i32
      %mul3A_29 = arith.constant 100000 : i32
      %mul3A_30 = arith.muli %add3A, %mul3A_29 : i32
      %mul3A_31 = arith.constant 400 : i32
      %mul3A_32 = arith.muli %add3A_28, %mul3A_31 : i32
      %add3A_33 = arith.addi %mul3A_30, %mul3A_32 : i32
      %multiple_of3A_34 = tpu.assume_multiple %add3A_33, 8 : i32
      %dma_start3A_35 = arith.constant 0 : i32
      %dma_start3A_36 = tpu.memref_slice %arg2[%dma_start3A_35, %multiple_of3A_34] : memref<2x3200000xi32, #tpu.memory_space<hbm>> -> memref<2x400xi32, #tpu.memory_space<hbm>>
      %dma_start3A_37 = arith.constant 0 : i32
      %dma_start3A_38 = tpu.memref_slice %arg2[%dma_start3A_37, %multiple_of3A_34] : memref<2x3200000xi32, #tpu.memory_space<hbm>> -> memref<2x400xi32, #tpu.memory_space<hbm>>
      tpu.enqueue_dma source(%dma_start3A_38 : memref<2x400xi32, #tpu.memory_space<hbm>>) target(%arg8 : memref<2x400xi32, #tpu.memory_space<vmem>>) target_semaphore(%arg16 : memref<!tpu.dma_semaphore, #tpu.memory_space<semaphore_mem>>)
      %mul3A_39 = arith.constant 16 : i32
      %mul3A_40 = arith.muli %multiple_of3A_34, %mul3A_39 : i32
      %dma_start3A_41 = tpu.memref_slice %arg3[%mul3A_40] : memref<51200000xf32, #tpu.memory_space<hbm>> -> memref<6400xf32, #tpu.memory_space<hbm>>
      %dma_start3A_42 = tpu.memref_slice %arg3[%mul3A_40] : memref<51200000xf32, #tpu.memory_space<hbm>> -> memref<6400xf32, #tpu.memory_space<hbm>>
      tpu.enqueue_dma source(%dma_start3A_42 : memref<6400xf32, #tpu.memory_space<hbm>>) target(%arg10 : memref<6400xf32, #tpu.memory_space<vmem>>) target_semaphore(%arg16 : memref<!tpu.dma_semaphore, #tpu.memory_space<semaphore_mem>>)
      %dma_wait3A = arith.constant 0 : i32
      %dma_wait3A_43 = arith.constant 0 : i32
      %dma_wait3A_44 = tpu.memref_slice %arg2[%dma_wait3A, %dma_wait3A_43] : memref<2x3200000xi32, #tpu.memory_space<hbm>> -> memref<2x400xi32, #tpu.memory_space<hbm>>
      %dma_wait3A_45 = arith.constant 0 : i32
      %dma_wait3A_46 = arith.constant 0 : i32
      %dma_wait3A_47 = tpu.memref_slice %arg2[%dma_wait3A_45, %dma_wait3A_46] : memref<2x3200000xi32, #tpu.memory_space<hbm>> -> memref<2x400xi32, #tpu.memory_space<hbm>>
      tpu.wait_dma2 semaphore(%arg15 : memref<!tpu.dma_semaphore, #tpu.memory_space<semaphore_mem>>) src(%dma_wait3A_47 : memref<2x400xi32, #tpu.memory_space<hbm>>) dst(%arg7 : memref<2x400xi32, #tpu.memory_space<vmem>>)
      %dma_wait3A_48 = arith.constant 0 : i32
      %dma_wait3A_49 = tpu.memref_slice %arg3[%dma_wait3A_48] : memref<51200000xf32, #tpu.memory_space<hbm>> -> memref<6400xf32, #tpu.memory_space<hbm>>
      %dma_wait3A_50 = arith.constant 0 : i32
      %dma_wait3A_51 = tpu.memref_slice %arg3[%dma_wait3A_50] : memref<51200000xf32, #tpu.memory_space<hbm>> -> memref<6400xf32, #tpu.memory_space<hbm>>
      tpu.wait_dma2 semaphore(%arg15 : memref<!tpu.dma_semaphore, #tpu.memory_space<semaphore_mem>>) src(%dma_wait3A_51 : memref<6400xf32, #tpu.memory_space<hbm>>) dst(%arg9 : memref<6400xf32, #tpu.memory_space<vmem>>)
      %dma_start3A_52 = arith.constant 0 : i32
      %dma_start3A_53 = arith.constant 0 : i32
      %dma_start3A_54 = tpu.memref_slice %arg7[%dma_start3A_52, %dma_start3A_53] : memref<2x400xi32, #tpu.memory_space<vmem>> -> memref<1x400xi32, #tpu.memory_space<vmem>>
      %dma_start3A_55 = tpu.memref_squeeze %dma_start3A_54 : memref<1x400xi32, #tpu.memory_space<vmem>> -> memref<400xi32, #tpu.memory_space<vmem>>
      %dma_start3A_56 = arith.constant 0 : i32
      %dma_start3A_57 = arith.constant 0 : i32
      %dma_start3A_58 = tpu.memref_slice %arg13[%dma_start3A_56, %dma_start3A_57] : memref<50176x16xf32, #tpu.memory_space<vmem_shared>> -> memref<50176x16xf32, #tpu.memory_space<vmem_shared>>
      tpu.enqueue_indirect_dma source(%dma_start3A_58 : memref<50176x16xf32, #tpu.memory_space<vmem_shared>>) target(%arg11 : memref<400x16xf32, #tpu.memory_space<vmem>>) offsets(%dma_start3A_55 : memref<400xi32, #tpu.memory_space<vmem>>) semaphore(%arg17 : memref<!tpu.dma_semaphore, #tpu.memory_space<semaphore_mem>>)
      %dma_wait3A_59 = arith.constant 0 : i32
      %dma_wait3A_60 = arith.constant 0 : i32
      %dma_wait3A_61 = tpu.memref_slice %arg7[%dma_wait3A_59, %dma_wait3A_60] : memref<2x400xi32, #tpu.memory_space<vmem>> -> memref<1x400xi32, #tpu.memory_space<vmem>>
      %dma_wait3A_62 = tpu.memref_squeeze %dma_wait3A_61 : memref<1x400xi32, #tpu.memory_space<vmem>> -> memref<400xi32, #tpu.memory_space<vmem>>
      %dma_wait3A_63 = arith.constant 0 : i32
      %dma_wait3A_64 = arith.constant 0 : i32
      %dma_wait3A_65 = tpu.memref_slice %arg13[%dma_wait3A_63, %dma_wait3A_64] : memref<50176x16xf32, #tpu.memory_space<vmem_shared>> -> memref<50176x16xf32, #tpu.memory_space<vmem_shared>>
      tpu.wait_indirect_dma semaphore(%arg17 : memref<!tpu.dma_semaphore, #tpu.memory_space<semaphore_mem>>) src(%dma_wait3A_65 : memref<50176x16xf32, #tpu.memory_space<vmem_shared>>) dst(%arg11 : memref<400x16xf32, #tpu.memory_space<vmem>>)
      %scan3A_66 = arith.constant 0 : i32
      %scan3A_67 = arith.constant 0 : i32
      %scan3A_68 = arith.constant 400 : i32
      %scan3A_69 = arith.addi %scan3A_67, %scan3A_68 : i32
      %scan3A_70 = arith.constant 8 : i32
      %scan3A_71 = scf.for %scan3A_110 = %scan3A_67 to %scan3A_69 step %scan3A_70 iter_args(%scan3A_111 = %scan3A_66) -> (i32)  : i32 {
        %mul3A_112 = arith.constant 16 : i32
        %mul3A_113 = arith.muli %scan3A_110, %mul3A_112 : i32
        %get3A = arith.index_cast %mul3A_113 : i32 to index
        %get3A_114 = tpu.vector_load %arg9[%get3A] {strides = array<i32>} : memref<6400xf32, #tpu.memory_space<vmem>>, vector<16xf32>,
        %get3A_115 = vector.shape_cast %get3A_114 : vector<16xf32> to vector<16xf32>
        %get3A_116 = arith.index_cast %scan3A_110 : i32 to index
        %get3A_117 = arith.constant 0 : index
        %get3A_118 = tpu.vector_load %arg11[%get3A_116, %get3A_117] {strides = array<i32>} : memref<400x16xf32, #tpu.memory_space<vmem>>, vector<1x16xf32>,
        %get3A_119 = vector.shape_cast %get3A_118 : vector<1x16xf32> to vector<16xf32>
        %add3A_120 = arith.addf %get3A_119, %get3A_115 : vector<16xf32>
        %max3A = arith.maximumf %add3A_120, %broadcast_in_dim3A_3 : vector<16xf32>
        %swap3A = arith.index_cast %scan3A_110 : i32 to index
        %swap3A_121 = arith.constant 0 : index
        %swap3A_122 = tpu.vector_load %arg11[%swap3A, %swap3A_121] {strides = array<i32>} : memref<400x16xf32, #tpu.memory_space<vmem>>, vector<1x16xf32>,
        %swap3A_123 = vector.shape_cast %swap3A_122 : vector<1x16xf32> to vector<16xf32>
        %swap3A_124 = vector.shape_cast %max3A : vector<16xf32> to vector<1x16xf32>
        tpu.vector_store %arg11[%swap3A, %swap3A_121], %swap3A_124 {strides = array<i32>} : memref<400x16xf32, #tpu.memory_space<vmem>>, vector<1x16xf32>,
        %scan3A_125 = arith.constant 0 : i32
        %scan3A_126 = arith.constant 1 : i32
        %scan3A_127 = arith.addi %scan3A_110, %scan3A_126 : i32
        %mul3A_128 = arith.constant 16 : i32
        %mul3A_129 = arith.muli %scan3A_127, %mul3A_128 : i32
        %get3A_130 = arith.index_cast %mul3A_129 : i32 to index
        %get3A_131 = tpu.vector_load %arg9[%get3A_130] {strides = array<i32>} : memref<6400xf32, #tpu.memory_space<vmem>>, vector<16xf32>,
        %get3A_132 = vector.shape_cast %get3A_131 : vector<16xf32> to vector<16xf32>
        %get3A_133 = arith.index_cast %scan3A_127 : i32 to index
        %get3A_134 = arith.constant 0 : index
        %get3A_135 = tpu.vector_load %arg11[%get3A_133, %get3A_134] {strides = array<i32>} : memref<400x16xf32, #tpu.memory_space<vmem>>, vector<1x16xf32>,
        %get3A_136 = vector.shape_cast %get3A_135 : vector<1x16xf32> to vector<16xf32>
        %add3A_137 = arith.addf %get3A_136, %get3A_132 : vector<16xf32>
        %max3A_138 = arith.maximumf %add3A_137, %broadcast_in_dim3A_3 : vector<16xf32>
        %swap3A_139 = arith.index_cast %scan3A_127 : i32 to index
        %swap3A_140 = arith.constant 0 : index
        %swap3A_141 = tpu.vector_load %arg11[%swap3A_139, %swap3A_140] {strides = array<i32>} : memref<400x16xf32, #tpu.memory_space<vmem>>, vector<1x16xf32>,
        %swap3A_142 = vector.shape_cast %swap3A_141 : vector<1x16xf32> to vector<16xf32>
        %swap3A_143 = vector.shape_cast %max3A_138 : vector<16xf32> to vector<1x16xf32>
        tpu.vector_store %arg11[%swap3A_139, %swap3A_140], %swap3A_143 {strides = array<i32>} : memref<400x16xf32, #tpu.memory_space<vmem>>, vector<1x16xf32>,
        %scan3A_144 = arith.constant 0 : i32
        %scan3A_145 = arith.constant 2 : i32
        %scan3A_146 = arith.addi %scan3A_110, %scan3A_145 : i32
        %mul3A_147 = arith.constant 16 : i32
        %mul3A_148 = arith.muli %scan3A_146, %mul3A_147 : i32
        %get3A_149 = arith.index_cast %mul3A_148 : i32 to index
        %get3A_150 = tpu.vector_load %arg9[%get3A_149] {strides = array<i32>} : memref<6400xf32, #tpu.memory_space<vmem>>, vector<16xf32>,
        %get3A_151 = vector.shape_cast %get3A_150 : vector<16xf32> to vector<16xf32>
        %get3A_152 = arith.index_cast %scan3A_146 : i32 to index
        %get3A_153 = arith.constant 0 : index
        %get3A_154 = tpu.vector_load %arg11[%get3A_152, %get3A_153] {strides = array<i32>} : memref<400x16xf32, #tpu.memory_space<vmem>>, vector<1x16xf32>,
        %get3A_155 = vector.shape_cast %get3A_154 : vector<1x16xf32> to vector<16xf32>
        %add3A_156 = arith.addf %get3A_155, %get3A_151 : vector<16xf32>
        %max3A_157 = arith.maximumf %add3A_156, %broadcast_in_dim3A_3 : vector<16xf32>
        %swap3A_158 = arith.index_cast %scan3A_146 : i32 to index
        %swap3A_159 = arith.constant 0 : index
        %swap3A_160 = tpu.vector_load %arg11[%swap3A_158, %swap3A_159] {strides = array<i32>} : memref<400x16xf32, #tpu.memory_space<vmem>>, vector<1x16xf32>,
        %swap3A_161 = vector.shape_cast %swap3A_160 : vector<1x16xf32> to vector<16xf32>
        %swap3A_162 = vector.shape_cast %max3A_157 : vector<16xf32> to vector<1x16xf32>
        tpu.vector_store %arg11[%swap3A_158, %swap3A_159], %swap3A_162 {strides = array<i32>} : memref<400x16xf32, #tpu.memory_space<vmem>>, vector<1x16xf32>,
        %scan3A_163 = arith.constant 0 : i32
        %scan3A_164 = arith.constant 3 : i32
        %scan3A_165 = arith.addi %scan3A_110, %scan3A_164 : i32
        %mul3A_166 = arith.constant 16 : i32
        %mul3A_167 = arith.muli %scan3A_165, %mul3A_166 : i32
        %get3A_168 = arith.index_cast %mul3A_167 : i32 to index
        %get3A_169 = tpu.vector_load %arg9[%get3A_168] {strides = array<i32>} : memref<6400xf32, #tpu.memory_space<vmem>>, vector<16xf32>,
        %get3A_170 = vector.shape_cast %get3A_169 : vector<16xf32> to vector<16xf32>
        %get3A_171 = arith.index_cast %scan3A_165 : i32 to index
        %get3A_172 = arith.constant 0 : index
        %get3A_173 = tpu.vector_load %arg11[%get3A_171, %get3A_172] {strides = array<i32>} : memref<400x16xf32, #tpu.memory_space<vmem>>, vector<1x16xf32>,
        %get3A_174 = vector.shape_cast %get3A_173 : vector<1x16xf32> to vector<16xf32>
        %add3A_175 = arith.addf %get3A_174, %get3A_170 : vector<16xf32>
        %max3A_176 = arith.maximumf %add3A_175, %broadcast_in_dim3A_3 : vector<16xf32>
        %swap3A_177 = arith.index_cast %scan3A_165 : i32 to index
        %swap3A_178 = arith.constant 0 : index
        %swap3A_179 = tpu.vector_load %arg11[%swap3A_177, %swap3A_178] {strides = array<i32>} : memref<400x16xf32, #tpu.memory_space<vmem>>, vector<1x16xf32>,
        %swap3A_180 = vector.shape_cast %swap3A_179 : vector<1x16xf32> to vector<16xf32>
        %swap3A_181 = vector.shape_cast %max3A_176 : vector<16xf32> to vector<1x16xf32>
        tpu.vector_store %arg11[%swap3A_177, %swap3A_178], %swap3A_181 {strides = array<i32>} : memref<400x16xf32, #tpu.memory_space<vmem>>, vector<1x16xf32>,
        %scan3A_182 = arith.constant 0 : i32
        %scan3A_183 = arith.constant 4 : i32
        %scan3A_184 = arith.addi %scan3A_110, %scan3A_183 : i32
        %mul3A_185 = arith.constant 16 : i32
        %mul3A_186 = arith.muli %scan3A_184, %mul3A_185 : i32
        %get3A_187 = arith.index_cast %mul3A_186 : i32 to index
        %get3A_188 = tpu.vector_load %arg9[%get3A_187] {strides = array<i32>} : memref<6400xf32, #tpu.memory_space<vmem>>, vector<16xf32>,
        %get3A_189 = vector.shape_cast %get3A_188 : vector<16xf32> to vector<16xf32>
        %get3A_190 = arith.index_cast %scan3A_184 : i32 to index
        %get3A_191 = arith.constant 0 : index
        %get3A_192 = tpu.vector_load %arg11[%get3A_190, %get3A_191] {strides = array<i32>} : memref<400x16xf32, #tpu.memory_space<vmem>>, vector<1x16xf32>,
        %get3A_193 = vector.shape_cast %get3A_192 : vector<1x16xf32> to vector<16xf32>
        %add3A_194 = arith.addf %get3A_193, %get3A_189 : vector<16xf32>
        %max3A_195 = arith.maximumf %add3A_194, %broadcast_in_dim3A_3 : vector<16xf32>
        %swap3A_196 = arith.index_cast %scan3A_184 : i32 to index
        %swap3A_197 = arith.constant 0 : index
        %swap3A_198 = tpu.vector_load %arg11[%swap3A_196, %swap3A_197] {strides = array<i32>} : memref<400x16xf32, #tpu.memory_space<vmem>>, vector<1x16xf32>,
        %swap3A_199 = vector.shape_cast %swap3A_198 : vector<1x16xf32> to vector<16xf32>
        %swap3A_200 = vector.shape_cast %max3A_195 : vector<16xf32> to vector<1x16xf32>
        tpu.vector_store %arg11[%swap3A_196, %swap3A_197], %swap3A_200 {strides = array<i32>} : memref<400x16xf32, #tpu.memory_space<vmem>>, vector<1x16xf32>,
        %scan3A_201 = arith.constant 0 : i32
        %scan3A_202 = arith.constant 5 : i32
        %scan3A_203 = arith.addi %scan3A_110, %scan3A_202 : i32
        %mul3A_204 = arith.constant 16 : i32
        %mul3A_205 = arith.muli %scan3A_203, %mul3A_204 : i32
        %get3A_206 = arith.index_cast %mul3A_205 : i32 to index
        %get3A_207 = tpu.vector_load %arg9[%get3A_206] {strides = array<i32>} : memref<6400xf32, #tpu.memory_space<vmem>>, vector<16xf32>,
        %get3A_208 = vector.shape_cast %get3A_207 : vector<16xf32> to vector<16xf32>
        %get3A_209 = arith.index_cast %scan3A_203 : i32 to index
        %get3A_210 = arith.constant 0 : index
        %get3A_211 = tpu.vector_load %arg11[%get3A_209, %get3A_210] {strides = array<i32>} : memref<400x16xf32, #tpu.memory_space<vmem>>, vector<1x16xf32>,
        %get3A_212 = vector.shape_cast %get3A_211 : vector<1x16xf32> to vector<16xf32>
        %add3A_213 = arith.addf %get3A_212, %get3A_208 : vector<16xf32>
        %max3A_214 = arith.maximumf %add3A_213, %broadcast_in_dim3A_3 : vector<16xf32>
        %swap3A_215 = arith.index_cast %scan3A_203 : i32 to index
        %swap3A_216 = arith.constant 0 : index
        %swap3A_217 = tpu.vector_load %arg11[%swap3A_215, %swap3A_216] {strides = array<i32>} : memref<400x16xf32, #tpu.memory_space<vmem>>, vector<1x16xf32>,
        %swap3A_218 = vector.shape_cast %swap3A_217 : vector<1x16xf32> to vector<16xf32>
        %swap3A_219 = vector.shape_cast %max3A_214 : vector<16xf32> to vector<1x16xf32>
        tpu.vector_store %arg11[%swap3A_215, %swap3A_216], %swap3A_219 {strides = array<i32>} : memref<400x16xf32, #tpu.memory_space<vmem>>, vector<1x16xf32>,
        %scan3A_220 = arith.constant 0 : i32
        %scan3A_221 = arith.constant 6 : i32
        %scan3A_222 = arith.addi %scan3A_110, %scan3A_221 : i32
        %mul3A_223 = arith.constant 16 : i32
        %mul3A_224 = arith.muli %scan3A_222, %mul3A_223 : i32
        %get3A_225 = arith.index_cast %mul3A_224 : i32 to index
        %get3A_226 = tpu.vector_load %arg9[%get3A_225] {strides = array<i32>} : memref<6400xf32, #tpu.memory_space<vmem>>, vector<16xf32>,
        %get3A_227 = vector.shape_cast %get3A_226 : vector<16xf32> to vector<16xf32>
        %get3A_228 = arith.index_cast %scan3A_222 : i32 to index
        %get3A_229 = arith.constant 0 : index
        %get3A_230 = tpu.vector_load %arg11[%get3A_228, %get3A_229] {strides = array<i32>} : memref<400x16xf32, #tpu.memory_space<vmem>>, vector<1x16xf32>,
        %get3A_231 = vector.shape_cast %get3A_230 : vector<1x16xf32> to vector<16xf32>
        %add3A_232 = arith.addf %get3A_231, %get3A_227 : vector<16xf32>
        %max3A_233 = arith.maximumf %add3A_232, %broadcast_in_dim3A_3 : vector<16xf32>
        %swap3A_234 = arith.index_cast %scan3A_222 : i32 to index
        %swap3A_235 = arith.constant 0 : index
        %swap3A_236 = tpu.vector_load %arg11[%swap3A_234, %swap3A_235] {strides = array<i32>} : memref<400x16xf32, #tpu.memory_space<vmem>>, vector<1x16xf32>,
        %swap3A_237 = vector.shape_cast %swap3A_236 : vector<1x16xf32> to vector<16xf32>
        %swap3A_238 = vector.shape_cast %max3A_233 : vector<16xf32> to vector<1x16xf32>
        tpu.vector_store %arg11[%swap3A_234, %swap3A_235], %swap3A_238 {strides = array<i32>} : memref<400x16xf32, #tpu.memory_space<vmem>>, vector<1x16xf32>,
        %scan3A_239 = arith.constant 0 : i32
        %scan3A_240 = arith.constant 7 : i32
        %scan3A_241 = arith.addi %scan3A_110, %scan3A_240 : i32
        %mul3A_242 = arith.constant 16 : i32
        %mul3A_243 = arith.muli %scan3A_241, %mul3A_242 : i32
        %get3A_244 = arith.index_cast %mul3A_243 : i32 to index
        %get3A_245 = tpu.vector_load %arg9[%get3A_244] {strides = array<i32>} : memref<6400xf32, #tpu.memory_space<vmem>>, vector<16xf32>,
        %get3A_246 = vector.shape_cast %get3A_245 : vector<16xf32> to vector<16xf32>
        %get3A_247 = arith.index_cast %scan3A_241 : i32 to index
        %get3A_248 = arith.constant 0 : index
        %get3A_249 = tpu.vector_load %arg11[%get3A_247, %get3A_248] {strides = array<i32>} : memref<400x16xf32, #tpu.memory_space<vmem>>, vector<1x16xf32>,
        %get3A_250 = vector.shape_cast %get3A_249 : vector<1x16xf32> to vector<16xf32>
        %add3A_251 = arith.addf %get3A_250, %get3A_246 : vector<16xf32>
        %max3A_252 = arith.maximumf %add3A_251, %broadcast_in_dim3A_3 : vector<16xf32>
        %swap3A_253 = arith.index_cast %scan3A_241 : i32 to index
        %swap3A_254 = arith.constant 0 : index
        %swap3A_255 = tpu.vector_load %arg11[%swap3A_253, %swap3A_254] {strides = array<i32>} : memref<400x16xf32, #tpu.memory_space<vmem>>, vector<1x16xf32>,
        %swap3A_256 = vector.shape_cast %swap3A_255 : vector<1x16xf32> to vector<16xf32>
        %swap3A_257 = vector.shape_cast %max3A_252 : vector<16xf32> to vector<1x16xf32>
        tpu.vector_store %arg11[%swap3A_253, %swap3A_254], %swap3A_257 {strides = array<i32>} : memref<400x16xf32, #tpu.memory_space<vmem>>, vector<1x16xf32>,
        %scan3A_258 = arith.constant 0 : i32
        scf.yield %scan3A_258 : i32
      }
      %scan3A_72 = arith.constant 400 : i32
      %run_scoped3A = arith.constant 1 : i32
      "tpu.region"() ({
        %run_scoped3A_110 = tpu.sem_alloc : memref<!tpu.dma_semaphore, #tpu.memory_space<semaphore_mem>>
        %dma_start3A_111 = arith.constant 0 : i32
        %dma_start3A_112 = tpu.memref_slice %arg7[%run_scoped3A, %dma_start3A_111] : memref<2x400xi32, #tpu.memory_space<vmem>> -> memref<1x400xi32, #tpu.memory_space<vmem>>
        %dma_start3A_113 = tpu.memref_squeeze %dma_start3A_112 : memref<1x400xi32, #tpu.memory_space<vmem>> -> memref<400xi32, #tpu.memory_space<vmem>>
        %dma_start3A_114 = arith.constant 0 : i32
        %dma_start3A_115 = arith.constant 0 : i32
        %dma_start3A_116 = tpu.memref_slice %arg14[%dma_start3A_114, %dma_start3A_115] : memref<50176x16xf32, #tpu.memory_space<vmem_shared>> -> memref<50176x16xf32, #tpu.memory_space<vmem_shared>>
        tpu.enqueue_indirect_dma source(%arg11 : memref<400x16xf32, #tpu.memory_space<vmem>>) target(%dma_start3A_116 : memref<50176x16xf32, #tpu.memory_space<vmem_shared>>) offsets(%dma_start3A_113 : memref<400xi32, #tpu.memory_space<vmem>>) semaphore(%run_scoped3A_110 : memref<!tpu.dma_semaphore, #tpu.memory_space<semaphore_mem>>) {add = true}
        %dma_wait3A_117 = arith.constant 0 : i32
        %dma_wait3A_118 = tpu.memref_slice %arg7[%run_scoped3A, %dma_wait3A_117] : memref<2x400xi32, #tpu.memory_space<vmem>> -> memref<1x400xi32, #tpu.memory_space<vmem>>
        %dma_wait3A_119 = tpu.memref_squeeze %dma_wait3A_118 : memref<1x400xi32, #tpu.memory_space<vmem>> -> memref<400xi32, #tpu.memory_space<vmem>>
        %dma_wait3A_120 = arith.constant 0 : i32
        %dma_wait3A_121 = arith.constant 0 : i32
        %dma_wait3A_122 = tpu.memref_slice %arg14[%dma_wait3A_120, %dma_wait3A_121] : memref<50176x16xf32, #tpu.memory_space<vmem_shared>> -> memref<50176x16xf32, #tpu.memory_space<vmem_shared>>
        tpu.wait_indirect_dma semaphore(%run_scoped3A_110 : memref<!tpu.dma_semaphore, #tpu.memory_space<semaphore_mem>>) src(%arg11 : memref<400x16xf32, #tpu.memory_space<vmem>>) dst(%dma_wait3A_122 : memref<50176x16xf32, #tpu.memory_space<vmem_shared>>)
        tpu.yield
      }) : () -> ()
      %add3A_73 = arith.constant 1 : i32
      %add3A_74 = arith.addi %scan3A_23, %add3A_73 : i32
      %lt3A = arith.constant 125 : i32
      %lt3A_75 = arith.cmpi slt, %add3A_74, %lt3A : i32
      %convert_element_type3A = arith.extui %lt3A_75 : i1 to i32
      %cond3A = arith.constant 0 : i32
      %cond3A_76 = arith.cmpi ne, %convert_element_type3A, %cond3A : i32
      scf.if %cond3A_76 {
        %mul3A_110 = arith.constant 2 : i32
        %mul3A_111 = arith.muli %mul3A_110, %scan3A_23 : i32
        %add3A_112 = arith.constant 2 : i32
        %add3A_113 = arith.addi %mul3A_111, %add3A_112 : i32
        %mul3A_114 = arith.constant 100000 : i32
        %mul3A_115 = arith.muli %add3A, %mul3A_114 : i32
        %mul3A_116 = arith.constant 400 : i32
        %mul3A_117 = arith.muli %add3A_113, %mul3A_116 : i32
        %add3A_118 = arith.addi %mul3A_115, %mul3A_117 : i32
        %multiple_of3A_119 = tpu.assume_multiple %add3A_118, 8 : i32
        %dma_start3A_120 = arith.constant 0 : i32
        %dma_start3A_121 = tpu.memref_slice %arg2[%dma_start3A_120, %multiple_of3A_119] : memref<2x3200000xi32, #tpu.memory_space<hbm>> -> memref<2x400xi32, #tpu.memory_space<hbm>>
        %dma_start3A_122 = arith.constant 0 : i32
        %dma_start3A_123 = tpu.memref_slice %arg2[%dma_start3A_122, %multiple_of3A_119] : memref<2x3200000xi32, #tpu.memory_space<hbm>> -> memref<2x400xi32, #tpu.memory_space<hbm>>
        tpu.enqueue_dma source(%dma_start3A_123 : memref<2x400xi32, #tpu.memory_space<hbm>>) target(%arg7 : memref<2x400xi32, #tpu.memory_space<vmem>>) target_semaphore(%arg15 : memref<!tpu.dma_semaphore, #tpu.memory_space<semaphore_mem>>)
        %mul3A_124 = arith.constant 16 : i32
        %mul3A_125 = arith.muli %multiple_of3A_119, %mul3A_124 : i32
        %dma_start3A_126 = tpu.memref_slice %arg3[%mul3A_125] : memref<51200000xf32, #tpu.memory_space<hbm>> -> memref<6400xf32, #tpu.memory_space<hbm>>
        %dma_start3A_127 = tpu.memref_slice %arg3[%mul3A_125] : memref<51200000xf32, #tpu.memory_space<hbm>> -> memref<6400xf32, #tpu.memory_space<hbm>>
        tpu.enqueue_dma source(%dma_start3A_127 : memref<6400xf32, #tpu.memory_space<hbm>>) target(%arg9 : memref<6400xf32, #tpu.memory_space<vmem>>) target_semaphore(%arg15 : memref<!tpu.dma_semaphore, #tpu.memory_space<semaphore_mem>>)
      } else {
      }
      %dma_wait3A_77 = arith.constant 0 : i32
      %dma_wait3A_78 = arith.constant 0 : i32
      %dma_wait3A_79 = tpu.memref_slice %arg2[%dma_wait3A_77, %dma_wait3A_78] : memref<2x3200000xi32, #tpu.memory_space<hbm>> -> memref<2x400xi32, #tpu.memory_space<hbm>>
      %dma_wait3A_80 = arith.constant 0 : i32
      %dma_wait3A_81 = arith.constant 0 : i32
      %dma_wait3A_82 = tpu.memref_slice %arg2[%dma_wait3A_80, %dma_wait3A_81] : memref<2x3200000xi32, #tpu.memory_space<hbm>> -> memref<2x400xi32, #tpu.memory_space<hbm>>
      tpu.wait_dma2 semaphore(%arg16 : memref<!tpu.dma_semaphore, #tpu.memory_space<semaphore_mem>>) src(%dma_wait3A_82 : memref<2x400xi32, #tpu.memory_space<hbm>>) dst(%arg8 : memref<2x400xi32, #tpu.memory_space<vmem>>)
      %dma_wait3A_83 = arith.constant 0 : i32
      %dma_wait3A_84 = tpu.memref_slice %arg3[%dma_wait3A_83] : memref<51200000xf32, #tpu.memory_space<hbm>> -> memref<6400xf32, #tpu.memory_space<hbm>>
      %dma_wait3A_85 = arith.constant 0 : i32
      %dma_wait3A_86 = tpu.memref_slice %arg3[%dma_wait3A_85] : memref<51200000xf32, #tpu.memory_space<hbm>> -> memref<6400xf32, #tpu.memory_space<hbm>>
      tpu.wait_dma2 semaphore(%arg16 : memref<!tpu.dma_semaphore, #tpu.memory_space<semaphore_mem>>) src(%dma_wait3A_86 : memref<6400xf32, #tpu.memory_space<hbm>>) dst(%arg10 : memref<6400xf32, #tpu.memory_space<vmem>>)
      %dma_start3A_87 = arith.constant 0 : i32
      %dma_start3A_88 = arith.constant 0 : i32
      %dma_start3A_89 = tpu.memref_slice %arg8[%dma_start3A_87, %dma_start3A_88] : memref<2x400xi32, #tpu.memory_space<vmem>> -> memref<1x400xi32, #tpu.memory_space<vmem>>
      %dma_start3A_90 = tpu.memref_squeeze %dma_start3A_89 : memref<1x400xi32, #tpu.memory_space<vmem>> -> memref<400xi32, #tpu.memory_space<vmem>>
      %dma_start3A_91 = arith.constant 0 : i32
      %dma_start3A_92 = arith.constant 0 : i32
      %dma_start3A_93 = tpu.memref_slice %arg13[%dma_start3A_91, %dma_start3A_92] : memref<50176x16xf32, #tpu.memory_space<vmem_shared>> -> memref<50176x16xf32, #tpu.memory_space<vmem_shared>>
      tpu.enqueue_indirect_dma source(%dma_start3A_93 : memref<50176x16xf32, #tpu.memory_space<vmem_shared>>) target(%arg12 : memref<400x16xf32, #tpu.memory_space<vmem>>) offsets(%dma_start3A_90 : memref<400xi32, #tpu.memory_space<vmem>>) semaphore(%arg17 : memref<!tpu.dma_semaphore, #tpu.memory_space<semaphore_mem>>)
      %dma_wait3A_94 = arith.constant 0 : i32
      %dma_wait3A_95 = arith.constant 0 : i32
      %dma_wait3A_96 = tpu.memref_slice %arg8[%dma_wait3A_94, %dma_wait3A_95] : memref<2x400xi32, #tpu.memory_space<vmem>> -> memref<1x400xi32, #tpu.memory_space<vmem>>
      %dma_wait3A_97 = tpu.memref_squeeze %dma_wait3A_96 : memref<1x400xi32, #tpu.memory_space<vmem>> -> memref<400xi32, #tpu.memory_space<vmem>>
      %dma_wait3A_98 = arith.constant 0 : i32
      %dma_wait3A_99 = arith.constant 0 : i32
      %dma_wait3A_100 = tpu.memref_slice %arg13[%dma_wait3A_98, %dma_wait3A_99] : memref<50176x16xf32, #tpu.memory_space<vmem_shared>> -> memref<50176x16xf32, #tpu.memory_space<vmem_shared>>
      tpu.wait_indirect_dma semaphore(%arg17 : memref<!tpu.dma_semaphore, #tpu.memory_space<semaphore_mem>>) src(%dma_wait3A_100 : memref<50176x16xf32, #tpu.memory_space<vmem_shared>>) dst(%arg12 : memref<400x16xf32, #tpu.memory_space<vmem>>)
      %scan3A_101 = arith.constant 0 : i32
      %scan3A_102 = arith.constant 0 : i32
      %scan3A_103 = arith.constant 400 : i32
      %scan3A_104 = arith.addi %scan3A_102, %scan3A_103 : i32
      %scan3A_105 = arith.constant 8 : i32
      %scan3A_106 = scf.for %scan3A_110 = %scan3A_102 to %scan3A_104 step %scan3A_105 iter_args(%scan3A_111 = %scan3A_101) -> (i32)  : i32 {
        %mul3A_112 = arith.constant 16 : i32
        %mul3A_113 = arith.muli %scan3A_110, %mul3A_112 : i32
        %get3A = arith.index_cast %mul3A_113 : i32 to index
        %get3A_114 = tpu.vector_load %arg10[%get3A] {strides = array<i32>} : memref<6400xf32, #tpu.memory_space<vmem>>, vector<16xf32>,
        %get3A_115 = vector.shape_cast %get3A_114 : vector<16xf32> to vector<16xf32>
        %get3A_116 = arith.index_cast %scan3A_110 : i32 to index
        %get3A_117 = arith.constant 0 : index
        %get3A_118 = tpu.vector_load %arg12[%get3A_116, %get3A_117] {strides = array<i32>} : memref<400x16xf32, #tpu.memory_space<vmem>>, vector<1x16xf32>,
        %get3A_119 = vector.shape_cast %get3A_118 : vector<1x16xf32> to vector<16xf32>
        %add3A_120 = arith.addf %get3A_119, %get3A_115 : vector<16xf32>
        %max3A = arith.maximumf %add3A_120, %broadcast_in_dim3A_3 : vector<16xf32>
        %swap3A = arith.index_cast %scan3A_110 : i32 to index
        %swap3A_121 = arith.constant 0 : index
        %swap3A_122 = tpu.vector_load %arg12[%swap3A, %swap3A_121] {strides = array<i32>} : memref<400x16xf32, #tpu.memory_space<vmem>>, vector<1x16xf32>,
        %swap3A_123 = vector.shape_cast %swap3A_122 : vector<1x16xf32> to vector<16xf32>
        %swap3A_124 = vector.shape_cast %max3A : vector<16xf32> to vector<1x16xf32>
        tpu.vector_store %arg12[%swap3A, %swap3A_121], %swap3A_124 {strides = array<i32>} : memref<400x16xf32, #tpu.memory_space<vmem>>, vector<1x16xf32>,
        %scan3A_125 = arith.constant 0 : i32
        %scan3A_126 = arith.constant 1 : i32
        %scan3A_127 = arith.addi %scan3A_110, %scan3A_126 : i32
        %mul3A_128 = arith.constant 16 : i32
        %mul3A_129 = arith.muli %scan3A_127, %mul3A_128 : i32
        %get3A_130 = arith.index_cast %mul3A_129 : i32 to index
        %get3A_131 = tpu.vector_load %arg10[%get3A_130] {strides = array<i32>} : memref<6400xf32, #tpu.memory_space<vmem>>, vector<16xf32>,
        %get3A_132 = vector.shape_cast %get3A_131 : vector<16xf32> to vector<16xf32>
        %get3A_133 = arith.index_cast %scan3A_127 : i32 to index
        %get3A_134 = arith.constant 0 : index
        %get3A_135 = tpu.vector_load %arg12[%get3A_133, %get3A_134] {strides = array<i32>} : memref<400x16xf32, #tpu.memory_space<vmem>>, vector<1x16xf32>,
        %get3A_136 = vector.shape_cast %get3A_135 : vector<1x16xf32> to vector<16xf32>
        %add3A_137 = arith.addf %get3A_136, %get3A_132 : vector<16xf32>
        %max3A_138 = arith.maximumf %add3A_137, %broadcast_in_dim3A_3 : vector<16xf32>
        %swap3A_139 = arith.index_cast %scan3A_127 : i32 to index
        %swap3A_140 = arith.constant 0 : index
        %swap3A_141 = tpu.vector_load %arg12[%swap3A_139, %swap3A_140] {strides = array<i32>} : memref<400x16xf32, #tpu.memory_space<vmem>>, vector<1x16xf32>,
        %swap3A_142 = vector.shape_cast %swap3A_141 : vector<1x16xf32> to vector<16xf32>
        %swap3A_143 = vector.shape_cast %max3A_138 : vector<16xf32> to vector<1x16xf32>
        tpu.vector_store %arg12[%swap3A_139, %swap3A_140], %swap3A_143 {strides = array<i32>} : memref<400x16xf32, #tpu.memory_space<vmem>>, vector<1x16xf32>,
        %scan3A_144 = arith.constant 0 : i32
        %scan3A_145 = arith.constant 2 : i32
        %scan3A_146 = arith.addi %scan3A_110, %scan3A_145 : i32
        %mul3A_147 = arith.constant 16 : i32
        %mul3A_148 = arith.muli %scan3A_146, %mul3A_147 : i32
        %get3A_149 = arith.index_cast %mul3A_148 : i32 to index
        %get3A_150 = tpu.vector_load %arg10[%get3A_149] {strides = array<i32>} : memref<6400xf32, #tpu.memory_space<vmem>>, vector<16xf32>,
        %get3A_151 = vector.shape_cast %get3A_150 : vector<16xf32> to vector<16xf32>
        %get3A_152 = arith.index_cast %scan3A_146 : i32 to index
        %get3A_153 = arith.constant 0 : index
        %get3A_154 = tpu.vector_load %arg12[%get3A_152, %get3A_153] {strides = array<i32>} : memref<400x16xf32, #tpu.memory_space<vmem>>, vector<1x16xf32>,
        %get3A_155 = vector.shape_cast %get3A_154 : vector<1x16xf32> to vector<16xf32>
        %add3A_156 = arith.addf %get3A_155, %get3A_151 : vector<16xf32>
        %max3A_157 = arith.maximumf %add3A_156, %broadcast_in_dim3A_3 : vector<16xf32>
        %swap3A_158 = arith.index_cast %scan3A_146 : i32 to index
        %swap3A_159 = arith.constant 0 : index
        %swap3A_160 = tpu.vector_load %arg12[%swap3A_158, %swap3A_159] {strides = array<i32>} : memref<400x16xf32, #tpu.memory_space<vmem>>, vector<1x16xf32>,
        %swap3A_161 = vector.shape_cast %swap3A_160 : vector<1x16xf32> to vector<16xf32>
        %swap3A_162 = vector.shape_cast %max3A_157 : vector<16xf32> to vector<1x16xf32>
        tpu.vector_store %arg12[%swap3A_158, %swap3A_159], %swap3A_162 {strides = array<i32>} : memref<400x16xf32, #tpu.memory_space<vmem>>, vector<1x16xf32>,
        %scan3A_163 = arith.constant 0 : i32
        %scan3A_164 = arith.constant 3 : i32
        %scan3A_165 = arith.addi %scan3A_110, %scan3A_164 : i32
        %mul3A_166 = arith.constant 16 : i32
        %mul3A_167 = arith.muli %scan3A_165, %mul3A_166 : i32
        %get3A_168 = arith.index_cast %mul3A_167 : i32 to index
        %get3A_169 = tpu.vector_load %arg10[%get3A_168] {strides = array<i32>} : memref<6400xf32, #tpu.memory_space<vmem>>, vector<16xf32>,
        %get3A_170 = vector.shape_cast %get3A_169 : vector<16xf32> to vector<16xf32>
        %get3A_171 = arith.index_cast %scan3A_165 : i32 to index
        %get3A_172 = arith.constant 0 : index
        %get3A_173 = tpu.vector_load %arg12[%get3A_171, %get3A_172] {strides = array<i32>} : memref<400x16xf32, #tpu.memory_space<vmem>>, vector<1x16xf32>,
        %get3A_174 = vector.shape_cast %get3A_173 : vector<1x16xf32> to vector<16xf32>
        %add3A_175 = arith.addf %get3A_174, %get3A_170 : vector<16xf32>
        %max3A_176 = arith.maximumf %add3A_175, %broadcast_in_dim3A_3 : vector<16xf32>
        %swap3A_177 = arith.index_cast %scan3A_165 : i32 to index
        %swap3A_178 = arith.constant 0 : index
        %swap3A_179 = tpu.vector_load %arg12[%swap3A_177, %swap3A_178] {strides = array<i32>} : memref<400x16xf32, #tpu.memory_space<vmem>>, vector<1x16xf32>,
        %swap3A_180 = vector.shape_cast %swap3A_179 : vector<1x16xf32> to vector<16xf32>
        %swap3A_181 = vector.shape_cast %max3A_176 : vector<16xf32> to vector<1x16xf32>
        tpu.vector_store %arg12[%swap3A_177, %swap3A_178], %swap3A_181 {strides = array<i32>} : memref<400x16xf32, #tpu.memory_space<vmem>>, vector<1x16xf32>,
        %scan3A_182 = arith.constant 0 : i32
        %scan3A_183 = arith.constant 4 : i32
        %scan3A_184 = arith.addi %scan3A_110, %scan3A_183 : i32
        %mul3A_185 = arith.constant 16 : i32
        %mul3A_186 = arith.muli %scan3A_184, %mul3A_185 : i32
        %get3A_187 = arith.index_cast %mul3A_186 : i32 to index
        %get3A_188 = tpu.vector_load %arg10[%get3A_187] {strides = array<i32>} : memref<6400xf32, #tpu.memory_space<vmem>>, vector<16xf32>,
        %get3A_189 = vector.shape_cast %get3A_188 : vector<16xf32> to vector<16xf32>
        %get3A_190 = arith.index_cast %scan3A_184 : i32 to index
        %get3A_191 = arith.constant 0 : index
        %get3A_192 = tpu.vector_load %arg12[%get3A_190, %get3A_191] {strides = array<i32>} : memref<400x16xf32, #tpu.memory_space<vmem>>, vector<1x16xf32>,
        %get3A_193 = vector.shape_cast %get3A_192 : vector<1x16xf32> to vector<16xf32>
        %add3A_194 = arith.addf %get3A_193, %get3A_189 : vector<16xf32>
        %max3A_195 = arith.maximumf %add3A_194, %broadcast_in_dim3A_3 : vector<16xf32>
        %swap3A_196 = arith.index_cast %scan3A_184 : i32 to index
        %swap3A_197 = arith.constant 0 : index
        %swap3A_198 = tpu.vector_load %arg12[%swap3A_196, %swap3A_197] {strides = array<i32>} : memref<400x16xf32, #tpu.memory_space<vmem>>, vector<1x16xf32>,
        %swap3A_199 = vector.shape_cast %swap3A_198 : vector<1x16xf32> to vector<16xf32>
        %swap3A_200 = vector.shape_cast %max3A_195 : vector<16xf32> to vector<1x16xf32>
        tpu.vector_store %arg12[%swap3A_196, %swap3A_197], %swap3A_200 {strides = array<i32>} : memref<400x16xf32, #tpu.memory_space<vmem>>, vector<1x16xf32>,
        %scan3A_201 = arith.constant 0 : i32
        %scan3A_202 = arith.constant 5 : i32
        %scan3A_203 = arith.addi %scan3A_110, %scan3A_202 : i32
        %mul3A_204 = arith.constant 16 : i32
        %mul3A_205 = arith.muli %scan3A_203, %mul3A_204 : i32
        %get3A_206 = arith.index_cast %mul3A_205 : i32 to index
        %get3A_207 = tpu.vector_load %arg10[%get3A_206] {strides = array<i32>} : memref<6400xf32, #tpu.memory_space<vmem>>, vector<16xf32>,
        %get3A_208 = vector.shape_cast %get3A_207 : vector<16xf32> to vector<16xf32>
        %get3A_209 = arith.index_cast %scan3A_203 : i32 to index
        %get3A_210 = arith.constant 0 : index
        %get3A_211 = tpu.vector_load %arg12[%get3A_209, %get3A_210] {strides = array<i32>} : memref<400x16xf32, #tpu.memory_space<vmem>>, vector<1x16xf32>,
        %get3A_212 = vector.shape_cast %get3A_211 : vector<1x16xf32> to vector<16xf32>
        %add3A_213 = arith.addf %get3A_212, %get3A_208 : vector<16xf32>
        %max3A_214 = arith.maximumf %add3A_213, %broadcast_in_dim3A_3 : vector<16xf32>
        %swap3A_215 = arith.index_cast %scan3A_203 : i32 to index
        %swap3A_216 = arith.constant 0 : index
        %swap3A_217 = tpu.vector_load %arg12[%swap3A_215, %swap3A_216] {strides = array<i32>} : memref<400x16xf32, #tpu.memory_space<vmem>>, vector<1x16xf32>,
        %swap3A_218 = vector.shape_cast %swap3A_217 : vector<1x16xf32> to vector<16xf32>
        %swap3A_219 = vector.shape_cast %max3A_214 : vector<16xf32> to vector<1x16xf32>
        tpu.vector_store %arg12[%swap3A_215, %swap3A_216], %swap3A_219 {strides = array<i32>} : memref<400x16xf32, #tpu.memory_space<vmem>>, vector<1x16xf32>,
        %scan3A_220 = arith.constant 0 : i32
        %scan3A_221 = arith.constant 6 : i32
        %scan3A_222 = arith.addi %scan3A_110, %scan3A_221 : i32
        %mul3A_223 = arith.constant 16 : i32
        %mul3A_224 = arith.muli %scan3A_222, %mul3A_223 : i32
        %get3A_225 = arith.index_cast %mul3A_224 : i32 to index
        %get3A_226 = tpu.vector_load %arg10[%get3A_225] {strides = array<i32>} : memref<6400xf32, #tpu.memory_space<vmem>>, vector<16xf32>,
        %get3A_227 = vector.shape_cast %get3A_226 : vector<16xf32> to vector<16xf32>
        %get3A_228 = arith.index_cast %scan3A_222 : i32 to index
        %get3A_229 = arith.constant 0 : index
        %get3A_230 = tpu.vector_load %arg12[%get3A_228, %get3A_229] {strides = array<i32>} : memref<400x16xf32, #tpu.memory_space<vmem>>, vector<1x16xf32>,
        %get3A_231 = vector.shape_cast %get3A_230 : vector<1x16xf32> to vector<16xf32>
        %add3A_232 = arith.addf %get3A_231, %get3A_227 : vector<16xf32>
        %max3A_233 = arith.maximumf %add3A_232, %broadcast_in_dim3A_3 : vector<16xf32>
        %swap3A_234 = arith.index_cast %scan3A_222 : i32 to index
        %swap3A_235 = arith.constant 0 : index
        %swap3A_236 = tpu.vector_load %arg12[%swap3A_234, %swap3A_235] {strides = array<i32>} : memref<400x16xf32, #tpu.memory_space<vmem>>, vector<1x16xf32>,
        %swap3A_237 = vector.shape_cast %swap3A_236 : vector<1x16xf32> to vector<16xf32>
        %swap3A_238 = vector.shape_cast %max3A_233 : vector<16xf32> to vector<1x16xf32>
        tpu.vector_store %arg12[%swap3A_234, %swap3A_235], %swap3A_238 {strides = array<i32>} : memref<400x16xf32, #tpu.memory_space<vmem>>, vector<1x16xf32>,
        %scan3A_239 = arith.constant 0 : i32
        %scan3A_240 = arith.constant 7 : i32
        %scan3A_241 = arith.addi %scan3A_110, %scan3A_240 : i32
        %mul3A_242 = arith.constant 16 : i32
        %mul3A_243 = arith.muli %scan3A_241, %mul3A_242 : i32
        %get3A_244 = arith.index_cast %mul3A_243 : i32 to index
        %get3A_245 = tpu.vector_load %arg10[%get3A_244] {strides = array<i32>} : memref<6400xf32, #tpu.memory_space<vmem>>, vector<16xf32>,
        %get3A_246 = vector.shape_cast %get3A_245 : vector<16xf32> to vector<16xf32>
        %get3A_247 = arith.index_cast %scan3A_241 : i32 to index
        %get3A_248 = arith.constant 0 : index
        %get3A_249 = tpu.vector_load %arg12[%get3A_247, %get3A_248] {strides = array<i32>} : memref<400x16xf32, #tpu.memory_space<vmem>>, vector<1x16xf32>,
        %get3A_250 = vector.shape_cast %get3A_249 : vector<1x16xf32> to vector<16xf32>
        %add3A_251 = arith.addf %get3A_250, %get3A_246 : vector<16xf32>
        %max3A_252 = arith.maximumf %add3A_251, %broadcast_in_dim3A_3 : vector<16xf32>
        %swap3A_253 = arith.index_cast %scan3A_241 : i32 to index
        %swap3A_254 = arith.constant 0 : index
        %swap3A_255 = tpu.vector_load %arg12[%swap3A_253, %swap3A_254] {strides = array<i32>} : memref<400x16xf32, #tpu.memory_space<vmem>>, vector<1x16xf32>,
        %swap3A_256 = vector.shape_cast %swap3A_255 : vector<1x16xf32> to vector<16xf32>
        %swap3A_257 = vector.shape_cast %max3A_252 : vector<16xf32> to vector<1x16xf32>
        tpu.vector_store %arg12[%swap3A_253, %swap3A_254], %swap3A_257 {strides = array<i32>} : memref<400x16xf32, #tpu.memory_space<vmem>>, vector<1x16xf32>,
        %scan3A_258 = arith.constant 0 : i32
        scf.yield %scan3A_258 : i32
      }
      %scan3A_107 = arith.constant 400 : i32
      %run_scoped3A_108 = arith.constant 1 : i32
      "tpu.region"() ({
        %run_scoped3A_110 = tpu.sem_alloc : memref<!tpu.dma_semaphore, #tpu.memory_space<semaphore_mem>>
        %dma_start3A_111 = arith.constant 0 : i32
        %dma_start3A_112 = tpu.memref_slice %arg8[%run_scoped3A_108, %dma_start3A_111] : memref<2x400xi32, #tpu.memory_space<vmem>> -> memref<1x400xi32, #tpu.memory_space<vmem>>
        %dma_start3A_113 = tpu.memref_squeeze %dma_start3A_112 : memref<1x400xi32, #tpu.memory_space<vmem>> -> memref<400xi32, #tpu.memory_space<vmem>>
        %dma_start3A_114 = arith.constant 0 : i32
        %dma_start3A_115 = arith.constant 0 : i32
        %dma_start3A_116 = tpu.memref_slice %arg14[%dma_start3A_114, %dma_start3A_115] : memref<50176x16xf32, #tpu.memory_space<vmem_shared>> -> memref<50176x16xf32, #tpu.memory_space<vmem_shared>>
        tpu.enqueue_indirect_dma source(%arg12 : memref<400x16xf32, #tpu.memory_space<vmem>>) target(%dma_start3A_116 : memref<50176x16xf32, #tpu.memory_space<vmem_shared>>) offsets(%dma_start3A_113 : memref<400xi32, #tpu.memory_space<vmem>>) semaphore(%run_scoped3A_110 : memref<!tpu.dma_semaphore, #tpu.memory_space<semaphore_mem>>) {add = true}
        %dma_wait3A_117 = arith.constant 0 : i32
        %dma_wait3A_118 = tpu.memref_slice %arg8[%run_scoped3A_108, %dma_wait3A_117] : memref<2x400xi32, #tpu.memory_space<vmem>> -> memref<1x400xi32, #tpu.memory_space<vmem>>
        %dma_wait3A_119 = tpu.memref_squeeze %dma_wait3A_118 : memref<1x400xi32, #tpu.memory_space<vmem>> -> memref<400xi32, #tpu.memory_space<vmem>>
        %dma_wait3A_120 = arith.constant 0 : i32
        %dma_wait3A_121 = arith.constant 0 : i32
        %dma_wait3A_122 = tpu.memref_slice %arg14[%dma_wait3A_120, %dma_wait3A_121] : memref<50176x16xf32, #tpu.memory_space<vmem_shared>> -> memref<50176x16xf32, #tpu.memory_space<vmem_shared>>
        tpu.wait_indirect_dma semaphore(%run_scoped3A_110 : memref<!tpu.dma_semaphore, #tpu.memory_space<semaphore_mem>>) src(%arg12 : memref<400x16xf32, #tpu.memory_space<vmem>>) dst(%dma_wait3A_122 : memref<50176x16xf32, #tpu.memory_space<vmem_shared>>)
        tpu.yield
      }) : () -> ()
      %scan3A_109 = arith.constant 0 : i32
      scf.yield %scan3A_109 : i32
    }
    %scan3A_21 = arith.constant 125 : i32
    %barrier3A_22 = arith.constant 0 : index
    tpu.barrier barrier_id(%barrier3A_22)
    "tpu.region"() ({
      %run_scoped3A = tpu.sem_alloc : memref<!tpu.dma_semaphore, #tpu.memory_space<semaphore_mem>>
      %dma_start3A_23 = arith.constant 0 : i32
      %dma_start3A_24 = tpu.memref_slice %arg6[%arg0, %multiple_of3A, %dma_start3A_23] : memref<2x50176x16xf32, #tpu.memory_space<hbm>> -> memref<1x3136x16xf32, #tpu.memory_space<hbm>>
      %dma_start3A_25 = tpu.memref_squeeze %dma_start3A_24 : memref<1x3136x16xf32, #tpu.memory_space<hbm>> -> memref<3136x16xf32, #tpu.memory_space<hbm>>
      %dma_start3A_26 = arith.constant 0 : i32
      %dma_start3A_27 = tpu.memref_slice %arg14[%multiple_of3A, %dma_start3A_26] : memref<50176x16xf32, #tpu.memory_space<vmem_shared>> -> memref<3136x16xf32, #tpu.memory_space<vmem_shared>>
      tpu.enqueue_dma source(%dma_start3A_27 : memref<3136x16xf32, #tpu.memory_space<vmem_shared>>) target(%dma_start3A_25 : memref<3136x16xf32, #tpu.memory_space<hbm>>) target_semaphore(%run_scoped3A : memref<!tpu.dma_semaphore, #tpu.memory_space<semaphore_mem>>)
      %dma_wait3A = arith.constant 0 : i32
      %dma_wait3A_28 = tpu.memref_slice %arg6[%arg0, %multiple_of3A, %dma_wait3A] : memref<2x50176x16xf32, #tpu.memory_space<hbm>> -> memref<1x3136x16xf32, #tpu.memory_space<hbm>>
      %dma_wait3A_29 = tpu.memref_squeeze %dma_wait3A_28 : memref<1x3136x16xf32, #tpu.memory_space<hbm>> -> memref<3136x16xf32, #tpu.memory_space<hbm>>
      %dma_wait3A_30 = arith.constant 0 : i32
      %dma_wait3A_31 = tpu.memref_slice %arg14[%multiple_of3A, %dma_wait3A_30] : memref<50176x16xf32, #tpu.memory_space<vmem_shared>> -> memref<3136x16xf32, #tpu.memory_space<vmem_shared>>
      tpu.wait_dma2 semaphore(%run_scoped3A : memref<!tpu.dma_semaphore, #tpu.memory_space<semaphore_mem>>) src(%dma_wait3A_31 : memref<3136x16xf32, #tpu.memory_space<vmem_shared>>) dst(%dma_wait3A_29 : memref<3136x16xf32, #tpu.memory_space<hbm>>)
      tpu.yield
    }) : () -> ()
    return
  }
}

#map = affine_map<(d0, d1) -> (0, 0)>
#map1 = affine_map<(d0, d1) -> (0)>
#map2 = affine_map<(d0, d1) -> (0, 0, 0)>
module attributes {stable_mosaic.version = 14 : i64} {
  func.func @_sc_edge_body(%arg0: i32, %arg1: i32, %arg2: memref<2x3200000xi32, #tpu.memory_space<hbm>>, %arg3: memref<51200000xf32, #tpu.memory_space<hbm>>, %arg4: memref<50176x16xf32, #tpu.memory_space<hbm>>, %arg5: memref<50176x16xf32, #tpu.memory_space<hbm>>, %arg6: memref<2x50176x16xf32, #tpu.memory_space<hbm>>, %arg7: memref<2x400xi32, #tpu.memory_space<vmem>>, %arg8: memref<2x400xi32, #tpu.memory_space<vmem>>, %arg9: memref<6400xf32, #tpu.memory_space<vmem>>, %arg10: memref<6400xf32, #tpu.memory_space<vmem>>, %arg11: memref<400x16xf32, #tpu.memory_space<vmem>>, %arg12: memref<400x16xf32, #tpu.memory_space<vmem>>, %arg13: memref<50176x16xf32, #tpu.memory_space<vmem_shared>>, %arg14: memref<50176x16xf32, #tpu.memory_space<vmem_shared>>, %arg15: memref<!tpu.dma_semaphore, #tpu.memory_space<semaphore_mem>>, %arg16: memref<!tpu.dma_semaphore, #tpu.memory_space<semaphore_mem>>, %arg17: memref<!tpu.dma_semaphore, #tpu.memory_space<semaphore_mem>>) attributes {dimension_semantics = [#tpu.dimension_semantics<core_parallel>, #tpu.dimension_semantics<subcore_parallel>], iteration_bounds = array<i64: 2, 16>, scalar_prefetch = 0 : i64, scratch_operands = 11 : i64, tpu.core_type = #tpu.core_type<sc_vector_subcore>, window_params = [{transform_indices = #map}, {transform_indices = #map1}, {transform_indices = #map}, {transform_indices = #map}, {transform_indices = #map2}]} {
    %mul3A = arith.constant 2 : i32
    %mul3A_0 = arith.muli %arg1, %mul3A : i32
    %add3A = arith.addi %mul3A_0, %arg0 : i32
    %mul3A_1 = arith.constant 3136 : i32
    %mul3A_2 = arith.muli %arg1, %mul3A_1 : i32
    %multiple_of3A = tpu.assume_multiple %mul3A_2, 8 : i32
    "tpu.region"() ({
      %run_scoped3A = tpu.sem_alloc : memref<!tpu.dma_semaphore, #tpu.memory_space<semaphore_mem>>
      %dma_start3A_23 = arith.constant 0 : i32
      %dma_start3A_24 = tpu.memref_slice %arg13[%multiple_of3A, %dma_start3A_23] : memref<50176x16xf32, #tpu.memory_space<vmem_shared>> -> memref<3136x16xf32, #tpu.memory_space<vmem_shared>>
      %dma_start3A_25 = arith.constant 0 : i32
      %dma_start3A_26 = tpu.memref_slice %arg4[%multiple_of3A, %dma_start3A_25] : memref<50176x16xf32, #tpu.memory_space<hbm>> -> memref<3136x16xf32, #tpu.memory_space<hbm>>
      tpu.enqueue_dma source(%dma_start3A_26 : memref<3136x16xf32, #tpu.memory_space<hbm>>) target(%dma_start3A_24 : memref<3136x16xf32, #tpu.memory_space<vmem_shared>>) target_semaphore(%run_scoped3A : memref<!tpu.dma_semaphore, #tpu.memory_space<semaphore_mem>>)
      %dma_wait3A = arith.constant 0 : i32
      %dma_wait3A_27 = tpu.memref_slice %arg13[%multiple_of3A, %dma_wait3A] : memref<50176x16xf32, #tpu.memory_space<vmem_shared>> -> memref<3136x16xf32, #tpu.memory_space<vmem_shared>>
      %dma_wait3A_28 = arith.constant 0 : i32
      %dma_wait3A_29 = tpu.memref_slice %arg4[%multiple_of3A, %dma_wait3A_28] : memref<50176x16xf32, #tpu.memory_space<hbm>> -> memref<3136x16xf32, #tpu.memory_space<hbm>>
      tpu.wait_dma2 semaphore(%run_scoped3A : memref<!tpu.dma_semaphore, #tpu.memory_space<semaphore_mem>>) src(%dma_wait3A_29 : memref<3136x16xf32, #tpu.memory_space<hbm>>) dst(%dma_wait3A_27 : memref<3136x16xf32, #tpu.memory_space<vmem_shared>>)
      tpu.yield
    }) : () -> ()
    "tpu.region"() ({
      %run_scoped3A = tpu.sem_alloc : memref<!tpu.dma_semaphore, #tpu.memory_space<semaphore_mem>>
      %dma_start3A_23 = arith.constant 0 : i32
      %dma_start3A_24 = tpu.memref_slice %arg14[%multiple_of3A, %dma_start3A_23] : memref<50176x16xf32, #tpu.memory_space<vmem_shared>> -> memref<3136x16xf32, #tpu.memory_space<vmem_shared>>
      %dma_start3A_25 = arith.constant 0 : i32
      %dma_start3A_26 = tpu.memref_slice %arg5[%multiple_of3A, %dma_start3A_25] : memref<50176x16xf32, #tpu.memory_space<hbm>> -> memref<3136x16xf32, #tpu.memory_space<hbm>>
      tpu.enqueue_dma source(%dma_start3A_26 : memref<3136x16xf32, #tpu.memory_space<hbm>>) target(%dma_start3A_24 : memref<3136x16xf32, #tpu.memory_space<vmem_shared>>) target_semaphore(%run_scoped3A : memref<!tpu.dma_semaphore, #tpu.memory_space<semaphore_mem>>)
      %dma_wait3A = arith.constant 0 : i32
      %dma_wait3A_27 = tpu.memref_slice %arg14[%multiple_of3A, %dma_wait3A] : memref<50176x16xf32, #tpu.memory_space<vmem_shared>> -> memref<3136x16xf32, #tpu.memory_space<vmem_shared>>
      %dma_wait3A_28 = arith.constant 0 : i32
      %dma_wait3A_29 = tpu.memref_slice %arg5[%multiple_of3A, %dma_wait3A_28] : memref<50176x16xf32, #tpu.memory_space<hbm>> -> memref<3136x16xf32, #tpu.memory_space<hbm>>
      tpu.wait_dma2 semaphore(%run_scoped3A : memref<!tpu.dma_semaphore, #tpu.memory_space<semaphore_mem>>) src(%dma_wait3A_29 : memref<3136x16xf32, #tpu.memory_space<hbm>>) dst(%dma_wait3A_27 : memref<3136x16xf32, #tpu.memory_space<vmem_shared>>)
      tpu.yield
    }) : () -> ()
    %barrier3A = arith.constant 0 : index
    tpu.barrier barrier_id(%barrier3A)
    %broadcast_in_dim3A = arith.constant 0.000000e+00 : f32
    %broadcast_in_dim3A_3 = vector.broadcast %broadcast_in_dim3A : f32 to vector<16xf32>
    %mul3A_4 = arith.constant 100000 : i32
    %mul3A_5 = arith.muli %add3A, %mul3A_4 : i32
    %add3A_6 = arith.constant 0 : i32
    %add3A_7 = arith.addi %mul3A_5, %add3A_6 : i32
    %multiple_of3A_8 = tpu.assume_multiple %add3A_7, 8 : i32
    %dma_start3A = arith.constant 0 : i32
    %dma_start3A_9 = tpu.memref_slice %arg2[%dma_start3A, %multiple_of3A_8] : memref<2x3200000xi32, #tpu.memory_space<hbm>> -> memref<2x400xi32, #tpu.memory_space<hbm>>
    %dma_start3A_10 = arith.constant 0 : i32
    %dma_start3A_11 = tpu.memref_slice %arg2[%dma_start3A_10, %multiple_of3A_8] : memref<2x3200000xi32, #tpu.memory_space<hbm>> -> memref<2x400xi32, #tpu.memory_space<hbm>>
    tpu.enqueue_dma source(%dma_start3A_11 : memref<2x400xi32, #tpu.memory_space<hbm>>) target(%arg7 : memref<2x400xi32, #tpu.memory_space<vmem>>) target_semaphore(%arg15 : memref<!tpu.dma_semaphore, #tpu.memory_space<semaphore_mem>>)
    %mul3A_12 = arith.constant 16 : i32
    %mul3A_13 = arith.muli %multiple_of3A_8, %mul3A_12 : i32
    %dma_start3A_14 = tpu.memref_slice %arg3[%mul3A_13] : memref<51200000xf32, #tpu.memory_space<hbm>> -> memref<6400xf32, #tpu.memory_space<hbm>>
    %dma_start3A_15 = tpu.memref_slice %arg3[%mul3A_13] : memref<51200000xf32, #tpu.memory_space<hbm>> -> memref<6400xf32, #tpu.memory_space<hbm>>
    tpu.enqueue_dma source(%dma_start3A_15 : memref<6400xf32, #tpu.memory_space<hbm>>) target(%arg9 : memref<6400xf32, #tpu.memory_space<vmem>>) target_semaphore(%arg15 : memref<!tpu.dma_semaphore, #tpu.memory_space<semaphore_mem>>)
    %scan3A = arith.constant 0 : i32
    %scan3A_16 = arith.constant 0 : i32
    %scan3A_17 = arith.constant 125 : i32
    %scan3A_18 = arith.addi %scan3A_16, %scan3A_17 : i32
    %scan3A_19 = arith.constant 1 : i32
    %scan3A_20 = scf.for %scan3A_23 = %scan3A_16 to %scan3A_18 step %scan3A_19 iter_args(%scan3A_24 = %scan3A) -> (i32)  : i32 {
      %mul3A_25 = arith.constant 2 : i32
      %mul3A_26 = arith.muli %mul3A_25, %scan3A_23 : i32
      %add3A_27 = arith.constant 1 : i32
      %add3A_28 = arith.addi %mul3A_26, %add3A_27 : i32
      %mul3A_29 = arith.constant 100000 : i32
      %mul3A_30 = arith.muli %add3A, %mul3A_29 : i32
      %mul3A_31 = arith.constant 400 : i32
      %mul3A_32 = arith.muli %add3A_28, %mul3A_31 : i32
      %add3A_33 = arith.addi %mul3A_30, %mul3A_32 : i32
      %multiple_of3A_34 = tpu.assume_multiple %add3A_33, 8 : i32
      %dma_start3A_35 = arith.constant 0 : i32
      %dma_start3A_36 = tpu.memref_slice %arg2[%dma_start3A_35, %multiple_of3A_34] : memref<2x3200000xi32, #tpu.memory_space<hbm>> -> memref<2x400xi32, #tpu.memory_space<hbm>>
      %dma_start3A_37 = arith.constant 0 : i32
      %dma_start3A_38 = tpu.memref_slice %arg2[%dma_start3A_37, %multiple_of3A_34] : memref<2x3200000xi32, #tpu.memory_space<hbm>> -> memref<2x400xi32, #tpu.memory_space<hbm>>
      tpu.enqueue_dma source(%dma_start3A_38 : memref<2x400xi32, #tpu.memory_space<hbm>>) target(%arg8 : memref<2x400xi32, #tpu.memory_space<vmem>>) target_semaphore(%arg16 : memref<!tpu.dma_semaphore, #tpu.memory_space<semaphore_mem>>)
      %mul3A_39 = arith.constant 16 : i32
      %mul3A_40 = arith.muli %multiple_of3A_34, %mul3A_39 : i32
      %dma_start3A_41 = tpu.memref_slice %arg3[%mul3A_40] : memref<51200000xf32, #tpu.memory_space<hbm>> -> memref<6400xf32, #tpu.memory_space<hbm>>
      %dma_start3A_42 = tpu.memref_slice %arg3[%mul3A_40] : memref<51200000xf32, #tpu.memory_space<hbm>> -> memref<6400xf32, #tpu.memory_space<hbm>>
      tpu.enqueue_dma source(%dma_start3A_42 : memref<6400xf32, #tpu.memory_space<hbm>>) target(%arg10 : memref<6400xf32, #tpu.memory_space<vmem>>) target_semaphore(%arg16 : memref<!tpu.dma_semaphore, #tpu.memory_space<semaphore_mem>>)
      %dma_wait3A = arith.constant 0 : i32
      %dma_wait3A_43 = arith.constant 0 : i32
      %dma_wait3A_44 = tpu.memref_slice %arg2[%dma_wait3A, %dma_wait3A_43] : memref<2x3200000xi32, #tpu.memory_space<hbm>> -> memref<2x400xi32, #tpu.memory_space<hbm>>
      %dma_wait3A_45 = arith.constant 0 : i32
      %dma_wait3A_46 = arith.constant 0 : i32
      %dma_wait3A_47 = tpu.memref_slice %arg2[%dma_wait3A_45, %dma_wait3A_46] : memref<2x3200000xi32, #tpu.memory_space<hbm>> -> memref<2x400xi32, #tpu.memory_space<hbm>>
      tpu.wait_dma2 semaphore(%arg15 : memref<!tpu.dma_semaphore, #tpu.memory_space<semaphore_mem>>) src(%dma_wait3A_47 : memref<2x400xi32, #tpu.memory_space<hbm>>) dst(%arg7 : memref<2x400xi32, #tpu.memory_space<vmem>>)
      %dma_wait3A_48 = arith.constant 0 : i32
      %dma_wait3A_49 = tpu.memref_slice %arg3[%dma_wait3A_48] : memref<51200000xf32, #tpu.memory_space<hbm>> -> memref<6400xf32, #tpu.memory_space<hbm>>
      %dma_wait3A_50 = arith.constant 0 : i32
      %dma_wait3A_51 = tpu.memref_slice %arg3[%dma_wait3A_50] : memref<51200000xf32, #tpu.memory_space<hbm>> -> memref<6400xf32, #tpu.memory_space<hbm>>
      tpu.wait_dma2 semaphore(%arg15 : memref<!tpu.dma_semaphore, #tpu.memory_space<semaphore_mem>>) src(%dma_wait3A_51 : memref<6400xf32, #tpu.memory_space<hbm>>) dst(%arg9 : memref<6400xf32, #tpu.memory_space<vmem>>)
      %dma_start3A_52 = arith.constant 0 : i32
      %dma_start3A_53 = arith.constant 0 : i32
      %dma_start3A_54 = tpu.memref_slice %arg7[%dma_start3A_52, %dma_start3A_53] : memref<2x400xi32, #tpu.memory_space<vmem>> -> memref<1x400xi32, #tpu.memory_space<vmem>>
      %dma_start3A_55 = tpu.memref_squeeze %dma_start3A_54 : memref<1x400xi32, #tpu.memory_space<vmem>> -> memref<400xi32, #tpu.memory_space<vmem>>
      %dma_start3A_56 = arith.constant 0 : i32
      %dma_start3A_57 = arith.constant 0 : i32
      %dma_start3A_58 = tpu.memref_slice %arg13[%dma_start3A_56, %dma_start3A_57] : memref<50176x16xf32, #tpu.memory_space<vmem_shared>> -> memref<50176x16xf32, #tpu.memory_space<vmem_shared>>
      tpu.enqueue_indirect_dma source(%dma_start3A_58 : memref<50176x16xf32, #tpu.memory_space<vmem_shared>>) target(%arg11 : memref<400x16xf32, #tpu.memory_space<vmem>>) offsets(%dma_start3A_55 : memref<400xi32, #tpu.memory_space<vmem>>) semaphore(%arg17 : memref<!tpu.dma_semaphore, #tpu.memory_space<semaphore_mem>>)
      %dma_wait3A_59 = arith.constant 0 : i32
      %dma_wait3A_60 = arith.constant 0 : i32
      %dma_wait3A_61 = tpu.memref_slice %arg7[%dma_wait3A_59, %dma_wait3A_60] : memref<2x400xi32, #tpu.memory_space<vmem>> -> memref<1x400xi32, #tpu.memory_space<vmem>>
      %dma_wait3A_62 = tpu.memref_squeeze %dma_wait3A_61 : memref<1x400xi32, #tpu.memory_space<vmem>> -> memref<400xi32, #tpu.memory_space<vmem>>
      %dma_wait3A_63 = arith.constant 0 : i32
      %dma_wait3A_64 = arith.constant 0 : i32
      %dma_wait3A_65 = tpu.memref_slice %arg13[%dma_wait3A_63, %dma_wait3A_64] : memref<50176x16xf32, #tpu.memory_space<vmem_shared>> -> memref<50176x16xf32, #tpu.memory_space<vmem_shared>>
      tpu.wait_indirect_dma semaphore(%arg17 : memref<!tpu.dma_semaphore, #tpu.memory_space<semaphore_mem>>) src(%dma_wait3A_65 : memref<50176x16xf32, #tpu.memory_space<vmem_shared>>) dst(%arg11 : memref<400x16xf32, #tpu.memory_space<vmem>>)
      %scan3A_66 = arith.constant 0 : i32
      %scan3A_67 = arith.constant 0 : i32
      %scan3A_68 = arith.constant 400 : i32
      %scan3A_69 = arith.addi %scan3A_67, %scan3A_68 : i32
      %scan3A_70 = arith.constant 8 : i32
      %scan3A_71 = scf.for %scan3A_110 = %scan3A_67 to %scan3A_69 step %scan3A_70 iter_args(%scan3A_111 = %scan3A_66) -> (i32)  : i32 {
        %mul3A_112 = arith.constant 16 : i32
        %mul3A_113 = arith.muli %scan3A_110, %mul3A_112 : i32
        %get3A = arith.index_cast %mul3A_113 : i32 to index
        %get3A_114 = tpu.vector_load %arg9[%get3A] {strides = array<i32>} : memref<6400xf32, #tpu.memory_space<vmem>>, vector<16xf32>,
        %get3A_115 = vector.shape_cast %get3A_114 : vector<16xf32> to vector<16xf32>
        %get3A_116 = arith.index_cast %scan3A_110 : i32 to index
        %get3A_117 = arith.constant 0 : index
        %get3A_118 = tpu.vector_load %arg11[%get3A_116, %get3A_117] {strides = array<i32>} : memref<400x16xf32, #tpu.memory_space<vmem>>, vector<1x16xf32>,
        %get3A_119 = vector.shape_cast %get3A_118 : vector<1x16xf32> to vector<16xf32>
        %add3A_120 = arith.addf %get3A_119, %get3A_115 : vector<16xf32>
        %max3A = arith.maximumf %add3A_120, %broadcast_in_dim3A_3 : vector<16xf32>
        %swap3A = arith.index_cast %scan3A_110 : i32 to index
        %swap3A_121 = arith.constant 0 : index
        %swap3A_122 = tpu.vector_load %arg11[%swap3A, %swap3A_121] {strides = array<i32>} : memref<400x16xf32, #tpu.memory_space<vmem>>, vector<1x16xf32>,
        %swap3A_123 = vector.shape_cast %swap3A_122 : vector<1x16xf32> to vector<16xf32>
        %swap3A_124 = vector.shape_cast %max3A : vector<16xf32> to vector<1x16xf32>
        tpu.vector_store %arg11[%swap3A, %swap3A_121], %swap3A_124 {strides = array<i32>} : memref<400x16xf32, #tpu.memory_space<vmem>>, vector<1x16xf32>,
        %scan3A_125 = arith.constant 0 : i32
        %scan3A_126 = arith.constant 1 : i32
        %scan3A_127 = arith.addi %scan3A_110, %scan3A_126 : i32
        %mul3A_128 = arith.constant 16 : i32
        %mul3A_129 = arith.muli %scan3A_127, %mul3A_128 : i32
        %get3A_130 = arith.index_cast %mul3A_129 : i32 to index
        %get3A_131 = tpu.vector_load %arg9[%get3A_130] {strides = array<i32>} : memref<6400xf32, #tpu.memory_space<vmem>>, vector<16xf32>,
        %get3A_132 = vector.shape_cast %get3A_131 : vector<16xf32> to vector<16xf32>
        %get3A_133 = arith.index_cast %scan3A_127 : i32 to index
        %get3A_134 = arith.constant 0 : index
        %get3A_135 = tpu.vector_load %arg11[%get3A_133, %get3A_134] {strides = array<i32>} : memref<400x16xf32, #tpu.memory_space<vmem>>, vector<1x16xf32>,
        %get3A_136 = vector.shape_cast %get3A_135 : vector<1x16xf32> to vector<16xf32>
        %add3A_137 = arith.addf %get3A_136, %get3A_132 : vector<16xf32>
        %max3A_138 = arith.maximumf %add3A_137, %broadcast_in_dim3A_3 : vector<16xf32>
        %swap3A_139 = arith.index_cast %scan3A_127 : i32 to index
        %swap3A_140 = arith.constant 0 : index
        %swap3A_141 = tpu.vector_load %arg11[%swap3A_139, %swap3A_140] {strides = array<i32>} : memref<400x16xf32, #tpu.memory_space<vmem>>, vector<1x16xf32>,
        %swap3A_142 = vector.shape_cast %swap3A_141 : vector<1x16xf32> to vector<16xf32>
        %swap3A_143 = vector.shape_cast %max3A_138 : vector<16xf32> to vector<1x16xf32>
        tpu.vector_store %arg11[%swap3A_139, %swap3A_140], %swap3A_143 {strides = array<i32>} : memref<400x16xf32, #tpu.memory_space<vmem>>, vector<1x16xf32>,
        %scan3A_144 = arith.constant 0 : i32
        %scan3A_145 = arith.constant 2 : i32
        %scan3A_146 = arith.addi %scan3A_110, %scan3A_145 : i32
        %mul3A_147 = arith.constant 16 : i32
        %mul3A_148 = arith.muli %scan3A_146, %mul3A_147 : i32
        %get3A_149 = arith.index_cast %mul3A_148 : i32 to index
        %get3A_150 = tpu.vector_load %arg9[%get3A_149] {strides = array<i32>} : memref<6400xf32, #tpu.memory_space<vmem>>, vector<16xf32>,
        %get3A_151 = vector.shape_cast %get3A_150 : vector<16xf32> to vector<16xf32>
        %get3A_152 = arith.index_cast %scan3A_146 : i32 to index
        %get3A_153 = arith.constant 0 : index
        %get3A_154 = tpu.vector_load %arg11[%get3A_152, %get3A_153] {strides = array<i32>} : memref<400x16xf32, #tpu.memory_space<vmem>>, vector<1x16xf32>,
        %get3A_155 = vector.shape_cast %get3A_154 : vector<1x16xf32> to vector<16xf32>
        %add3A_156 = arith.addf %get3A_155, %get3A_151 : vector<16xf32>
        %max3A_157 = arith.maximumf %add3A_156, %broadcast_in_dim3A_3 : vector<16xf32>
        %swap3A_158 = arith.index_cast %scan3A_146 : i32 to index
        %swap3A_159 = arith.constant 0 : index
        %swap3A_160 = tpu.vector_load %arg11[%swap3A_158, %swap3A_159] {strides = array<i32>} : memref<400x16xf32, #tpu.memory_space<vmem>>, vector<1x16xf32>,
        %swap3A_161 = vector.shape_cast %swap3A_160 : vector<1x16xf32> to vector<16xf32>
        %swap3A_162 = vector.shape_cast %max3A_157 : vector<16xf32> to vector<1x16xf32>
        tpu.vector_store %arg11[%swap3A_158, %swap3A_159], %swap3A_162 {strides = array<i32>} : memref<400x16xf32, #tpu.memory_space<vmem>>, vector<1x16xf32>,
        %scan3A_163 = arith.constant 0 : i32
        %scan3A_164 = arith.constant 3 : i32
        %scan3A_165 = arith.addi %scan3A_110, %scan3A_164 : i32
        %mul3A_166 = arith.constant 16 : i32
        %mul3A_167 = arith.muli %scan3A_165, %mul3A_166 : i32
        %get3A_168 = arith.index_cast %mul3A_167 : i32 to index
        %get3A_169 = tpu.vector_load %arg9[%get3A_168] {strides = array<i32>} : memref<6400xf32, #tpu.memory_space<vmem>>, vector<16xf32>,
        %get3A_170 = vector.shape_cast %get3A_169 : vector<16xf32> to vector<16xf32>
        %get3A_171 = arith.index_cast %scan3A_165 : i32 to index
        %get3A_172 = arith.constant 0 : index
        %get3A_173 = tpu.vector_load %arg11[%get3A_171, %get3A_172] {strides = array<i32>} : memref<400x16xf32, #tpu.memory_space<vmem>>, vector<1x16xf32>,
        %get3A_174 = vector.shape_cast %get3A_173 : vector<1x16xf32> to vector<16xf32>
        %add3A_175 = arith.addf %get3A_174, %get3A_170 : vector<16xf32>
        %max3A_176 = arith.maximumf %add3A_175, %broadcast_in_dim3A_3 : vector<16xf32>
        %swap3A_177 = arith.index_cast %scan3A_165 : i32 to index
        %swap3A_178 = arith.constant 0 : index
        %swap3A_179 = tpu.vector_load %arg11[%swap3A_177, %swap3A_178] {strides = array<i32>} : memref<400x16xf32, #tpu.memory_space<vmem>>, vector<1x16xf32>,
        %swap3A_180 = vector.shape_cast %swap3A_179 : vector<1x16xf32> to vector<16xf32>
        %swap3A_181 = vector.shape_cast %max3A_176 : vector<16xf32> to vector<1x16xf32>
        tpu.vector_store %arg11[%swap3A_177, %swap3A_178], %swap3A_181 {strides = array<i32>} : memref<400x16xf32, #tpu.memory_space<vmem>>, vector<1x16xf32>,
        %scan3A_182 = arith.constant 0 : i32
        %scan3A_183 = arith.constant 4 : i32
        %scan3A_184 = arith.addi %scan3A_110, %scan3A_183 : i32
        %mul3A_185 = arith.constant 16 : i32
        %mul3A_186 = arith.muli %scan3A_184, %mul3A_185 : i32
        %get3A_187 = arith.index_cast %mul3A_186 : i32 to index
        %get3A_188 = tpu.vector_load %arg9[%get3A_187] {strides = array<i32>} : memref<6400xf32, #tpu.memory_space<vmem>>, vector<16xf32>,
        %get3A_189 = vector.shape_cast %get3A_188 : vector<16xf32> to vector<16xf32>
        %get3A_190 = arith.index_cast %scan3A_184 : i32 to index
        %get3A_191 = arith.constant 0 : index
        %get3A_192 = tpu.vector_load %arg11[%get3A_190, %get3A_191] {strides = array<i32>} : memref<400x16xf32, #tpu.memory_space<vmem>>, vector<1x16xf32>,
        %get3A_193 = vector.shape_cast %get3A_192 : vector<1x16xf32> to vector<16xf32>
        %add3A_194 = arith.addf %get3A_193, %get3A_189 : vector<16xf32>
        %max3A_195 = arith.maximumf %add3A_194, %broadcast_in_dim3A_3 : vector<16xf32>
        %swap3A_196 = arith.index_cast %scan3A_184 : i32 to index
        %swap3A_197 = arith.constant 0 : index
        %swap3A_198 = tpu.vector_load %arg11[%swap3A_196, %swap3A_197] {strides = array<i32>} : memref<400x16xf32, #tpu.memory_space<vmem>>, vector<1x16xf32>,
        %swap3A_199 = vector.shape_cast %swap3A_198 : vector<1x16xf32> to vector<16xf32>
        %swap3A_200 = vector.shape_cast %max3A_195 : vector<16xf32> to vector<1x16xf32>
        tpu.vector_store %arg11[%swap3A_196, %swap3A_197], %swap3A_200 {strides = array<i32>} : memref<400x16xf32, #tpu.memory_space<vmem>>, vector<1x16xf32>,
        %scan3A_201 = arith.constant 0 : i32
        %scan3A_202 = arith.constant 5 : i32
        %scan3A_203 = arith.addi %scan3A_110, %scan3A_202 : i32
        %mul3A_204 = arith.constant 16 : i32
        %mul3A_205 = arith.muli %scan3A_203, %mul3A_204 : i32
        %get3A_206 = arith.index_cast %mul3A_205 : i32 to index
        %get3A_207 = tpu.vector_load %arg9[%get3A_206] {strides = array<i32>} : memref<6400xf32, #tpu.memory_space<vmem>>, vector<16xf32>,
        %get3A_208 = vector.shape_cast %get3A_207 : vector<16xf32> to vector<16xf32>
        %get3A_209 = arith.index_cast %scan3A_203 : i32 to index
        %get3A_210 = arith.constant 0 : index
        %get3A_211 = tpu.vector_load %arg11[%get3A_209, %get3A_210] {strides = array<i32>} : memref<400x16xf32, #tpu.memory_space<vmem>>, vector<1x16xf32>,
        %get3A_212 = vector.shape_cast %get3A_211 : vector<1x16xf32> to vector<16xf32>
        %add3A_213 = arith.addf %get3A_212, %get3A_208 : vector<16xf32>
        %max3A_214 = arith.maximumf %add3A_213, %broadcast_in_dim3A_3 : vector<16xf32>
        %swap3A_215 = arith.index_cast %scan3A_203 : i32 to index
        %swap3A_216 = arith.constant 0 : index
        %swap3A_217 = tpu.vector_load %arg11[%swap3A_215, %swap3A_216] {strides = array<i32>} : memref<400x16xf32, #tpu.memory_space<vmem>>, vector<1x16xf32>,
        %swap3A_218 = vector.shape_cast %swap3A_217 : vector<1x16xf32> to vector<16xf32>
        %swap3A_219 = vector.shape_cast %max3A_214 : vector<16xf32> to vector<1x16xf32>
        tpu.vector_store %arg11[%swap3A_215, %swap3A_216], %swap3A_219 {strides = array<i32>} : memref<400x16xf32, #tpu.memory_space<vmem>>, vector<1x16xf32>,
        %scan3A_220 = arith.constant 0 : i32
        %scan3A_221 = arith.constant 6 : i32
        %scan3A_222 = arith.addi %scan3A_110, %scan3A_221 : i32
        %mul3A_223 = arith.constant 16 : i32
        %mul3A_224 = arith.muli %scan3A_222, %mul3A_223 : i32
        %get3A_225 = arith.index_cast %mul3A_224 : i32 to index
        %get3A_226 = tpu.vector_load %arg9[%get3A_225] {strides = array<i32>} : memref<6400xf32, #tpu.memory_space<vmem>>, vector<16xf32>,
        %get3A_227 = vector.shape_cast %get3A_226 : vector<16xf32> to vector<16xf32>
        %get3A_228 = arith.index_cast %scan3A_222 : i32 to index
        %get3A_229 = arith.constant 0 : index
        %get3A_230 = tpu.vector_load %arg11[%get3A_228, %get3A_229] {strides = array<i32>} : memref<400x16xf32, #tpu.memory_space<vmem>>, vector<1x16xf32>,
        %get3A_231 = vector.shape_cast %get3A_230 : vector<1x16xf32> to vector<16xf32>
        %add3A_232 = arith.addf %get3A_231, %get3A_227 : vector<16xf32>
        %max3A_233 = arith.maximumf %add3A_232, %broadcast_in_dim3A_3 : vector<16xf32>
        %swap3A_234 = arith.index_cast %scan3A_222 : i32 to index
        %swap3A_235 = arith.constant 0 : index
        %swap3A_236 = tpu.vector_load %arg11[%swap3A_234, %swap3A_235] {strides = array<i32>} : memref<400x16xf32, #tpu.memory_space<vmem>>, vector<1x16xf32>,
        %swap3A_237 = vector.shape_cast %swap3A_236 : vector<1x16xf32> to vector<16xf32>
        %swap3A_238 = vector.shape_cast %max3A_233 : vector<16xf32> to vector<1x16xf32>
        tpu.vector_store %arg11[%swap3A_234, %swap3A_235], %swap3A_238 {strides = array<i32>} : memref<400x16xf32, #tpu.memory_space<vmem>>, vector<1x16xf32>,
        %scan3A_239 = arith.constant 0 : i32
        %scan3A_240 = arith.constant 7 : i32
        %scan3A_241 = arith.addi %scan3A_110, %scan3A_240 : i32
        %mul3A_242 = arith.constant 16 : i32
        %mul3A_243 = arith.muli %scan3A_241, %mul3A_242 : i32
        %get3A_244 = arith.index_cast %mul3A_243 : i32 to index
        %get3A_245 = tpu.vector_load %arg9[%get3A_244] {strides = array<i32>} : memref<6400xf32, #tpu.memory_space<vmem>>, vector<16xf32>,
        %get3A_246 = vector.shape_cast %get3A_245 : vector<16xf32> to vector<16xf32>
        %get3A_247 = arith.index_cast %scan3A_241 : i32 to index
        %get3A_248 = arith.constant 0 : index
        %get3A_249 = tpu.vector_load %arg11[%get3A_247, %get3A_248] {strides = array<i32>} : memref<400x16xf32, #tpu.memory_space<vmem>>, vector<1x16xf32>,
        %get3A_250 = vector.shape_cast %get3A_249 : vector<1x16xf32> to vector<16xf32>
        %add3A_251 = arith.addf %get3A_250, %get3A_246 : vector<16xf32>
        %max3A_252 = arith.maximumf %add3A_251, %broadcast_in_dim3A_3 : vector<16xf32>
        %swap3A_253 = arith.index_cast %scan3A_241 : i32 to index
        %swap3A_254 = arith.constant 0 : index
        %swap3A_255 = tpu.vector_load %arg11[%swap3A_253, %swap3A_254] {strides = array<i32>} : memref<400x16xf32, #tpu.memory_space<vmem>>, vector<1x16xf32>,
        %swap3A_256 = vector.shape_cast %swap3A_255 : vector<1x16xf32> to vector<16xf32>
        %swap3A_257 = vector.shape_cast %max3A_252 : vector<16xf32> to vector<1x16xf32>
        tpu.vector_store %arg11[%swap3A_253, %swap3A_254], %swap3A_257 {strides = array<i32>} : memref<400x16xf32, #tpu.memory_space<vmem>>, vector<1x16xf32>,
        %scan3A_258 = arith.constant 0 : i32
        scf.yield %scan3A_258 : i32
      }
      %scan3A_72 = arith.constant 400 : i32
      %run_scoped3A = arith.constant 1 : i32
      "tpu.region"() ({
        %run_scoped3A_110 = tpu.sem_alloc : memref<!tpu.dma_semaphore, #tpu.memory_space<semaphore_mem>>
        %dma_start3A_111 = arith.constant 0 : i32
        %dma_start3A_112 = tpu.memref_slice %arg7[%run_scoped3A, %dma_start3A_111] : memref<2x400xi32, #tpu.memory_space<vmem>> -> memref<1x400xi32, #tpu.memory_space<vmem>>
        %dma_start3A_113 = tpu.memref_squeeze %dma_start3A_112 : memref<1x400xi32, #tpu.memory_space<vmem>> -> memref<400xi32, #tpu.memory_space<vmem>>
        %dma_start3A_114 = arith.constant 0 : i32
        %dma_start3A_115 = arith.constant 0 : i32
        %dma_start3A_116 = tpu.memref_slice %arg14[%dma_start3A_114, %dma_start3A_115] : memref<50176x16xf32, #tpu.memory_space<vmem_shared>> -> memref<50176x16xf32, #tpu.memory_space<vmem_shared>>
        tpu.enqueue_indirect_dma source(%arg11 : memref<400x16xf32, #tpu.memory_space<vmem>>) target(%dma_start3A_116 : memref<50176x16xf32, #tpu.memory_space<vmem_shared>>) offsets(%dma_start3A_113 : memref<400xi32, #tpu.memory_space<vmem>>) semaphore(%run_scoped3A_110 : memref<!tpu.dma_semaphore, #tpu.memory_space<semaphore_mem>>) {add = true}
        %dma_wait3A_117 = arith.constant 0 : i32
        %dma_wait3A_118 = tpu.memref_slice %arg7[%run_scoped3A, %dma_wait3A_117] : memref<2x400xi32, #tpu.memory_space<vmem>> -> memref<1x400xi32, #tpu.memory_space<vmem>>
        %dma_wait3A_119 = tpu.memref_squeeze %dma_wait3A_118 : memref<1x400xi32, #tpu.memory_space<vmem>> -> memref<400xi32, #tpu.memory_space<vmem>>
        %dma_wait3A_120 = arith.constant 0 : i32
        %dma_wait3A_121 = arith.constant 0 : i32
        %dma_wait3A_122 = tpu.memref_slice %arg14[%dma_wait3A_120, %dma_wait3A_121] : memref<50176x16xf32, #tpu.memory_space<vmem_shared>> -> memref<50176x16xf32, #tpu.memory_space<vmem_shared>>
        tpu.wait_indirect_dma semaphore(%run_scoped3A_110 : memref<!tpu.dma_semaphore, #tpu.memory_space<semaphore_mem>>) src(%arg11 : memref<400x16xf32, #tpu.memory_space<vmem>>) dst(%dma_wait3A_122 : memref<50176x16xf32, #tpu.memory_space<vmem_shared>>)
        tpu.yield
      }) : () -> ()
      %add3A_73 = arith.constant 1 : i32
      %add3A_74 = arith.addi %scan3A_23, %add3A_73 : i32
      %lt3A = arith.constant 125 : i32
      %lt3A_75 = arith.cmpi slt, %add3A_74, %lt3A : i32
      %convert_element_type3A = arith.extui %lt3A_75 : i1 to i32
      %cond3A = arith.constant 0 : i32
      %cond3A_76 = arith.cmpi ne, %convert_element_type3A, %cond3A : i32
      scf.if %cond3A_76 {
        %mul3A_110 = arith.constant 2 : i32
        %mul3A_111 = arith.muli %mul3A_110, %scan3A_23 : i32
        %add3A_112 = arith.constant 2 : i32
        %add3A_113 = arith.addi %mul3A_111, %add3A_112 : i32
        %mul3A_114 = arith.constant 100000 : i32
        %mul3A_115 = arith.muli %add3A, %mul3A_114 : i32
        %mul3A_116 = arith.constant 400 : i32
        %mul3A_117 = arith.muli %add3A_113, %mul3A_116 : i32
        %add3A_118 = arith.addi %mul3A_115, %mul3A_117 : i32
        %multiple_of3A_119 = tpu.assume_multiple %add3A_118, 8 : i32
        %dma_start3A_120 = arith.constant 0 : i32
        %dma_start3A_121 = tpu.memref_slice %arg2[%dma_start3A_120, %multiple_of3A_119] : memref<2x3200000xi32, #tpu.memory_space<hbm>> -> memref<2x400xi32, #tpu.memory_space<hbm>>
        %dma_start3A_122 = arith.constant 0 : i32
        %dma_start3A_123 = tpu.memref_slice %arg2[%dma_start3A_122, %multiple_of3A_119] : memref<2x3200000xi32, #tpu.memory_space<hbm>> -> memref<2x400xi32, #tpu.memory_space<hbm>>
        tpu.enqueue_dma source(%dma_start3A_123 : memref<2x400xi32, #tpu.memory_space<hbm>>) target(%arg7 : memref<2x400xi32, #tpu.memory_space<vmem>>) target_semaphore(%arg15 : memref<!tpu.dma_semaphore, #tpu.memory_space<semaphore_mem>>)
        %mul3A_124 = arith.constant 16 : i32
        %mul3A_125 = arith.muli %multiple_of3A_119, %mul3A_124 : i32
        %dma_start3A_126 = tpu.memref_slice %arg3[%mul3A_125] : memref<51200000xf32, #tpu.memory_space<hbm>> -> memref<6400xf32, #tpu.memory_space<hbm>>
        %dma_start3A_127 = tpu.memref_slice %arg3[%mul3A_125] : memref<51200000xf32, #tpu.memory_space<hbm>> -> memref<6400xf32, #tpu.memory_space<hbm>>
        tpu.enqueue_dma source(%dma_start3A_127 : memref<6400xf32, #tpu.memory_space<hbm>>) target(%arg9 : memref<6400xf32, #tpu.memory_space<vmem>>) target_semaphore(%arg15 : memref<!tpu.dma_semaphore, #tpu.memory_space<semaphore_mem>>)
      } else {
      }
      %dma_wait3A_77 = arith.constant 0 : i32
      %dma_wait3A_78 = arith.constant 0 : i32
      %dma_wait3A_79 = tpu.memref_slice %arg2[%dma_wait3A_77, %dma_wait3A_78] : memref<2x3200000xi32, #tpu.memory_space<hbm>> -> memref<2x400xi32, #tpu.memory_space<hbm>>
      %dma_wait3A_80 = arith.constant 0 : i32
      %dma_wait3A_81 = arith.constant 0 : i32
      %dma_wait3A_82 = tpu.memref_slice %arg2[%dma_wait3A_80, %dma_wait3A_81] : memref<2x3200000xi32, #tpu.memory_space<hbm>> -> memref<2x400xi32, #tpu.memory_space<hbm>>
      tpu.wait_dma2 semaphore(%arg16 : memref<!tpu.dma_semaphore, #tpu.memory_space<semaphore_mem>>) src(%dma_wait3A_82 : memref<2x400xi32, #tpu.memory_space<hbm>>) dst(%arg8 : memref<2x400xi32, #tpu.memory_space<vmem>>)
      %dma_wait3A_83 = arith.constant 0 : i32
      %dma_wait3A_84 = tpu.memref_slice %arg3[%dma_wait3A_83] : memref<51200000xf32, #tpu.memory_space<hbm>> -> memref<6400xf32, #tpu.memory_space<hbm>>
      %dma_wait3A_85 = arith.constant 0 : i32
      %dma_wait3A_86 = tpu.memref_slice %arg3[%dma_wait3A_85] : memref<51200000xf32, #tpu.memory_space<hbm>> -> memref<6400xf32, #tpu.memory_space<hbm>>
      tpu.wait_dma2 semaphore(%arg16 : memref<!tpu.dma_semaphore, #tpu.memory_space<semaphore_mem>>) src(%dma_wait3A_86 : memref<6400xf32, #tpu.memory_space<hbm>>) dst(%arg10 : memref<6400xf32, #tpu.memory_space<vmem>>)
      %dma_start3A_87 = arith.constant 0 : i32
      %dma_start3A_88 = arith.constant 0 : i32
      %dma_start3A_89 = tpu.memref_slice %arg8[%dma_start3A_87, %dma_start3A_88] : memref<2x400xi32, #tpu.memory_space<vmem>> -> memref<1x400xi32, #tpu.memory_space<vmem>>
      %dma_start3A_90 = tpu.memref_squeeze %dma_start3A_89 : memref<1x400xi32, #tpu.memory_space<vmem>> -> memref<400xi32, #tpu.memory_space<vmem>>
      %dma_start3A_91 = arith.constant 0 : i32
      %dma_start3A_92 = arith.constant 0 : i32
      %dma_start3A_93 = tpu.memref_slice %arg13[%dma_start3A_91, %dma_start3A_92] : memref<50176x16xf32, #tpu.memory_space<vmem_shared>> -> memref<50176x16xf32, #tpu.memory_space<vmem_shared>>
      tpu.enqueue_indirect_dma source(%dma_start3A_93 : memref<50176x16xf32, #tpu.memory_space<vmem_shared>>) target(%arg12 : memref<400x16xf32, #tpu.memory_space<vmem>>) offsets(%dma_start3A_90 : memref<400xi32, #tpu.memory_space<vmem>>) semaphore(%arg17 : memref<!tpu.dma_semaphore, #tpu.memory_space<semaphore_mem>>)
      %dma_wait3A_94 = arith.constant 0 : i32
      %dma_wait3A_95 = arith.constant 0 : i32
      %dma_wait3A_96 = tpu.memref_slice %arg8[%dma_wait3A_94, %dma_wait3A_95] : memref<2x400xi32, #tpu.memory_space<vmem>> -> memref<1x400xi32, #tpu.memory_space<vmem>>
      %dma_wait3A_97 = tpu.memref_squeeze %dma_wait3A_96 : memref<1x400xi32, #tpu.memory_space<vmem>> -> memref<400xi32, #tpu.memory_space<vmem>>
      %dma_wait3A_98 = arith.constant 0 : i32
      %dma_wait3A_99 = arith.constant 0 : i32
      %dma_wait3A_100 = tpu.memref_slice %arg13[%dma_wait3A_98, %dma_wait3A_99] : memref<50176x16xf32, #tpu.memory_space<vmem_shared>> -> memref<50176x16xf32, #tpu.memory_space<vmem_shared>>
      tpu.wait_indirect_dma semaphore(%arg17 : memref<!tpu.dma_semaphore, #tpu.memory_space<semaphore_mem>>) src(%dma_wait3A_100 : memref<50176x16xf32, #tpu.memory_space<vmem_shared>>) dst(%arg12 : memref<400x16xf32, #tpu.memory_space<vmem>>)
      %scan3A_101 = arith.constant 0 : i32
      %scan3A_102 = arith.constant 0 : i32
      %scan3A_103 = arith.constant 400 : i32
      %scan3A_104 = arith.addi %scan3A_102, %scan3A_103 : i32
      %scan3A_105 = arith.constant 8 : i32
      %scan3A_106 = scf.for %scan3A_110 = %scan3A_102 to %scan3A_104 step %scan3A_105 iter_args(%scan3A_111 = %scan3A_101) -> (i32)  : i32 {
        %mul3A_112 = arith.constant 16 : i32
        %mul3A_113 = arith.muli %scan3A_110, %mul3A_112 : i32
        %get3A = arith.index_cast %mul3A_113 : i32 to index
        %get3A_114 = tpu.vector_load %arg10[%get3A] {strides = array<i32>} : memref<6400xf32, #tpu.memory_space<vmem>>, vector<16xf32>,
        %get3A_115 = vector.shape_cast %get3A_114 : vector<16xf32> to vector<16xf32>
        %get3A_116 = arith.index_cast %scan3A_110 : i32 to index
        %get3A_117 = arith.constant 0 : index
        %get3A_118 = tpu.vector_load %arg12[%get3A_116, %get3A_117] {strides = array<i32>} : memref<400x16xf32, #tpu.memory_space<vmem>>, vector<1x16xf32>,
        %get3A_119 = vector.shape_cast %get3A_118 : vector<1x16xf32> to vector<16xf32>
        %add3A_120 = arith.addf %get3A_119, %get3A_115 : vector<16xf32>
        %max3A = arith.maximumf %add3A_120, %broadcast_in_dim3A_3 : vector<16xf32>
        %swap3A = arith.index_cast %scan3A_110 : i32 to index
        %swap3A_121 = arith.constant 0 : index
        %swap3A_122 = tpu.vector_load %arg12[%swap3A, %swap3A_121] {strides = array<i32>} : memref<400x16xf32, #tpu.memory_space<vmem>>, vector<1x16xf32>,
        %swap3A_123 = vector.shape_cast %swap3A_122 : vector<1x16xf32> to vector<16xf32>
        %swap3A_124 = vector.shape_cast %max3A : vector<16xf32> to vector<1x16xf32>
        tpu.vector_store %arg12[%swap3A, %swap3A_121], %swap3A_124 {strides = array<i32>} : memref<400x16xf32, #tpu.memory_space<vmem>>, vector<1x16xf32>,
        %scan3A_125 = arith.constant 0 : i32
        %scan3A_126 = arith.constant 1 : i32
        %scan3A_127 = arith.addi %scan3A_110, %scan3A_126 : i32
        %mul3A_128 = arith.constant 16 : i32
        %mul3A_129 = arith.muli %scan3A_127, %mul3A_128 : i32
        %get3A_130 = arith.index_cast %mul3A_129 : i32 to index
        %get3A_131 = tpu.vector_load %arg10[%get3A_130] {strides = array<i32>} : memref<6400xf32, #tpu.memory_space<vmem>>, vector<16xf32>,
        %get3A_132 = vector.shape_cast %get3A_131 : vector<16xf32> to vector<16xf32>
        %get3A_133 = arith.index_cast %scan3A_127 : i32 to index
        %get3A_134 = arith.constant 0 : index
        %get3A_135 = tpu.vector_load %arg12[%get3A_133, %get3A_134] {strides = array<i32>} : memref<400x16xf32, #tpu.memory_space<vmem>>, vector<1x16xf32>,
        %get3A_136 = vector.shape_cast %get3A_135 : vector<1x16xf32> to vector<16xf32>
        %add3A_137 = arith.addf %get3A_136, %get3A_132 : vector<16xf32>
        %max3A_138 = arith.maximumf %add3A_137, %broadcast_in_dim3A_3 : vector<16xf32>
        %swap3A_139 = arith.index_cast %scan3A_127 : i32 to index
        %swap3A_140 = arith.constant 0 : index
        %swap3A_141 = tpu.vector_load %arg12[%swap3A_139, %swap3A_140] {strides = array<i32>} : memref<400x16xf32, #tpu.memory_space<vmem>>, vector<1x16xf32>,
        %swap3A_142 = vector.shape_cast %swap3A_141 : vector<1x16xf32> to vector<16xf32>
        %swap3A_143 = vector.shape_cast %max3A_138 : vector<16xf32> to vector<1x16xf32>
        tpu.vector_store %arg12[%swap3A_139, %swap3A_140], %swap3A_143 {strides = array<i32>} : memref<400x16xf32, #tpu.memory_space<vmem>>, vector<1x16xf32>,
        %scan3A_144 = arith.constant 0 : i32
        %scan3A_145 = arith.constant 2 : i32
        %scan3A_146 = arith.addi %scan3A_110, %scan3A_145 : i32
        %mul3A_147 = arith.constant 16 : i32
        %mul3A_148 = arith.muli %scan3A_146, %mul3A_147 : i32
        %get3A_149 = arith.index_cast %mul3A_148 : i32 to index
        %get3A_150 = tpu.vector_load %arg10[%get3A_149] {strides = array<i32>} : memref<6400xf32, #tpu.memory_space<vmem>>, vector<16xf32>,
        %get3A_151 = vector.shape_cast %get3A_150 : vector<16xf32> to vector<16xf32>
        %get3A_152 = arith.index_cast %scan3A_146 : i32 to index
        %get3A_153 = arith.constant 0 : index
        %get3A_154 = tpu.vector_load %arg12[%get3A_152, %get3A_153] {strides = array<i32>} : memref<400x16xf32, #tpu.memory_space<vmem>>, vector<1x16xf32>,
        %get3A_155 = vector.shape_cast %get3A_154 : vector<1x16xf32> to vector<16xf32>
        %add3A_156 = arith.addf %get3A_155, %get3A_151 : vector<16xf32>
        %max3A_157 = arith.maximumf %add3A_156, %broadcast_in_dim3A_3 : vector<16xf32>
        %swap3A_158 = arith.index_cast %scan3A_146 : i32 to index
        %swap3A_159 = arith.constant 0 : index
        %swap3A_160 = tpu.vector_load %arg12[%swap3A_158, %swap3A_159] {strides = array<i32>} : memref<400x16xf32, #tpu.memory_space<vmem>>, vector<1x16xf32>,
        %swap3A_161 = vector.shape_cast %swap3A_160 : vector<1x16xf32> to vector<16xf32>
        %swap3A_162 = vector.shape_cast %max3A_157 : vector<16xf32> to vector<1x16xf32>
        tpu.vector_store %arg12[%swap3A_158, %swap3A_159], %swap3A_162 {strides = array<i32>} : memref<400x16xf32, #tpu.memory_space<vmem>>, vector<1x16xf32>,
        %scan3A_163 = arith.constant 0 : i32
        %scan3A_164 = arith.constant 3 : i32
        %scan3A_165 = arith.addi %scan3A_110, %scan3A_164 : i32
        %mul3A_166 = arith.constant 16 : i32
        %mul3A_167 = arith.muli %scan3A_165, %mul3A_166 : i32
        %get3A_168 = arith.index_cast %mul3A_167 : i32 to index
        %get3A_169 = tpu.vector_load %arg10[%get3A_168] {strides = array<i32>} : memref<6400xf32, #tpu.memory_space<vmem>>, vector<16xf32>,
        %get3A_170 = vector.shape_cast %get3A_169 : vector<16xf32> to vector<16xf32>
        %get3A_171 = arith.index_cast %scan3A_165 : i32 to index
        %get3A_172 = arith.constant 0 : index
        %get3A_173 = tpu.vector_load %arg12[%get3A_171, %get3A_172] {strides = array<i32>} : memref<400x16xf32, #tpu.memory_space<vmem>>, vector<1x16xf32>,
        %get3A_174 = vector.shape_cast %get3A_173 : vector<1x16xf32> to vector<16xf32>
        %add3A_175 = arith.addf %get3A_174, %get3A_170 : vector<16xf32>
        %max3A_176 = arith.maximumf %add3A_175, %broadcast_in_dim3A_3 : vector<16xf32>
        %swap3A_177 = arith.index_cast %scan3A_165 : i32 to index
        %swap3A_178 = arith.constant 0 : index
        %swap3A_179 = tpu.vector_load %arg12[%swap3A_177, %swap3A_178] {strides = array<i32>} : memref<400x16xf32, #tpu.memory_space<vmem>>, vector<1x16xf32>,
        %swap3A_180 = vector.shape_cast %swap3A_179 : vector<1x16xf32> to vector<16xf32>
        %swap3A_181 = vector.shape_cast %max3A_176 : vector<16xf32> to vector<1x16xf32>
        tpu.vector_store %arg12[%swap3A_177, %swap3A_178], %swap3A_181 {strides = array<i32>} : memref<400x16xf32, #tpu.memory_space<vmem>>, vector<1x16xf32>,
        %scan3A_182 = arith.constant 0 : i32
        %scan3A_183 = arith.constant 4 : i32
        %scan3A_184 = arith.addi %scan3A_110, %scan3A_183 : i32
        %mul3A_185 = arith.constant 16 : i32
        %mul3A_186 = arith.muli %scan3A_184, %mul3A_185 : i32
        %get3A_187 = arith.index_cast %mul3A_186 : i32 to index
        %get3A_188 = tpu.vector_load %arg10[%get3A_187] {strides = array<i32>} : memref<6400xf32, #tpu.memory_space<vmem>>, vector<16xf32>,
        %get3A_189 = vector.shape_cast %get3A_188 : vector<16xf32> to vector<16xf32>
        %get3A_190 = arith.index_cast %scan3A_184 : i32 to index
        %get3A_191 = arith.constant 0 : index
        %get3A_192 = tpu.vector_load %arg12[%get3A_190, %get3A_191] {strides = array<i32>} : memref<400x16xf32, #tpu.memory_space<vmem>>, vector<1x16xf32>,
        %get3A_193 = vector.shape_cast %get3A_192 : vector<1x16xf32> to vector<16xf32>
        %add3A_194 = arith.addf %get3A_193, %get3A_189 : vector<16xf32>
        %max3A_195 = arith.maximumf %add3A_194, %broadcast_in_dim3A_3 : vector<16xf32>
        %swap3A_196 = arith.index_cast %scan3A_184 : i32 to index
        %swap3A_197 = arith.constant 0 : index
        %swap3A_198 = tpu.vector_load %arg12[%swap3A_196, %swap3A_197] {strides = array<i32>} : memref<400x16xf32, #tpu.memory_space<vmem>>, vector<1x16xf32>,
        %swap3A_199 = vector.shape_cast %swap3A_198 : vector<1x16xf32> to vector<16xf32>
        %swap3A_200 = vector.shape_cast %max3A_195 : vector<16xf32> to vector<1x16xf32>
        tpu.vector_store %arg12[%swap3A_196, %swap3A_197], %swap3A_200 {strides = array<i32>} : memref<400x16xf32, #tpu.memory_space<vmem>>, vector<1x16xf32>,
        %scan3A_201 = arith.constant 0 : i32
        %scan3A_202 = arith.constant 5 : i32
        %scan3A_203 = arith.addi %scan3A_110, %scan3A_202 : i32
        %mul3A_204 = arith.constant 16 : i32
        %mul3A_205 = arith.muli %scan3A_203, %mul3A_204 : i32
        %get3A_206 = arith.index_cast %mul3A_205 : i32 to index
        %get3A_207 = tpu.vector_load %arg10[%get3A_206] {strides = array<i32>} : memref<6400xf32, #tpu.memory_space<vmem>>, vector<16xf32>,
        %get3A_208 = vector.shape_cast %get3A_207 : vector<16xf32> to vector<16xf32>
        %get3A_209 = arith.index_cast %scan3A_203 : i32 to index
        %get3A_210 = arith.constant 0 : index
        %get3A_211 = tpu.vector_load %arg12[%get3A_209, %get3A_210] {strides = array<i32>} : memref<400x16xf32, #tpu.memory_space<vmem>>, vector<1x16xf32>,
        %get3A_212 = vector.shape_cast %get3A_211 : vector<1x16xf32> to vector<16xf32>
        %add3A_213 = arith.addf %get3A_212, %get3A_208 : vector<16xf32>
        %max3A_214 = arith.maximumf %add3A_213, %broadcast_in_dim3A_3 : vector<16xf32>
        %swap3A_215 = arith.index_cast %scan3A_203 : i32 to index
        %swap3A_216 = arith.constant 0 : index
        %swap3A_217 = tpu.vector_load %arg12[%swap3A_215, %swap3A_216] {strides = array<i32>} : memref<400x16xf32, #tpu.memory_space<vmem>>, vector<1x16xf32>,
        %swap3A_218 = vector.shape_cast %swap3A_217 : vector<1x16xf32> to vector<16xf32>
        %swap3A_219 = vector.shape_cast %max3A_214 : vector<16xf32> to vector<1x16xf32>
        tpu.vector_store %arg12[%swap3A_215, %swap3A_216], %swap3A_219 {strides = array<i32>} : memref<400x16xf32, #tpu.memory_space<vmem>>, vector<1x16xf32>,
        %scan3A_220 = arith.constant 0 : i32
        %scan3A_221 = arith.constant 6 : i32
        %scan3A_222 = arith.addi %scan3A_110, %scan3A_221 : i32
        %mul3A_223 = arith.constant 16 : i32
        %mul3A_224 = arith.muli %scan3A_222, %mul3A_223 : i32
        %get3A_225 = arith.index_cast %mul3A_224 : i32 to index
        %get3A_226 = tpu.vector_load %arg10[%get3A_225] {strides = array<i32>} : memref<6400xf32, #tpu.memory_space<vmem>>, vector<16xf32>,
        %get3A_227 = vector.shape_cast %get3A_226 : vector<16xf32> to vector<16xf32>
        %get3A_228 = arith.index_cast %scan3A_222 : i32 to index
        %get3A_229 = arith.constant 0 : index
        %get3A_230 = tpu.vector_load %arg12[%get3A_228, %get3A_229] {strides = array<i32>} : memref<400x16xf32, #tpu.memory_space<vmem>>, vector<1x16xf32>,
        %get3A_231 = vector.shape_cast %get3A_230 : vector<1x16xf32> to vector<16xf32>
        %add3A_232 = arith.addf %get3A_231, %get3A_227 : vector<16xf32>
        %max3A_233 = arith.maximumf %add3A_232, %broadcast_in_dim3A_3 : vector<16xf32>
        %swap3A_234 = arith.index_cast %scan3A_222 : i32 to index
        %swap3A_235 = arith.constant 0 : index
        %swap3A_236 = tpu.vector_load %arg12[%swap3A_234, %swap3A_235] {strides = array<i32>} : memref<400x16xf32, #tpu.memory_space<vmem>>, vector<1x16xf32>,
        %swap3A_237 = vector.shape_cast %swap3A_236 : vector<1x16xf32> to vector<16xf32>
        %swap3A_238 = vector.shape_cast %max3A_233 : vector<16xf32> to vector<1x16xf32>
        tpu.vector_store %arg12[%swap3A_234, %swap3A_235], %swap3A_238 {strides = array<i32>} : memref<400x16xf32, #tpu.memory_space<vmem>>, vector<1x16xf32>,
        %scan3A_239 = arith.constant 0 : i32
        %scan3A_240 = arith.constant 7 : i32
        %scan3A_241 = arith.addi %scan3A_110, %scan3A_240 : i32
        %mul3A_242 = arith.constant 16 : i32
        %mul3A_243 = arith.muli %scan3A_241, %mul3A_242 : i32
        %get3A_244 = arith.index_cast %mul3A_243 : i32 to index
        %get3A_245 = tpu.vector_load %arg10[%get3A_244] {strides = array<i32>} : memref<6400xf32, #tpu.memory_space<vmem>>, vector<16xf32>,
        %get3A_246 = vector.shape_cast %get3A_245 : vector<16xf32> to vector<16xf32>
        %get3A_247 = arith.index_cast %scan3A_241 : i32 to index
        %get3A_248 = arith.constant 0 : index
        %get3A_249 = tpu.vector_load %arg12[%get3A_247, %get3A_248] {strides = array<i32>} : memref<400x16xf32, #tpu.memory_space<vmem>>, vector<1x16xf32>,
        %get3A_250 = vector.shape_cast %get3A_249 : vector<1x16xf32> to vector<16xf32>
        %add3A_251 = arith.addf %get3A_250, %get3A_246 : vector<16xf32>
        %max3A_252 = arith.maximumf %add3A_251, %broadcast_in_dim3A_3 : vector<16xf32>
        %swap3A_253 = arith.index_cast %scan3A_241 : i32 to index
        %swap3A_254 = arith.constant 0 : index
        %swap3A_255 = tpu.vector_load %arg12[%swap3A_253, %swap3A_254] {strides = array<i32>} : memref<400x16xf32, #tpu.memory_space<vmem>>, vector<1x16xf32>,
        %swap3A_256 = vector.shape_cast %swap3A_255 : vector<1x16xf32> to vector<16xf32>
        %swap3A_257 = vector.shape_cast %max3A_252 : vector<16xf32> to vector<1x16xf32>
        tpu.vector_store %arg12[%swap3A_253, %swap3A_254], %swap3A_257 {strides = array<i32>} : memref<400x16xf32, #tpu.memory_space<vmem>>, vector<1x16xf32>,
        %scan3A_258 = arith.constant 0 : i32
        scf.yield %scan3A_258 : i32
      }
      %scan3A_107 = arith.constant 400 : i32
      %run_scoped3A_108 = arith.constant 1 : i32
      "tpu.region"() ({
        %run_scoped3A_110 = tpu.sem_alloc : memref<!tpu.dma_semaphore, #tpu.memory_space<semaphore_mem>>
        %dma_start3A_111 = arith.constant 0 : i32
        %dma_start3A_112 = tpu.memref_slice %arg8[%run_scoped3A_108, %dma_start3A_111] : memref<2x400xi32, #tpu.memory_space<vmem>> -> memref<1x400xi32, #tpu.memory_space<vmem>>
        %dma_start3A_113 = tpu.memref_squeeze %dma_start3A_112 : memref<1x400xi32, #tpu.memory_space<vmem>> -> memref<400xi32, #tpu.memory_space<vmem>>
        %dma_start3A_114 = arith.constant 0 : i32
        %dma_start3A_115 = arith.constant 0 : i32
        %dma_start3A_116 = tpu.memref_slice %arg14[%dma_start3A_114, %dma_start3A_115] : memref<50176x16xf32, #tpu.memory_space<vmem_shared>> -> memref<50176x16xf32, #tpu.memory_space<vmem_shared>>
        tpu.enqueue_indirect_dma source(%arg12 : memref<400x16xf32, #tpu.memory_space<vmem>>) target(%dma_start3A_116 : memref<50176x16xf32, #tpu.memory_space<vmem_shared>>) offsets(%dma_start3A_113 : memref<400xi32, #tpu.memory_space<vmem>>) semaphore(%run_scoped3A_110 : memref<!tpu.dma_semaphore, #tpu.memory_space<semaphore_mem>>) {add = true}
        %dma_wait3A_117 = arith.constant 0 : i32
        %dma_wait3A_118 = tpu.memref_slice %arg8[%run_scoped3A_108, %dma_wait3A_117] : memref<2x400xi32, #tpu.memory_space<vmem>> -> memref<1x400xi32, #tpu.memory_space<vmem>>
        %dma_wait3A_119 = tpu.memref_squeeze %dma_wait3A_118 : memref<1x400xi32, #tpu.memory_space<vmem>> -> memref<400xi32, #tpu.memory_space<vmem>>
        %dma_wait3A_120 = arith.constant 0 : i32
        %dma_wait3A_121 = arith.constant 0 : i32
        %dma_wait3A_122 = tpu.memref_slice %arg14[%dma_wait3A_120, %dma_wait3A_121] : memref<50176x16xf32, #tpu.memory_space<vmem_shared>> -> memref<50176x16xf32, #tpu.memory_space<vmem_shared>>
        tpu.wait_indirect_dma semaphore(%run_scoped3A_110 : memref<!tpu.dma_semaphore, #tpu.memory_space<semaphore_mem>>) src(%arg12 : memref<400x16xf32, #tpu.memory_space<vmem>>) dst(%dma_wait3A_122 : memref<50176x16xf32, #tpu.memory_space<vmem_shared>>)
        tpu.yield
      }) : () -> ()
      %scan3A_109 = arith.constant 0 : i32
      scf.yield %scan3A_109 : i32
    }
    %scan3A_21 = arith.constant 125 : i32
    %barrier3A_22 = arith.constant 0 : index
    tpu.barrier barrier_id(%barrier3A_22)
    "tpu.region"() ({
      %run_scoped3A = tpu.sem_alloc : memref<!tpu.dma_semaphore, #tpu.memory_space<semaphore_mem>>
      %dma_start3A_23 = arith.constant 0 : i32
      %dma_start3A_24 = tpu.memref_slice %arg6[%arg0, %multiple_of3A, %dma_start3A_23] : memref<2x50176x16xf32, #tpu.memory_space<hbm>> -> memref<1x3136x16xf32, #tpu.memory_space<hbm>>
      %dma_start3A_25 = tpu.memref_squeeze %dma_start3A_24 : memref<1x3136x16xf32, #tpu.memory_space<hbm>> -> memref<3136x16xf32, #tpu.memory_space<hbm>>
      %dma_start3A_26 = arith.constant 0 : i32
      %dma_start3A_27 = tpu.memref_slice %arg14[%multiple_of3A, %dma_start3A_26] : memref<50176x16xf32, #tpu.memory_space<vmem_shared>> -> memref<3136x16xf32, #tpu.memory_space<vmem_shared>>
      tpu.enqueue_dma source(%dma_start3A_27 : memref<3136x16xf32, #tpu.memory_space<vmem_shared>>) target(%dma_start3A_25 : memref<3136x16xf32, #tpu.memory_space<hbm>>) target_semaphore(%run_scoped3A : memref<!tpu.dma_semaphore, #tpu.memory_space<semaphore_mem>>)
      %dma_wait3A = arith.constant 0 : i32
      %dma_wait3A_28 = tpu.memref_slice %arg6[%arg0, %multiple_of3A, %dma_wait3A] : memref<2x50176x16xf32, #tpu.memory_space<hbm>> -> memref<1x3136x16xf32, #tpu.memory_space<hbm>>
      %dma_wait3A_29 = tpu.memref_squeeze %dma_wait3A_28 : memref<1x3136x16xf32, #tpu.memory_space<hbm>> -> memref<3136x16xf32, #tpu.memory_space<hbm>>
      %dma_wait3A_30 = arith.constant 0 : i32
      %dma_wait3A_31 = tpu.memref_slice %arg14[%multiple_of3A, %dma_wait3A_30] : memref<50176x16xf32, #tpu.memory_space<vmem_shared>> -> memref<3136x16xf32, #tpu.memory_space<vmem_shared>>
      tpu.wait_dma2 semaphore(%run_scoped3A : memref<!tpu.dma_semaphore, #tpu.memory_space<semaphore_mem>>) src(%dma_wait3A_31 : memref<3136x16xf32, #tpu.memory_space<vmem_shared>>) dst(%dma_wait3A_29 : memref<3136x16xf32, #tpu.memory_space<hbm>>)
      tpu.yield
    }) : () -> ()
    return
  }
}

#map = affine_map<(d0, d1) -> (0, 0)>
#map1 = affine_map<(d0, d1) -> (0)>
#map2 = affine_map<(d0, d1) -> (0, 0, 0)>
module attributes {stable_mosaic.version = 14 : i64} {
  func.func @_sc_edge_body(%arg0: i32, %arg1: i32, %arg2: memref<2x3200000xi32, #tpu.memory_space<hbm>>, %arg3: memref<51200000xf32, #tpu.memory_space<hbm>>, %arg4: memref<50176x16xf32, #tpu.memory_space<hbm>>, %arg5: memref<50176x16xf32, #tpu.memory_space<hbm>>, %arg6: memref<2x50176x16xf32, #tpu.memory_space<hbm>>, %arg7: memref<2x400xi32, #tpu.memory_space<vmem>>, %arg8: memref<2x400xi32, #tpu.memory_space<vmem>>, %arg9: memref<6400xf32, #tpu.memory_space<vmem>>, %arg10: memref<6400xf32, #tpu.memory_space<vmem>>, %arg11: memref<400x16xf32, #tpu.memory_space<vmem>>, %arg12: memref<400x16xf32, #tpu.memory_space<vmem>>, %arg13: memref<50176x16xf32, #tpu.memory_space<vmem_shared>>, %arg14: memref<50176x16xf32, #tpu.memory_space<vmem_shared>>, %arg15: memref<!tpu.dma_semaphore, #tpu.memory_space<semaphore_mem>>, %arg16: memref<!tpu.dma_semaphore, #tpu.memory_space<semaphore_mem>>, %arg17: memref<!tpu.dma_semaphore, #tpu.memory_space<semaphore_mem>>) attributes {dimension_semantics = [#tpu.dimension_semantics<core_parallel>, #tpu.dimension_semantics<subcore_parallel>], iteration_bounds = array<i64: 2, 16>, scalar_prefetch = 0 : i64, scratch_operands = 11 : i64, tpu.core_type = #tpu.core_type<sc_vector_subcore>, window_params = [{transform_indices = #map}, {transform_indices = #map1}, {transform_indices = #map}, {transform_indices = #map}, {transform_indices = #map2}]} {
    %mul3A = arith.constant 2 : i32
    %mul3A_0 = arith.muli %arg1, %mul3A : i32
    %add3A = arith.addi %mul3A_0, %arg0 : i32
    %mul3A_1 = arith.constant 3136 : i32
    %mul3A_2 = arith.muli %arg1, %mul3A_1 : i32
    %multiple_of3A = tpu.assume_multiple %mul3A_2, 8 : i32
    "tpu.region"() ({
      %run_scoped3A = tpu.sem_alloc : memref<!tpu.dma_semaphore, #tpu.memory_space<semaphore_mem>>
      %dma_start3A_23 = arith.constant 0 : i32
      %dma_start3A_24 = tpu.memref_slice %arg13[%multiple_of3A, %dma_start3A_23] : memref<50176x16xf32, #tpu.memory_space<vmem_shared>> -> memref<3136x16xf32, #tpu.memory_space<vmem_shared>>
      %dma_start3A_25 = arith.constant 0 : i32
      %dma_start3A_26 = tpu.memref_slice %arg4[%multiple_of3A, %dma_start3A_25] : memref<50176x16xf32, #tpu.memory_space<hbm>> -> memref<3136x16xf32, #tpu.memory_space<hbm>>
      tpu.enqueue_dma source(%dma_start3A_26 : memref<3136x16xf32, #tpu.memory_space<hbm>>) target(%dma_start3A_24 : memref<3136x16xf32, #tpu.memory_space<vmem_shared>>) target_semaphore(%run_scoped3A : memref<!tpu.dma_semaphore, #tpu.memory_space<semaphore_mem>>)
      %dma_wait3A = arith.constant 0 : i32
      %dma_wait3A_27 = tpu.memref_slice %arg13[%multiple_of3A, %dma_wait3A] : memref<50176x16xf32, #tpu.memory_space<vmem_shared>> -> memref<3136x16xf32, #tpu.memory_space<vmem_shared>>
      %dma_wait3A_28 = arith.constant 0 : i32
      %dma_wait3A_29 = tpu.memref_slice %arg4[%multiple_of3A, %dma_wait3A_28] : memref<50176x16xf32, #tpu.memory_space<hbm>> -> memref<3136x16xf32, #tpu.memory_space<hbm>>
      tpu.wait_dma2 semaphore(%run_scoped3A : memref<!tpu.dma_semaphore, #tpu.memory_space<semaphore_mem>>) src(%dma_wait3A_29 : memref<3136x16xf32, #tpu.memory_space<hbm>>) dst(%dma_wait3A_27 : memref<3136x16xf32, #tpu.memory_space<vmem_shared>>)
      tpu.yield
    }) : () -> ()
    "tpu.region"() ({
      %run_scoped3A = tpu.sem_alloc : memref<!tpu.dma_semaphore, #tpu.memory_space<semaphore_mem>>
      %dma_start3A_23 = arith.constant 0 : i32
      %dma_start3A_24 = tpu.memref_slice %arg14[%multiple_of3A, %dma_start3A_23] : memref<50176x16xf32, #tpu.memory_space<vmem_shared>> -> memref<3136x16xf32, #tpu.memory_space<vmem_shared>>
      %dma_start3A_25 = arith.constant 0 : i32
      %dma_start3A_26 = tpu.memref_slice %arg5[%multiple_of3A, %dma_start3A_25] : memref<50176x16xf32, #tpu.memory_space<hbm>> -> memref<3136x16xf32, #tpu.memory_space<hbm>>
      tpu.enqueue_dma source(%dma_start3A_26 : memref<3136x16xf32, #tpu.memory_space<hbm>>) target(%dma_start3A_24 : memref<3136x16xf32, #tpu.memory_space<vmem_shared>>) target_semaphore(%run_scoped3A : memref<!tpu.dma_semaphore, #tpu.memory_space<semaphore_mem>>)
      %dma_wait3A = arith.constant 0 : i32
      %dma_wait3A_27 = tpu.memref_slice %arg14[%multiple_of3A, %dma_wait3A] : memref<50176x16xf32, #tpu.memory_space<vmem_shared>> -> memref<3136x16xf32, #tpu.memory_space<vmem_shared>>
      %dma_wait3A_28 = arith.constant 0 : i32
      %dma_wait3A_29 = tpu.memref_slice %arg5[%multiple_of3A, %dma_wait3A_28] : memref<50176x16xf32, #tpu.memory_space<hbm>> -> memref<3136x16xf32, #tpu.memory_space<hbm>>
      tpu.wait_dma2 semaphore(%run_scoped3A : memref<!tpu.dma_semaphore, #tpu.memory_space<semaphore_mem>>) src(%dma_wait3A_29 : memref<3136x16xf32, #tpu.memory_space<hbm>>) dst(%dma_wait3A_27 : memref<3136x16xf32, #tpu.memory_space<vmem_shared>>)
      tpu.yield
    }) : () -> ()
    %barrier3A = arith.constant 0 : index
    tpu.barrier barrier_id(%barrier3A)
    %broadcast_in_dim3A = arith.constant 0.000000e+00 : f32
    %broadcast_in_dim3A_3 = vector.broadcast %broadcast_in_dim3A : f32 to vector<16xf32>
    %mul3A_4 = arith.constant 100000 : i32
    %mul3A_5 = arith.muli %add3A, %mul3A_4 : i32
    %add3A_6 = arith.constant 0 : i32
    %add3A_7 = arith.addi %mul3A_5, %add3A_6 : i32
    %multiple_of3A_8 = tpu.assume_multiple %add3A_7, 8 : i32
    %dma_start3A = arith.constant 0 : i32
    %dma_start3A_9 = tpu.memref_slice %arg2[%dma_start3A, %multiple_of3A_8] : memref<2x3200000xi32, #tpu.memory_space<hbm>> -> memref<2x400xi32, #tpu.memory_space<hbm>>
    %dma_start3A_10 = arith.constant 0 : i32
    %dma_start3A_11 = tpu.memref_slice %arg2[%dma_start3A_10, %multiple_of3A_8] : memref<2x3200000xi32, #tpu.memory_space<hbm>> -> memref<2x400xi32, #tpu.memory_space<hbm>>
    tpu.enqueue_dma source(%dma_start3A_11 : memref<2x400xi32, #tpu.memory_space<hbm>>) target(%arg7 : memref<2x400xi32, #tpu.memory_space<vmem>>) target_semaphore(%arg15 : memref<!tpu.dma_semaphore, #tpu.memory_space<semaphore_mem>>)
    %mul3A_12 = arith.constant 16 : i32
    %mul3A_13 = arith.muli %multiple_of3A_8, %mul3A_12 : i32
    %dma_start3A_14 = tpu.memref_slice %arg3[%mul3A_13] : memref<51200000xf32, #tpu.memory_space<hbm>> -> memref<6400xf32, #tpu.memory_space<hbm>>
    %dma_start3A_15 = tpu.memref_slice %arg3[%mul3A_13] : memref<51200000xf32, #tpu.memory_space<hbm>> -> memref<6400xf32, #tpu.memory_space<hbm>>
    tpu.enqueue_dma source(%dma_start3A_15 : memref<6400xf32, #tpu.memory_space<hbm>>) target(%arg9 : memref<6400xf32, #tpu.memory_space<vmem>>) target_semaphore(%arg15 : memref<!tpu.dma_semaphore, #tpu.memory_space<semaphore_mem>>)
    %scan3A = arith.constant 0 : i32
    %scan3A_16 = arith.constant 0 : i32
    %scan3A_17 = arith.constant 125 : i32
    %scan3A_18 = arith.addi %scan3A_16, %scan3A_17 : i32
    %scan3A_19 = arith.constant 1 : i32
    %scan3A_20 = scf.for %scan3A_23 = %scan3A_16 to %scan3A_18 step %scan3A_19 iter_args(%scan3A_24 = %scan3A) -> (i32)  : i32 {
      %mul3A_25 = arith.constant 2 : i32
      %mul3A_26 = arith.muli %mul3A_25, %scan3A_23 : i32
      %add3A_27 = arith.constant 1 : i32
      %add3A_28 = arith.addi %mul3A_26, %add3A_27 : i32
      %mul3A_29 = arith.constant 100000 : i32
      %mul3A_30 = arith.muli %add3A, %mul3A_29 : i32
      %mul3A_31 = arith.constant 400 : i32
      %mul3A_32 = arith.muli %add3A_28, %mul3A_31 : i32
      %add3A_33 = arith.addi %mul3A_30, %mul3A_32 : i32
      %multiple_of3A_34 = tpu.assume_multiple %add3A_33, 8 : i32
      %dma_start3A_35 = arith.constant 0 : i32
      %dma_start3A_36 = tpu.memref_slice %arg2[%dma_start3A_35, %multiple_of3A_34] : memref<2x3200000xi32, #tpu.memory_space<hbm>> -> memref<2x400xi32, #tpu.memory_space<hbm>>
      %dma_start3A_37 = arith.constant 0 : i32
      %dma_start3A_38 = tpu.memref_slice %arg2[%dma_start3A_37, %multiple_of3A_34] : memref<2x3200000xi32, #tpu.memory_space<hbm>> -> memref<2x400xi32, #tpu.memory_space<hbm>>
      tpu.enqueue_dma source(%dma_start3A_38 : memref<2x400xi32, #tpu.memory_space<hbm>>) target(%arg8 : memref<2x400xi32, #tpu.memory_space<vmem>>) target_semaphore(%arg16 : memref<!tpu.dma_semaphore, #tpu.memory_space<semaphore_mem>>)
      %mul3A_39 = arith.constant 16 : i32
      %mul3A_40 = arith.muli %multiple_of3A_34, %mul3A_39 : i32
      %dma_start3A_41 = tpu.memref_slice %arg3[%mul3A_40] : memref<51200000xf32, #tpu.memory_space<hbm>> -> memref<6400xf32, #tpu.memory_space<hbm>>
      %dma_start3A_42 = tpu.memref_slice %arg3[%mul3A_40] : memref<51200000xf32, #tpu.memory_space<hbm>> -> memref<6400xf32, #tpu.memory_space<hbm>>
      tpu.enqueue_dma source(%dma_start3A_42 : memref<6400xf32, #tpu.memory_space<hbm>>) target(%arg10 : memref<6400xf32, #tpu.memory_space<vmem>>) target_semaphore(%arg16 : memref<!tpu.dma_semaphore, #tpu.memory_space<semaphore_mem>>)
      %dma_wait3A = arith.constant 0 : i32
      %dma_wait3A_43 = arith.constant 0 : i32
      %dma_wait3A_44 = tpu.memref_slice %arg2[%dma_wait3A, %dma_wait3A_43] : memref<2x3200000xi32, #tpu.memory_space<hbm>> -> memref<2x400xi32, #tpu.memory_space<hbm>>
      %dma_wait3A_45 = arith.constant 0 : i32
      %dma_wait3A_46 = arith.constant 0 : i32
      %dma_wait3A_47 = tpu.memref_slice %arg2[%dma_wait3A_45, %dma_wait3A_46] : memref<2x3200000xi32, #tpu.memory_space<hbm>> -> memref<2x400xi32, #tpu.memory_space<hbm>>
      tpu.wait_dma2 semaphore(%arg15 : memref<!tpu.dma_semaphore, #tpu.memory_space<semaphore_mem>>) src(%dma_wait3A_47 : memref<2x400xi32, #tpu.memory_space<hbm>>) dst(%arg7 : memref<2x400xi32, #tpu.memory_space<vmem>>)
      %dma_wait3A_48 = arith.constant 0 : i32
      %dma_wait3A_49 = tpu.memref_slice %arg3[%dma_wait3A_48] : memref<51200000xf32, #tpu.memory_space<hbm>> -> memref<6400xf32, #tpu.memory_space<hbm>>
      %dma_wait3A_50 = arith.constant 0 : i32
      %dma_wait3A_51 = tpu.memref_slice %arg3[%dma_wait3A_50] : memref<51200000xf32, #tpu.memory_space<hbm>> -> memref<6400xf32, #tpu.memory_space<hbm>>
      tpu.wait_dma2 semaphore(%arg15 : memref<!tpu.dma_semaphore, #tpu.memory_space<semaphore_mem>>) src(%dma_wait3A_51 : memref<6400xf32, #tpu.memory_space<hbm>>) dst(%arg9 : memref<6400xf32, #tpu.memory_space<vmem>>)
      %dma_start3A_52 = arith.constant 0 : i32
      %dma_start3A_53 = arith.constant 0 : i32
      %dma_start3A_54 = tpu.memref_slice %arg7[%dma_start3A_52, %dma_start3A_53] : memref<2x400xi32, #tpu.memory_space<vmem>> -> memref<1x400xi32, #tpu.memory_space<vmem>>
      %dma_start3A_55 = tpu.memref_squeeze %dma_start3A_54 : memref<1x400xi32, #tpu.memory_space<vmem>> -> memref<400xi32, #tpu.memory_space<vmem>>
      %dma_start3A_56 = arith.constant 0 : i32
      %dma_start3A_57 = arith.constant 0 : i32
      %dma_start3A_58 = tpu.memref_slice %arg13[%dma_start3A_56, %dma_start3A_57] : memref<50176x16xf32, #tpu.memory_space<vmem_shared>> -> memref<50176x16xf32, #tpu.memory_space<vmem_shared>>
      tpu.enqueue_indirect_dma source(%dma_start3A_58 : memref<50176x16xf32, #tpu.memory_space<vmem_shared>>) target(%arg11 : memref<400x16xf32, #tpu.memory_space<vmem>>) offsets(%dma_start3A_55 : memref<400xi32, #tpu.memory_space<vmem>>) semaphore(%arg17 : memref<!tpu.dma_semaphore, #tpu.memory_space<semaphore_mem>>)
      %dma_wait3A_59 = arith.constant 0 : i32
      %dma_wait3A_60 = arith.constant 0 : i32
      %dma_wait3A_61 = tpu.memref_slice %arg7[%dma_wait3A_59, %dma_wait3A_60] : memref<2x400xi32, #tpu.memory_space<vmem>> -> memref<1x400xi32, #tpu.memory_space<vmem>>
      %dma_wait3A_62 = tpu.memref_squeeze %dma_wait3A_61 : memref<1x400xi32, #tpu.memory_space<vmem>> -> memref<400xi32, #tpu.memory_space<vmem>>
      %dma_wait3A_63 = arith.constant 0 : i32
      %dma_wait3A_64 = arith.constant 0 : i32
      %dma_wait3A_65 = tpu.memref_slice %arg13[%dma_wait3A_63, %dma_wait3A_64] : memref<50176x16xf32, #tpu.memory_space<vmem_shared>> -> memref<50176x16xf32, #tpu.memory_space<vmem_shared>>
      tpu.wait_indirect_dma semaphore(%arg17 : memref<!tpu.dma_semaphore, #tpu.memory_space<semaphore_mem>>) src(%dma_wait3A_65 : memref<50176x16xf32, #tpu.memory_space<vmem_shared>>) dst(%arg11 : memref<400x16xf32, #tpu.memory_space<vmem>>)
      %scan3A_66 = arith.constant 0 : i32
      %scan3A_67 = arith.constant 0 : i32
      %scan3A_68 = arith.constant 400 : i32
      %scan3A_69 = arith.addi %scan3A_67, %scan3A_68 : i32
      %scan3A_70 = arith.constant 8 : i32
      %scan3A_71 = scf.for %scan3A_110 = %scan3A_67 to %scan3A_69 step %scan3A_70 iter_args(%scan3A_111 = %scan3A_66) -> (i32)  : i32 {
        %mul3A_112 = arith.constant 16 : i32
        %mul3A_113 = arith.muli %scan3A_110, %mul3A_112 : i32
        %get3A = arith.index_cast %mul3A_113 : i32 to index
        %get3A_114 = tpu.vector_load %arg9[%get3A] {strides = array<i32>} : memref<6400xf32, #tpu.memory_space<vmem>>, vector<16xf32>,
        %get3A_115 = vector.shape_cast %get3A_114 : vector<16xf32> to vector<16xf32>
        %get3A_116 = arith.index_cast %scan3A_110 : i32 to index
        %get3A_117 = arith.constant 0 : index
        %get3A_118 = tpu.vector_load %arg11[%get3A_116, %get3A_117] {strides = array<i32>} : memref<400x16xf32, #tpu.memory_space<vmem>>, vector<1x16xf32>,
        %get3A_119 = vector.shape_cast %get3A_118 : vector<1x16xf32> to vector<16xf32>
        %add3A_120 = arith.addf %get3A_119, %get3A_115 : vector<16xf32>
        %max3A = arith.maximumf %add3A_120, %broadcast_in_dim3A_3 : vector<16xf32>
        %swap3A = arith.index_cast %scan3A_110 : i32 to index
        %swap3A_121 = arith.constant 0 : index
        %swap3A_122 = tpu.vector_load %arg11[%swap3A, %swap3A_121] {strides = array<i32>} : memref<400x16xf32, #tpu.memory_space<vmem>>, vector<1x16xf32>,
        %swap3A_123 = vector.shape_cast %swap3A_122 : vector<1x16xf32> to vector<16xf32>
        %swap3A_124 = vector.shape_cast %max3A : vector<16xf32> to vector<1x16xf32>
        tpu.vector_store %arg11[%swap3A, %swap3A_121], %swap3A_124 {strides = array<i32>} : memref<400x16xf32, #tpu.memory_space<vmem>>, vector<1x16xf32>,
        %scan3A_125 = arith.constant 0 : i32
        %scan3A_126 = arith.constant 1 : i32
        %scan3A_127 = arith.addi %scan3A_110, %scan3A_126 : i32
        %mul3A_128 = arith.constant 16 : i32
        %mul3A_129 = arith.muli %scan3A_127, %mul3A_128 : i32
        %get3A_130 = arith.index_cast %mul3A_129 : i32 to index
        %get3A_131 = tpu.vector_load %arg9[%get3A_130] {strides = array<i32>} : memref<6400xf32, #tpu.memory_space<vmem>>, vector<16xf32>,
        %get3A_132 = vector.shape_cast %get3A_131 : vector<16xf32> to vector<16xf32>
        %get3A_133 = arith.index_cast %scan3A_127 : i32 to index
        %get3A_134 = arith.constant 0 : index
        %get3A_135 = tpu.vector_load %arg11[%get3A_133, %get3A_134] {strides = array<i32>} : memref<400x16xf32, #tpu.memory_space<vmem>>, vector<1x16xf32>,
        %get3A_136 = vector.shape_cast %get3A_135 : vector<1x16xf32> to vector<16xf32>
        %add3A_137 = arith.addf %get3A_136, %get3A_132 : vector<16xf32>
        %max3A_138 = arith.maximumf %add3A_137, %broadcast_in_dim3A_3 : vector<16xf32>
        %swap3A_139 = arith.index_cast %scan3A_127 : i32 to index
        %swap3A_140 = arith.constant 0 : index
        %swap3A_141 = tpu.vector_load %arg11[%swap3A_139, %swap3A_140] {strides = array<i32>} : memref<400x16xf32, #tpu.memory_space<vmem>>, vector<1x16xf32>,
        %swap3A_142 = vector.shape_cast %swap3A_141 : vector<1x16xf32> to vector<16xf32>
        %swap3A_143 = vector.shape_cast %max3A_138 : vector<16xf32> to vector<1x16xf32>
        tpu.vector_store %arg11[%swap3A_139, %swap3A_140], %swap3A_143 {strides = array<i32>} : memref<400x16xf32, #tpu.memory_space<vmem>>, vector<1x16xf32>,
        %scan3A_144 = arith.constant 0 : i32
        %scan3A_145 = arith.constant 2 : i32
        %scan3A_146 = arith.addi %scan3A_110, %scan3A_145 : i32
        %mul3A_147 = arith.constant 16 : i32
        %mul3A_148 = arith.muli %scan3A_146, %mul3A_147 : i32
        %get3A_149 = arith.index_cast %mul3A_148 : i32 to index
        %get3A_150 = tpu.vector_load %arg9[%get3A_149] {strides = array<i32>} : memref<6400xf32, #tpu.memory_space<vmem>>, vector<16xf32>,
        %get3A_151 = vector.shape_cast %get3A_150 : vector<16xf32> to vector<16xf32>
        %get3A_152 = arith.index_cast %scan3A_146 : i32 to index
        %get3A_153 = arith.constant 0 : index
        %get3A_154 = tpu.vector_load %arg11[%get3A_152, %get3A_153] {strides = array<i32>} : memref<400x16xf32, #tpu.memory_space<vmem>>, vector<1x16xf32>,
        %get3A_155 = vector.shape_cast %get3A_154 : vector<1x16xf32> to vector<16xf32>
        %add3A_156 = arith.addf %get3A_155, %get3A_151 : vector<16xf32>
        %max3A_157 = arith.maximumf %add3A_156, %broadcast_in_dim3A_3 : vector<16xf32>
        %swap3A_158 = arith.index_cast %scan3A_146 : i32 to index
        %swap3A_159 = arith.constant 0 : index
        %swap3A_160 = tpu.vector_load %arg11[%swap3A_158, %swap3A_159] {strides = array<i32>} : memref<400x16xf32, #tpu.memory_space<vmem>>, vector<1x16xf32>,
        %swap3A_161 = vector.shape_cast %swap3A_160 : vector<1x16xf32> to vector<16xf32>
        %swap3A_162 = vector.shape_cast %max3A_157 : vector<16xf32> to vector<1x16xf32>
        tpu.vector_store %arg11[%swap3A_158, %swap3A_159], %swap3A_162 {strides = array<i32>} : memref<400x16xf32, #tpu.memory_space<vmem>>, vector<1x16xf32>,
        %scan3A_163 = arith.constant 0 : i32
        %scan3A_164 = arith.constant 3 : i32
        %scan3A_165 = arith.addi %scan3A_110, %scan3A_164 : i32
        %mul3A_166 = arith.constant 16 : i32
        %mul3A_167 = arith.muli %scan3A_165, %mul3A_166 : i32
        %get3A_168 = arith.index_cast %mul3A_167 : i32 to index
        %get3A_169 = tpu.vector_load %arg9[%get3A_168] {strides = array<i32>} : memref<6400xf32, #tpu.memory_space<vmem>>, vector<16xf32>,
        %get3A_170 = vector.shape_cast %get3A_169 : vector<16xf32> to vector<16xf32>
        %get3A_171 = arith.index_cast %scan3A_165 : i32 to index
        %get3A_172 = arith.constant 0 : index
        %get3A_173 = tpu.vector_load %arg11[%get3A_171, %get3A_172] {strides = array<i32>} : memref<400x16xf32, #tpu.memory_space<vmem>>, vector<1x16xf32>,
        %get3A_174 = vector.shape_cast %get3A_173 : vector<1x16xf32> to vector<16xf32>
        %add3A_175 = arith.addf %get3A_174, %get3A_170 : vector<16xf32>
        %max3A_176 = arith.maximumf %add3A_175, %broadcast_in_dim3A_3 : vector<16xf32>
        %swap3A_177 = arith.index_cast %scan3A_165 : i32 to index
        %swap3A_178 = arith.constant 0 : index
        %swap3A_179 = tpu.vector_load %arg11[%swap3A_177, %swap3A_178] {strides = array<i32>} : memref<400x16xf32, #tpu.memory_space<vmem>>, vector<1x16xf32>,
        %swap3A_180 = vector.shape_cast %swap3A_179 : vector<1x16xf32> to vector<16xf32>
        %swap3A_181 = vector.shape_cast %max3A_176 : vector<16xf32> to vector<1x16xf32>
        tpu.vector_store %arg11[%swap3A_177, %swap3A_178], %swap3A_181 {strides = array<i32>} : memref<400x16xf32, #tpu.memory_space<vmem>>, vector<1x16xf32>,
        %scan3A_182 = arith.constant 0 : i32
        %scan3A_183 = arith.constant 4 : i32
        %scan3A_184 = arith.addi %scan3A_110, %scan3A_183 : i32
        %mul3A_185 = arith.constant 16 : i32
        %mul3A_186 = arith.muli %scan3A_184, %mul3A_185 : i32
        %get3A_187 = arith.index_cast %mul3A_186 : i32 to index
        %get3A_188 = tpu.vector_load %arg9[%get3A_187] {strides = array<i32>} : memref<6400xf32, #tpu.memory_space<vmem>>, vector<16xf32>,
        %get3A_189 = vector.shape_cast %get3A_188 : vector<16xf32> to vector<16xf32>
        %get3A_190 = arith.index_cast %scan3A_184 : i32 to index
        %get3A_191 = arith.constant 0 : index
        %get3A_192 = tpu.vector_load %arg11[%get3A_190, %get3A_191] {strides = array<i32>} : memref<400x16xf32, #tpu.memory_space<vmem>>, vector<1x16xf32>,
        %get3A_193 = vector.shape_cast %get3A_192 : vector<1x16xf32> to vector<16xf32>
        %add3A_194 = arith.addf %get3A_193, %get3A_189 : vector<16xf32>
        %max3A_195 = arith.maximumf %add3A_194, %broadcast_in_dim3A_3 : vector<16xf32>
        %swap3A_196 = arith.index_cast %scan3A_184 : i32 to index
        %swap3A_197 = arith.constant 0 : index
        %swap3A_198 = tpu.vector_load %arg11[%swap3A_196, %swap3A_197] {strides = array<i32>} : memref<400x16xf32, #tpu.memory_space<vmem>>, vector<1x16xf32>,
        %swap3A_199 = vector.shape_cast %swap3A_198 : vector<1x16xf32> to vector<16xf32>
        %swap3A_200 = vector.shape_cast %max3A_195 : vector<16xf32> to vector<1x16xf32>
        tpu.vector_store %arg11[%swap3A_196, %swap3A_197], %swap3A_200 {strides = array<i32>} : memref<400x16xf32, #tpu.memory_space<vmem>>, vector<1x16xf32>,
        %scan3A_201 = arith.constant 0 : i32
        %scan3A_202 = arith.constant 5 : i32
        %scan3A_203 = arith.addi %scan3A_110, %scan3A_202 : i32
        %mul3A_204 = arith.constant 16 : i32
        %mul3A_205 = arith.muli %scan3A_203, %mul3A_204 : i32
        %get3A_206 = arith.index_cast %mul3A_205 : i32 to index
        %get3A_207 = tpu.vector_load %arg9[%get3A_206] {strides = array<i32>} : memref<6400xf32, #tpu.memory_space<vmem>>, vector<16xf32>,
        %get3A_208 = vector.shape_cast %get3A_207 : vector<16xf32> to vector<16xf32>
        %get3A_209 = arith.index_cast %scan3A_203 : i32 to index
        %get3A_210 = arith.constant 0 : index
        %get3A_211 = tpu.vector_load %arg11[%get3A_209, %get3A_210] {strides = array<i32>} : memref<400x16xf32, #tpu.memory_space<vmem>>, vector<1x16xf32>,
        %get3A_212 = vector.shape_cast %get3A_211 : vector<1x16xf32> to vector<16xf32>
        %add3A_213 = arith.addf %get3A_212, %get3A_208 : vector<16xf32>
        %max3A_214 = arith.maximumf %add3A_213, %broadcast_in_dim3A_3 : vector<16xf32>
        %swap3A_215 = arith.index_cast %scan3A_203 : i32 to index
        %swap3A_216 = arith.constant 0 : index
        %swap3A_217 = tpu.vector_load %arg11[%swap3A_215, %swap3A_216] {strides = array<i32>} : memref<400x16xf32, #tpu.memory_space<vmem>>, vector<1x16xf32>,
        %swap3A_218 = vector.shape_cast %swap3A_217 : vector<1x16xf32> to vector<16xf32>
        %swap3A_219 = vector.shape_cast %max3A_214 : vector<16xf32> to vector<1x16xf32>
        tpu.vector_store %arg11[%swap3A_215, %swap3A_216], %swap3A_219 {strides = array<i32>} : memref<400x16xf32, #tpu.memory_space<vmem>>, vector<1x16xf32>,
        %scan3A_220 = arith.constant 0 : i32
        %scan3A_221 = arith.constant 6 : i32
        %scan3A_222 = arith.addi %scan3A_110, %scan3A_221 : i32
        %mul3A_223 = arith.constant 16 : i32
        %mul3A_224 = arith.muli %scan3A_222, %mul3A_223 : i32
        %get3A_225 = arith.index_cast %mul3A_224 : i32 to index
        %get3A_226 = tpu.vector_load %arg9[%get3A_225] {strides = array<i32>} : memref<6400xf32, #tpu.memory_space<vmem>>, vector<16xf32>,
        %get3A_227 = vector.shape_cast %get3A_226 : vector<16xf32> to vector<16xf32>
        %get3A_228 = arith.index_cast %scan3A_222 : i32 to index
        %get3A_229 = arith.constant 0 : index
        %get3A_230 = tpu.vector_load %arg11[%get3A_228, %get3A_229] {strides = array<i32>} : memref<400x16xf32, #tpu.memory_space<vmem>>, vector<1x16xf32>,
        %get3A_231 = vector.shape_cast %get3A_230 : vector<1x16xf32> to vector<16xf32>
        %add3A_232 = arith.addf %get3A_231, %get3A_227 : vector<16xf32>
        %max3A_233 = arith.maximumf %add3A_232, %broadcast_in_dim3A_3 : vector<16xf32>
        %swap3A_234 = arith.index_cast %scan3A_222 : i32 to index
        %swap3A_235 = arith.constant 0 : index
        %swap3A_236 = tpu.vector_load %arg11[%swap3A_234, %swap3A_235] {strides = array<i32>} : memref<400x16xf32, #tpu.memory_space<vmem>>, vector<1x16xf32>,
        %swap3A_237 = vector.shape_cast %swap3A_236 : vector<1x16xf32> to vector<16xf32>
        %swap3A_238 = vector.shape_cast %max3A_233 : vector<16xf32> to vector<1x16xf32>
        tpu.vector_store %arg11[%swap3A_234, %swap3A_235], %swap3A_238 {strides = array<i32>} : memref<400x16xf32, #tpu.memory_space<vmem>>, vector<1x16xf32>,
        %scan3A_239 = arith.constant 0 : i32
        %scan3A_240 = arith.constant 7 : i32
        %scan3A_241 = arith.addi %scan3A_110, %scan3A_240 : i32
        %mul3A_242 = arith.constant 16 : i32
        %mul3A_243 = arith.muli %scan3A_241, %mul3A_242 : i32
        %get3A_244 = arith.index_cast %mul3A_243 : i32 to index
        %get3A_245 = tpu.vector_load %arg9[%get3A_244] {strides = array<i32>} : memref<6400xf32, #tpu.memory_space<vmem>>, vector<16xf32>,
        %get3A_246 = vector.shape_cast %get3A_245 : vector<16xf32> to vector<16xf32>
        %get3A_247 = arith.index_cast %scan3A_241 : i32 to index
        %get3A_248 = arith.constant 0 : index
        %get3A_249 = tpu.vector_load %arg11[%get3A_247, %get3A_248] {strides = array<i32>} : memref<400x16xf32, #tpu.memory_space<vmem>>, vector<1x16xf32>,
        %get3A_250 = vector.shape_cast %get3A_249 : vector<1x16xf32> to vector<16xf32>
        %add3A_251 = arith.addf %get3A_250, %get3A_246 : vector<16xf32>
        %max3A_252 = arith.maximumf %add3A_251, %broadcast_in_dim3A_3 : vector<16xf32>
        %swap3A_253 = arith.index_cast %scan3A_241 : i32 to index
        %swap3A_254 = arith.constant 0 : index
        %swap3A_255 = tpu.vector_load %arg11[%swap3A_253, %swap3A_254] {strides = array<i32>} : memref<400x16xf32, #tpu.memory_space<vmem>>, vector<1x16xf32>,
        %swap3A_256 = vector.shape_cast %swap3A_255 : vector<1x16xf32> to vector<16xf32>
        %swap3A_257 = vector.shape_cast %max3A_252 : vector<16xf32> to vector<1x16xf32>
        tpu.vector_store %arg11[%swap3A_253, %swap3A_254], %swap3A_257 {strides = array<i32>} : memref<400x16xf32, #tpu.memory_space<vmem>>, vector<1x16xf32>,
        %scan3A_258 = arith.constant 0 : i32
        scf.yield %scan3A_258 : i32
      }
      %scan3A_72 = arith.constant 400 : i32
      %run_scoped3A = arith.constant 1 : i32
      "tpu.region"() ({
        %run_scoped3A_110 = tpu.sem_alloc : memref<!tpu.dma_semaphore, #tpu.memory_space<semaphore_mem>>
        %dma_start3A_111 = arith.constant 0 : i32
        %dma_start3A_112 = tpu.memref_slice %arg7[%run_scoped3A, %dma_start3A_111] : memref<2x400xi32, #tpu.memory_space<vmem>> -> memref<1x400xi32, #tpu.memory_space<vmem>>
        %dma_start3A_113 = tpu.memref_squeeze %dma_start3A_112 : memref<1x400xi32, #tpu.memory_space<vmem>> -> memref<400xi32, #tpu.memory_space<vmem>>
        %dma_start3A_114 = arith.constant 0 : i32
        %dma_start3A_115 = arith.constant 0 : i32
        %dma_start3A_116 = tpu.memref_slice %arg14[%dma_start3A_114, %dma_start3A_115] : memref<50176x16xf32, #tpu.memory_space<vmem_shared>> -> memref<50176x16xf32, #tpu.memory_space<vmem_shared>>
        tpu.enqueue_indirect_dma source(%arg11 : memref<400x16xf32, #tpu.memory_space<vmem>>) target(%dma_start3A_116 : memref<50176x16xf32, #tpu.memory_space<vmem_shared>>) offsets(%dma_start3A_113 : memref<400xi32, #tpu.memory_space<vmem>>) semaphore(%run_scoped3A_110 : memref<!tpu.dma_semaphore, #tpu.memory_space<semaphore_mem>>) {add = true}
        %dma_wait3A_117 = arith.constant 0 : i32
        %dma_wait3A_118 = tpu.memref_slice %arg7[%run_scoped3A, %dma_wait3A_117] : memref<2x400xi32, #tpu.memory_space<vmem>> -> memref<1x400xi32, #tpu.memory_space<vmem>>
        %dma_wait3A_119 = tpu.memref_squeeze %dma_wait3A_118 : memref<1x400xi32, #tpu.memory_space<vmem>> -> memref<400xi32, #tpu.memory_space<vmem>>
        %dma_wait3A_120 = arith.constant 0 : i32
        %dma_wait3A_121 = arith.constant 0 : i32
        %dma_wait3A_122 = tpu.memref_slice %arg14[%dma_wait3A_120, %dma_wait3A_121] : memref<50176x16xf32, #tpu.memory_space<vmem_shared>> -> memref<50176x16xf32, #tpu.memory_space<vmem_shared>>
        tpu.wait_indirect_dma semaphore(%run_scoped3A_110 : memref<!tpu.dma_semaphore, #tpu.memory_space<semaphore_mem>>) src(%arg11 : memref<400x16xf32, #tpu.memory_space<vmem>>) dst(%dma_wait3A_122 : memref<50176x16xf32, #tpu.memory_space<vmem_shared>>)
        tpu.yield
      }) : () -> ()
      %add3A_73 = arith.constant 1 : i32
      %add3A_74 = arith.addi %scan3A_23, %add3A_73 : i32
      %lt3A = arith.constant 125 : i32
      %lt3A_75 = arith.cmpi slt, %add3A_74, %lt3A : i32
      %convert_element_type3A = arith.extui %lt3A_75 : i1 to i32
      %cond3A = arith.constant 0 : i32
      %cond3A_76 = arith.cmpi ne, %convert_element_type3A, %cond3A : i32
      scf.if %cond3A_76 {
        %mul3A_110 = arith.constant 2 : i32
        %mul3A_111 = arith.muli %mul3A_110, %scan3A_23 : i32
        %add3A_112 = arith.constant 2 : i32
        %add3A_113 = arith.addi %mul3A_111, %add3A_112 : i32
        %mul3A_114 = arith.constant 100000 : i32
        %mul3A_115 = arith.muli %add3A, %mul3A_114 : i32
        %mul3A_116 = arith.constant 400 : i32
        %mul3A_117 = arith.muli %add3A_113, %mul3A_116 : i32
        %add3A_118 = arith.addi %mul3A_115, %mul3A_117 : i32
        %multiple_of3A_119 = tpu.assume_multiple %add3A_118, 8 : i32
        %dma_start3A_120 = arith.constant 0 : i32
        %dma_start3A_121 = tpu.memref_slice %arg2[%dma_start3A_120, %multiple_of3A_119] : memref<2x3200000xi32, #tpu.memory_space<hbm>> -> memref<2x400xi32, #tpu.memory_space<hbm>>
        %dma_start3A_122 = arith.constant 0 : i32
        %dma_start3A_123 = tpu.memref_slice %arg2[%dma_start3A_122, %multiple_of3A_119] : memref<2x3200000xi32, #tpu.memory_space<hbm>> -> memref<2x400xi32, #tpu.memory_space<hbm>>
        tpu.enqueue_dma source(%dma_start3A_123 : memref<2x400xi32, #tpu.memory_space<hbm>>) target(%arg7 : memref<2x400xi32, #tpu.memory_space<vmem>>) target_semaphore(%arg15 : memref<!tpu.dma_semaphore, #tpu.memory_space<semaphore_mem>>)
        %mul3A_124 = arith.constant 16 : i32
        %mul3A_125 = arith.muli %multiple_of3A_119, %mul3A_124 : i32
        %dma_start3A_126 = tpu.memref_slice %arg3[%mul3A_125] : memref<51200000xf32, #tpu.memory_space<hbm>> -> memref<6400xf32, #tpu.memory_space<hbm>>
        %dma_start3A_127 = tpu.memref_slice %arg3[%mul3A_125] : memref<51200000xf32, #tpu.memory_space<hbm>> -> memref<6400xf32, #tpu.memory_space<hbm>>
        tpu.enqueue_dma source(%dma_start3A_127 : memref<6400xf32, #tpu.memory_space<hbm>>) target(%arg9 : memref<6400xf32, #tpu.memory_space<vmem>>) target_semaphore(%arg15 : memref<!tpu.dma_semaphore, #tpu.memory_space<semaphore_mem>>)
      } else {
      }
      %dma_wait3A_77 = arith.constant 0 : i32
      %dma_wait3A_78 = arith.constant 0 : i32
      %dma_wait3A_79 = tpu.memref_slice %arg2[%dma_wait3A_77, %dma_wait3A_78] : memref<2x3200000xi32, #tpu.memory_space<hbm>> -> memref<2x400xi32, #tpu.memory_space<hbm>>
      %dma_wait3A_80 = arith.constant 0 : i32
      %dma_wait3A_81 = arith.constant 0 : i32
      %dma_wait3A_82 = tpu.memref_slice %arg2[%dma_wait3A_80, %dma_wait3A_81] : memref<2x3200000xi32, #tpu.memory_space<hbm>> -> memref<2x400xi32, #tpu.memory_space<hbm>>
      tpu.wait_dma2 semaphore(%arg16 : memref<!tpu.dma_semaphore, #tpu.memory_space<semaphore_mem>>) src(%dma_wait3A_82 : memref<2x400xi32, #tpu.memory_space<hbm>>) dst(%arg8 : memref<2x400xi32, #tpu.memory_space<vmem>>)
      %dma_wait3A_83 = arith.constant 0 : i32
      %dma_wait3A_84 = tpu.memref_slice %arg3[%dma_wait3A_83] : memref<51200000xf32, #tpu.memory_space<hbm>> -> memref<6400xf32, #tpu.memory_space<hbm>>
      %dma_wait3A_85 = arith.constant 0 : i32
      %dma_wait3A_86 = tpu.memref_slice %arg3[%dma_wait3A_85] : memref<51200000xf32, #tpu.memory_space<hbm>> -> memref<6400xf32, #tpu.memory_space<hbm>>
      tpu.wait_dma2 semaphore(%arg16 : memref<!tpu.dma_semaphore, #tpu.memory_space<semaphore_mem>>) src(%dma_wait3A_86 : memref<6400xf32, #tpu.memory_space<hbm>>) dst(%arg10 : memref<6400xf32, #tpu.memory_space<vmem>>)
      %dma_start3A_87 = arith.constant 0 : i32
      %dma_start3A_88 = arith.constant 0 : i32
      %dma_start3A_89 = tpu.memref_slice %arg8[%dma_start3A_87, %dma_start3A_88] : memref<2x400xi32, #tpu.memory_space<vmem>> -> memref<1x400xi32, #tpu.memory_space<vmem>>
      %dma_start3A_90 = tpu.memref_squeeze %dma_start3A_89 : memref<1x400xi32, #tpu.memory_space<vmem>> -> memref<400xi32, #tpu.memory_space<vmem>>
      %dma_start3A_91 = arith.constant 0 : i32
      %dma_start3A_92 = arith.constant 0 : i32
      %dma_start3A_93 = tpu.memref_slice %arg13[%dma_start3A_91, %dma_start3A_92] : memref<50176x16xf32, #tpu.memory_space<vmem_shared>> -> memref<50176x16xf32, #tpu.memory_space<vmem_shared>>
      tpu.enqueue_indirect_dma source(%dma_start3A_93 : memref<50176x16xf32, #tpu.memory_space<vmem_shared>>) target(%arg12 : memref<400x16xf32, #tpu.memory_space<vmem>>) offsets(%dma_start3A_90 : memref<400xi32, #tpu.memory_space<vmem>>) semaphore(%arg17 : memref<!tpu.dma_semaphore, #tpu.memory_space<semaphore_mem>>)
      %dma_wait3A_94 = arith.constant 0 : i32
      %dma_wait3A_95 = arith.constant 0 : i32
      %dma_wait3A_96 = tpu.memref_slice %arg8[%dma_wait3A_94, %dma_wait3A_95] : memref<2x400xi32, #tpu.memory_space<vmem>> -> memref<1x400xi32, #tpu.memory_space<vmem>>
      %dma_wait3A_97 = tpu.memref_squeeze %dma_wait3A_96 : memref<1x400xi32, #tpu.memory_space<vmem>> -> memref<400xi32, #tpu.memory_space<vmem>>
      %dma_wait3A_98 = arith.constant 0 : i32
      %dma_wait3A_99 = arith.constant 0 : i32
      %dma_wait3A_100 = tpu.memref_slice %arg13[%dma_wait3A_98, %dma_wait3A_99] : memref<50176x16xf32, #tpu.memory_space<vmem_shared>> -> memref<50176x16xf32, #tpu.memory_space<vmem_shared>>
      tpu.wait_indirect_dma semaphore(%arg17 : memref<!tpu.dma_semaphore, #tpu.memory_space<semaphore_mem>>) src(%dma_wait3A_100 : memref<50176x16xf32, #tpu.memory_space<vmem_shared>>) dst(%arg12 : memref<400x16xf32, #tpu.memory_space<vmem>>)
      %scan3A_101 = arith.constant 0 : i32
      %scan3A_102 = arith.constant 0 : i32
      %scan3A_103 = arith.constant 400 : i32
      %scan3A_104 = arith.addi %scan3A_102, %scan3A_103 : i32
      %scan3A_105 = arith.constant 8 : i32
      %scan3A_106 = scf.for %scan3A_110 = %scan3A_102 to %scan3A_104 step %scan3A_105 iter_args(%scan3A_111 = %scan3A_101) -> (i32)  : i32 {
        %mul3A_112 = arith.constant 16 : i32
        %mul3A_113 = arith.muli %scan3A_110, %mul3A_112 : i32
        %get3A = arith.index_cast %mul3A_113 : i32 to index
        %get3A_114 = tpu.vector_load %arg10[%get3A] {strides = array<i32>} : memref<6400xf32, #tpu.memory_space<vmem>>, vector<16xf32>,
        %get3A_115 = vector.shape_cast %get3A_114 : vector<16xf32> to vector<16xf32>
        %get3A_116 = arith.index_cast %scan3A_110 : i32 to index
        %get3A_117 = arith.constant 0 : index
        %get3A_118 = tpu.vector_load %arg12[%get3A_116, %get3A_117] {strides = array<i32>} : memref<400x16xf32, #tpu.memory_space<vmem>>, vector<1x16xf32>,
        %get3A_119 = vector.shape_cast %get3A_118 : vector<1x16xf32> to vector<16xf32>
        %add3A_120 = arith.addf %get3A_119, %get3A_115 : vector<16xf32>
        %max3A = arith.maximumf %add3A_120, %broadcast_in_dim3A_3 : vector<16xf32>
        %swap3A = arith.index_cast %scan3A_110 : i32 to index
        %swap3A_121 = arith.constant 0 : index
        %swap3A_122 = tpu.vector_load %arg12[%swap3A, %swap3A_121] {strides = array<i32>} : memref<400x16xf32, #tpu.memory_space<vmem>>, vector<1x16xf32>,
        %swap3A_123 = vector.shape_cast %swap3A_122 : vector<1x16xf32> to vector<16xf32>
        %swap3A_124 = vector.shape_cast %max3A : vector<16xf32> to vector<1x16xf32>
        tpu.vector_store %arg12[%swap3A, %swap3A_121], %swap3A_124 {strides = array<i32>} : memref<400x16xf32, #tpu.memory_space<vmem>>, vector<1x16xf32>,
        %scan3A_125 = arith.constant 0 : i32
        %scan3A_126 = arith.constant 1 : i32
        %scan3A_127 = arith.addi %scan3A_110, %scan3A_126 : i32
        %mul3A_128 = arith.constant 16 : i32
        %mul3A_129 = arith.muli %scan3A_127, %mul3A_128 : i32
        %get3A_130 = arith.index_cast %mul3A_129 : i32 to index
        %get3A_131 = tpu.vector_load %arg10[%get3A_130] {strides = array<i32>} : memref<6400xf32, #tpu.memory_space<vmem>>, vector<16xf32>,
        %get3A_132 = vector.shape_cast %get3A_131 : vector<16xf32> to vector<16xf32>
        %get3A_133 = arith.index_cast %scan3A_127 : i32 to index
        %get3A_134 = arith.constant 0 : index
        %get3A_135 = tpu.vector_load %arg12[%get3A_133, %get3A_134] {strides = array<i32>} : memref<400x16xf32, #tpu.memory_space<vmem>>, vector<1x16xf32>,
        %get3A_136 = vector.shape_cast %get3A_135 : vector<1x16xf32> to vector<16xf32>
        %add3A_137 = arith.addf %get3A_136, %get3A_132 : vector<16xf32>
        %max3A_138 = arith.maximumf %add3A_137, %broadcast_in_dim3A_3 : vector<16xf32>
        %swap3A_139 = arith.index_cast %scan3A_127 : i32 to index
        %swap3A_140 = arith.constant 0 : index
        %swap3A_141 = tpu.vector_load %arg12[%swap3A_139, %swap3A_140] {strides = array<i32>} : memref<400x16xf32, #tpu.memory_space<vmem>>, vector<1x16xf32>,
        %swap3A_142 = vector.shape_cast %swap3A_141 : vector<1x16xf32> to vector<16xf32>
        %swap3A_143 = vector.shape_cast %max3A_138 : vector<16xf32> to vector<1x16xf32>
        tpu.vector_store %arg12[%swap3A_139, %swap3A_140], %swap3A_143 {strides = array<i32>} : memref<400x16xf32, #tpu.memory_space<vmem>>, vector<1x16xf32>,
        %scan3A_144 = arith.constant 0 : i32
        %scan3A_145 = arith.constant 2 : i32
        %scan3A_146 = arith.addi %scan3A_110, %scan3A_145 : i32
        %mul3A_147 = arith.constant 16 : i32
        %mul3A_148 = arith.muli %scan3A_146, %mul3A_147 : i32
        %get3A_149 = arith.index_cast %mul3A_148 : i32 to index
        %get3A_150 = tpu.vector_load %arg10[%get3A_149] {strides = array<i32>} : memref<6400xf32, #tpu.memory_space<vmem>>, vector<16xf32>,
        %get3A_151 = vector.shape_cast %get3A_150 : vector<16xf32> to vector<16xf32>
        %get3A_152 = arith.index_cast %scan3A_146 : i32 to index
        %get3A_153 = arith.constant 0 : index
        %get3A_154 = tpu.vector_load %arg12[%get3A_152, %get3A_153] {strides = array<i32>} : memref<400x16xf32, #tpu.memory_space<vmem>>, vector<1x16xf32>,
        %get3A_155 = vector.shape_cast %get3A_154 : vector<1x16xf32> to vector<16xf32>
        %add3A_156 = arith.addf %get3A_155, %get3A_151 : vector<16xf32>
        %max3A_157 = arith.maximumf %add3A_156, %broadcast_in_dim3A_3 : vector<16xf32>
        %swap3A_158 = arith.index_cast %scan3A_146 : i32 to index
        %swap3A_159 = arith.constant 0 : index
        %swap3A_160 = tpu.vector_load %arg12[%swap3A_158, %swap3A_159] {strides = array<i32>} : memref<400x16xf32, #tpu.memory_space<vmem>>, vector<1x16xf32>,
        %swap3A_161 = vector.shape_cast %swap3A_160 : vector<1x16xf32> to vector<16xf32>
        %swap3A_162 = vector.shape_cast %max3A_157 : vector<16xf32> to vector<1x16xf32>
        tpu.vector_store %arg12[%swap3A_158, %swap3A_159], %swap3A_162 {strides = array<i32>} : memref<400x16xf32, #tpu.memory_space<vmem>>, vector<1x16xf32>,
        %scan3A_163 = arith.constant 0 : i32
        %scan3A_164 = arith.constant 3 : i32
        %scan3A_165 = arith.addi %scan3A_110, %scan3A_164 : i32
        %mul3A_166 = arith.constant 16 : i32
        %mul3A_167 = arith.muli %scan3A_165, %mul3A_166 : i32
        %get3A_168 = arith.index_cast %mul3A_167 : i32 to index
        %get3A_169 = tpu.vector_load %arg10[%get3A_168] {strides = array<i32>} : memref<6400xf32, #tpu.memory_space<vmem>>, vector<16xf32>,
        %get3A_170 = vector.shape_cast %get3A_169 : vector<16xf32> to vector<16xf32>
        %get3A_171 = arith.index_cast %scan3A_165 : i32 to index
        %get3A_172 = arith.constant 0 : index
        %get3A_173 = tpu.vector_load %arg12[%get3A_171, %get3A_172] {strides = array<i32>} : memref<400x16xf32, #tpu.memory_space<vmem>>, vector<1x16xf32>,
        %get3A_174 = vector.shape_cast %get3A_173 : vector<1x16xf32> to vector<16xf32>
        %add3A_175 = arith.addf %get3A_174, %get3A_170 : vector<16xf32>
        %max3A_176 = arith.maximumf %add3A_175, %broadcast_in_dim3A_3 : vector<16xf32>
        %swap3A_177 = arith.index_cast %scan3A_165 : i32 to index
        %swap3A_178 = arith.constant 0 : index
        %swap3A_179 = tpu.vector_load %arg12[%swap3A_177, %swap3A_178] {strides = array<i32>} : memref<400x16xf32, #tpu.memory_space<vmem>>, vector<1x16xf32>,
        %swap3A_180 = vector.shape_cast %swap3A_179 : vector<1x16xf32> to vector<16xf32>
        %swap3A_181 = vector.shape_cast %max3A_176 : vector<16xf32> to vector<1x16xf32>
        tpu.vector_store %arg12[%swap3A_177, %swap3A_178], %swap3A_181 {strides = array<i32>} : memref<400x16xf32, #tpu.memory_space<vmem>>, vector<1x16xf32>,
        %scan3A_182 = arith.constant 0 : i32
        %scan3A_183 = arith.constant 4 : i32
        %scan3A_184 = arith.addi %scan3A_110, %scan3A_183 : i32
        %mul3A_185 = arith.constant 16 : i32
        %mul3A_186 = arith.muli %scan3A_184, %mul3A_185 : i32
        %get3A_187 = arith.index_cast %mul3A_186 : i32 to index
        %get3A_188 = tpu.vector_load %arg10[%get3A_187] {strides = array<i32>} : memref<6400xf32, #tpu.memory_space<vmem>>, vector<16xf32>,
        %get3A_189 = vector.shape_cast %get3A_188 : vector<16xf32> to vector<16xf32>
        %get3A_190 = arith.index_cast %scan3A_184 : i32 to index
        %get3A_191 = arith.constant 0 : index
        %get3A_192 = tpu.vector_load %arg12[%get3A_190, %get3A_191] {strides = array<i32>} : memref<400x16xf32, #tpu.memory_space<vmem>>, vector<1x16xf32>,
        %get3A_193 = vector.shape_cast %get3A_192 : vector<1x16xf32> to vector<16xf32>
        %add3A_194 = arith.addf %get3A_193, %get3A_189 : vector<16xf32>
        %max3A_195 = arith.maximumf %add3A_194, %broadcast_in_dim3A_3 : vector<16xf32>
        %swap3A_196 = arith.index_cast %scan3A_184 : i32 to index
        %swap3A_197 = arith.constant 0 : index
        %swap3A_198 = tpu.vector_load %arg12[%swap3A_196, %swap3A_197] {strides = array<i32>} : memref<400x16xf32, #tpu.memory_space<vmem>>, vector<1x16xf32>,
        %swap3A_199 = vector.shape_cast %swap3A_198 : vector<1x16xf32> to vector<16xf32>
        %swap3A_200 = vector.shape_cast %max3A_195 : vector<16xf32> to vector<1x16xf32>
        tpu.vector_store %arg12[%swap3A_196, %swap3A_197], %swap3A_200 {strides = array<i32>} : memref<400x16xf32, #tpu.memory_space<vmem>>, vector<1x16xf32>,
        %scan3A_201 = arith.constant 0 : i32
        %scan3A_202 = arith.constant 5 : i32
        %scan3A_203 = arith.addi %scan3A_110, %scan3A_202 : i32
        %mul3A_204 = arith.constant 16 : i32
        %mul3A_205 = arith.muli %scan3A_203, %mul3A_204 : i32
        %get3A_206 = arith.index_cast %mul3A_205 : i32 to index
        %get3A_207 = tpu.vector_load %arg10[%get3A_206] {strides = array<i32>} : memref<6400xf32, #tpu.memory_space<vmem>>, vector<16xf32>,
        %get3A_208 = vector.shape_cast %get3A_207 : vector<16xf32> to vector<16xf32>
        %get3A_209 = arith.index_cast %scan3A_203 : i32 to index
        %get3A_210 = arith.constant 0 : index
        %get3A_211 = tpu.vector_load %arg12[%get3A_209, %get3A_210] {strides = array<i32>} : memref<400x16xf32, #tpu.memory_space<vmem>>, vector<1x16xf32>,
        %get3A_212 = vector.shape_cast %get3A_211 : vector<1x16xf32> to vector<16xf32>
        %add3A_213 = arith.addf %get3A_212, %get3A_208 : vector<16xf32>
        %max3A_214 = arith.maximumf %add3A_213, %broadcast_in_dim3A_3 : vector<16xf32>
        %swap3A_215 = arith.index_cast %scan3A_203 : i32 to index
        %swap3A_216 = arith.constant 0 : index
        %swap3A_217 = tpu.vector_load %arg12[%swap3A_215, %swap3A_216] {strides = array<i32>} : memref<400x16xf32, #tpu.memory_space<vmem>>, vector<1x16xf32>,
        %swap3A_218 = vector.shape_cast %swap3A_217 : vector<1x16xf32> to vector<16xf32>
        %swap3A_219 = vector.shape_cast %max3A_214 : vector<16xf32> to vector<1x16xf32>
        tpu.vector_store %arg12[%swap3A_215, %swap3A_216], %swap3A_219 {strides = array<i32>} : memref<400x16xf32, #tpu.memory_space<vmem>>, vector<1x16xf32>,
        %scan3A_220 = arith.constant 0 : i32
        %scan3A_221 = arith.constant 6 : i32
        %scan3A_222 = arith.addi %scan3A_110, %scan3A_221 : i32
        %mul3A_223 = arith.constant 16 : i32
        %mul3A_224 = arith.muli %scan3A_222, %mul3A_223 : i32
        %get3A_225 = arith.index_cast %mul3A_224 : i32 to index
        %get3A_226 = tpu.vector_load %arg10[%get3A_225] {strides = array<i32>} : memref<6400xf32, #tpu.memory_space<vmem>>, vector<16xf32>,
        %get3A_227 = vector.shape_cast %get3A_226 : vector<16xf32> to vector<16xf32>
        %get3A_228 = arith.index_cast %scan3A_222 : i32 to index
        %get3A_229 = arith.constant 0 : index
        %get3A_230 = tpu.vector_load %arg12[%get3A_228, %get3A_229] {strides = array<i32>} : memref<400x16xf32, #tpu.memory_space<vmem>>, vector<1x16xf32>,
        %get3A_231 = vector.shape_cast %get3A_230 : vector<1x16xf32> to vector<16xf32>
        %add3A_232 = arith.addf %get3A_231, %get3A_227 : vector<16xf32>
        %max3A_233 = arith.maximumf %add3A_232, %broadcast_in_dim3A_3 : vector<16xf32>
        %swap3A_234 = arith.index_cast %scan3A_222 : i32 to index
        %swap3A_235 = arith.constant 0 : index
        %swap3A_236 = tpu.vector_load %arg12[%swap3A_234, %swap3A_235] {strides = array<i32>} : memref<400x16xf32, #tpu.memory_space<vmem>>, vector<1x16xf32>,
        %swap3A_237 = vector.shape_cast %swap3A_236 : vector<1x16xf32> to vector<16xf32>
        %swap3A_238 = vector.shape_cast %max3A_233 : vector<16xf32> to vector<1x16xf32>
        tpu.vector_store %arg12[%swap3A_234, %swap3A_235], %swap3A_238 {strides = array<i32>} : memref<400x16xf32, #tpu.memory_space<vmem>>, vector<1x16xf32>,
        %scan3A_239 = arith.constant 0 : i32
        %scan3A_240 = arith.constant 7 : i32
        %scan3A_241 = arith.addi %scan3A_110, %scan3A_240 : i32
        %mul3A_242 = arith.constant 16 : i32
        %mul3A_243 = arith.muli %scan3A_241, %mul3A_242 : i32
        %get3A_244 = arith.index_cast %mul3A_243 : i32 to index
        %get3A_245 = tpu.vector_load %arg10[%get3A_244] {strides = array<i32>} : memref<6400xf32, #tpu.memory_space<vmem>>, vector<16xf32>,
        %get3A_246 = vector.shape_cast %get3A_245 : vector<16xf32> to vector<16xf32>
        %get3A_247 = arith.index_cast %scan3A_241 : i32 to index
        %get3A_248 = arith.constant 0 : index
        %get3A_249 = tpu.vector_load %arg12[%get3A_247, %get3A_248] {strides = array<i32>} : memref<400x16xf32, #tpu.memory_space<vmem>>, vector<1x16xf32>,
        %get3A_250 = vector.shape_cast %get3A_249 : vector<1x16xf32> to vector<16xf32>
        %add3A_251 = arith.addf %get3A_250, %get3A_246 : vector<16xf32>
        %max3A_252 = arith.maximumf %add3A_251, %broadcast_in_dim3A_3 : vector<16xf32>
        %swap3A_253 = arith.index_cast %scan3A_241 : i32 to index
        %swap3A_254 = arith.constant 0 : index
        %swap3A_255 = tpu.vector_load %arg12[%swap3A_253, %swap3A_254] {strides = array<i32>} : memref<400x16xf32, #tpu.memory_space<vmem>>, vector<1x16xf32>,
        %swap3A_256 = vector.shape_cast %swap3A_255 : vector<1x16xf32> to vector<16xf32>
        %swap3A_257 = vector.shape_cast %max3A_252 : vector<16xf32> to vector<1x16xf32>
        tpu.vector_store %arg12[%swap3A_253, %swap3A_254], %swap3A_257 {strides = array<i32>} : memref<400x16xf32, #tpu.memory_space<vmem>>, vector<1x16xf32>,
        %scan3A_258 = arith.constant 0 : i32
        scf.yield %scan3A_258 : i32
      }
      %scan3A_107 = arith.constant 400 : i32
      %run_scoped3A_108 = arith.constant 1 : i32
      "tpu.region"() ({
        %run_scoped3A_110 = tpu.sem_alloc : memref<!tpu.dma_semaphore, #tpu.memory_space<semaphore_mem>>
        %dma_start3A_111 = arith.constant 0 : i32
        %dma_start3A_112 = tpu.memref_slice %arg8[%run_scoped3A_108, %dma_start3A_111] : memref<2x400xi32, #tpu.memory_space<vmem>> -> memref<1x400xi32, #tpu.memory_space<vmem>>
        %dma_start3A_113 = tpu.memref_squeeze %dma_start3A_112 : memref<1x400xi32, #tpu.memory_space<vmem>> -> memref<400xi32, #tpu.memory_space<vmem>>
        %dma_start3A_114 = arith.constant 0 : i32
        %dma_start3A_115 = arith.constant 0 : i32
        %dma_start3A_116 = tpu.memref_slice %arg14[%dma_start3A_114, %dma_start3A_115] : memref<50176x16xf32, #tpu.memory_space<vmem_shared>> -> memref<50176x16xf32, #tpu.memory_space<vmem_shared>>
        tpu.enqueue_indirect_dma source(%arg12 : memref<400x16xf32, #tpu.memory_space<vmem>>) target(%dma_start3A_116 : memref<50176x16xf32, #tpu.memory_space<vmem_shared>>) offsets(%dma_start3A_113 : memref<400xi32, #tpu.memory_space<vmem>>) semaphore(%run_scoped3A_110 : memref<!tpu.dma_semaphore, #tpu.memory_space<semaphore_mem>>) {add = true}
        %dma_wait3A_117 = arith.constant 0 : i32
        %dma_wait3A_118 = tpu.memref_slice %arg8[%run_scoped3A_108, %dma_wait3A_117] : memref<2x400xi32, #tpu.memory_space<vmem>> -> memref<1x400xi32, #tpu.memory_space<vmem>>
        %dma_wait3A_119 = tpu.memref_squeeze %dma_wait3A_118 : memref<1x400xi32, #tpu.memory_space<vmem>> -> memref<400xi32, #tpu.memory_space<vmem>>
        %dma_wait3A_120 = arith.constant 0 : i32
        %dma_wait3A_121 = arith.constant 0 : i32
        %dma_wait3A_122 = tpu.memref_slice %arg14[%dma_wait3A_120, %dma_wait3A_121] : memref<50176x16xf32, #tpu.memory_space<vmem_shared>> -> memref<50176x16xf32, #tpu.memory_space<vmem_shared>>
        tpu.wait_indirect_dma semaphore(%run_scoped3A_110 : memref<!tpu.dma_semaphore, #tpu.memory_space<semaphore_mem>>) src(%arg12 : memref<400x16xf32, #tpu.memory_space<vmem>>) dst(%dma_wait3A_122 : memref<50176x16xf32, #tpu.memory_space<vmem_shared>>)
        tpu.yield
      }) : () -> ()
      %scan3A_109 = arith.constant 0 : i32
      scf.yield %scan3A_109 : i32
    }
    %scan3A_21 = arith.constant 125 : i32
    %barrier3A_22 = arith.constant 0 : index
    tpu.barrier barrier_id(%barrier3A_22)
    "tpu.region"() ({
      %run_scoped3A = tpu.sem_alloc : memref<!tpu.dma_semaphore, #tpu.memory_space<semaphore_mem>>
      %dma_start3A_23 = arith.constant 0 : i32
      %dma_start3A_24 = tpu.memref_slice %arg6[%arg0, %multiple_of3A, %dma_start3A_23] : memref<2x50176x16xf32, #tpu.memory_space<hbm>> -> memref<1x3136x16xf32, #tpu.memory_space<hbm>>
      %dma_start3A_25 = tpu.memref_squeeze %dma_start3A_24 : memref<1x3136x16xf32, #tpu.memory_space<hbm>> -> memref<3136x16xf32, #tpu.memory_space<hbm>>
      %dma_start3A_26 = arith.constant 0 : i32
      %dma_start3A_27 = tpu.memref_slice %arg14[%multiple_of3A, %dma_start3A_26] : memref<50176x16xf32, #tpu.memory_space<vmem_shared>> -> memref<3136x16xf32, #tpu.memory_space<vmem_shared>>
      tpu.enqueue_dma source(%dma_start3A_27 : memref<3136x16xf32, #tpu.memory_space<vmem_shared>>) target(%dma_start3A_25 : memref<3136x16xf32, #tpu.memory_space<hbm>>) target_semaphore(%run_scoped3A : memref<!tpu.dma_semaphore, #tpu.memory_space<semaphore_mem>>)
      %dma_wait3A = arith.constant 0 : i32
      %dma_wait3A_28 = tpu.memref_slice %arg6[%arg0, %multiple_of3A, %dma_wait3A] : memref<2x50176x16xf32, #tpu.memory_space<hbm>> -> memref<1x3136x16xf32, #tpu.memory_space<hbm>>
      %dma_wait3A_29 = tpu.memref_squeeze %dma_wait3A_28 : memref<1x3136x16xf32, #tpu.memory_space<hbm>> -> memref<3136x16xf32, #tpu.memory_space<hbm>>
      %dma_wait3A_30 = arith.constant 0 : i32
      %dma_wait3A_31 = tpu.memref_slice %arg14[%multiple_of3A, %dma_wait3A_30] : memref<50176x16xf32, #tpu.memory_space<vmem_shared>> -> memref<3136x16xf32, #tpu.memory_space<vmem_shared>>
      tpu.wait_dma2 semaphore(%run_scoped3A : memref<!tpu.dma_semaphore, #tpu.memory_space<semaphore_mem>>) src(%dma_wait3A_31 : memref<3136x16xf32, #tpu.memory_space<vmem_shared>>) dst(%dma_wait3A_29 : memref<3136x16xf32, #tpu.memory_space<hbm>>)
      tpu.yield
    }) : () -> ()
    return
  }
}

module attributes {stable_mosaic.version = 14 : i64} {
  func.func @_xw0_body(%arg0: i32, %arg1: memref<2000x7xf32, #tpu.memory_space<vmem>>, %arg2: memref<7x16xf32, #tpu.memory_space<vmem>>, %arg3: memref<2000x16xf32, #tpu.memory_space<vmem>>) attributes {dimension_semantics = [#tpu.dimension_semantics<arbitrary>], iteration_bounds = array<i64: 25>, scalar_prefetch = 0 : i64, scratch_operands = 0 : i64, tpu.core_type = #tpu.core_type<tc>, window_params = [{transform_indices = @transform_0, window_bounds = array<i64: 2000, 7>}, {pipeline_mode = #tpu.pipeline_mode<synchronous>, transform_indices = @transform_1, window_bounds = array<i64: 7, 16>}, {transform_indices = @transform_2, window_bounds = array<i64: 2000, 16>}]} {
    %get3A = arith.constant 0 : index
    %get3A_0 = arith.constant 0 : index
    %get3A_1 = vector.load %arg1[%get3A, %get3A_0] : memref<2000x7xf32, #tpu.memory_space<vmem>>, vector<2000x7xf32>
    %get3A_2 = arith.constant 0 : index
    %get3A_3 = arith.constant 0 : index
    %get3A_4 = vector.load %arg2[%get3A_2, %get3A_3] : memref<7x16xf32, #tpu.memory_space<vmem>>, vector<7x16xf32>
    %dot_general3A = arith.constant dense<0.000000e+00> : vector<2000x16xf32>
    %dot_general3A_5 = tpu.matmul %get3A_1, %get3A_4, %dot_general3A {dimension_numbers = #tpu.dot_dimension_numbers<[1], [0], [0], [1], [0, 0, 1, 1], [], []>, transpose_lhs_hint = false} : vector<2000x7xf32>, vector<7x16xf32>, vector<2000x16xf32> -> vector<2000x16xf32>
    %swap3A = arith.constant 0 : index
    %swap3A_6 = arith.constant 0 : index
    %swap3A_7 = vector.load %arg3[%swap3A, %swap3A_6] : memref<2000x16xf32, #tpu.memory_space<vmem>>, vector<2000x16xf32>
    tpu.vector_store %arg3[%swap3A, %swap3A_6], %dot_general3A_5 {strides = array<i32>} : memref<2000x16xf32, #tpu.memory_space<vmem>>, vector<2000x16xf32>,
    return
  }
  func.func @transform_0(%arg0: i32) -> (i32, i32) {
    %c0_i32 = arith.constant 0 : i32
    %c0_i32_0 = arith.constant 0 : i32
    return %arg0, %c0_i32 : i32, i32
  }
  func.func @transform_1(%arg0: i32) -> (i32, i32) {
    %c0_i32 = arith.constant 0 : i32
    %c0_i32_0 = arith.constant 0 : i32
    %c0_i32_1 = arith.constant 0 : i32
    return %c0_i32, %c0_i32_0 : i32, i32
  }
  func.func @transform_2(%arg0: i32) -> (i32, i32) {
    %c0_i32 = arith.constant 0 : i32
    %c0_i32_0 = arith.constant 0 : i32
    return %arg0, %c0_i32 : i32, i32
  }
}

module attributes {stable_mosaic.version = 14 : i64} {
  func.func @_edge_prep_body(%arg0: i32, %arg1: memref<7x640xf32, #tpu.memory_space<vmem>>, %arg2: memref<7x640xf32, #tpu.memory_space<vmem>>, %arg3: memref<7x640xf32, #tpu.memory_space<vmem>>, %arg4: memref<7x640xf32, #tpu.memory_space<vmem>>, %arg5: memref<7x640xf32, #tpu.memory_space<vmem>>, %arg6: memref<7x640xf32, #tpu.memory_space<vmem>>, %arg7: memref<7x640xf32, #tpu.memory_space<vmem>>, %arg8: memref<7x640xf32, #tpu.memory_space<vmem>>, %arg9: memref<56x128xf32, #tpu.memory_space<vmem>>, %arg10: memref<1x128xf32, #tpu.memory_space<vmem>>, %arg11: memref<640x128xf32, #tpu.memory_space<vmem>>) attributes {dimension_semantics = [#tpu.dimension_semantics<arbitrary>], iteration_bounds = array<i64: 625>, scalar_prefetch = 0 : i64, scratch_operands = 0 : i64, tpu.core_type = #tpu.core_type<tc>, window_params = [{transform_indices = @transform_0, window_bounds = array<i64: 7, 640>}, {transform_indices = @transform_1, window_bounds = array<i64: 7, 640>}, {transform_indices = @transform_2, window_bounds = array<i64: 7, 640>}, {transform_indices = @transform_3, window_bounds = array<i64: 7, 640>}, {transform_indices = @transform_4, window_bounds = array<i64: 7, 640>}, {transform_indices = @transform_5, window_bounds = array<i64: 7, 640>}, {transform_indices = @transform_6, window_bounds = array<i64: 7, 640>}, {transform_indices = @transform_7, window_bounds = array<i64: 7, 640>}, {pipeline_mode = #tpu.pipeline_mode<synchronous>, transform_indices = @transform_8, window_bounds = array<i64: 56, 128>}, {pipeline_mode = #tpu.pipeline_mode<synchronous>, transform_indices = @transform_9, window_bounds = array<i64: 1, 128>}, {transform_indices = @transform_10, window_bounds = array<i64: 640, 128>}]} {
    %get3A = arith.constant 0 : index
    %get3A_0 = arith.constant 0 : index
    %get3A_1 = vector.load %arg1[%get3A, %get3A_0] : memref<7x640xf32, #tpu.memory_space<vmem>>, vector<7x640xf32>
    %get3A_2 = arith.constant 0 : index
    %get3A_3 = arith.constant 0 : index
    %get3A_4 = vector.load %arg2[%get3A_2, %get3A_3] : memref<7x640xf32, #tpu.memory_space<vmem>>, vector<7x640xf32>
    %get3A_5 = arith.constant 0 : index
    %get3A_6 = arith.constant 0 : index
    %get3A_7 = vector.load %arg3[%get3A_5, %get3A_6] : memref<7x640xf32, #tpu.memory_space<vmem>>, vector<7x640xf32>
    %get3A_8 = arith.constant 0 : index
    %get3A_9 = arith.constant 0 : index
    %get3A_10 = vector.load %arg4[%get3A_8, %get3A_9] : memref<7x640xf32, #tpu.memory_space<vmem>>, vector<7x640xf32>
    %get3A_11 = arith.constant 0 : index
    %get3A_12 = arith.constant 0 : index
    %get3A_13 = vector.load %arg5[%get3A_11, %get3A_12] : memref<7x640xf32, #tpu.memory_space<vmem>>, vector<7x640xf32>
    %get3A_14 = arith.constant 0 : index
    %get3A_15 = arith.constant 0 : index
    %get3A_16 = vector.load %arg6[%get3A_14, %get3A_15] : memref<7x640xf32, #tpu.memory_space<vmem>>, vector<7x640xf32>
    %get3A_17 = arith.constant 0 : index
    %get3A_18 = arith.constant 0 : index
    %get3A_19 = vector.load %arg7[%get3A_17, %get3A_18] : memref<7x640xf32, #tpu.memory_space<vmem>>, vector<7x640xf32>
    %get3A_20 = arith.constant 0 : index
    %get3A_21 = arith.constant 0 : index
    %get3A_22 = vector.load %arg8[%get3A_20, %get3A_21] : memref<7x640xf32, #tpu.memory_space<vmem>>, vector<7x640xf32>
    %concatenate3A = tpu.concatenate %get3A_1, %get3A_4, %get3A_7, %get3A_10, %get3A_13, %get3A_16, %get3A_19, %get3A_22 in 0 : vector<7x640xf32>, vector<7x640xf32>, vector<7x640xf32>, vector<7x640xf32>, vector<7x640xf32>, vector<7x640xf32>, vector<7x640xf32>, vector<7x640xf32> -> vector<56x640xf32>
    %get3A_23 = arith.constant 0 : index
    %get3A_24 = arith.constant 0 : index
    %get3A_25 = vector.load %arg9[%get3A_23, %get3A_24] : memref<56x128xf32, #tpu.memory_space<vmem>>, vector<56x128xf32>
    %dot_general3A = arith.constant dense<0.000000e+00> : vector<640x128xf32>
    %dot_general3A_26 = tpu.matmul %concatenate3A, %get3A_25, %dot_general3A {dimension_numbers = #tpu.dot_dimension_numbers<[0], [0], [1], [1], [0, 1, 1, 1], [], []>, transpose_lhs_hint = false} : vector<56x640xf32>, vector<56x128xf32>, vector<640x128xf32> -> vector<640x128xf32>
    %get3A_27 = arith.constant 0 : index
    %get3A_28 = arith.constant 0 : index
    %get3A_29 = vector.load %arg10[%get3A_27, %get3A_28] : memref<1x128xf32, #tpu.memory_space<vmem>>, vector<1x128xf32>
    %add3A = vector.broadcast %get3A_29 : vector<1x128xf32> to vector<640x128xf32>
    %add3A_30 = arith.addf %dot_general3A_26, %add3A : vector<640x128xf32>
    %swap3A = arith.constant 0 : index
    %swap3A_31 = arith.constant 0 : index
    %swap3A_32 = vector.load %arg11[%swap3A, %swap3A_31] : memref<640x128xf32, #tpu.memory_space<vmem>>, vector<640x128xf32>
    tpu.vector_store %arg11[%swap3A, %swap3A_31], %add3A_30 {strides = array<i32>} : memref<640x128xf32, #tpu.memory_space<vmem>>, vector<640x128xf32>,
    return
  }
  func.func @transform_0(%arg0: i32) -> (i32, i32) {
    %add3A = arith.constant 0 : i32
    %add3A_0 = arith.addi %add3A, %arg0 : i32
    %c0_i32 = arith.constant 0 : i32
    %c0_i32_1 = arith.constant 0 : i32
    return %c0_i32, %add3A_0 : i32, i32
  }
  func.func @transform_1(%arg0: i32) -> (i32, i32) {
    %add3A = arith.constant 625 : i32
    %add3A_0 = arith.addi %add3A, %arg0 : i32
    %c0_i32 = arith.constant 0 : i32
    %c0_i32_1 = arith.constant 0 : i32
    return %c0_i32, %add3A_0 : i32, i32
  }
  func.func @transform_2(%arg0: i32) -> (i32, i32) {
    %add3A = arith.constant 1250 : i32
    %add3A_0 = arith.addi %add3A, %arg0 : i32
    %c0_i32 = arith.constant 0 : i32
    %c0_i32_1 = arith.constant 0 : i32
    return %c0_i32, %add3A_0 : i32, i32
  }
  func.func @transform_3(%arg0: i32) -> (i32, i32) {
    %add3A = arith.constant 1875 : i32
    %add3A_0 = arith.addi %add3A, %arg0 : i32
    %c0_i32 = arith.constant 0 : i32
    %c0_i32_1 = arith.constant 0 : i32
    return %c0_i32, %add3A_0 : i32, i32
  }
  func.func @transform_4(%arg0: i32) -> (i32, i32) {
    %add3A = arith.constant 2500 : i32
    %add3A_0 = arith.addi %add3A, %arg0 : i32
    %c0_i32 = arith.constant 0 : i32
    %c0_i32_1 = arith.constant 0 : i32
    return %c0_i32, %add3A_0 : i32, i32
  }
  func.func @transform_5(%arg0: i32) -> (i32, i32) {
    %add3A = arith.constant 3125 : i32
    %add3A_0 = arith.addi %add3A, %arg0 : i32
    %c0_i32 = arith.constant 0 : i32
    %c0_i32_1 = arith.constant 0 : i32
    return %c0_i32, %add3A_0 : i32, i32
  }
  func.func @transform_6(%arg0: i32) -> (i32, i32) {
    %add3A = arith.constant 3750 : i32
    %add3A_0 = arith.addi %add3A, %arg0 : i32
    %c0_i32 = arith.constant 0 : i32
    %c0_i32_1 = arith.constant 0 : i32
    return %c0_i32, %add3A_0 : i32, i32
  }
  func.func @transform_7(%arg0: i32) -> (i32, i32) {
    %add3A = arith.constant 4375 : i32
    %add3A_0 = arith.addi %add3A, %arg0 : i32
    %c0_i32 = arith.constant 0 : i32
    %c0_i32_1 = arith.constant 0 : i32
    return %c0_i32, %add3A_0 : i32, i32
  }
  func.func @transform_8(%arg0: i32) -> (i32, i32) {
    %c0_i32 = arith.constant 0 : i32
    %c0_i32_0 = arith.constant 0 : i32
    %c0_i32_1 = arith.constant 0 : i32
    return %c0_i32, %c0_i32_0 : i32, i32
  }
  func.func @transform_9(%arg0: i32) -> (i32, i32) {
    %c0_i32 = arith.constant 0 : i32
    %c0_i32_0 = arith.constant 0 : i32
    %c0_i32_1 = arith.constant 0 : i32
    return %c0_i32, %c0_i32_0 : i32, i32
  }
  func.func @transform_10(%arg0: i32) -> (i32, i32) {
    %c0_i32 = arith.constant 0 : i32
    %c0_i32_0 = arith.constant 0 : i32
    return %arg0, %c0_i32 : i32, i32
  }
}

module attributes {stable_mosaic.version = 14 : i64} {
  func.func @body(%arg0: i32, %arg1: memref<1x2000x16xf32, #tpu.memory_space<vmem>>, %arg2: memref<1x2000x16xf32, #tpu.memory_space<vmem>>, %arg3: memref<1x2000x16xf32, #tpu.memory_space<vmem>>, %arg4: memref<1x2000x16xf32, #tpu.memory_space<vmem>>, %arg5: memref<2000x7xf32, #tpu.memory_space<vmem>>, %arg6: memref<2000x1xf32, #tpu.memory_space<vmem>>, %arg7: memref<2000x4xf32, #tpu.memory_space<vmem>>, %arg8: memref<8x8xf32, #tpu.memory_space<vmem>>, %arg9: memref<1x8xf32, #tpu.memory_space<vmem>>, %arg10: memref<7x16xf32, #tpu.memory_space<vmem>>, %arg11: memref<8x16xf32, #tpu.memory_space<vmem>>, %arg12: memref<1x16xf32, #tpu.memory_space<vmem>>, %arg13: memref<1x16xf32, #tpu.memory_space<vmem>>, %arg14: memref<1x16xf32, #tpu.memory_space<vmem>>, %arg15: memref<16x8xf32, #tpu.memory_space<vmem>>, %arg16: memref<1x8xf32, #tpu.memory_space<vmem>>, %arg17: memref<4x8xf32, #tpu.memory_space<vmem>>, %arg18: memref<1x8xf32, #tpu.memory_space<vmem>>, %arg19: memref<8x8xf32, #tpu.memory_space<vmem>>, %arg20: memref<1x8xf32, #tpu.memory_space<vmem>>, %arg21: memref<8x8xf32, #tpu.memory_space<vmem>>, %arg22: memref<1x8xf32, #tpu.memory_space<vmem>>, %arg23: memref<8x8xf32, #tpu.memory_space<vmem>>, %arg24: memref<1x8xf32, #tpu.memory_space<vmem>>, %arg25: memref<8x8xf32, #tpu.memory_space<vmem>>, %arg26: memref<1x8xf32, #tpu.memory_space<vmem>>, %arg27: memref<8x16xf32, #tpu.memory_space<vmem>>, %arg28: memref<2000x8xf32, #tpu.memory_space<vmem>>, %arg29: memref<2000x16xf32, #tpu.memory_space<vmem>>) attributes {dimension_semantics = [#tpu.dimension_semantics<arbitrary>], iteration_bounds = array<i64: 25>, scalar_prefetch = 0 : i64, scratch_operands = 0 : i64, tpu.core_type = #tpu.core_type<tc>, window_params = [{transform_indices = @transform_0, window_bounds = array<i64: 1, 2000, 16>}, {transform_indices = @transform_1, window_bounds = array<i64: 1, 2000, 16>}, {transform_indices = @transform_2, window_bounds = array<i64: 1, 2000, 16>}, {transform_indices = @transform_3, window_bounds = array<i64: 1, 2000, 16>}, {transform_indices = @transform_4, window_bounds = array<i64: 2000, 7>}, {transform_indices = @transform_5, window_bounds = array<i64: 2000, 1>}, {transform_indices = @transform_6, window_bounds = array<i64: 2000, 4>}, {pipeline_mode = #tpu.pipeline_mode<synchronous>, transform_indices = @transform_7, window_bounds = array<i64: 8, 8>}, {pipeline_mode = #tpu.pipeline_mode<synchronous>, transform_indices = @transform_8, window_bounds = array<i64: 1, 8>}, {pipeline_mode = #tpu.pipeline_mode<synchronous>, transform_indices = @transform_9, window_bounds = array<i64: 7, 16>}, {pipeline_mode = #tpu.pipeline_mode<synchronous>, transform_indices = @transform_10, window_bounds = array<i64: 8, 16>}, {pipeline_mode = #tpu.pipeline_mode<synchronous>, transform_indices = @transform_11, window_bounds = array<i64: 1, 16>}, {pipeline_mode = #tpu.pipeline_mode<synchronous>, transform_indices = @transform_12, window_bounds = array<i64: 1, 16>}, {pipeline_mode = #tpu.pipeline_mode<synchronous>, transform_indices = @transform_13, window_bounds = array<i64: 1, 16>}, {pipeline_mode = #tpu.pipeline_mode<synchronous>, transform_indices = @transform_14, window_bounds = array<i64: 16, 8>}, {pipeline_mode = #tpu.pipeline_mode<synchronous>, transform_indices = @transform_15, window_bounds = array<i64: 1, 8>}, {pipeline_mode = #tpu.pipeline_mode<synchronous>, transform_indices = @transform_16, window_bounds = array<i64: 4, 8>}, {pipeline_mode = #tpu.pipeline_mode<synchronous>, transform_indices = @transform_17, window_bounds = array<i64: 1, 8>}, {pipeline_mode = #tpu.pipeline_mode<synchronous>, transform_indices = @transform_18, window_bounds = array<i64: 8, 8>}, {pipeline_mode = #tpu.pipeline_mode<synchronous>, transform_indices = @transform_19, window_bounds = array<i64: 1, 8>}, {pipeline_mode = #tpu.pipeline_mode<synchronous>, transform_indices = @transform_20, window_bounds = array<i64: 8, 8>}, {pipeline_mode = #tpu.pipeline_mode<synchronous>, transform_indices = @transform_21, window_bounds = array<i64: 1, 8>}, {pipeline_mode = #tpu.pipeline_mode<synchronous>, transform_indices = @transform_22, window_bounds = array<i64: 8, 8>}, {pipeline_mode = #tpu.pipeline_mode<synchronous>, transform_indices = @transform_23, window_bounds = array<i64: 1, 8>}, {pipeline_mode = #tpu.pipeline_mode<synchronous>, transform_indices = @transform_24, window_bounds = array<i64: 8, 8>}, {pipeline_mode = #tpu.pipeline_mode<synchronous>, transform_indices = @transform_25, window_bounds = array<i64: 1, 8>}, {pipeline_mode = #tpu.pipeline_mode<synchronous>, transform_indices = @transform_26, window_bounds = array<i64: 8, 16>}, {transform_indices = @transform_27, window_bounds = array<i64: 2000, 8>}, {transform_indices = @transform_28, window_bounds = array<i64: 2000, 16>}]} {
    %get3A = arith.constant 0 : index
    %get3A_0 = arith.constant 0 : index
    %get3A_1 = arith.constant 0 : index
    %get3A_2 = vector.load %arg1[%get3A, %get3A_0, %get3A_1] : memref<1x2000x16xf32, #tpu.memory_space<vmem>>, vector<1x2000x8xf32>
    %get3A_3 = vector.shape_cast %get3A_2 : vector<1x2000x8xf32> to vector<2000x8xf32>
    %get3A_4 = arith.constant 0 : index
    %get3A_5 = arith.constant 0 : index
    %get3A_6 = arith.constant 0 : index
    %get3A_7 = vector.load %arg2[%get3A_4, %get3A_5, %get3A_6] : memref<1x2000x16xf32, #tpu.memory_space<vmem>>, vector<1x2000x8xf32>
    %get3A_8 = vector.shape_cast %get3A_7 : vector<1x2000x8xf32> to vector<2000x8xf32>
    %add3A = arith.addf %get3A_3, %get3A_8 : vector<2000x8xf32>
    %get3A_9 = arith.constant 0 : index
    %get3A_10 = arith.constant 0 : index
    %get3A_11 = arith.constant 8 : index
    %get3A_12 = vector.load %arg3[%get3A_9, %get3A_10, %get3A_11] : memref<1x2000x16xf32, #tpu.memory_space<vmem>>, vector<1x2000x1xf32>
    %get3A_13 = vector.shape_cast %get3A_12 : vector<1x2000x1xf32> to vector<2000x1xf32>
    %get3A_14 = arith.constant 0 : index
    %get3A_15 = arith.constant 0 : index
    %get3A_16 = arith.constant 8 : index
    %get3A_17 = vector.load %arg4[%get3A_14, %get3A_15, %get3A_16] : memref<1x2000x16xf32, #tpu.memory_space<vmem>>, vector<1x2000x1xf32>
    %get3A_18 = vector.shape_cast %get3A_17 : vector<1x2000x1xf32> to vector<2000x1xf32>
    %add3A_19 = arith.addf %get3A_13, %get3A_18 : vector<2000x1xf32>
    %max3A = arith.constant 1.000000e+00 : f32
    %max3A_20 = vector.broadcast %max3A : f32 to vector<2000x1xf32>
    %max3A_21 = arith.maximumf %add3A_19, %max3A_20 : vector<2000x1xf32>
    %div3A = arith.constant 1.000000e+00 : f32
    %div3A_22 = vector.broadcast %div3A : f32 to vector<2000x1xf32>
    %div3A_23 = arith.divf %div3A_22, %max3A_21 : vector<2000x1xf32>
    %get3A_24 = arith.constant 0 : index
    %get3A_25 = arith.constant 0 : index
    %get3A_26 = vector.load %arg8[%get3A_24, %get3A_25] : memref<8x8xf32, #tpu.memory_space<vmem>>, vector<8x8xf32>
    %dot_general3A = arith.constant dense<0.000000e+00> : vector<2000x8xf32>
    %dot_general3A_27 = tpu.matmul %add3A, %get3A_26, %dot_general3A {dimension_numbers = #tpu.dot_dimension_numbers<[1], [0], [0], [1], [0, 0, 1, 1], [], []>, transpose_lhs_hint = false} : vector<2000x8xf32>, vector<8x8xf32>, vector<2000x8xf32> -> vector<2000x8xf32>
    %get3A_28 = arith.constant 0 : index
    %get3A_29 = arith.constant 0 : index
    %get3A_30 = vector.load %arg9[%get3A_28, %get3A_29] : memref<1x8xf32, #tpu.memory_space<vmem>>, vector<1x8xf32>
    %mul3A = vector.broadcast %add3A_19 : vector<2000x1xf32> to vector<2000x8xf32>
    %mul3A_31 = vector.broadcast %get3A_30 : vector<1x8xf32> to vector<2000x8xf32>
    %mul3A_32 = arith.mulf %mul3A, %mul3A_31 : vector<2000x8xf32>
    %add3A_33 = arith.addf %dot_general3A_27, %mul3A_32 : vector<2000x8xf32>
    %mul3A_34 = vector.broadcast %div3A_23 : vector<2000x1xf32> to vector<2000x8xf32>
    %mul3A_35 = arith.mulf %add3A_33, %mul3A_34 : vector<2000x8xf32>
    %get3A_36 = arith.constant 0 : index
    %get3A_37 = arith.constant 0 : index
    %get3A_38 = vector.load %arg7[%get3A_36, %get3A_37] : memref<2000x4xf32, #tpu.memory_space<vmem>>, vector<2000x4xf32>
    %get3A_39 = arith.constant 0 : index
    %get3A_40 = arith.constant 0 : index
    %get3A_41 = vector.load %arg17[%get3A_39, %get3A_40] : memref<4x8xf32, #tpu.memory_space<vmem>>, vector<4x8xf32>
    %dot_general3A_42 = arith.constant dense<0.000000e+00> : vector<2000x8xf32>
    %dot_general3A_43 = tpu.matmul %get3A_38, %get3A_41, %dot_general3A_42 {dimension_numbers = #tpu.dot_dimension_numbers<[1], [0], [0], [1], [0, 0, 1, 1], [], []>, transpose_lhs_hint = false} : vector<2000x4xf32>, vector<4x8xf32>, vector<2000x8xf32> -> vector<2000x8xf32>
    %get3A_44 = arith.constant 0 : index
    %get3A_45 = arith.constant 0 : index
    %get3A_46 = vector.load %arg18[%get3A_44, %get3A_45] : memref<1x8xf32, #tpu.memory_space<vmem>>, vector<1x8xf32>
    %add3A_47 = vector.broadcast %get3A_46 : vector<1x8xf32> to vector<2000x8xf32>
    %add3A_48 = arith.addf %dot_general3A_43, %add3A_47 : vector<2000x8xf32>
    %get3A_49 = arith.constant 0 : index
    %get3A_50 = arith.constant 0 : index
    %get3A_51 = vector.load %arg19[%get3A_49, %get3A_50] : memref<8x8xf32, #tpu.memory_space<vmem>>, vector<8x8xf32>
    %dot_general3A_52 = arith.constant dense<0.000000e+00> : vector<2000x8xf32>
    %dot_general3A_53 = tpu.matmul %add3A_48, %get3A_51, %dot_general3A_52 {dimension_numbers = #tpu.dot_dimension_numbers<[1], [0], [0], [1], [0, 0, 1, 1], [], []>, transpose_lhs_hint = false} : vector<2000x8xf32>, vector<8x8xf32>, vector<2000x8xf32> -> vector<2000x8xf32>
    %get3A_54 = arith.constant 0 : index
    %get3A_55 = arith.constant 0 : index
    %get3A_56 = vector.load %arg20[%get3A_54, %get3A_55] : memref<1x8xf32, #tpu.memory_space<vmem>>, vector<1x8xf32>
    %add3A_57 = vector.broadcast %get3A_56 : vector<1x8xf32> to vector<2000x8xf32>
    %add3A_58 = arith.addf %dot_general3A_53, %add3A_57 : vector<2000x8xf32>
    %max3A_59 = arith.constant 0.000000e+00 : f32
    %max3A_60 = vector.broadcast %max3A_59 : f32 to vector<2000x8xf32>
    %max3A_61 = arith.maximumf %add3A_58, %max3A_60 : vector<2000x8xf32>
    %get3A_62 = arith.constant 0 : index
    %get3A_63 = arith.constant 0 : index
    %get3A_64 = vector.load %arg21[%get3A_62, %get3A_63] : memref<8x8xf32, #tpu.memory_space<vmem>>, vector<8x8xf32>
    %dot_general3A_65 = arith.constant dense<0.000000e+00> : vector<2000x8xf32>
    %dot_general3A_66 = tpu.matmul %max3A_61, %get3A_64, %dot_general3A_65 {dimension_numbers = #tpu.dot_dimension_numbers<[1], [0], [0], [1], [0, 0, 1, 1], [], []>, transpose_lhs_hint = false} : vector<2000x8xf32>, vector<8x8xf32>, vector<2000x8xf32> -> vector<2000x8xf32>
    %get3A_67 = arith.constant 0 : index
    %get3A_68 = arith.constant 0 : index
    %get3A_69 = vector.load %arg22[%get3A_67, %get3A_68] : memref<1x8xf32, #tpu.memory_space<vmem>>, vector<1x8xf32>
    %add3A_70 = vector.broadcast %get3A_69 : vector<1x8xf32> to vector<2000x8xf32>
    %add3A_71 = arith.addf %dot_general3A_66, %add3A_70 : vector<2000x8xf32>
    %get3A_72 = arith.constant 0 : index
    %get3A_73 = arith.constant 0 : index
    %get3A_74 = vector.load %arg23[%get3A_72, %get3A_73] : memref<8x8xf32, #tpu.memory_space<vmem>>, vector<8x8xf32>
    %dot_general3A_75 = arith.constant dense<0.000000e+00> : vector<2000x8xf32>
    %dot_general3A_76 = tpu.matmul %add3A_48, %get3A_74, %dot_general3A_75 {dimension_numbers = #tpu.dot_dimension_numbers<[1], [0], [0], [1], [0, 0, 1, 1], [], []>, transpose_lhs_hint = false} : vector<2000x8xf32>, vector<8x8xf32>, vector<2000x8xf32> -> vector<2000x8xf32>
    %get3A_77 = arith.constant 0 : index
    %get3A_78 = arith.constant 0 : index
    %get3A_79 = vector.load %arg24[%get3A_77, %get3A_78] : memref<1x8xf32, #tpu.memory_space<vmem>>, vector<1x8xf32>
    %add3A_80 = vector.broadcast %get3A_79 : vector<1x8xf32> to vector<2000x8xf32>
    %add3A_81 = arith.addf %dot_general3A_76, %add3A_80 : vector<2000x8xf32>
    %max3A_82 = arith.constant 0.000000e+00 : f32
    %max3A_83 = vector.broadcast %max3A_82 : f32 to vector<2000x8xf32>
    %max3A_84 = arith.maximumf %add3A_81, %max3A_83 : vector<2000x8xf32>
    %get3A_85 = arith.constant 0 : index
    %get3A_86 = arith.constant 0 : index
    %get3A_87 = vector.load %arg25[%get3A_85, %get3A_86] : memref<8x8xf32, #tpu.memory_space<vmem>>, vector<8x8xf32>
    %dot_general3A_88 = arith.constant dense<0.000000e+00> : vector<2000x8xf32>
    %dot_general3A_89 = tpu.matmul %max3A_84, %get3A_87, %dot_general3A_88 {dimension_numbers = #tpu.dot_dimension_numbers<[1], [0], [0], [1], [0, 0, 1, 1], [], []>, transpose_lhs_hint = false} : vector<2000x8xf32>, vector<8x8xf32>, vector<2000x8xf32> -> vector<2000x8xf32>
    %get3A_90 = arith.constant 0 : index
    %get3A_91 = arith.constant 0 : index
    %get3A_92 = vector.load %arg26[%get3A_90, %get3A_91] : memref<1x8xf32, #tpu.memory_space<vmem>>, vector<1x8xf32>
    %add3A_93 = vector.broadcast %get3A_92 : vector<1x8xf32> to vector<2000x8xf32>
    %add3A_94 = arith.addf %dot_general3A_89, %add3A_93 : vector<2000x8xf32>
    %get3A_95 = arith.constant 0 : index
    %get3A_96 = arith.constant 0 : index
    %get3A_97 = vector.load %arg6[%get3A_95, %get3A_96] : memref<2000x1xf32, #tpu.memory_space<vmem>>, vector<2000x1xf32>
    %mul3A_98 = arith.constant 0.00314159272 : f32
    %mul3A_99 = vector.broadcast %mul3A_98 : f32 to vector<2000x1xf32>
    %mul3A_100 = arith.mulf %get3A_97, %mul3A_99 : vector<2000x1xf32>
    %get3A_101 = arith.constant 0 : index
    %get3A_102 = arith.constant 0 : index
    %get3A_103 = vector.load %arg5[%get3A_101, %get3A_102] : memref<2000x7xf32, #tpu.memory_space<vmem>>, vector<2000x7xf32>
    %get3A_104 = arith.constant 0 : index
    %get3A_105 = arith.constant 0 : index
    %get3A_106 = vector.load %arg10[%get3A_104, %get3A_105] : memref<7x16xf32, #tpu.memory_space<vmem>>, vector<7x16xf32>
    %dot_general3A_107 = arith.constant dense<0.000000e+00> : vector<2000x16xf32>
    %dot_general3A_108 = tpu.matmul %get3A_103, %get3A_106, %dot_general3A_107 {dimension_numbers = #tpu.dot_dimension_numbers<[1], [0], [0], [1], [0, 0, 1, 1], [], []>, transpose_lhs_hint = false} : vector<2000x7xf32>, vector<7x16xf32>, vector<2000x16xf32> -> vector<2000x16xf32>
    %get3A_109 = arith.constant 0 : index
    %get3A_110 = arith.constant 0 : index
    %get3A_111 = vector.load %arg11[%get3A_109, %get3A_110] : memref<8x16xf32, #tpu.memory_space<vmem>>, vector<8x16xf32>
    %dot_general3A_112 = arith.constant dense<0.000000e+00> : vector<2000x16xf32>
    %dot_general3A_113 = tpu.matmul %mul3A_35, %get3A_111, %dot_general3A_112 {dimension_numbers = #tpu.dot_dimension_numbers<[1], [0], [0], [1], [0, 0, 1, 1], [], []>, transpose_lhs_hint = false} : vector<2000x8xf32>, vector<8x16xf32>, vector<2000x16xf32> -> vector<2000x16xf32>
    %add3A_114 = arith.addf %dot_general3A_108, %dot_general3A_113 : vector<2000x16xf32>
    %cos3A = math.cos %mul3A_100 : vector<2000x1xf32>
    %get3A_115 = arith.constant 0 : index
    %get3A_116 = arith.constant 0 : index
    %get3A_117 = vector.load %arg12[%get3A_115, %get3A_116] : memref<1x16xf32, #tpu.memory_space<vmem>>, vector<1x16xf32>
    %mul3A_118 = vector.broadcast %cos3A : vector<2000x1xf32> to vector<2000x16xf32>
    %mul3A_119 = vector.broadcast %get3A_117 : vector<1x16xf32> to vector<2000x16xf32>
    %mul3A_120 = arith.mulf %mul3A_118, %mul3A_119 : vector<2000x16xf32>
    %add3A_121 = arith.addf %add3A_114, %mul3A_120 : vector<2000x16xf32>
    %sin3A = math.sin %mul3A_100 : vector<2000x1xf32>
    %get3A_122 = arith.constant 0 : index
    %get3A_123 = arith.constant 0 : index
    %get3A_124 = vector.load %arg13[%get3A_122, %get3A_123] : memref<1x16xf32, #tpu.memory_space<vmem>>, vector<1x16xf32>
    %mul3A_125 = vector.broadcast %sin3A : vector<2000x1xf32> to vector<2000x16xf32>
    %mul3A_126 = vector.broadcast %get3A_124 : vector<1x16xf32> to vector<2000x16xf32>
    %mul3A_127 = arith.mulf %mul3A_125, %mul3A_126 : vector<2000x16xf32>
    %add3A_128 = arith.addf %add3A_121, %mul3A_127 : vector<2000x16xf32>
    %get3A_129 = arith.constant 0 : index
    %get3A_130 = arith.constant 0 : index
    %get3A_131 = vector.load %arg14[%get3A_129, %get3A_130] : memref<1x16xf32, #tpu.memory_space<vmem>>, vector<1x16xf32>
    %add3A_132 = vector.broadcast %get3A_131 : vector<1x16xf32> to vector<2000x16xf32>
    %add3A_133 = arith.addf %add3A_128, %add3A_132 : vector<2000x16xf32>
    %max3A_134 = arith.constant 0.000000e+00 : f32
    %max3A_135 = vector.broadcast %max3A_134 : f32 to vector<2000x16xf32>
    %max3A_136 = arith.maximumf %add3A_133, %max3A_135 : vector<2000x16xf32>
    %get3A_137 = arith.constant 0 : index
    %get3A_138 = arith.constant 0 : index
    %get3A_139 = vector.load %arg15[%get3A_137, %get3A_138] : memref<16x8xf32, #tpu.memory_space<vmem>>, vector<16x8xf32>
    %dot_general3A_140 = arith.constant dense<0.000000e+00> : vector<2000x8xf32>
    %dot_general3A_141 = tpu.matmul %max3A_136, %get3A_139, %dot_general3A_140 {dimension_numbers = #tpu.dot_dimension_numbers<[1], [0], [0], [1], [0, 0, 1, 1], [], []>, transpose_lhs_hint = false} : vector<2000x16xf32>, vector<16x8xf32>, vector<2000x8xf32> -> vector<2000x8xf32>
    %get3A_142 = arith.constant 0 : index
    %get3A_143 = arith.constant 0 : index
    %get3A_144 = vector.load %arg16[%get3A_142, %get3A_143] : memref<1x8xf32, #tpu.memory_space<vmem>>, vector<1x8xf32>
    %add3A_145 = vector.broadcast %get3A_144 : vector<1x8xf32> to vector<2000x8xf32>
    %add3A_146 = arith.addf %dot_general3A_141, %add3A_145 : vector<2000x8xf32>
    %mul3A_147 = arith.mulf %add3A_71, %add3A_146 : vector<2000x8xf32>
    %add3A_148 = arith.addf %mul3A_147, %add3A_94 : vector<2000x8xf32>
    %swap3A = arith.constant 0 : index
    %swap3A_149 = arith.constant 0 : index
    %swap3A_150 = vector.load %arg28[%swap3A, %swap3A_149] : memref<2000x8xf32, #tpu.memory_space<vmem>>, vector<2000x8xf32>
    tpu.vector_store %arg28[%swap3A, %swap3A_149], %add3A_148 {strides = array<i32>} : memref<2000x8xf32, #tpu.memory_space<vmem>>, vector<2000x8xf32>,
    %get3A_151 = arith.constant 0 : index
    %get3A_152 = arith.constant 0 : index
    %get3A_153 = vector.load %arg27[%get3A_151, %get3A_152] : memref<8x16xf32, #tpu.memory_space<vmem>>, vector<8x16xf32>
    %dot_general3A_154 = arith.constant dense<0.000000e+00> : vector<2000x16xf32>
    %dot_general3A_155 = tpu.matmul %add3A_148, %get3A_153, %dot_general3A_154 {dimension_numbers = #tpu.dot_dimension_numbers<[1], [0], [0], [1], [0, 0, 1, 1], [], []>, transpose_lhs_hint = false} : vector<2000x8xf32>, vector<8x16xf32>, vector<2000x16xf32> -> vector<2000x16xf32>
    %swap3A_156 = arith.constant 0 : index
    %swap3A_157 = arith.constant 0 : index
    %swap3A_158 = vector.load %arg29[%swap3A_156, %swap3A_157] : memref<2000x16xf32, #tpu.memory_space<vmem>>, vector<2000x16xf32>
    tpu.vector_store %arg29[%swap3A_156, %swap3A_157], %dot_general3A_155 {strides = array<i32>} : memref<2000x16xf32, #tpu.memory_space<vmem>>, vector<2000x16xf32>,
    return
  }
  func.func @transform_0(%arg0: i32) -> (i32, i32, i32) {
    %c0_i32 = arith.constant 0 : i32
    %c0_i32_0 = arith.constant 0 : i32
    %c0_i32_1 = arith.constant 0 : i32
    return %c0_i32, %arg0, %c0_i32_0 : i32, i32, i32
  }
  func.func @transform_1(%arg0: i32) -> (i32, i32, i32) {
    %c1_i32 = arith.constant 1 : i32
    %c0_i32 = arith.constant 0 : i32
    %c0_i32_0 = arith.constant 0 : i32
    return %c1_i32, %arg0, %c0_i32 : i32, i32, i32
  }
  func.func @transform_2(%arg0: i32) -> (i32, i32, i32) {
    %c0_i32 = arith.constant 0 : i32
    %c0_i32_0 = arith.constant 0 : i32
    %c0_i32_1 = arith.constant 0 : i32
    return %c0_i32, %arg0, %c0_i32_0 : i32, i32, i32
  }
  func.func @transform_3(%arg0: i32) -> (i32, i32, i32) {
    %c1_i32 = arith.constant 1 : i32
    %c0_i32 = arith.constant 0 : i32
    %c0_i32_0 = arith.constant 0 : i32
    return %c1_i32, %arg0, %c0_i32 : i32, i32, i32
  }
  func.func @transform_4(%arg0: i32) -> (i32, i32) {
    %c0_i32 = arith.constant 0 : i32
    %c0_i32_0 = arith.constant 0 : i32
    return %arg0, %c0_i32 : i32, i32
  }
  func.func @transform_5(%arg0: i32) -> (i32, i32) {
    %c0_i32 = arith.constant 0 : i32
    %c0_i32_0 = arith.constant 0 : i32
    return %arg0, %c0_i32 : i32, i32
  }
  func.func @transform_6(%arg0: i32) -> (i32, i32) {
    %c0_i32 = arith.constant 0 : i32
    %c0_i32_0 = arith.constant 0 : i32
    return %arg0, %c0_i32 : i32, i32
  }
  func.func @transform_7(%arg0: i32) -> (i32, i32) {
    %c0_i32 = arith.constant 0 : i32
    %c0_i32_0 = arith.constant 0 : i32
    %c0_i32_1 = arith.constant 0 : i32
    return %c0_i32, %c0_i32_0 : i32, i32
  }
  func.func @transform_8(%arg0: i32) -> (i32, i32) {
    %c0_i32 = arith.constant 0 : i32
    %c0_i32_0 = arith.constant 0 : i32
    %c0_i32_1 = arith.constant 0 : i32
    return %c0_i32, %c0_i32_0 : i32, i32
  }
  func.func @transform_9(%arg0: i32) -> (i32, i32) {
    %c0_i32 = arith.constant 0 : i32
    %c0_i32_0 = arith.constant 0 : i32
    %c0_i32_1 = arith.constant 0 : i32
    return %c0_i32, %c0_i32_0 : i32, i32
  }
  func.func @transform_10(%arg0: i32) -> (i32, i32) {
    %c0_i32 = arith.constant 0 : i32
    %c0_i32_0 = arith.constant 0 : i32
    %c0_i32_1 = arith.constant 0 : i32
    return %c0_i32, %c0_i32_0 : i32, i32
  }
  func.func @transform_11(%arg0: i32) -> (i32, i32) {
    %c0_i32 = arith.constant 0 : i32
    %c0_i32_0 = arith.constant 0 : i32
    %c0_i32_1 = arith.constant 0 : i32
    return %c0_i32, %c0_i32_0 : i32, i32
  }
  func.func @transform_12(%arg0: i32) -> (i32, i32) {
    %c0_i32 = arith.constant 0 : i32
    %c0_i32_0 = arith.constant 0 : i32
    %c0_i32_1 = arith.constant 0 : i32
    return %c0_i32, %c0_i32_0 : i32, i32
  }
  func.func @transform_13(%arg0: i32) -> (i32, i32) {
    %c0_i32 = arith.constant 0 : i32
    %c0_i32_0 = arith.constant 0 : i32
    %c0_i32_1 = arith.constant 0 : i32
    return %c0_i32, %c0_i32_0 : i32, i32
  }
  func.func @transform_14(%arg0: i32) -> (i32, i32) {
    %c0_i32 = arith.constant 0 : i32
    %c0_i32_0 = arith.constant 0 : i32
    %c0_i32_1 = arith.constant 0 : i32
    return %c0_i32, %c0_i32_0 : i32, i32
  }
  func.func @transform_15(%arg0: i32) -> (i32, i32) {
    %c0_i32 = arith.constant 0 : i32
    %c0_i32_0 = arith.constant 0 : i32
    %c0_i32_1 = arith.constant 0 : i32
    return %c0_i32, %c0_i32_0 : i32, i32
  }
  func.func @transform_16(%arg0: i32) -> (i32, i32) {
    %c0_i32 = arith.constant 0 : i32
    %c0_i32_0 = arith.constant 0 : i32
    %c0_i32_1 = arith.constant 0 : i32
    return %c0_i32, %c0_i32_0 : i32, i32
  }
  func.func @transform_17(%arg0: i32) -> (i32, i32) {
    %c0_i32 = arith.constant 0 : i32
    %c0_i32_0 = arith.constant 0 : i32
    %c0_i32_1 = arith.constant 0 : i32
    return %c0_i32, %c0_i32_0 : i32, i32
  }
  func.func @transform_18(%arg0: i32) -> (i32, i32) {
    %c0_i32 = arith.constant 0 : i32
    %c0_i32_0 = arith.constant 0 : i32
    %c0_i32_1 = arith.constant 0 : i32
    return %c0_i32, %c0_i32_0 : i32, i32
  }
  func.func @transform_19(%arg0: i32) -> (i32, i32) {
    %c0_i32 = arith.constant 0 : i32
    %c0_i32_0 = arith.constant 0 : i32
    %c0_i32_1 = arith.constant 0 : i32
    return %c0_i32, %c0_i32_0 : i32, i32
  }
  func.func @transform_20(%arg0: i32) -> (i32, i32) {
    %c0_i32 = arith.constant 0 : i32
    %c0_i32_0 = arith.constant 0 : i32
    %c0_i32_1 = arith.constant 0 : i32
    return %c0_i32, %c0_i32_0 : i32, i32
  }
  func.func @transform_21(%arg0: i32) -> (i32, i32) {
    %c0_i32 = arith.constant 0 : i32
    %c0_i32_0 = arith.constant 0 : i32
    %c0_i32_1 = arith.constant 0 : i32
    return %c0_i32, %c0_i32_0 : i32, i32
  }
  func.func @transform_22(%arg0: i32) -> (i32, i32) {
    %c0_i32 = arith.constant 0 : i32
    %c0_i32_0 = arith.constant 0 : i32
    %c0_i32_1 = arith.constant 0 : i32
    return %c0_i32, %c0_i32_0 : i32, i32
  }
  func.func @transform_23(%arg0: i32) -> (i32, i32) {
    %c0_i32 = arith.constant 0 : i32
    %c0_i32_0 = arith.constant 0 : i32
    %c0_i32_1 = arith.constant 0 : i32
    return %c0_i32, %c0_i32_0 : i32, i32
  }
  func.func @transform_24(%arg0: i32) -> (i32, i32) {
    %c0_i32 = arith.constant 0 : i32
    %c0_i32_0 = arith.constant 0 : i32
    %c0_i32_1 = arith.constant 0 : i32
    return %c0_i32, %c0_i32_0 : i32, i32
  }
  func.func @transform_25(%arg0: i32) -> (i32, i32) {
    %c0_i32 = arith.constant 0 : i32
    %c0_i32_0 = arith.constant 0 : i32
    %c0_i32_1 = arith.constant 0 : i32
    return %c0_i32, %c0_i32_0 : i32, i32
  }
  func.func @transform_26(%arg0: i32) -> (i32, i32) {
    %c0_i32 = arith.constant 0 : i32
    %c0_i32_0 = arith.constant 0 : i32
    %c0_i32_1 = arith.constant 0 : i32
    return %c0_i32, %c0_i32_0 : i32, i32
  }
  func.func @transform_27(%arg0: i32) -> (i32, i32) {
    %c0_i32 = arith.constant 0 : i32
    %c0_i32_0 = arith.constant 0 : i32
    return %arg0, %c0_i32 : i32, i32
  }
  func.func @transform_28(%arg0: i32) -> (i32, i32) {
    %c0_i32 = arith.constant 0 : i32
    %c0_i32_0 = arith.constant 0 : i32
    return %arg0, %c0_i32 : i32, i32
  }
}

module attributes {stable_mosaic.version = 14 : i64} {
  func.func @body(%arg0: i32, %arg1: memref<1x2000x16xf32, #tpu.memory_space<vmem>>, %arg2: memref<1x2000x16xf32, #tpu.memory_space<vmem>>, %arg3: memref<1x2000x16xf32, #tpu.memory_space<vmem>>, %arg4: memref<1x2000x16xf32, #tpu.memory_space<vmem>>, %arg5: memref<2000x8xf32, #tpu.memory_space<vmem>>, %arg6: memref<2000x1xf32, #tpu.memory_space<vmem>>, %arg7: memref<2000x4xf32, #tpu.memory_space<vmem>>, %arg8: memref<8x8xf32, #tpu.memory_space<vmem>>, %arg9: memref<1x8xf32, #tpu.memory_space<vmem>>, %arg10: memref<8x16xf32, #tpu.memory_space<vmem>>, %arg11: memref<8x16xf32, #tpu.memory_space<vmem>>, %arg12: memref<1x16xf32, #tpu.memory_space<vmem>>, %arg13: memref<1x16xf32, #tpu.memory_space<vmem>>, %arg14: memref<1x16xf32, #tpu.memory_space<vmem>>, %arg15: memref<16x8xf32, #tpu.memory_space<vmem>>, %arg16: memref<1x8xf32, #tpu.memory_space<vmem>>, %arg17: memref<4x8xf32, #tpu.memory_space<vmem>>, %arg18: memref<1x8xf32, #tpu.memory_space<vmem>>, %arg19: memref<8x8xf32, #tpu.memory_space<vmem>>, %arg20: memref<1x8xf32, #tpu.memory_space<vmem>>, %arg21: memref<8x8xf32, #tpu.memory_space<vmem>>, %arg22: memref<1x8xf32, #tpu.memory_space<vmem>>, %arg23: memref<8x8xf32, #tpu.memory_space<vmem>>, %arg24: memref<1x8xf32, #tpu.memory_space<vmem>>, %arg25: memref<8x8xf32, #tpu.memory_space<vmem>>, %arg26: memref<1x8xf32, #tpu.memory_space<vmem>>, %arg27: memref<8x16xf32, #tpu.memory_space<vmem>>, %arg28: memref<2000x8xf32, #tpu.memory_space<vmem>>, %arg29: memref<2000x16xf32, #tpu.memory_space<vmem>>) attributes {dimension_semantics = [#tpu.dimension_semantics<arbitrary>], iteration_bounds = array<i64: 25>, scalar_prefetch = 0 : i64, scratch_operands = 0 : i64, tpu.core_type = #tpu.core_type<tc>, window_params = [{transform_indices = @transform_0, window_bounds = array<i64: 1, 2000, 16>}, {transform_indices = @transform_1, window_bounds = array<i64: 1, 2000, 16>}, {transform_indices = @transform_2, window_bounds = array<i64: 1, 2000, 16>}, {transform_indices = @transform_3, window_bounds = array<i64: 1, 2000, 16>}, {transform_indices = @transform_4, window_bounds = array<i64: 2000, 8>}, {transform_indices = @transform_5, window_bounds = array<i64: 2000, 1>}, {transform_indices = @transform_6, window_bounds = array<i64: 2000, 4>}, {pipeline_mode = #tpu.pipeline_mode<synchronous>, transform_indices = @transform_7, window_bounds = array<i64: 8, 8>}, {pipeline_mode = #tpu.pipeline_mode<synchronous>, transform_indices = @transform_8, window_bounds = array<i64: 1, 8>}, {pipeline_mode = #tpu.pipeline_mode<synchronous>, transform_indices = @transform_9, window_bounds = array<i64: 8, 16>}, {pipeline_mode = #tpu.pipeline_mode<synchronous>, transform_indices = @transform_10, window_bounds = array<i64: 8, 16>}, {pipeline_mode = #tpu.pipeline_mode<synchronous>, transform_indices = @transform_11, window_bounds = array<i64: 1, 16>}, {pipeline_mode = #tpu.pipeline_mode<synchronous>, transform_indices = @transform_12, window_bounds = array<i64: 1, 16>}, {pipeline_mode = #tpu.pipeline_mode<synchronous>, transform_indices = @transform_13, window_bounds = array<i64: 1, 16>}, {pipeline_mode = #tpu.pipeline_mode<synchronous>, transform_indices = @transform_14, window_bounds = array<i64: 16, 8>}, {pipeline_mode = #tpu.pipeline_mode<synchronous>, transform_indices = @transform_15, window_bounds = array<i64: 1, 8>}, {pipeline_mode = #tpu.pipeline_mode<synchronous>, transform_indices = @transform_16, window_bounds = array<i64: 4, 8>}, {pipeline_mode = #tpu.pipeline_mode<synchronous>, transform_indices = @transform_17, window_bounds = array<i64: 1, 8>}, {pipeline_mode = #tpu.pipeline_mode<synchronous>, transform_indices = @transform_18, window_bounds = array<i64: 8, 8>}, {pipeline_mode = #tpu.pipeline_mode<synchronous>, transform_indices = @transform_19, window_bounds = array<i64: 1, 8>}, {pipeline_mode = #tpu.pipeline_mode<synchronous>, transform_indices = @transform_20, window_bounds = array<i64: 8, 8>}, {pipeline_mode = #tpu.pipeline_mode<synchronous>, transform_indices = @transform_21, window_bounds = array<i64: 1, 8>}, {pipeline_mode = #tpu.pipeline_mode<synchronous>, transform_indices = @transform_22, window_bounds = array<i64: 8, 8>}, {pipeline_mode = #tpu.pipeline_mode<synchronous>, transform_indices = @transform_23, window_bounds = array<i64: 1, 8>}, {pipeline_mode = #tpu.pipeline_mode<synchronous>, transform_indices = @transform_24, window_bounds = array<i64: 8, 8>}, {pipeline_mode = #tpu.pipeline_mode<synchronous>, transform_indices = @transform_25, window_bounds = array<i64: 1, 8>}, {pipeline_mode = #tpu.pipeline_mode<synchronous>, transform_indices = @transform_26, window_bounds = array<i64: 8, 16>}, {transform_indices = @transform_27, window_bounds = array<i64: 2000, 8>}, {transform_indices = @transform_28, window_bounds = array<i64: 2000, 16>}]} {
    %get3A = arith.constant 0 : index
    %get3A_0 = arith.constant 0 : index
    %get3A_1 = arith.constant 0 : index
    %get3A_2 = vector.load %arg1[%get3A, %get3A_0, %get3A_1] : memref<1x2000x16xf32, #tpu.memory_space<vmem>>, vector<1x2000x8xf32>
    %get3A_3 = vector.shape_cast %get3A_2 : vector<1x2000x8xf32> to vector<2000x8xf32>
    %get3A_4 = arith.constant 0 : index
    %get3A_5 = arith.constant 0 : index
    %get3A_6 = arith.constant 0 : index
    %get3A_7 = vector.load %arg2[%get3A_4, %get3A_5, %get3A_6] : memref<1x2000x16xf32, #tpu.memory_space<vmem>>, vector<1x2000x8xf32>
    %get3A_8 = vector.shape_cast %get3A_7 : vector<1x2000x8xf32> to vector<2000x8xf32>
    %add3A = arith.addf %get3A_3, %get3A_8 : vector<2000x8xf32>
    %get3A_9 = arith.constant 0 : index
    %get3A_10 = arith.constant 0 : index
    %get3A_11 = arith.constant 8 : index
    %get3A_12 = vector.load %arg3[%get3A_9, %get3A_10, %get3A_11] : memref<1x2000x16xf32, #tpu.memory_space<vmem>>, vector<1x2000x1xf32>
    %get3A_13 = vector.shape_cast %get3A_12 : vector<1x2000x1xf32> to vector<2000x1xf32>
    %get3A_14 = arith.constant 0 : index
    %get3A_15 = arith.constant 0 : index
    %get3A_16 = arith.constant 8 : index
    %get3A_17 = vector.load %arg4[%get3A_14, %get3A_15, %get3A_16] : memref<1x2000x16xf32, #tpu.memory_space<vmem>>, vector<1x2000x1xf32>
    %get3A_18 = vector.shape_cast %get3A_17 : vector<1x2000x1xf32> to vector<2000x1xf32>
    %add3A_19 = arith.addf %get3A_13, %get3A_18 : vector<2000x1xf32>
    %max3A = arith.constant 1.000000e+00 : f32
    %max3A_20 = vector.broadcast %max3A : f32 to vector<2000x1xf32>
    %max3A_21 = arith.maximumf %add3A_19, %max3A_20 : vector<2000x1xf32>
    %div3A = arith.constant 1.000000e+00 : f32
    %div3A_22 = vector.broadcast %div3A : f32 to vector<2000x1xf32>
    %div3A_23 = arith.divf %div3A_22, %max3A_21 : vector<2000x1xf32>
    %get3A_24 = arith.constant 0 : index
    %get3A_25 = arith.constant 0 : index
    %get3A_26 = vector.load %arg8[%get3A_24, %get3A_25] : memref<8x8xf32, #tpu.memory_space<vmem>>, vector<8x8xf32>
    %dot_general3A = arith.constant dense<0.000000e+00> : vector<2000x8xf32>
    %dot_general3A_27 = tpu.matmul %add3A, %get3A_26, %dot_general3A {dimension_numbers = #tpu.dot_dimension_numbers<[1], [0], [0], [1], [0, 0, 1, 1], [], []>, transpose_lhs_hint = false} : vector<2000x8xf32>, vector<8x8xf32>, vector<2000x8xf32> -> vector<2000x8xf32>
    %get3A_28 = arith.constant 0 : index
    %get3A_29 = arith.constant 0 : index
    %get3A_30 = vector.load %arg9[%get3A_28, %get3A_29] : memref<1x8xf32, #tpu.memory_space<vmem>>, vector<1x8xf32>
    %mul3A = vector.broadcast %add3A_19 : vector<2000x1xf32> to vector<2000x8xf32>
    %mul3A_31 = vector.broadcast %get3A_30 : vector<1x8xf32> to vector<2000x8xf32>
    %mul3A_32 = arith.mulf %mul3A, %mul3A_31 : vector<2000x8xf32>
    %add3A_33 = arith.addf %dot_general3A_27, %mul3A_32 : vector<2000x8xf32>
    %mul3A_34 = vector.broadcast %div3A_23 : vector<2000x1xf32> to vector<2000x8xf32>
    %mul3A_35 = arith.mulf %add3A_33, %mul3A_34 : vector<2000x8xf32>
    %get3A_36 = arith.constant 0 : index
    %get3A_37 = arith.constant 0 : index
    %get3A_38 = vector.load %arg7[%get3A_36, %get3A_37] : memref<2000x4xf32, #tpu.memory_space<vmem>>, vector<2000x4xf32>
    %get3A_39 = arith.constant 0 : index
    %get3A_40 = arith.constant 0 : index
    %get3A_41 = vector.load %arg17[%get3A_39, %get3A_40] : memref<4x8xf32, #tpu.memory_space<vmem>>, vector<4x8xf32>
    %dot_general3A_42 = arith.constant dense<0.000000e+00> : vector<2000x8xf32>
    %dot_general3A_43 = tpu.matmul %get3A_38, %get3A_41, %dot_general3A_42 {dimension_numbers = #tpu.dot_dimension_numbers<[1], [0], [0], [1], [0, 0, 1, 1], [], []>, transpose_lhs_hint = false} : vector<2000x4xf32>, vector<4x8xf32>, vector<2000x8xf32> -> vector<2000x8xf32>
    %get3A_44 = arith.constant 0 : index
    %get3A_45 = arith.constant 0 : index
    %get3A_46 = vector.load %arg18[%get3A_44, %get3A_45] : memref<1x8xf32, #tpu.memory_space<vmem>>, vector<1x8xf32>
    %add3A_47 = vector.broadcast %get3A_46 : vector<1x8xf32> to vector<2000x8xf32>
    %add3A_48 = arith.addf %dot_general3A_43, %add3A_47 : vector<2000x8xf32>
    %get3A_49 = arith.constant 0 : index
    %get3A_50 = arith.constant 0 : index
    %get3A_51 = vector.load %arg19[%get3A_49, %get3A_50] : memref<8x8xf32, #tpu.memory_space<vmem>>, vector<8x8xf32>
    %dot_general3A_52 = arith.constant dense<0.000000e+00> : vector<2000x8xf32>
    %dot_general3A_53 = tpu.matmul %add3A_48, %get3A_51, %dot_general3A_52 {dimension_numbers = #tpu.dot_dimension_numbers<[1], [0], [0], [1], [0, 0, 1, 1], [], []>, transpose_lhs_hint = false} : vector<2000x8xf32>, vector<8x8xf32>, vector<2000x8xf32> -> vector<2000x8xf32>
    %get3A_54 = arith.constant 0 : index
    %get3A_55 = arith.constant 0 : index
    %get3A_56 = vector.load %arg20[%get3A_54, %get3A_55] : memref<1x8xf32, #tpu.memory_space<vmem>>, vector<1x8xf32>
    %add3A_57 = vector.broadcast %get3A_56 : vector<1x8xf32> to vector<2000x8xf32>
    %add3A_58 = arith.addf %dot_general3A_53, %add3A_57 : vector<2000x8xf32>
    %max3A_59 = arith.constant 0.000000e+00 : f32
    %max3A_60 = vector.broadcast %max3A_59 : f32 to vector<2000x8xf32>
    %max3A_61 = arith.maximumf %add3A_58, %max3A_60 : vector<2000x8xf32>
    %get3A_62 = arith.constant 0 : index
    %get3A_63 = arith.constant 0 : index
    %get3A_64 = vector.load %arg21[%get3A_62, %get3A_63] : memref<8x8xf32, #tpu.memory_space<vmem>>, vector<8x8xf32>
    %dot_general3A_65 = arith.constant dense<0.000000e+00> : vector<2000x8xf32>
    %dot_general3A_66 = tpu.matmul %max3A_61, %get3A_64, %dot_general3A_65 {dimension_numbers = #tpu.dot_dimension_numbers<[1], [0], [0], [1], [0, 0, 1, 1], [], []>, transpose_lhs_hint = false} : vector<2000x8xf32>, vector<8x8xf32>, vector<2000x8xf32> -> vector<2000x8xf32>
    %get3A_67 = arith.constant 0 : index
    %get3A_68 = arith.constant 0 : index
    %get3A_69 = vector.load %arg22[%get3A_67, %get3A_68] : memref<1x8xf32, #tpu.memory_space<vmem>>, vector<1x8xf32>
    %add3A_70 = vector.broadcast %get3A_69 : vector<1x8xf32> to vector<2000x8xf32>
    %add3A_71 = arith.addf %dot_general3A_66, %add3A_70 : vector<2000x8xf32>
    %get3A_72 = arith.constant 0 : index
    %get3A_73 = arith.constant 0 : index
    %get3A_74 = vector.load %arg23[%get3A_72, %get3A_73] : memref<8x8xf32, #tpu.memory_space<vmem>>, vector<8x8xf32>
    %dot_general3A_75 = arith.constant dense<0.000000e+00> : vector<2000x8xf32>
    %dot_general3A_76 = tpu.matmul %add3A_48, %get3A_74, %dot_general3A_75 {dimension_numbers = #tpu.dot_dimension_numbers<[1], [0], [0], [1], [0, 0, 1, 1], [], []>, transpose_lhs_hint = false} : vector<2000x8xf32>, vector<8x8xf32>, vector<2000x8xf32> -> vector<2000x8xf32>
    %get3A_77 = arith.constant 0 : index
    %get3A_78 = arith.constant 0 : index
    %get3A_79 = vector.load %arg24[%get3A_77, %get3A_78] : memref<1x8xf32, #tpu.memory_space<vmem>>, vector<1x8xf32>
    %add3A_80 = vector.broadcast %get3A_79 : vector<1x8xf32> to vector<2000x8xf32>
    %add3A_81 = arith.addf %dot_general3A_76, %add3A_80 : vector<2000x8xf32>
    %max3A_82 = arith.constant 0.000000e+00 : f32
    %max3A_83 = vector.broadcast %max3A_82 : f32 to vector<2000x8xf32>
    %max3A_84 = arith.maximumf %add3A_81, %max3A_83 : vector<2000x8xf32>
    %get3A_85 = arith.constant 0 : index
    %get3A_86 = arith.constant 0 : index
    %get3A_87 = vector.load %arg25[%get3A_85, %get3A_86] : memref<8x8xf32, #tpu.memory_space<vmem>>, vector<8x8xf32>
    %dot_general3A_88 = arith.constant dense<0.000000e+00> : vector<2000x8xf32>
    %dot_general3A_89 = tpu.matmul %max3A_84, %get3A_87, %dot_general3A_88 {dimension_numbers = #tpu.dot_dimension_numbers<[1], [0], [0], [1], [0, 0, 1, 1], [], []>, transpose_lhs_hint = false} : vector<2000x8xf32>, vector<8x8xf32>, vector<2000x8xf32> -> vector<2000x8xf32>
    %get3A_90 = arith.constant 0 : index
    %get3A_91 = arith.constant 0 : index
    %get3A_92 = vector.load %arg26[%get3A_90, %get3A_91] : memref<1x8xf32, #tpu.memory_space<vmem>>, vector<1x8xf32>
    %add3A_93 = vector.broadcast %get3A_92 : vector<1x8xf32> to vector<2000x8xf32>
    %add3A_94 = arith.addf %dot_general3A_89, %add3A_93 : vector<2000x8xf32>
    %get3A_95 = arith.constant 0 : index
    %get3A_96 = arith.constant 0 : index
    %get3A_97 = vector.load %arg6[%get3A_95, %get3A_96] : memref<2000x1xf32, #tpu.memory_space<vmem>>, vector<2000x1xf32>
    %mul3A_98 = arith.constant 0.00314159272 : f32
    %mul3A_99 = vector.broadcast %mul3A_98 : f32 to vector<2000x1xf32>
    %mul3A_100 = arith.mulf %get3A_97, %mul3A_99 : vector<2000x1xf32>
    %get3A_101 = arith.constant 0 : index
    %get3A_102 = arith.constant 0 : index
    %get3A_103 = vector.load %arg5[%get3A_101, %get3A_102] : memref<2000x8xf32, #tpu.memory_space<vmem>>, vector<2000x8xf32>
    %get3A_104 = arith.constant 0 : index
    %get3A_105 = arith.constant 0 : index
    %get3A_106 = vector.load %arg10[%get3A_104, %get3A_105] : memref<8x16xf32, #tpu.memory_space<vmem>>, vector<8x16xf32>
    %dot_general3A_107 = arith.constant dense<0.000000e+00> : vector<2000x16xf32>
    %dot_general3A_108 = tpu.matmul %get3A_103, %get3A_106, %dot_general3A_107 {dimension_numbers = #tpu.dot_dimension_numbers<[1], [0], [0], [1], [0, 0, 1, 1], [], []>, transpose_lhs_hint = false} : vector<2000x8xf32>, vector<8x16xf32>, vector<2000x16xf32> -> vector<2000x16xf32>
    %get3A_109 = arith.constant 0 : index
    %get3A_110 = arith.constant 0 : index
    %get3A_111 = vector.load %arg11[%get3A_109, %get3A_110] : memref<8x16xf32, #tpu.memory_space<vmem>>, vector<8x16xf32>
    %dot_general3A_112 = arith.constant dense<0.000000e+00> : vector<2000x16xf32>
    %dot_general3A_113 = tpu.matmul %mul3A_35, %get3A_111, %dot_general3A_112 {dimension_numbers = #tpu.dot_dimension_numbers<[1], [0], [0], [1], [0, 0, 1, 1], [], []>, transpose_lhs_hint = false} : vector<2000x8xf32>, vector<8x16xf32>, vector<2000x16xf32> -> vector<2000x16xf32>
    %add3A_114 = arith.addf %dot_general3A_108, %dot_general3A_113 : vector<2000x16xf32>
    %cos3A = math.cos %mul3A_100 : vector<2000x1xf32>
    %get3A_115 = arith.constant 0 : index
    %get3A_116 = arith.constant 0 : index
    %get3A_117 = vector.load %arg12[%get3A_115, %get3A_116] : memref<1x16xf32, #tpu.memory_space<vmem>>, vector<1x16xf32>
    %mul3A_118 = vector.broadcast %cos3A : vector<2000x1xf32> to vector<2000x16xf32>
    %mul3A_119 = vector.broadcast %get3A_117 : vector<1x16xf32> to vector<2000x16xf32>
    %mul3A_120 = arith.mulf %mul3A_118, %mul3A_119 : vector<2000x16xf32>
    %add3A_121 = arith.addf %add3A_114, %mul3A_120 : vector<2000x16xf32>
    %sin3A = math.sin %mul3A_100 : vector<2000x1xf32>
    %get3A_122 = arith.constant 0 : index
    %get3A_123 = arith.constant 0 : index
    %get3A_124 = vector.load %arg13[%get3A_122, %get3A_123] : memref<1x16xf32, #tpu.memory_space<vmem>>, vector<1x16xf32>
    %mul3A_125 = vector.broadcast %sin3A : vector<2000x1xf32> to vector<2000x16xf32>
    %mul3A_126 = vector.broadcast %get3A_124 : vector<1x16xf32> to vector<2000x16xf32>
    %mul3A_127 = arith.mulf %mul3A_125, %mul3A_126 : vector<2000x16xf32>
    %add3A_128 = arith.addf %add3A_121, %mul3A_127 : vector<2000x16xf32>
    %get3A_129 = arith.constant 0 : index
    %get3A_130 = arith.constant 0 : index
    %get3A_131 = vector.load %arg14[%get3A_129, %get3A_130] : memref<1x16xf32, #tpu.memory_space<vmem>>, vector<1x16xf32>
    %add3A_132 = vector.broadcast %get3A_131 : vector<1x16xf32> to vector<2000x16xf32>
    %add3A_133 = arith.addf %add3A_128, %add3A_132 : vector<2000x16xf32>
    %max3A_134 = arith.constant 0.000000e+00 : f32
    %max3A_135 = vector.broadcast %max3A_134 : f32 to vector<2000x16xf32>
    %max3A_136 = arith.maximumf %add3A_133, %max3A_135 : vector<2000x16xf32>
    %get3A_137 = arith.constant 0 : index
    %get3A_138 = arith.constant 0 : index
    %get3A_139 = vector.load %arg15[%get3A_137, %get3A_138] : memref<16x8xf32, #tpu.memory_space<vmem>>, vector<16x8xf32>
    %dot_general3A_140 = arith.constant dense<0.000000e+00> : vector<2000x8xf32>
    %dot_general3A_141 = tpu.matmul %max3A_136, %get3A_139, %dot_general3A_140 {dimension_numbers = #tpu.dot_dimension_numbers<[1], [0], [0], [1], [0, 0, 1, 1], [], []>, transpose_lhs_hint = false} : vector<2000x16xf32>, vector<16x8xf32>, vector<2000x8xf32> -> vector<2000x8xf32>
    %get3A_142 = arith.constant 0 : index
    %get3A_143 = arith.constant 0 : index
    %get3A_144 = vector.load %arg16[%get3A_142, %get3A_143] : memref<1x8xf32, #tpu.memory_space<vmem>>, vector<1x8xf32>
    %add3A_145 = vector.broadcast %get3A_144 : vector<1x8xf32> to vector<2000x8xf32>
    %add3A_146 = arith.addf %dot_general3A_141, %add3A_145 : vector<2000x8xf32>
    %mul3A_147 = arith.mulf %add3A_71, %add3A_146 : vector<2000x8xf32>
    %add3A_148 = arith.addf %mul3A_147, %add3A_94 : vector<2000x8xf32>
    %swap3A = arith.constant 0 : index
    %swap3A_149 = arith.constant 0 : index
    %swap3A_150 = vector.load %arg28[%swap3A, %swap3A_149] : memref<2000x8xf32, #tpu.memory_space<vmem>>, vector<2000x8xf32>
    tpu.vector_store %arg28[%swap3A, %swap3A_149], %add3A_148 {strides = array<i32>} : memref<2000x8xf32, #tpu.memory_space<vmem>>, vector<2000x8xf32>,
    %get3A_151 = arith.constant 0 : index
    %get3A_152 = arith.constant 0 : index
    %get3A_153 = vector.load %arg27[%get3A_151, %get3A_152] : memref<8x16xf32, #tpu.memory_space<vmem>>, vector<8x16xf32>
    %dot_general3A_154 = arith.constant dense<0.000000e+00> : vector<2000x16xf32>
    %dot_general3A_155 = tpu.matmul %add3A_148, %get3A_153, %dot_general3A_154 {dimension_numbers = #tpu.dot_dimension_numbers<[1], [0], [0], [1], [0, 0, 1, 1], [], []>, transpose_lhs_hint = false} : vector<2000x8xf32>, vector<8x16xf32>, vector<2000x16xf32> -> vector<2000x16xf32>
    %swap3A_156 = arith.constant 0 : index
    %swap3A_157 = arith.constant 0 : index
    %swap3A_158 = vector.load %arg29[%swap3A_156, %swap3A_157] : memref<2000x16xf32, #tpu.memory_space<vmem>>, vector<2000x16xf32>
    tpu.vector_store %arg29[%swap3A_156, %swap3A_157], %dot_general3A_155 {strides = array<i32>} : memref<2000x16xf32, #tpu.memory_space<vmem>>, vector<2000x16xf32>,
    return
  }
  func.func @transform_0(%arg0: i32) -> (i32, i32, i32) {
    %c0_i32 = arith.constant 0 : i32
    %c0_i32_0 = arith.constant 0 : i32
    %c0_i32_1 = arith.constant 0 : i32
    return %c0_i32, %arg0, %c0_i32_0 : i32, i32, i32
  }
  func.func @transform_1(%arg0: i32) -> (i32, i32, i32) {
    %c1_i32 = arith.constant 1 : i32
    %c0_i32 = arith.constant 0 : i32
    %c0_i32_0 = arith.constant 0 : i32
    return %c1_i32, %arg0, %c0_i32 : i32, i32, i32
  }
  func.func @transform_2(%arg0: i32) -> (i32, i32, i32) {
    %c0_i32 = arith.constant 0 : i32
    %c0_i32_0 = arith.constant 0 : i32
    %c0_i32_1 = arith.constant 0 : i32
    return %c0_i32, %arg0, %c0_i32_0 : i32, i32, i32
  }
  func.func @transform_3(%arg0: i32) -> (i32, i32, i32) {
    %c1_i32 = arith.constant 1 : i32
    %c0_i32 = arith.constant 0 : i32
    %c0_i32_0 = arith.constant 0 : i32
    return %c1_i32, %arg0, %c0_i32 : i32, i32, i32
  }
  func.func @transform_4(%arg0: i32) -> (i32, i32) {
    %c0_i32 = arith.constant 0 : i32
    %c0_i32_0 = arith.constant 0 : i32
    return %arg0, %c0_i32 : i32, i32
  }
  func.func @transform_5(%arg0: i32) -> (i32, i32) {
    %c0_i32 = arith.constant 0 : i32
    %c0_i32_0 = arith.constant 0 : i32
    return %arg0, %c0_i32 : i32, i32
  }
  func.func @transform_6(%arg0: i32) -> (i32, i32) {
    %c0_i32 = arith.constant 0 : i32
    %c0_i32_0 = arith.constant 0 : i32
    return %arg0, %c0_i32 : i32, i32
  }
  func.func @transform_7(%arg0: i32) -> (i32, i32) {
    %c0_i32 = arith.constant 0 : i32
    %c0_i32_0 = arith.constant 0 : i32
    %c0_i32_1 = arith.constant 0 : i32
    return %c0_i32, %c0_i32_0 : i32, i32
  }
  func.func @transform_8(%arg0: i32) -> (i32, i32) {
    %c0_i32 = arith.constant 0 : i32
    %c0_i32_0 = arith.constant 0 : i32
    %c0_i32_1 = arith.constant 0 : i32
    return %c0_i32, %c0_i32_0 : i32, i32
  }
  func.func @transform_9(%arg0: i32) -> (i32, i32) {
    %c0_i32 = arith.constant 0 : i32
    %c0_i32_0 = arith.constant 0 : i32
    %c0_i32_1 = arith.constant 0 : i32
    return %c0_i32, %c0_i32_0 : i32, i32
  }
  func.func @transform_10(%arg0: i32) -> (i32, i32) {
    %c0_i32 = arith.constant 0 : i32
    %c0_i32_0 = arith.constant 0 : i32
    %c0_i32_1 = arith.constant 0 : i32
    return %c0_i32, %c0_i32_0 : i32, i32
  }
  func.func @transform_11(%arg0: i32) -> (i32, i32) {
    %c0_i32 = arith.constant 0 : i32
    %c0_i32_0 = arith.constant 0 : i32
    %c0_i32_1 = arith.constant 0 : i32
    return %c0_i32, %c0_i32_0 : i32, i32
  }
  func.func @transform_12(%arg0: i32) -> (i32, i32) {
    %c0_i32 = arith.constant 0 : i32
    %c0_i32_0 = arith.constant 0 : i32
    %c0_i32_1 = arith.constant 0 : i32
    return %c0_i32, %c0_i32_0 : i32, i32
  }
  func.func @transform_13(%arg0: i32) -> (i32, i32) {
    %c0_i32 = arith.constant 0 : i32
    %c0_i32_0 = arith.constant 0 : i32
    %c0_i32_1 = arith.constant 0 : i32
    return %c0_i32, %c0_i32_0 : i32, i32
  }
  func.func @transform_14(%arg0: i32) -> (i32, i32) {
    %c0_i32 = arith.constant 0 : i32
    %c0_i32_0 = arith.constant 0 : i32
    %c0_i32_1 = arith.constant 0 : i32
    return %c0_i32, %c0_i32_0 : i32, i32
  }
  func.func @transform_15(%arg0: i32) -> (i32, i32) {
    %c0_i32 = arith.constant 0 : i32
    %c0_i32_0 = arith.constant 0 : i32
    %c0_i32_1 = arith.constant 0 : i32
    return %c0_i32, %c0_i32_0 : i32, i32
  }
  func.func @transform_16(%arg0: i32) -> (i32, i32) {
    %c0_i32 = arith.constant 0 : i32
    %c0_i32_0 = arith.constant 0 : i32
    %c0_i32_1 = arith.constant 0 : i32
    return %c0_i32, %c0_i32_0 : i32, i32
  }
  func.func @transform_17(%arg0: i32) -> (i32, i32) {
    %c0_i32 = arith.constant 0 : i32
    %c0_i32_0 = arith.constant 0 : i32
    %c0_i32_1 = arith.constant 0 : i32
    return %c0_i32, %c0_i32_0 : i32, i32
  }
  func.func @transform_18(%arg0: i32) -> (i32, i32) {
    %c0_i32 = arith.constant 0 : i32
    %c0_i32_0 = arith.constant 0 : i32
    %c0_i32_1 = arith.constant 0 : i32
    return %c0_i32, %c0_i32_0 : i32, i32
  }
  func.func @transform_19(%arg0: i32) -> (i32, i32) {
    %c0_i32 = arith.constant 0 : i32
    %c0_i32_0 = arith.constant 0 : i32
    %c0_i32_1 = arith.constant 0 : i32
    return %c0_i32, %c0_i32_0 : i32, i32
  }
  func.func @transform_20(%arg0: i32) -> (i32, i32) {
    %c0_i32 = arith.constant 0 : i32
    %c0_i32_0 = arith.constant 0 : i32
    %c0_i32_1 = arith.constant 0 : i32
    return %c0_i32, %c0_i32_0 : i32, i32
  }
  func.func @transform_21(%arg0: i32) -> (i32, i32) {
    %c0_i32 = arith.constant 0 : i32
    %c0_i32_0 = arith.constant 0 : i32
    %c0_i32_1 = arith.constant 0 : i32
    return %c0_i32, %c0_i32_0 : i32, i32
  }
  func.func @transform_22(%arg0: i32) -> (i32, i32) {
    %c0_i32 = arith.constant 0 : i32
    %c0_i32_0 = arith.constant 0 : i32
    %c0_i32_1 = arith.constant 0 : i32
    return %c0_i32, %c0_i32_0 : i32, i32
  }
  func.func @transform_23(%arg0: i32) -> (i32, i32) {
    %c0_i32 = arith.constant 0 : i32
    %c0_i32_0 = arith.constant 0 : i32
    %c0_i32_1 = arith.constant 0 : i32
    return %c0_i32, %c0_i32_0 : i32, i32
  }
  func.func @transform_24(%arg0: i32) -> (i32, i32) {
    %c0_i32 = arith.constant 0 : i32
    %c0_i32_0 = arith.constant 0 : i32
    %c0_i32_1 = arith.constant 0 : i32
    return %c0_i32, %c0_i32_0 : i32, i32
  }
  func.func @transform_25(%arg0: i32) -> (i32, i32) {
    %c0_i32 = arith.constant 0 : i32
    %c0_i32_0 = arith.constant 0 : i32
    %c0_i32_1 = arith.constant 0 : i32
    return %c0_i32, %c0_i32_0 : i32, i32
  }
  func.func @transform_26(%arg0: i32) -> (i32, i32) {
    %c0_i32 = arith.constant 0 : i32
    %c0_i32_0 = arith.constant 0 : i32
    %c0_i32_1 = arith.constant 0 : i32
    return %c0_i32, %c0_i32_0 : i32, i32
  }
  func.func @transform_27(%arg0: i32) -> (i32, i32) {
    %c0_i32 = arith.constant 0 : i32
    %c0_i32_0 = arith.constant 0 : i32
    return %arg0, %c0_i32 : i32, i32
  }
  func.func @transform_28(%arg0: i32) -> (i32, i32) {
    %c0_i32 = arith.constant 0 : i32
    %c0_i32_0 = arith.constant 0 : i32
    return %arg0, %c0_i32 : i32, i32
  }
}

module attributes {stable_mosaic.version = 14 : i64} {
  func.func @body(%arg0: i32, %arg1: memref<1x2000x16xf32, #tpu.memory_space<vmem>>, %arg2: memref<1x2000x16xf32, #tpu.memory_space<vmem>>, %arg3: memref<1x2000x16xf32, #tpu.memory_space<vmem>>, %arg4: memref<1x2000x16xf32, #tpu.memory_space<vmem>>, %arg5: memref<2000x8xf32, #tpu.memory_space<vmem>>, %arg6: memref<2000x1xf32, #tpu.memory_space<vmem>>, %arg7: memref<2000x4xf32, #tpu.memory_space<vmem>>, %arg8: memref<8x8xf32, #tpu.memory_space<vmem>>, %arg9: memref<1x8xf32, #tpu.memory_space<vmem>>, %arg10: memref<8x13xf32, #tpu.memory_space<vmem>>, %arg11: memref<8x13xf32, #tpu.memory_space<vmem>>, %arg12: memref<1x13xf32, #tpu.memory_space<vmem>>, %arg13: memref<1x13xf32, #tpu.memory_space<vmem>>, %arg14: memref<1x13xf32, #tpu.memory_space<vmem>>, %arg15: memref<13x5xf32, #tpu.memory_space<vmem>>, %arg16: memref<1x5xf32, #tpu.memory_space<vmem>>, %arg17: memref<4x8xf32, #tpu.memory_space<vmem>>, %arg18: memref<1x8xf32, #tpu.memory_space<vmem>>, %arg19: memref<8x8xf32, #tpu.memory_space<vmem>>, %arg20: memref<1x8xf32, #tpu.memory_space<vmem>>, %arg21: memref<8x5xf32, #tpu.memory_space<vmem>>, %arg22: memref<1x5xf32, #tpu.memory_space<vmem>>, %arg23: memref<8x8xf32, #tpu.memory_space<vmem>>, %arg24: memref<1x8xf32, #tpu.memory_space<vmem>>, %arg25: memref<8x5xf32, #tpu.memory_space<vmem>>, %arg26: memref<1x5xf32, #tpu.memory_space<vmem>>, %arg27: memref<2000x5xf32, #tpu.memory_space<vmem>>) attributes {dimension_semantics = [#tpu.dimension_semantics<arbitrary>], iteration_bounds = array<i64: 25>, scalar_prefetch = 0 : i64, scratch_operands = 0 : i64, tpu.core_type = #tpu.core_type<tc>, window_params = [{transform_indices = @transform_0, window_bounds = array<i64: 1, 2000, 16>}, {transform_indices = @transform_1, window_bounds = array<i64: 1, 2000, 16>}, {transform_indices = @transform_2, window_bounds = array<i64: 1, 2000, 16>}, {transform_indices = @transform_3, window_bounds = array<i64: 1, 2000, 16>}, {transform_indices = @transform_4, window_bounds = array<i64: 2000, 8>}, {transform_indices = @transform_5, window_bounds = array<i64: 2000, 1>}, {transform_indices = @transform_6, window_bounds = array<i64: 2000, 4>}, {pipeline_mode = #tpu.pipeline_mode<synchronous>, transform_indices = @transform_7, window_bounds = array<i64: 8, 8>}, {pipeline_mode = #tpu.pipeline_mode<synchronous>, transform_indices = @transform_8, window_bounds = array<i64: 1, 8>}, {pipeline_mode = #tpu.pipeline_mode<synchronous>, transform_indices = @transform_9, window_bounds = array<i64: 8, 13>}, {pipeline_mode = #tpu.pipeline_mode<synchronous>, transform_indices = @transform_10, window_bounds = array<i64: 8, 13>}, {pipeline_mode = #tpu.pipeline_mode<synchronous>, transform_indices = @transform_11, window_bounds = array<i64: 1, 13>}, {pipeline_mode = #tpu.pipeline_mode<synchronous>, transform_indices = @transform_12, window_bounds = array<i64: 1, 13>}, {pipeline_mode = #tpu.pipeline_mode<synchronous>, transform_indices = @transform_13, window_bounds = array<i64: 1, 13>}, {pipeline_mode = #tpu.pipeline_mode<synchronous>, transform_indices = @transform_14, window_bounds = array<i64: 13, 5>}, {pipeline_mode = #tpu.pipeline_mode<synchronous>, transform_indices = @transform_15, window_bounds = array<i64: 1, 5>}, {pipeline_mode = #tpu.pipeline_mode<synchronous>, transform_indices = @transform_16, window_bounds = array<i64: 4, 8>}, {pipeline_mode = #tpu.pipeline_mode<synchronous>, transform_indices = @transform_17, window_bounds = array<i64: 1, 8>}, {pipeline_mode = #tpu.pipeline_mode<synchronous>, transform_indices = @transform_18, window_bounds = array<i64: 8, 8>}, {pipeline_mode = #tpu.pipeline_mode<synchronous>, transform_indices = @transform_19, window_bounds = array<i64: 1, 8>}, {pipeline_mode = #tpu.pipeline_mode<synchronous>, transform_indices = @transform_20, window_bounds = array<i64: 8, 5>}, {pipeline_mode = #tpu.pipeline_mode<synchronous>, transform_indices = @transform_21, window_bounds = array<i64: 1, 5>}, {pipeline_mode = #tpu.pipeline_mode<synchronous>, transform_indices = @transform_22, window_bounds = array<i64: 8, 8>}, {pipeline_mode = #tpu.pipeline_mode<synchronous>, transform_indices = @transform_23, window_bounds = array<i64: 1, 8>}, {pipeline_mode = #tpu.pipeline_mode<synchronous>, transform_indices = @transform_24, window_bounds = array<i64: 8, 5>}, {pipeline_mode = #tpu.pipeline_mode<synchronous>, transform_indices = @transform_25, window_bounds = array<i64: 1, 5>}, {transform_indices = @transform_26, window_bounds = array<i64: 2000, 5>}]} {
    %get3A = arith.constant 0 : index
    %get3A_0 = arith.constant 0 : index
    %get3A_1 = arith.constant 0 : index
    %get3A_2 = vector.load %arg1[%get3A, %get3A_0, %get3A_1] : memref<1x2000x16xf32, #tpu.memory_space<vmem>>, vector<1x2000x8xf32>
    %get3A_3 = vector.shape_cast %get3A_2 : vector<1x2000x8xf32> to vector<2000x8xf32>
    %get3A_4 = arith.constant 0 : index
    %get3A_5 = arith.constant 0 : index
    %get3A_6 = arith.constant 0 : index
    %get3A_7 = vector.load %arg2[%get3A_4, %get3A_5, %get3A_6] : memref<1x2000x16xf32, #tpu.memory_space<vmem>>, vector<1x2000x8xf32>
    %get3A_8 = vector.shape_cast %get3A_7 : vector<1x2000x8xf32> to vector<2000x8xf32>
    %add3A = arith.addf %get3A_3, %get3A_8 : vector<2000x8xf32>
    %get3A_9 = arith.constant 0 : index
    %get3A_10 = arith.constant 0 : index
    %get3A_11 = arith.constant 8 : index
    %get3A_12 = vector.load %arg3[%get3A_9, %get3A_10, %get3A_11] : memref<1x2000x16xf32, #tpu.memory_space<vmem>>, vector<1x2000x1xf32>
    %get3A_13 = vector.shape_cast %get3A_12 : vector<1x2000x1xf32> to vector<2000x1xf32>
    %get3A_14 = arith.constant 0 : index
    %get3A_15 = arith.constant 0 : index
    %get3A_16 = arith.constant 8 : index
    %get3A_17 = vector.load %arg4[%get3A_14, %get3A_15, %get3A_16] : memref<1x2000x16xf32, #tpu.memory_space<vmem>>, vector<1x2000x1xf32>
    %get3A_18 = vector.shape_cast %get3A_17 : vector<1x2000x1xf32> to vector<2000x1xf32>
    %add3A_19 = arith.addf %get3A_13, %get3A_18 : vector<2000x1xf32>
    %max3A = arith.constant 1.000000e+00 : f32
    %max3A_20 = vector.broadcast %max3A : f32 to vector<2000x1xf32>
    %max3A_21 = arith.maximumf %add3A_19, %max3A_20 : vector<2000x1xf32>
    %div3A = arith.constant 1.000000e+00 : f32
    %div3A_22 = vector.broadcast %div3A : f32 to vector<2000x1xf32>
    %div3A_23 = arith.divf %div3A_22, %max3A_21 : vector<2000x1xf32>
    %get3A_24 = arith.constant 0 : index
    %get3A_25 = arith.constant 0 : index
    %get3A_26 = vector.load %arg8[%get3A_24, %get3A_25] : memref<8x8xf32, #tpu.memory_space<vmem>>, vector<8x8xf32>
    %dot_general3A = arith.constant dense<0.000000e+00> : vector<2000x8xf32>
    %dot_general3A_27 = tpu.matmul %add3A, %get3A_26, %dot_general3A {dimension_numbers = #tpu.dot_dimension_numbers<[1], [0], [0], [1], [0, 0, 1, 1], [], []>, transpose_lhs_hint = false} : vector<2000x8xf32>, vector<8x8xf32>, vector<2000x8xf32> -> vector<2000x8xf32>
    %get3A_28 = arith.constant 0 : index
    %get3A_29 = arith.constant 0 : index
    %get3A_30 = vector.load %arg9[%get3A_28, %get3A_29] : memref<1x8xf32, #tpu.memory_space<vmem>>, vector<1x8xf32>
    %mul3A = vector.broadcast %add3A_19 : vector<2000x1xf32> to vector<2000x8xf32>
    %mul3A_31 = vector.broadcast %get3A_30 : vector<1x8xf32> to vector<2000x8xf32>
    %mul3A_32 = arith.mulf %mul3A, %mul3A_31 : vector<2000x8xf32>
    %add3A_33 = arith.addf %dot_general3A_27, %mul3A_32 : vector<2000x8xf32>
    %mul3A_34 = vector.broadcast %div3A_23 : vector<2000x1xf32> to vector<2000x8xf32>
    %mul3A_35 = arith.mulf %add3A_33, %mul3A_34 : vector<2000x8xf32>
    %get3A_36 = arith.constant 0 : index
    %get3A_37 = arith.constant 0 : index
    %get3A_38 = vector.load %arg7[%get3A_36, %get3A_37] : memref<2000x4xf32, #tpu.memory_space<vmem>>, vector<2000x4xf32>
    %get3A_39 = arith.constant 0 : index
    %get3A_40 = arith.constant 0 : index
    %get3A_41 = vector.load %arg17[%get3A_39, %get3A_40] : memref<4x8xf32, #tpu.memory_space<vmem>>, vector<4x8xf32>
    %dot_general3A_42 = arith.constant dense<0.000000e+00> : vector<2000x8xf32>
    %dot_general3A_43 = tpu.matmul %get3A_38, %get3A_41, %dot_general3A_42 {dimension_numbers = #tpu.dot_dimension_numbers<[1], [0], [0], [1], [0, 0, 1, 1], [], []>, transpose_lhs_hint = false} : vector<2000x4xf32>, vector<4x8xf32>, vector<2000x8xf32> -> vector<2000x8xf32>
    %get3A_44 = arith.constant 0 : index
    %get3A_45 = arith.constant 0 : index
    %get3A_46 = vector.load %arg18[%get3A_44, %get3A_45] : memref<1x8xf32, #tpu.memory_space<vmem>>, vector<1x8xf32>
    %add3A_47 = vector.broadcast %get3A_46 : vector<1x8xf32> to vector<2000x8xf32>
    %add3A_48 = arith.addf %dot_general3A_43, %add3A_47 : vector<2000x8xf32>
    %get3A_49 = arith.constant 0 : index
    %get3A_50 = arith.constant 0 : index
    %get3A_51 = vector.load %arg19[%get3A_49, %get3A_50] : memref<8x8xf32, #tpu.memory_space<vmem>>, vector<8x8xf32>
    %dot_general3A_52 = arith.constant dense<0.000000e+00> : vector<2000x8xf32>
    %dot_general3A_53 = tpu.matmul %add3A_48, %get3A_51, %dot_general3A_52 {dimension_numbers = #tpu.dot_dimension_numbers<[1], [0], [0], [1], [0, 0, 1, 1], [], []>, transpose_lhs_hint = false} : vector<2000x8xf32>, vector<8x8xf32>, vector<2000x8xf32> -> vector<2000x8xf32>
    %get3A_54 = arith.constant 0 : index
    %get3A_55 = arith.constant 0 : index
    %get3A_56 = vector.load %arg20[%get3A_54, %get3A_55] : memref<1x8xf32, #tpu.memory_space<vmem>>, vector<1x8xf32>
    %add3A_57 = vector.broadcast %get3A_56 : vector<1x8xf32> to vector<2000x8xf32>
    %add3A_58 = arith.addf %dot_general3A_53, %add3A_57 : vector<2000x8xf32>
    %max3A_59 = arith.constant 0.000000e+00 : f32
    %max3A_60 = vector.broadcast %max3A_59 : f32 to vector<2000x8xf32>
    %max3A_61 = arith.maximumf %add3A_58, %max3A_60 : vector<2000x8xf32>
    %get3A_62 = arith.constant 0 : index
    %get3A_63 = arith.constant 0 : index
    %get3A_64 = vector.load %arg21[%get3A_62, %get3A_63] : memref<8x5xf32, #tpu.memory_space<vmem>>, vector<8x5xf32>
    %dot_general3A_65 = arith.constant dense<0.000000e+00> : vector<2000x5xf32>
    %dot_general3A_66 = tpu.matmul %max3A_61, %get3A_64, %dot_general3A_65 {dimension_numbers = #tpu.dot_dimension_numbers<[1], [0], [0], [1], [0, 0, 1, 1], [], []>, transpose_lhs_hint = false} : vector<2000x8xf32>, vector<8x5xf32>, vector<2000x5xf32> -> vector<2000x5xf32>
    %get3A_67 = arith.constant 0 : index
    %get3A_68 = arith.constant 0 : index
    %get3A_69 = vector.load %arg22[%get3A_67, %get3A_68] : memref<1x5xf32, #tpu.memory_space<vmem>>, vector<1x5xf32>
    %add3A_70 = vector.broadcast %get3A_69 : vector<1x5xf32> to vector<2000x5xf32>
    %add3A_71 = arith.addf %dot_general3A_66, %add3A_70 : vector<2000x5xf32>
    %get3A_72 = arith.constant 0 : index
    %get3A_73 = arith.constant 0 : index
    %get3A_74 = vector.load %arg23[%get3A_72, %get3A_73] : memref<8x8xf32, #tpu.memory_space<vmem>>, vector<8x8xf32>
    %dot_general3A_75 = arith.constant dense<0.000000e+00> : vector<2000x8xf32>
    %dot_general3A_76 = tpu.matmul %add3A_48, %get3A_74, %dot_general3A_75 {dimension_numbers = #tpu.dot_dimension_numbers<[1], [0], [0], [1], [0, 0, 1, 1], [], []>, transpose_lhs_hint = false} : vector<2000x8xf32>, vector<8x8xf32>, vector<2000x8xf32> -> vector<2000x8xf32>
    %get3A_77 = arith.constant 0 : index
    %get3A_78 = arith.constant 0 : index
    %get3A_79 = vector.load %arg24[%get3A_77, %get3A_78] : memref<1x8xf32, #tpu.memory_space<vmem>>, vector<1x8xf32>
    %add3A_80 = vector.broadcast %get3A_79 : vector<1x8xf32> to vector<2000x8xf32>
    %add3A_81 = arith.addf %dot_general3A_76, %add3A_80 : vector<2000x8xf32>
    %max3A_82 = arith.constant 0.000000e+00 : f32
    %max3A_83 = vector.broadcast %max3A_82 : f32 to vector<2000x8xf32>
    %max3A_84 = arith.maximumf %add3A_81, %max3A_83 : vector<2000x8xf32>
    %get3A_85 = arith.constant 0 : index
    %get3A_86 = arith.constant 0 : index
    %get3A_87 = vector.load %arg25[%get3A_85, %get3A_86] : memref<8x5xf32, #tpu.memory_space<vmem>>, vector<8x5xf32>
    %dot_general3A_88 = arith.constant dense<0.000000e+00> : vector<2000x5xf32>
    %dot_general3A_89 = tpu.matmul %max3A_84, %get3A_87, %dot_general3A_88 {dimension_numbers = #tpu.dot_dimension_numbers<[1], [0], [0], [1], [0, 0, 1, 1], [], []>, transpose_lhs_hint = false} : vector<2000x8xf32>, vector<8x5xf32>, vector<2000x5xf32> -> vector<2000x5xf32>
    %get3A_90 = arith.constant 0 : index
    %get3A_91 = arith.constant 0 : index
    %get3A_92 = vector.load %arg26[%get3A_90, %get3A_91] : memref<1x5xf32, #tpu.memory_space<vmem>>, vector<1x5xf32>
    %add3A_93 = vector.broadcast %get3A_92 : vector<1x5xf32> to vector<2000x5xf32>
    %add3A_94 = arith.addf %dot_general3A_89, %add3A_93 : vector<2000x5xf32>
    %get3A_95 = arith.constant 0 : index
    %get3A_96 = arith.constant 0 : index
    %get3A_97 = vector.load %arg6[%get3A_95, %get3A_96] : memref<2000x1xf32, #tpu.memory_space<vmem>>, vector<2000x1xf32>
    %mul3A_98 = arith.constant 0.00314159272 : f32
    %mul3A_99 = vector.broadcast %mul3A_98 : f32 to vector<2000x1xf32>
    %mul3A_100 = arith.mulf %get3A_97, %mul3A_99 : vector<2000x1xf32>
    %get3A_101 = arith.constant 0 : index
    %get3A_102 = arith.constant 0 : index
    %get3A_103 = vector.load %arg5[%get3A_101, %get3A_102] : memref<2000x8xf32, #tpu.memory_space<vmem>>, vector<2000x8xf32>
    %get3A_104 = arith.constant 0 : index
    %get3A_105 = arith.constant 0 : index
    %get3A_106 = vector.load %arg10[%get3A_104, %get3A_105] : memref<8x13xf32, #tpu.memory_space<vmem>>, vector<8x13xf32>
    %dot_general3A_107 = arith.constant dense<0.000000e+00> : vector<2000x13xf32>
    %dot_general3A_108 = tpu.matmul %get3A_103, %get3A_106, %dot_general3A_107 {dimension_numbers = #tpu.dot_dimension_numbers<[1], [0], [0], [1], [0, 0, 1, 1], [], []>, transpose_lhs_hint = false} : vector<2000x8xf32>, vector<8x13xf32>, vector<2000x13xf32> -> vector<2000x13xf32>
    %get3A_109 = arith.constant 0 : index
    %get3A_110 = arith.constant 0 : index
    %get3A_111 = vector.load %arg11[%get3A_109, %get3A_110] : memref<8x13xf32, #tpu.memory_space<vmem>>, vector<8x13xf32>
    %dot_general3A_112 = arith.constant dense<0.000000e+00> : vector<2000x13xf32>
    %dot_general3A_113 = tpu.matmul %mul3A_35, %get3A_111, %dot_general3A_112 {dimension_numbers = #tpu.dot_dimension_numbers<[1], [0], [0], [1], [0, 0, 1, 1], [], []>, transpose_lhs_hint = false} : vector<2000x8xf32>, vector<8x13xf32>, vector<2000x13xf32> -> vector<2000x13xf32>
    %add3A_114 = arith.addf %dot_general3A_108, %dot_general3A_113 : vector<2000x13xf32>
    %cos3A = math.cos %mul3A_100 : vector<2000x1xf32>
    %get3A_115 = arith.constant 0 : index
    %get3A_116 = arith.constant 0 : index
    %get3A_117 = vector.load %arg12[%get3A_115, %get3A_116] : memref<1x13xf32, #tpu.memory_space<vmem>>, vector<1x13xf32>
    %mul3A_118 = vector.broadcast %cos3A : vector<2000x1xf32> to vector<2000x13xf32>
    %mul3A_119 = vector.broadcast %get3A_117 : vector<1x13xf32> to vector<2000x13xf32>
    %mul3A_120 = arith.mulf %mul3A_118, %mul3A_119 : vector<2000x13xf32>
    %add3A_121 = arith.addf %add3A_114, %mul3A_120 : vector<2000x13xf32>
    %sin3A = math.sin %mul3A_100 : vector<2000x1xf32>
    %get3A_122 = arith.constant 0 : index
    %get3A_123 = arith.constant 0 : index
    %get3A_124 = vector.load %arg13[%get3A_122, %get3A_123] : memref<1x13xf32, #tpu.memory_space<vmem>>, vector<1x13xf32>
    %mul3A_125 = vector.broadcast %sin3A : vector<2000x1xf32> to vector<2000x13xf32>
    %mul3A_126 = vector.broadcast %get3A_124 : vector<1x13xf32> to vector<2000x13xf32>
    %mul3A_127 = arith.mulf %mul3A_125, %mul3A_126 : vector<2000x13xf32>
    %add3A_128 = arith.addf %add3A_121, %mul3A_127 : vector<2000x13xf32>
    %get3A_129 = arith.constant 0 : index
    %get3A_130 = arith.constant 0 : index
    %get3A_131 = vector.load %arg14[%get3A_129, %get3A_130] : memref<1x13xf32, #tpu.memory_space<vmem>>, vector<1x13xf32>
    %add3A_132 = vector.broadcast %get3A_131 : vector<1x13xf32> to vector<2000x13xf32>
    %add3A_133 = arith.addf %add3A_128, %add3A_132 : vector<2000x13xf32>
    %max3A_134 = arith.constant 0.000000e+00 : f32
    %max3A_135 = vector.broadcast %max3A_134 : f32 to vector<2000x13xf32>
    %max3A_136 = arith.maximumf %add3A_133, %max3A_135 : vector<2000x13xf32>
    %get3A_137 = arith.constant 0 : index
    %get3A_138 = arith.constant 0 : index
    %get3A_139 = vector.load %arg15[%get3A_137, %get3A_138] : memref<13x5xf32, #tpu.memory_space<vmem>>, vector<13x5xf32>
    %dot_general3A_140 = arith.constant dense<0.000000e+00> : vector<2000x5xf32>
    %dot_general3A_141 = tpu.matmul %max3A_136, %get3A_139, %dot_general3A_140 {dimension_numbers = #tpu.dot_dimension_numbers<[1], [0], [0], [1], [0, 0, 1, 1], [], []>, transpose_lhs_hint = false} : vector<2000x13xf32>, vector<13x5xf32>, vector<2000x5xf32> -> vector<2000x5xf32>
    %get3A_142 = arith.constant 0 : index
    %get3A_143 = arith.constant 0 : index
    %get3A_144 = vector.load %arg16[%get3A_142, %get3A_143] : memref<1x5xf32, #tpu.memory_space<vmem>>, vector<1x5xf32>
    %add3A_145 = vector.broadcast %get3A_144 : vector<1x5xf32> to vector<2000x5xf32>
    %add3A_146 = arith.addf %dot_general3A_141, %add3A_145 : vector<2000x5xf32>
    %mul3A_147 = arith.mulf %add3A_71, %add3A_146 : vector<2000x5xf32>
    %add3A_148 = arith.addf %mul3A_147, %add3A_94 : vector<2000x5xf32>
    %swap3A = arith.constant 0 : index
    %swap3A_149 = arith.constant 0 : index
    %swap3A_150 = vector.load %arg27[%swap3A, %swap3A_149] : memref<2000x5xf32, #tpu.memory_space<vmem>>, vector<2000x5xf32>
    tpu.vector_store %arg27[%swap3A, %swap3A_149], %add3A_148 {strides = array<i32>} : memref<2000x5xf32, #tpu.memory_space<vmem>>, vector<2000x5xf32>,
    return
  }
  func.func @transform_0(%arg0: i32) -> (i32, i32, i32) {
    %c0_i32 = arith.constant 0 : i32
    %c0_i32_0 = arith.constant 0 : i32
    %c0_i32_1 = arith.constant 0 : i32
    return %c0_i32, %arg0, %c0_i32_0 : i32, i32, i32
  }
  func.func @transform_1(%arg0: i32) -> (i32, i32, i32) {
    %c1_i32 = arith.constant 1 : i32
    %c0_i32 = arith.constant 0 : i32
    %c0_i32_0 = arith.constant 0 : i32
    return %c1_i32, %arg0, %c0_i32 : i32, i32, i32
  }
  func.func @transform_2(%arg0: i32) -> (i32, i32, i32) {
    %c0_i32 = arith.constant 0 : i32
    %c0_i32_0 = arith.constant 0 : i32
    %c0_i32_1 = arith.constant 0 : i32
    return %c0_i32, %arg0, %c0_i32_0 : i32, i32, i32
  }
  func.func @transform_3(%arg0: i32) -> (i32, i32, i32) {
    %c1_i32 = arith.constant 1 : i32
    %c0_i32 = arith.constant 0 : i32
    %c0_i32_0 = arith.constant 0 : i32
    return %c1_i32, %arg0, %c0_i32 : i32, i32, i32
  }
  func.func @transform_4(%arg0: i32) -> (i32, i32) {
    %c0_i32 = arith.constant 0 : i32
    %c0_i32_0 = arith.constant 0 : i32
    return %arg0, %c0_i32 : i32, i32
  }
  func.func @transform_5(%arg0: i32) -> (i32, i32) {
    %c0_i32 = arith.constant 0 : i32
    %c0_i32_0 = arith.constant 0 : i32
    return %arg0, %c0_i32 : i32, i32
  }
  func.func @transform_6(%arg0: i32) -> (i32, i32) {
    %c0_i32 = arith.constant 0 : i32
    %c0_i32_0 = arith.constant 0 : i32
    return %arg0, %c0_i32 : i32, i32
  }
  func.func @transform_7(%arg0: i32) -> (i32, i32) {
    %c0_i32 = arith.constant 0 : i32
    %c0_i32_0 = arith.constant 0 : i32
    %c0_i32_1 = arith.constant 0 : i32
    return %c0_i32, %c0_i32_0 : i32, i32
  }
  func.func @transform_8(%arg0: i32) -> (i32, i32) {
    %c0_i32 = arith.constant 0 : i32
    %c0_i32_0 = arith.constant 0 : i32
    %c0_i32_1 = arith.constant 0 : i32
    return %c0_i32, %c0_i32_0 : i32, i32
  }
  func.func @transform_9(%arg0: i32) -> (i32, i32) {
    %c0_i32 = arith.constant 0 : i32
    %c0_i32_0 = arith.constant 0 : i32
    %c0_i32_1 = arith.constant 0 : i32
    return %c0_i32, %c0_i32_0 : i32, i32
  }
  func.func @transform_10(%arg0: i32) -> (i32, i32) {
    %c0_i32 = arith.constant 0 : i32
    %c0_i32_0 = arith.constant 0 : i32
    %c0_i32_1 = arith.constant 0 : i32
    return %c0_i32, %c0_i32_0 : i32, i32
  }
  func.func @transform_11(%arg0: i32) -> (i32, i32) {
    %c0_i32 = arith.constant 0 : i32
    %c0_i32_0 = arith.constant 0 : i32
    %c0_i32_1 = arith.constant 0 : i32
    return %c0_i32, %c0_i32_0 : i32, i32
  }
  func.func @transform_12(%arg0: i32) -> (i32, i32) {
    %c0_i32 = arith.constant 0 : i32
    %c0_i32_0 = arith.constant 0 : i32
    %c0_i32_1 = arith.constant 0 : i32
    return %c0_i32, %c0_i32_0 : i32, i32
  }
  func.func @transform_13(%arg0: i32) -> (i32, i32) {
    %c0_i32 = arith.constant 0 : i32
    %c0_i32_0 = arith.constant 0 : i32
    %c0_i32_1 = arith.constant 0 : i32
    return %c0_i32, %c0_i32_0 : i32, i32
  }
  func.func @transform_14(%arg0: i32) -> (i32, i32) {
    %c0_i32 = arith.constant 0 : i32
    %c0_i32_0 = arith.constant 0 : i32
    %c0_i32_1 = arith.constant 0 : i32
    return %c0_i32, %c0_i32_0 : i32, i32
  }
  func.func @transform_15(%arg0: i32) -> (i32, i32) {
    %c0_i32 = arith.constant 0 : i32
    %c0_i32_0 = arith.constant 0 : i32
    %c0_i32_1 = arith.constant 0 : i32
    return %c0_i32, %c0_i32_0 : i32, i32
  }
  func.func @transform_16(%arg0: i32) -> (i32, i32) {
    %c0_i32 = arith.constant 0 : i32
    %c0_i32_0 = arith.constant 0 : i32
    %c0_i32_1 = arith.constant 0 : i32
    return %c0_i32, %c0_i32_0 : i32, i32
  }
  func.func @transform_17(%arg0: i32) -> (i32, i32) {
    %c0_i32 = arith.constant 0 : i32
    %c0_i32_0 = arith.constant 0 : i32
    %c0_i32_1 = arith.constant 0 : i32
    return %c0_i32, %c0_i32_0 : i32, i32
  }
  func.func @transform_18(%arg0: i32) -> (i32, i32) {
    %c0_i32 = arith.constant 0 : i32
    %c0_i32_0 = arith.constant 0 : i32
    %c0_i32_1 = arith.constant 0 : i32
    return %c0_i32, %c0_i32_0 : i32, i32
  }
  func.func @transform_19(%arg0: i32) -> (i32, i32) {
    %c0_i32 = arith.constant 0 : i32
    %c0_i32_0 = arith.constant 0 : i32
    %c0_i32_1 = arith.constant 0 : i32
    return %c0_i32, %c0_i32_0 : i32, i32
  }
  func.func @transform_20(%arg0: i32) -> (i32, i32) {
    %c0_i32 = arith.constant 0 : i32
    %c0_i32_0 = arith.constant 0 : i32
    %c0_i32_1 = arith.constant 0 : i32
    return %c0_i32, %c0_i32_0 : i32, i32
  }
  func.func @transform_21(%arg0: i32) -> (i32, i32) {
    %c0_i32 = arith.constant 0 : i32
    %c0_i32_0 = arith.constant 0 : i32
    %c0_i32_1 = arith.constant 0 : i32
    return %c0_i32, %c0_i32_0 : i32, i32
  }
  func.func @transform_22(%arg0: i32) -> (i32, i32) {
    %c0_i32 = arith.constant 0 : i32
    %c0_i32_0 = arith.constant 0 : i32
    %c0_i32_1 = arith.constant 0 : i32
    return %c0_i32, %c0_i32_0 : i32, i32
  }
  func.func @transform_23(%arg0: i32) -> (i32, i32) {
    %c0_i32 = arith.constant 0 : i32
    %c0_i32_0 = arith.constant 0 : i32
    %c0_i32_1 = arith.constant 0 : i32
    return %c0_i32, %c0_i32_0 : i32, i32
  }
  func.func @transform_24(%arg0: i32) -> (i32, i32) {
    %c0_i32 = arith.constant 0 : i32
    %c0_i32_0 = arith.constant 0 : i32
    %c0_i32_1 = arith.constant 0 : i32
    return %c0_i32, %c0_i32_0 : i32, i32
  }
  func.func @transform_25(%arg0: i32) -> (i32, i32) {
    %c0_i32 = arith.constant 0 : i32
    %c0_i32_0 = arith.constant 0 : i32
    %c0_i32_1 = arith.constant 0 : i32
    return %c0_i32, %c0_i32_0 : i32, i32
  }
  func.func @transform_26(%arg0: i32) -> (i32, i32) {
    %c0_i32 = arith.constant 0 : i32
    %c0_i32_0 = arith.constant 0 : i32
    return %arg0, %c0_i32 : i32, i32
  }
}

</mosaic_0001>

<sc_bundles>
// kernel: kernel.12.cloned.1.call-start
scs
__scs_entry_jumppad:
0x0: {  	(pc) =	sbr.rel $0x88, $3  }
0x1: {  	(tag) =	ssettag $0x0;
	lr =	simm.s32 $0x1  }
0x2: {  	[smem:$0x3F69] =	sst lr;
	_ =	strace $0xD0000000  }
0x3: {  	_ = 	snop  }
0x4: {  	_ = 	snop  }
0x5: {  	_ = 	snop  }
0x6: {  	_ = 	snop  }
0x7: {  	_ = 	snop  }
__scs_overlays_trampoline_lowered:
0x8: {  	[smem:$0x3F78] =	sst s0  }
0x9: {  	[smem:$0x3F79] =	sst s1  }
0xa: {  	[smem:$0x3F7A] =	sst s2  }
0xb: {  	[smem:$0x3F7B] =	sst s3  }
0xc: {  	[smem:$0x3F7C] =	sst s4  }
0xd: {  	[smem:$0x3F7D] =	sst s5  }
0xe: {  	[smem:$0x3F7E] =	sst s6  }
0xf: {  	[smem:$0x3F7F] =	sst s7  }
0x10: {  	[smem:$0x3F80] =	sst s8  }
0x11: {  	[smem:$0x3F81] =	sst s9;
	s0 =	simm.s32 @!p0 $0x0  }
0x12: {  	s1 =	sld [smem:$0x3F67];
	s0 =	simm.s32 @p0 $0x1  }
0x13: {  	[smem:$0x3F82] =	sst s0;
	s0 =	simm.s32 @!p1 $0x0  }
0x14: {  	s2 =	sld [smem:$0x3F66];
	s0 =	simm.s32 @p1 $0x1  }
0x15: {  	[smem:$0x3F83] =	sst s0;
	s0 =	simm.s32 @!p2 $0x0  }
0x16: {  	s3 =	sld [smem:$0x3FDB];
	s0 =	simm.s32 @p2 $0x1  }
0x17: {  	s4 =	simm.s32 $0x1BF5;
	[smem:$0x3F85] =	sst s0  }
0x18: {  	s0 =	sld [smem:$0x3F68];
	_ =	swait.ge [sflag:s4], $0x0  }
0x19: {  	s7 =	sld [smem:$0x3F69]  }
0x1a: {  	s8 =	sadd.s32 $0xFFFFE003, lr  }
0x1b: {  	s9 =	sadd.s32 $0xFFFFFEF7, lr;
	s5 =	simm.s32 $0xFFFFFFFF;
	p2 =	slt.u32 s8, $0xFFFFF086  }
0x1c: {  	p1 =	slt.u32 s9, $0xF7A;
	s5 =	simm.s32 @!p2 $0x0  }
0x1d: {  	s5 =	simm.s32 @p1 $0x1;
	p0 =	seq.s32 s7, s2  }
0x1e: {  	s7 =	smul.u32 @!p0 $0xF7A, s2;
	p2 =	seq.s32 @!p0 s5, $0x0  }
0x1f: {  	s9 =	smul.u32 $0xF7A, s1;
	s8 =	simm.s32 @!p0 $0x1BF5;
	p2 =	por !p2, p0  }
0x20: {  	[sflag:s8] =	ssyncset.s32 @!p0 $0xFFFFF086;
	s6 =	sadd.s32 @!p0 s3, s7;
	s7 =	simm.s32 @!p0 $0x108  }
0x21: {  	s3 =	sadd.s32 s3, s9;
	s6 =	sadd.s32 @!p0 $0x88, s6;
	s7 =	simm.s32 @p2 $0x1082  }
0x22: {  	[simem:s7], [sflag:s8] =	dma.local @!p0 [hbm:s6], $0xF7A  }
0x23: {  	s9 =	sor.u32 $0xD0000000, s2;
	s6 =	simm.s32 $0x108;
	_ =	swait.ge @!p0 [sflag:s8], $0x0  }
0x24: {  	s3 =	sadd.s32 $0x88, s3;
	s6 =	simm.s32 @!p1 $0x1082;
	[sflag:s4] =	ssyncset.s32 $0xFFFFF086  }
0x25: {  	[simem:s6], [sflag:s4] =	dma.local [hbm:s3], $0xF7A  }
0x26: {  	[smem:$0x3F69] =	sst s1;
	(tag) =	ssettag s2;
	_ =	strace s9  }
0x27: {  	s1 =	sld [smem:$0x3F79]  }
0x28: {  	s2 =	sld [smem:$0x3F7A]  }
0x29: {  	s4 =	sld [smem:$0x3F7C]  }
0x2a: {  	p0 =	seq.s32 s5, $0x0;
	s5 =	sld [smem:$0x3F7D]  }
0x2b: {  	s6 =	sld [smem:$0x3F7E]  }
0x2c: {  	s7 =	sld [smem:$0x3F7F]  }
0x2d: {  	s3 =	simm.s32 $0x108;
	s8 =	sld [smem:$0x3F80]  }
0x2e: {  	s3 =	simm.s32 @!p0 $0x1082;
	s9 =	sld [smem:$0x3F81]  }
0x2f: {  	lr =	sadd.s32 s0, s3;
	s0 =	sld [smem:$0x3F78]  }
0x30: {  	s3 =	sld [smem:$0x3F7B]  }
0x31: {  	[smem:$0x3F84] =	sst s10  }
0x32: {  	s10 =	sld [smem:$0x3F82];
	_ =	sdelay $0x3  }
0x33: {  	p0 =	seq.s32 s10, $0x1;
	s10 =	sld [smem:$0x3F84];
	_ =	sdelay $0x3  }
0x34: {  	[smem:$0x3F84] =	sst s10  }
0x35: {  	s10 =	sld [smem:$0x3F83];
	_ =	sdelay $0x3  }
0x36: {  	p1 =	seq.s32 s10, $0x1;
	s10 =	sld [smem:$0x3F84];
	_ =	sdelay $0x3  }
0x37: {  	[smem:$0x3F84] =	sst s10  }
0x38: {  	s10 =	sld [smem:$0x3F85]  }
0x39: {  	_ = 	snop;
	(pc) =	sbr.ind lr, $3  }
0x3a: {  	_ = 	snop  }
0x3b: {  	_ = 	snop  }
0x3c: {  	p2 =	seq.s32 s10, $0x1;
	s10 =	sld [smem:$0x3F84]  }
0x3d: {  	_ =	shalt  }
0x3e: {  	_ =	shalt  }
0x3f: {  	_ =	shalt  }
0x40: {  	_ =	shalt  }
0x41: {  	_ =	shalt  }
0x42: {  	_ =	shalt  }
0x43: {  	_ =	shalt  }
0x44: {  	_ =	shalt  }
0x45: {  	_ =	shalt  }
0x46: {  	_ =	shalt  }
0x47: {  	_ =	shalt  }
0x48: {  	_ =	shalt  }
0x49: {  	_ =	shalt  }
0x4a: {  	_ =	shalt  }
0x4b: {  	_ =	shalt  }
0x4c: {  	_ =	shalt  }
0x4d: {  	_ =	shalt  }
0x4e: {  	_ =	shalt  }
0x4f: {  	_ =	shalt  }
0x50: {  	_ =	shalt  }
0x51: {  	_ =	shalt  }
0x52: {  	_ =	shalt  }
0x53: {  	_ =	shalt  }
0x54: {  	_ =	shalt  }
0x55: {  	_ =	shalt  }
0x56: {  	_ =	shalt  }
0x57: {  	_ =	shalt  }
0x58: {  	_ =	shalt  }
0x59: {  	_ =	shalt  }
0x5a: {  	_ =	shalt  }
0x5b: {  	_ =	shalt  }
0x5c: {  	_ =	shalt  }
0x5d: {  	_ =	shalt  }
0x5e: {  	_ =	shalt  }
0x5f: {  	_ =	shalt  }
0x60: {  	_ =	shalt  }
0x61: {  	_ =	shalt  }
0x62: {  	_ =	shalt  }
0x63: {  	_ =	shalt  }
0x64: {  	_ =	shalt  }
0x65: {  	_ =	shalt  }
0x66: {  	_ =	shalt  }
0x67: {  	_ =	shalt  }
0x68: {  	_ =	shalt  }
0x69: {  	_ =	shalt  }
0x6a: {  	_ =	shalt  }
0x6b: {  	_ =	shalt  }
0x6c: {  	_ =	shalt  }
0x6d: {  	_ =	shalt  }
0x6e: {  	_ =	shalt  }
0x6f: {  	_ =	shalt  }
0x70: {  	_ =	shalt  }
0x71: {  	_ =	shalt  }
0x72: {  	_ =	shalt  }
0x73: {  	_ =	shalt  }
0x74: {  	_ =	shalt  }
0x75: {  	_ =	shalt  }
0x76: {  	_ =	shalt  }
0x77: {  	_ =	shalt  }
0x78: {  	_ =	shalt  }
0x79: {  	_ =	shalt  }
0x7a: {  	_ =	shalt  }
0x7b: {  	_ =	shalt  }
0x7c: {  	_ =	shalt  }
0x7d: {  	_ =	shalt  }
0x7e: {  	_ =	shalt  }
0x7f: {  	_ =	shalt  }
0x80: {  	_ =	shalt  }
0x81: {  	_ =	shalt  }
0x82: {  	_ =	shalt  }
0x83: {  	_ =	shalt  }
0x84: {  	_ =	shalt  }
0x85: {  	_ =	shalt  }
0x86: {  	_ =	shalt  }
0x87: {  	_ =	shalt  }
.Lfunc_end0:
.L_simem_size_0:
called_computation_lowered:
.L_overlay_start_0:
0x88: {  	s2 =	sld [smem:$0x3FD9]  }
0x89: {  	s3 =	sld [smem:$0x3FFE];
	_ =	sdelay $0x1  }
0x8a: {  	s1 =	srdreg.scid  }
0x8b: {  	s0 =	sand.u32 $0x1, s1  }
0x8c: {  	s16 =	sshll.u32 s0, $0xA;
	s2 =	sadd.s32 s3, s2  }
0x8d: {  	s2 =	sadd.s32 s2, s16  }
0x8e: {  	[smem:$0x3F90] =	sst s2  }
0x8f: {  	_ = 	snop  }
0x90: {  	(tm) =	ssettm $0x1  }
0x91: {  	s17 =	sld [smem:$0x3FFB];
	_ =	sdelay $0x3  }
0x92: {  	_ =	strace s17  }
0x93: {  	s2 =	sld [smem:$0x3FFC];
	_ =	sdelay $0x3  }
0x94: {  	_ =	strace s2  }
0x95: {  	s2 =	sld [smem:$0x3FFD];
	_ =	sdelay $0x3  }
0x96: {  	_ =	strace s2  }
0x97: {  	_ =	strace $0x8FFFFFFF  }
0x98: {  	s18 =	sld [smem:$0x3FDB];
	_ =	sdelay $0x1  }
0x99: {  	s19 =	simm.s32 $_scs_section_size  }
0x9a: {  	s4 =	simm.s32 $_size__tile_overlayer_lowered;
	s5 =	simm.s32 $_tile_overlayer_lowered  }
0x9b: {  	s22 =	simm.s32 $0x1BFF;
	s21 =	sshll.u32 s5, $0x1;
	s2 =	sadd.s32 s19, s18  }
0x9c: {  	s6 =	simm.s32 $0x0;
	s20 =	sshll.u32 s4, $0x1;
	s4 =	sadd.s32 s21, s2  }
0x9d: {  	[timem:s6], [sflag:s22] =	dma.local [hbm:s4], s20  }
0x9e: {  	_ =	swait.ge [sflag:s22], s20  }
0x9f: {  	s3 =	ssub.s32 $0x0, s20;
	[sflag:s22] =	ssyncset.done $0x0  }
0xa0: {  	[sflag:s22] =	ssyncadd.s32 s3;
	_ =	sdelay $0x1  }
0xa1: {  	s23 =	simm.s32 $0x1B8B  }
0xa2: {  	_ =	swait.ge [sflag:s23], $0x1  }
0xa3: {  	[sflag:s23] =	ssyncset.done $0x0  }
0xa4: {  	s25 =	simm.s32 $0x1B8E;
	s24 =	sld [smem:$0x3FFE];
	[sflag:s23] =	ssyncadd.s32 $0xFFFFFFFF  }
0xa5: {  	s26 =	simm.s32 $execute0_lowered;
	[smem:$0x3FD2] =	sst s25  }
0xa6: {  	s4 =	sshll.u32 s26, $0x1;
	_ =	strace $0x80000046;
	[dreg:$0x1] =	wrdreg $0xFFFFFFFF  }
0xa7: {  	s28 =	simm.s32 $_size_execute0_lowered;
	s2 =	sadd.s32 s2, s4;
	[dreg:$0x0] =	wrdreg $0x0  }
0xa8: {  	s4 =	sshll.u32 s28, $0x1;
	[dreg:$0x2] =	wrdreg s2  }
0xa9: {  	[dreg:$0x3] =	wrdreg s4  }
0xaa: {  	[dreg:$0x4] =	wrdreg $0xC0  }
0xab: {  	_ =	task [dreg:s6], $0x5FFFF  }
0xac: {  	[dreg:$0x1] =	wrdreg $0xFFFFFFFF  }
0xad: {  	[dreg:$0x0] =	wrdreg $0x60  }
0xae: {  	[dreg:$0x2] =	wrdreg s24  }
0xaf: {  	[dreg:$0x3] =	wrdreg $0x6A400  }
0xb0: {  	[dreg:$0x4] =	wrdreg $0x12E400  }
0xb1: {  	[dreg:$0x5] =	wrdreg $0x9  }
0xb2: {  	_ =	task.clear_ibuf [dreg:s6], $0x6FFFF;
	_ =	strace $0x90000046  }
0xb3: {  	s29 =	simm.s32 $0x9;
	_ =	strace $0x80000048  }
0xb4: {  	_ =	swait.ge [sflag:s29], $0x1  }
0xb5: {  	[sflag:s29] =	ssyncadd.s32 $0xFFFFFFFF  }
0xb6: {  	_ =	strace $0x90000048  }
0xb7: {  	_ =	sfence  }
0xb8: {  	s30 =	sld [smem:$0x0];
	_ =	sdelay $0x2  }
0xb9: {  	s31 =	sshll.u32 s1, $0xD;
	s1 =	sshrl.u32 s1, $0x2  }
0xba: {  	s3 =	sand.u32 $0x4000, s31;
	s1 =	sadd.s32 s1, s30  }
0xbb: {  	s0 =	sor.u32 s3, s0;
	s1 =	sshll.u32 s1, $0x11  }
0xbc: {  	s0 =	sor.u32 s1, s0  }
0xbd: {  	s0 =	sadd.s32 $0x8F2B, s0  }
0xbe: {  	[sflag:s0] =	ssyncadd.remote.s32 $0x1  }
0xbf: {  	_ =	sfence.sel $0xFFFF  }
0xc0: {  	[dreg:$0x0] =	wrdreg $0xFFFFFFFF;
	(pc) =	sbr.abs _section_cstart, $3  }
0xc1: {  	[dreg:$0x1] =	wrdreg $0xFFFFFFFF  }
0xc2: {  	_ =	task.clear_ibuf [dreg:s6], $0x2FFFF;
	_ =	strace $0x9FFFFFFF  }
0xc3: {  	(tm) =	ssettm $0x7FFFFFFF  }
tec
execute0_lowered:
.L_overlay_start_1:
0x0: {  	(tag) =	ssettag $0x1  }
0x1: {  	s0 =	rddreg [dreg:$0x0]  }
0x2: {  	s2 =	rddreg [dreg:$0x1]  }
0x3: {  	s3 =	rddreg [dreg:$0x2];
	s4 =	simm.s32 $0x0  }
0x4: {  	s13 =	stileid.u32;
	s1 =	srdreg.scid;
	s17 =	simm.s32 $0x4  }
0x5: {  	s19 =	simm.s32 $0x190;
	s20 =	simm.s32 $0x30D400;
	s22 =	simm.s32 $0x320  }
0x6: {  	s28 =	simm.s32 $0x2;
	s29 =	simm.s32 $0x5140;
	s30 =	simm.s32 $0x4B0  }
0x7: {  	s31 =	simm.s32 $0x0;
	[smem:$0x7FF] =	sst s4;
	s7 =	smul.u32 $0xC400, s13  }
0x8: {  	s1 =	sand.u32 $0x1, s1;
	s5 =	sadd.s32 $0xC42600, s0;
	s6 =	sadd.s32 $0x1AD400, s0  }
0x9: {  	s12 =	sshll.u32 s13, $0x1;
	s23 =	sshll.u32 s13, $0x6;
	_ =	strace $0x80000047  }
0xa: {  	s8 =	smul.u32 $0xC4000, s1;
	s10 =	ssub.s32 $0x2, s1;
	s1 =	sor.u32 s1, s12  }
0xb: {  	s9 =	sshrl.u32 s7, $0x3;
	s11 =	sshrl.u32 s10, $0x1;
	s24 =	smul.u32 $0x186A0, s1  }
0xc: {  	s16 =	sadd.s32 s7, s2;
	s1 =	smul.u32 $0x30D40, s1;
	s9 =	sadd.s32 s9, s0  }
0xd: {  	s8 =	sadd.s32 s7, s8;
	s10 =	ssub.s32 s10, s11;
	s7 =	sadd.s32 s7, s3  }
0xe: {  	s16 =	sshrl.u32 s16, $0x3;
	s8 =	sshrl.u32 s8, $0x3;
	s25 =	sadd.s32 $0x194C00, s9  }
0xf: {  	s9 =	sadd.s32 $0xD0C00, s9;
	s26 =	sshrl.u32 s24, $0x3;
	s11 =	sadd.s32 s6, s1  }
0x10: {  	s12 =	sadd.s32 $0x190, s24;
	s13 =	sadd.s32 $0x320, s24;
	s15 =	smax.u32 s10, $0x1  }
0x11: {  	s18 =	sshrl.u32 s7, $0x3;
	s24 =	simm.s32 $0x1;
	[dreg:$0x4] =	wrdreg s25  }
0x12: {  	s0 =	sadd.s32 s8, s0;
	s8 =	sor.u32 $0x1C04, s23;
	[dreg:$0x5] =	wrdreg s9  }
0x13: {  	s9 =	sadd.s32 s5, s26;
	s23 =	simm.s32 $0x1F40;
	s25 =	simm.s32 $0x3840  }
0x14: {  	s26 =	simm.s32 $0x3;
	[dreg:$0x6] =	wrdreg s9;
	s14 =	sadd.s32 $0xE9400, s0  }
.LBB2_1:
0x15: {  	s0 =	rddreg [dreg:$0x4]  }
0x16: {  	[spmem:s16], [sflag:s8] =	dma.local [hbm:s0], $0x1880  }
0x17: {  	_ =	swait.ge [sflag:s17], $0x1880  }
0x18: {  	[sflag:s17] =	ssyncset.done $0x0  }
0x19: {  	s9 =	rddreg [dreg:$0x5];
	[sflag:s17] =	ssyncadd.s32 $0xFFFFE780  }
0x1a: {  	[spmem:s18], [sflag:s8] =	dma.local [hbm:s9], $0x1880  }
0x1b: {  	_ =	swait.ge [sflag:s17], $0x1880  }
0x1c: {  	[sflag:s17] =	ssyncset.done $0x0  }
0x1d: {  	[sflag:s17] =	ssyncadd.s32 $0xFFFFE780  }
0x1e: {  	[bflag:$0x0] =	sbarrier.arrive $0xFFFF  }
0x1f: {  	s10 =	rddreg [dreg:$0x6]  }
0x20: {  	[tilespmem:s4], [sflag:$0x1] =	stream.strided.gather [hbm4b:s10+s19], $0x320, s20, s19, $0x38;
	[tilespmem:$0x1F240] =	vst v63  }
0x21: {  	s21 =	simm.s32 $0x640;
	s0 =	simm.s32 $0x0  }
0x22: {  	[tilespmem:s21], [sflag:$0x1] =	stream.linear.gather [hbm4b:s11+s4], $0x1900, $0x38;
	[tilespmem:$0x1F240] =	vst v63  }
.LBB2_2:
0x23: {  	s1 =	smul.u32 $0x320, s0;
	_ =	sdelay $0x1  }
0x24: {  	s7 =	sadd.s32 s1, s12  }
0x25: {  	s9 =	sshrl.u32 s7, $0x3;
	s7 =	sshll.u32 s7, $0x1  }
0x26: {  	s9 =	sadd.s32 s5, s9;
	s7 =	sand.u32 $0x1FFFFFE0, s7  }
0x27: {  	[tilespmem:s22], [sflag:$0x2] =	stream.strided.gather [hbm4b:s9+s19], $0x320, s20, s19, $0x38;
	[tilespmem:$0x1F240] =	vst v63  }
0x28: {  	s7 =	sadd.s32 s6, s7  }
0x29: {  	[tilespmem:s23], [sflag:$0x2] =	stream.linear.gather [hbm4b:s7+s4], $0x1900, $0x38;
	[tilespmem:$0x1F240] =	vst v63  }
0x2a: {  	_ =	swait.ge [sflag:s24], $0x320  }
0x2b: {  	[sflag:s24] =	ssyncset.done $0x0  }
0x2c: {  	[sflag:s24] =	ssyncadd.s32 $0xFFFFFCE0  }
0x2d: {  	_ =	swait.ge [sflag:s24], $0x1900  }
0x2e: {  	[sflag:s24] =	ssyncset.done $0x0  }
0x2f: {  	[sflag:s24] =	ssyncadd.s32 $0xFFFFE700  }
0x30: {  	[tilespmem:s25], [sflag:$0x3] =	stream.indirect.gather [spmem:s2], $0x10, s4, s19, $0xb8;
	[tilespmem:$0x1F240] =	vst v63  }
0x31: {  	_ =	swait.ge [sflag:s26], $0x1900  }
0x32: {  	[sflag:s26] =	ssyncset.done $0x0  }
0x33: {  	s21 =	simm.s32 $0x3880;
	[sflag:s26] =	ssyncadd.s32 $0xFFFFE700  }
0x34: {  	s7 =	simm.s32 $0x680;
	v0 =	vld [tilespmem:s21+$0xFFFFFFC0]  }
0x35: {  	v1 =	vld [tilespmem:s7+$0xFFFFFFC0];
	_ =	sdelay $0x4  }
0x36: {  	v0 =	vadd.f32 v0, v1;
	_ =	sdelay $0x1  }
0x37: {  	v0 =	vmax.f32 v0, $0.0e+00  }
0x38: {  	[tilespmem:s21+$0xFFFFFFC0] =	vst v0;
	v0 =	vld [tilespmem:s21+$0xFFFFFFD0]  }
0x39: {  	v1 =	vld [tilespmem:s7+$0xFFFFFFD0];
	_ =	sdelay $0x4  }
0x3a: {  	v0 =	vadd.f32 v0, v1;
	_ =	sdelay $0x1  }
0x3b: {  	v0 =	vmax.f32 v0, $0.0e+00  }
0x3c: {  	[tilespmem:s21+$0xFFFFFFD0] =	vst v0;
	v0 =	vld [tilespmem:s21+$0xFFFFFFE0]  }
0x3d: {  	v1 =	vld [tilespmem:s7+$0xFFFFFFE0];
	_ =	sdelay $0x4  }
0x3e: {  	v0 =	vadd.f32 v0, v1;
	_ =	sdelay $0x1  }
0x3f: {  	v0 =	vmax.f32 v0, $0.0e+00  }
0x40: {  	[tilespmem:s21+$0xFFFFFFE0] =	vst v0;
	v0 =	vld [tilespmem:s21+$0xFFFFFFF0]  }
0x41: {  	v1 =	vld [tilespmem:s7+$0xFFFFFFF0];
	_ =	sdelay $0x4  }
0x42: {  	v0 =	vadd.f32 v0, v1;
	_ =	sdelay $0x1  }
0x43: {  	v0 =	vmax.f32 v0, $0.0e+00  }
0x44: {  	[tilespmem:s21+$0xFFFFFFF0] =	vst v0;
	v0 =	vld [tilespmem:s21+$0x0]  }
0x45: {  	v1 =	vld [tilespmem:s7+$0x0];
	_ =	sdelay $0x4  }
0x46: {  	v0 =	vadd.f32 v0, v1;
	_ =	sdelay $0x1  }
0x47: {  	v0 =	vmax.f32 v0, $0.0e+00  }
0x48: {  	[tilespmem:s21+$0x0] =	vst v0;
	v0 =	vld [tilespmem:s21+$0x10]  }
0x49: {  	v1 =	vld [tilespmem:s7+$0x10];
	_ =	sdelay $0x4  }
0x4a: {  	v0 =	vadd.f32 v0, v1;
	_ =	sdelay $0x1  }
0x4b: {  	v0 =	vmax.f32 v0, $0.0e+00  }
0x4c: {  	[tilespmem:s21+$0x10] =	vst v0;
	v0 =	vld [tilespmem:s21+$0x20]  }
0x4d: {  	v1 =	vld [tilespmem:s7+$0x20];
	_ =	sdelay $0x4  }
0x4e: {  	v0 =	vadd.f32 v0, v1;
	_ =	sdelay $0x1  }
0x4f: {  	v0 =	vmax.f32 v0, $0.0e+00  }
0x50: {  	[tilespmem:s21+$0x20] =	vst v0;
	v0 =	vld [tilespmem:s21+$0x30]  }
0x51: {  	v1 =	vld [tilespmem:s7+$0x30];
	_ =	sdelay $0x4  }
0x52: {  	v0 =	vadd.f32 v0, v1;
	_ =	sdelay $0x1  }
0x53: {  	s10 =	simm.s32 $0x3900;
	s9 =	simm.s32 $0x0;
	v0 =	vmax.f32 v0, $0.0e+00  }
.LBB2_3:
0x54: {  	v1 =	vld [tilespmem:s10+$0xFFFFFFC0];
	[tilespmem:s21+$0x30] =	vst v0;
	s7 =	sadd.s32 $0x80, s7;
	s21 =	smov.u32 s10  }
0x55: {  	s9 =	sadd.s32 $0x8, s9;
	v0 =	vld [tilespmem:s7+$0xFFFFFFC0]  }
0x56: {  	p0 =	slt.u32 s9, $0x188;
	_ =	sdelay $0x3  }
0x57: {  	v0 =	vadd.f32 v1, v0;
	_ =	sdelay $0x1  }
0x58: {  	v0 =	vmax.f32 v0, $0.0e+00  }
0x59: {  	[tilespmem:s10+$0xFFFFFFC0] =	vst v0;
	v0 =	vld [tilespmem:s10+$0xFFFFFFD0]  }
0x5a: {  	v1 =	vld [tilespmem:s7+$0xFFFFFFD0];
	_ =	sdelay $0x4  }
0x5b: {  	v0 =	vadd.f32 v0, v1;
	_ =	sdelay $0x1  }
0x5c: {  	v0 =	vmax.f32 v0, $0.0e+00  }
0x5d: {  	[tilespmem:s10+$0xFFFFFFD0] =	vst v0;
	v0 =	vld [tilespmem:s10+$0xFFFFFFE0]  }
0x5e: {  	v1 =	vld [tilespmem:s7+$0xFFFFFFE0];
	_ =	sdelay $0x4  }
0x5f: {  	v0 =	vadd.f32 v0, v1;
	_ =	sdelay $0x1  }
0x60: {  	v0 =	vmax.f32 v0, $0.0e+00  }
0x61: {  	[tilespmem:s10+$0xFFFFFFE0] =	vst v0;
	v0 =	vld [tilespmem:s10+$0xFFFFFFF0]  }
0x62: {  	v1 =	vld [tilespmem:s7+$0xFFFFFFF0];
	_ =	sdelay $0x4  }
0x63: {  	v0 =	vadd.f32 v0, v1;
	_ =	sdelay $0x1  }
0x64: {  	v0 =	vmax.f32 v0, $0.0e+00  }
0x65: {  	[tilespmem:s10+$0xFFFFFFF0] =	vst v0;
	v0 =	vld [tilespmem:s10+$0x0]  }
0x66: {  	v1 =	vld [tilespmem:s7+$0x0];
	_ =	sdelay $0x4  }
0x67: {  	v0 =	vadd.f32 v0, v1;
	_ =	sdelay $0x1  }
0x68: {  	v0 =	vmax.f32 v0, $0.0e+00  }
0x69: {  	[tilespmem:s10+$0x0] =	vst v0;
	v0 =	vld [tilespmem:s10+$0x10]  }
0x6a: {  	v1 =	vld [tilespmem:s7+$0x10];
	_ =	sdelay $0x4  }
0x6b: {  	v0 =	vadd.f32 v0, v1;
	_ =	sdelay $0x1  }
0x6c: {  	v0 =	vmax.f32 v0, $0.0e+00  }
0x6d: {  	[tilespmem:s10+$0x10] =	vst v0;
	v0 =	vld [tilespmem:s10+$0x20]  }
0x6e: {  	v1 =	vld [tilespmem:s7+$0x20];
	_ =	sdelay $0x4  }
0x6f: {  	v0 =	vadd.f32 v0, v1;
	_ =	sdelay $0x1  }
0x70: {  	v0 =	vmax.f32 v0, $0.0e+00  }
0x71: {  	[tilespmem:s10+$0x20] =	vst v0;
	v0 =	vld [tilespmem:s10+$0x30]  }
0x72: {  	v1 =	vld [tilespmem:s7+$0x30];
	_ =	sdelay $0x2  }
.Ltmp0:
0x73: {  	(pc) =	sbr.rel @p0 .LBB2_3-.Ltmp0, $3  }
0x74: {  	_ = 	snop  }
0x75: {  	v0 =	vadd.f32 v0, v1;
	_ =	sdelay $0x1  }
0x76: {  	s10 =	sadd.s32 $0x80, s10;
	v0 =	vmax.f32 v0, $0.0e+00  }
0x77: {  	[tilespmem:s21+$0x30] =	vst v0;
	p0 =	seq.s32 s0, $0x7C  }
0x78: {  	[spmem:s3] =	stream.indirect.scatter.add.f32 [tilespmem:s25], [sflag:$0x4], $0x10, s19, s19, $0xb8;
	[tilespmem:$0x1F240] =	vst v63  }
0x79: {  	s1 =	sadd.s32 @!p0 s1, s13;
	s9 =	simm.s32 @!p0 $0x190  }
0x7a: {  	s10 =	simm.s32 @!p0 $0x30D400;
	s21 =	simm.s32 @!p0 $0x0;
	_ =	swait.ge [sflag:s17], $0x1900  }
0x7b: {  	s7 =	sshrl.u32 @!p0 s1, $0x3;
	s1 =	sshll.u32 @!p0 s1, $0x1;
	[sflag:s17] =	ssyncset.done $0x0  }
0x7c: {  	s7 =	sadd.s32 @!p0 s5, s7;
	s1 =	sand.u32 @!p0 $0x1FFFFFC0, s1;
	[sflag:s17] =	ssyncadd.s32 $0xFFFFE700  }
0x7d: {  	[tilespmem:s21], [sflag:$0x1] =	stream.strided.gather @!p0 [hbm4b:s7+s9], $0x320, s10, s9, $0x38;
	[tilespmem:$0x1F240] =	vst v63  }
0x7e: {  	s1 =	sadd.s32 @!p0 s6, s1;
	s7 =	simm.s32 @!p0 $0x640  }
0x7f: {  	[tilespmem:s7], [sflag:$0x1] =	stream.linear.gather @!p0 [hbm4b:s1+s21], $0x1900, $0x38;
	[tilespmem:$0x1F240] =	vst v63  }
0x80: {  	_ =	swait.ge [sflag:s28], $0x320  }
0x81: {  	[sflag:s28] =	ssyncset.done $0x0  }
0x82: {  	[sflag:s28] =	ssyncadd.s32 $0xFFFFFCE0  }
0x83: {  	_ =	swait.ge [sflag:s28], $0x1900  }
0x84: {  	[sflag:s28] =	ssyncset.done $0x0  }
0x85: {  	[sflag:s28] =	ssyncadd.s32 $0xFFFFE700  }
0x86: {  	[tilespmem:s29], [sflag:$0x3] =	stream.indirect.gather [spmem:s2], $0x10, s22, s19, $0xb8;
	[tilespmem:$0x1F240] =	vst v63  }
0x87: {  	_ =	swait.ge [sflag:s26], $0x1900  }
0x88: {  	[sflag:s26] =	ssyncset.done $0x0  }
0x89: {  	s1 =	simm.s32 $0x5180;
	[sflag:s26] =	ssyncadd.s32 $0xFFFFE700  }
0x8a: {  	s21 =	simm.s32 $0x1F80;
	v0 =	vld [tilespmem:s1+$0xFFFFFFC0]  }
0x8b: {  	v1 =	vld [tilespmem:s21+$0xFFFFFFC0];
	_ =	sdelay $0x4  }
0x8c: {  	v0 =	vadd.f32 v0, v1;
	_ =	sdelay $0x1  }
0x8d: {  	v0 =	vmax.f32 v0, $0.0e+00  }
0x8e: {  	[tilespmem:s1+$0xFFFFFFC0] =	vst v0;
	v0 =	vld [tilespmem:s1+$0xFFFFFFD0]  }
0x8f: {  	v1 =	vld [tilespmem:s21+$0xFFFFFFD0];
	_ =	sdelay $0x4  }
0x90: {  	v0 =	vadd.f32 v0, v1;
	_ =	sdelay $0x1  }
0x91: {  	v0 =	vmax.f32 v0, $0.0e+00  }
0x92: {  	[tilespmem:s1+$0xFFFFFFD0] =	vst v0;
	v0 =	vld [tilespmem:s1+$0xFFFFFFE0]  }
0x93: {  	v1 =	vld [tilespmem:s21+$0xFFFFFFE0];
	_ =	sdelay $0x4  }
0x94: {  	v0 =	vadd.f32 v0, v1;
	_ =	sdelay $0x1  }
0x95: {  	v0 =	vmax.f32 v0, $0.0e+00  }
0x96: {  	[tilespmem:s1+$0xFFFFFFE0] =	vst v0;
	v0 =	vld [tilespmem:s1+$0xFFFFFFF0]  }
0x97: {  	v1 =	vld [tilespmem:s21+$0xFFFFFFF0];
	_ =	sdelay $0x4  }
0x98: {  	v0 =	vadd.f32 v0, v1;
	_ =	sdelay $0x1  }
0x99: {  	v0 =	vmax.f32 v0, $0.0e+00  }
0x9a: {  	[tilespmem:s1+$0xFFFFFFF0] =	vst v0;
	v0 =	vld [tilespmem:s1+$0x0]  }
0x9b: {  	v1 =	vld [tilespmem:s21+$0x0];
	_ =	sdelay $0x4  }
0x9c: {  	v0 =	vadd.f32 v0, v1;
	_ =	sdelay $0x1  }
0x9d: {  	v0 =	vmax.f32 v0, $0.0e+00  }
0x9e: {  	[tilespmem:s1+$0x0] =	vst v0;
	v0 =	vld [tilespmem:s1+$0x10]  }
0x9f: {  	v1 =	vld [tilespmem:s21+$0x10];
	_ =	sdelay $0x4  }
0xa0: {  	v0 =	vadd.f32 v0, v1;
	_ =	sdelay $0x1  }
0xa1: {  	v0 =	vmax.f32 v0, $0.0e+00  }
0xa2: {  	[tilespmem:s1+$0x10] =	vst v0;
	v0 =	vld [tilespmem:s1+$0x20]  }
0xa3: {  	v1 =	vld [tilespmem:s21+$0x20];
	_ =	sdelay $0x4  }
0xa4: {  	v0 =	vadd.f32 v0, v1;
	_ =	sdelay $0x1  }
0xa5: {  	v0 =	vmax.f32 v0, $0.0e+00  }
0xa6: {  	[tilespmem:s1+$0x20] =	vst v0;
	v0 =	vld [tilespmem:s1+$0x30]  }
0xa7: {  	v1 =	vld [tilespmem:s21+$0x30];
	_ =	sdelay $0x4  }
0xa8: {  	v0 =	vadd.f32 v0, v1;
	_ =	sdelay $0x1  }
0xa9: {  	s0 =	sadd.s32 $0x1, s0;
	s9 =	simm.s32 $0x5200;
	s7 =	simm.s32 $0x0;
	v0 =	vmax.f32 v0, $0.0e+00  }
.LBB2_5:
0xaa: {  	v1 =	vld [tilespmem:s9+$0xFFFFFFC0];
	[tilespmem:s1+$0x30] =	vst v0;
	s21 =	sadd.s32 $0x80, s21;
	s1 =	smov.u32 s9  }
0xab: {  	s7 =	sadd.s32 $0x8, s7;
	v0 =	vld [tilespmem:s21+$0xFFFFFFC0]  }
0xac: {  	p0 =	slt.u32 s7, $0x188;
	_ =	sdelay $0x3  }
0xad: {  	v0 =	vadd.f32 v1, v0;
	_ =	sdelay $0x1  }
0xae: {  	v0 =	vmax.f32 v0, $0.0e+00  }
0xaf: {  	[tilespmem:s9+$0xFFFFFFC0] =	vst v0;
	v0 =	vld [tilespmem:s9+$0xFFFFFFD0]  }
0xb0: {  	v1 =	vld [tilespmem:s21+$0xFFFFFFD0];
	_ =	sdelay $0x4  }
0xb1: {  	v0 =	vadd.f32 v0, v1;
	_ =	sdelay $0x1  }
0xb2: {  	v0 =	vmax.f32 v0, $0.0e+00  }
0xb3: {  	[tilespmem:s9+$0xFFFFFFD0] =	vst v0;
	v0 =	vld [tilespmem:s9+$0xFFFFFFE0]  }
0xb4: {  	v1 =	vld [tilespmem:s21+$0xFFFFFFE0];
	_ =	sdelay $0x4  }
0xb5: {  	v0 =	vadd.f32 v0, v1;
	_ =	sdelay $0x1  }
0xb6: {  	v0 =	vmax.f32 v0, $0.0e+00  }
0xb7: {  	[tilespmem:s9+$0xFFFFFFE0] =	vst v0;
	v0 =	vld [tilespmem:s9+$0xFFFFFFF0]  }
0xb8: {  	v1 =	vld [tilespmem:s21+$0xFFFFFFF0];
	_ =	sdelay $0x4  }
0xb9: {  	v0 =	vadd.f32 v0, v1;
	_ =	sdelay $0x1  }
0xba: {  	v0 =	vmax.f32 v0, $0.0e+00  }
0xbb: {  	[tilespmem:s9+$0xFFFFFFF0] =	vst v0;
	v0 =	vld [tilespmem:s9+$0x0]  }
0xbc: {  	v1 =	vld [tilespmem:s21+$0x0];
	_ =	sdelay $0x4  }
0xbd: {  	v0 =	vadd.f32 v0, v1;
	_ =	sdelay $0x1  }
0xbe: {  	v0 =	vmax.f32 v0, $0.0e+00  }
0xbf: {  	[tilespmem:s9+$0x0] =	vst v0;
	v0 =	vld [tilespmem:s9+$0x10]  }
0xc0: {  	v1 =	vld [tilespmem:s21+$0x10];
	_ =	sdelay $0x4  }
0xc1: {  	v0 =	vadd.f32 v0, v1;
	_ =	sdelay $0x1  }
0xc2: {  	v0 =	vmax.f32 v0, $0.0e+00  }
0xc3: {  	[tilespmem:s9+$0x10] =	vst v0;
	v0 =	vld [tilespmem:s9+$0x20]  }
0xc4: {  	v1 =	vld [tilespmem:s21+$0x20];
	_ =	sdelay $0x4  }
0xc5: {  	v0 =	vadd.f32 v0, v1;
	_ =	sdelay $0x1  }
0xc6: {  	v0 =	vmax.f32 v0, $0.0e+00  }
0xc7: {  	[tilespmem:s9+$0x20] =	vst v0;
	v0 =	vld [tilespmem:s9+$0x30]  }
0xc8: {  	v1 =	vld [tilespmem:s21+$0x30];
	_ =	sdelay $0x2  }
.Ltmp1:
0xc9: {  	(pc) =	sbr.rel @p0 .LBB2_5-.Ltmp1, $3  }
0xca: {  	_ = 	snop  }
0xcb: {  	v0 =	vadd.f32 v0, v1;
	_ =	sdelay $0x1  }
0xcc: {  	s9 =	sadd.s32 $0x80, s9;
	v0 =	vmax.f32 v0, $0.0e+00  }
0xcd: {  	p0 =	sne.s32 s0, $0x7D  }
.Ltmp2:
0xce: {  	[tilespmem:s1+$0x30] =	vst v0;
	(pc) =	sbr.rel @p0 .LBB2_2-.Ltmp2, $4  }
0xcf: {  	[spmem:s3] =	stream.indirect.scatter.add.f32 [tilespmem:s29], [sflag:$0x4], $0x10, s30, s19, $0xb8;
	[tilespmem:$0x1F240] =	vst v63  }
0xd0: {  	_ =	swait.ge [sflag:s17], $0x1900  }
0xd1: {  	[sflag:s17] =	ssyncset.done $0x0  }
0xd2: {  	[sflag:s17] =	ssyncadd.s32 $0xFFFFE700  }
0xd3: {  	s31 =	sadd.s32 $0x1, s31  }
0xd4: {  	p0 =	sne.s32 s31, s15  }
.Ltmp3:
0xd5: {  	[bflag:$0x0] =	sbarrier.arrive $0xFFFF;
	(pc) =	sbr.rel @p0 .LBB2_1-.Ltmp3, $4  }
0xd6: {  	[hbm:s14], [sflag:s8] =	dma.local [spmem:s18], $0x1880  }
0xd7: {  	_ =	swait.ge [sflag:s17], $0x1880  }
0xd8: {  	[sflag:s17] =	ssyncset.done $0x0  }
0xd9: {  	[sflag:s17] =	ssyncadd.s32 $0xFFFFE780  }
0xda: {  	_ =	sfence.sel $0x180000  }
0xdb: {  	[bflag:$0x0] =	sbarrier.arrive $0xFFFF  }
0xdc: {  	_ =	strace $0x90000047  }
0xdd: {  	s0 =	stileid.u32;
	[bflag:$0x2] =	sbarrier.arrive $0xFFFF  }
0xde: {  	p0 =	sne.s32 s0, $0x0;
	s0 =	rddreg [dreg:$0x3]  }
0xdf: {  	s0 =	sadd.s32 @!p0 $0x100000, s0  }
0xe0: {  	[sflag:s0] =	ssyncadd.tile.s32 @!p0 $0x1;
	_ =	shalt  }
.Lfunc_end2:
_tile_overlayer_lowered:
.L_overlay_start_2:
0xe1: {  	(tag) =	ssettag $0x2  }
0xe2: {  	s0 =	rddreg [dreg:$0x0];
	s2 =	stileid.u32  }
0xe3: {  	s1 =	rddreg [dreg:$0x1];
	p0 =	sne.s32 s2, $0x0  }
0xe4: {  	s3 =	rddreg [dreg:$0x2];
	[bflag:$0x3] =	sbarrier.arrive $0xFFFF;
	s2 =	simm.s32 @!p0 $0x1C04  }
0xe5: {  	[timem:s3], [sflag:s2] =	dma.local @!p0 [hbm:s0], s1  }
0xe6: {  	s0 =	simm.s32 @!p0 $0x4  }
0xe7: {  	_ =	swait.ge @!p0 [sflag:s0], s1  }
0xe8: {  	s1 =	ssub.s32 @!p0 $0x0, s1;
	[sflag:s0] =	ssyncset.done @!p0 $0x0  }
0xe9: {  	[sflag:s0] =	ssyncadd.s32 @!p0 s1  }
0xea: {  	[bflag:$0x3] =	sbarrier.arrive $0xFFFF  }
0xeb: {  	_ =	shalt  }

// kernel: kernel.15.cloned.1.call-start
scs
__scs_entry_jumppad:
0x0: {  	(pc) =	sbr.rel $0x88, $3  }
0x1: {  	(tag) =	ssettag $0x0;
	lr =	simm.s32 $0x1  }
0x2: {  	[smem:$0x3F69] =	sst lr;
	_ =	strace $0xD0000000  }
0x3: {  	_ = 	snop  }
0x4: {  	_ = 	snop  }
0x5: {  	_ = 	snop  }
0x6: {  	_ = 	snop  }
0x7: {  	_ = 	snop  }
__scs_overlays_trampoline_lowered:
0x8: {  	[smem:$0x3F78] =	sst s0  }
0x9: {  	[smem:$0x3F79] =	sst s1  }
0xa: {  	[smem:$0x3F7A] =	sst s2  }
0xb: {  	[smem:$0x3F7B] =	sst s3  }
0xc: {  	[smem:$0x3F7C] =	sst s4  }
0xd: {  	[smem:$0x3F7D] =	sst s5  }
0xe: {  	[smem:$0x3F7E] =	sst s6  }
0xf: {  	[smem:$0x3F7F] =	sst s7  }
0x10: {  	[smem:$0x3F80] =	sst s8  }
0x11: {  	[smem:$0x3F81] =	sst s9;
	s0 =	simm.s32 @!p0 $0x0  }
0x12: {  	s1 =	sld [smem:$0x3F67];
	s0 =	simm.s32 @p0 $0x1  }
0x13: {  	[smem:$0x3F82] =	sst s0;
	s0 =	simm.s32 @!p1 $0x0  }
0x14: {  	s2 =	sld [smem:$0x3F66];
	s0 =	simm.s32 @p1 $0x1  }
0x15: {  	[smem:$0x3F83] =	sst s0;
	s0 =	simm.s32 @!p2 $0x0  }
0x16: {  	s3 =	sld [smem:$0x3FDB];
	s0 =	simm.s32 @p2 $0x1  }
0x17: {  	s4 =	simm.s32 $0x1BF5;
	[smem:$0x3F85] =	sst s0  }
0x18: {  	s0 =	sld [smem:$0x3F68];
	_ =	swait.ge [sflag:s4], $0x0  }
0x19: {  	s7 =	sld [smem:$0x3F69]  }
0x1a: {  	s8 =	sadd.s32 $0xFFFFE003, lr  }
0x1b: {  	s9 =	sadd.s32 $0xFFFFFEF7, lr;
	s5 =	simm.s32 $0xFFFFFFFF;
	p2 =	slt.u32 s8, $0xFFFFF086  }
0x1c: {  	p1 =	slt.u32 s9, $0xF7A;
	s5 =	simm.s32 @!p2 $0x0  }
0x1d: {  	s5 =	simm.s32 @p1 $0x1;
	p0 =	seq.s32 s7, s2  }
0x1e: {  	s7 =	smul.u32 @!p0 $0xF7A, s2;
	p2 =	seq.s32 @!p0 s5, $0x0  }
0x1f: {  	s9 =	smul.u32 $0xF7A, s1;
	s8 =	simm.s32 @!p0 $0x1BF5;
	p2 =	por !p2, p0  }
0x20: {  	[sflag:s8] =	ssyncset.s32 @!p0 $0xFFFFF086;
	s6 =	sadd.s32 @!p0 s3, s7;
	s7 =	simm.s32 @!p0 $0x108  }
0x21: {  	s3 =	sadd.s32 s3, s9;
	s6 =	sadd.s32 @!p0 $0x88, s6;
	s7 =	simm.s32 @p2 $0x1082  }
0x22: {  	[simem:s7], [sflag:s8] =	dma.local @!p0 [hbm:s6], $0xF7A  }
0x23: {  	s9 =	sor.u32 $0xD0000000, s2;
	s6 =	simm.s32 $0x108;
	_ =	swait.ge @!p0 [sflag:s8], $0x0  }
0x24: {  	s3 =	sadd.s32 $0x88, s3;
	s6 =	simm.s32 @!p1 $0x1082;
	[sflag:s4] =	ssyncset.s32 $0xFFFFF086  }
0x25: {  	[simem:s6], [sflag:s4] =	dma.local [hbm:s3], $0xF7A  }
0x26: {  	[smem:$0x3F69] =	sst s1;
	(tag) =	ssettag s2;
	_ =	strace s9  }
0x27: {  	s1 =	sld [smem:$0x3F79]  }
0x28: {  	s2 =	sld [smem:$0x3F7A]  }
0x29: {  	s4 =	sld [smem:$0x3F7C]  }
0x2a: {  	p0 =	seq.s32 s5, $0x0;
	s5 =	sld [smem:$0x3F7D]  }
0x2b: {  	s6 =	sld [smem:$0x3F7E]  }
0x2c: {  	s7 =	sld [smem:$0x3F7F]  }
0x2d: {  	s3 =	simm.s32 $0x108;
	s8 =	sld [smem:$0x3F80]  }
0x2e: {  	s3 =	simm.s32 @!p0 $0x1082;
	s9 =	sld [smem:$0x3F81]  }
0x2f: {  	lr =	sadd.s32 s0, s3;
	s0 =	sld [smem:$0x3F78]  }
0x30: {  	s3 =	sld [smem:$0x3F7B]  }
0x31: {  	[smem:$0x3F84] =	sst s10  }
0x32: {  	s10 =	sld [smem:$0x3F82];
	_ =	sdelay $0x3  }
0x33: {  	p0 =	seq.s32 s10, $0x1;
	s10 =	sld [smem:$0x3F84];
	_ =	sdelay $0x3  }
0x34: {  	[smem:$0x3F84] =	sst s10  }
0x35: {  	s10 =	sld [smem:$0x3F83];
	_ =	sdelay $0x3  }
0x36: {  	p1 =	seq.s32 s10, $0x1;
	s10 =	sld [smem:$0x3F84];
	_ =	sdelay $0x3  }
0x37: {  	[smem:$0x3F84] =	sst s10  }
0x38: {  	s10 =	sld [smem:$0x3F85]  }
0x39: {  	_ = 	snop;
	(pc) =	sbr.ind lr, $3  }
0x3a: {  	_ = 	snop  }
0x3b: {  	_ = 	snop  }
0x3c: {  	p2 =	seq.s32 s10, $0x1;
	s10 =	sld [smem:$0x3F84]  }
0x3d: {  	_ =	shalt  }
0x3e: {  	_ =	shalt  }
0x3f: {  	_ =	shalt  }
0x40: {  	_ =	shalt  }
0x41: {  	_ =	shalt  }
0x42: {  	_ =	shalt  }
0x43: {  	_ =	shalt  }
0x44: {  	_ =	shalt  }
0x45: {  	_ =	shalt  }
0x46: {  	_ =	shalt  }
0x47: {  	_ =	shalt  }
0x48: {  	_ =	shalt  }
0x49: {  	_ =	shalt  }
0x4a: {  	_ =	shalt  }
0x4b: {  	_ =	shalt  }
0x4c: {  	_ =	shalt  }
0x4d: {  	_ =	shalt  }
0x4e: {  	_ =	shalt  }
0x4f: {  	_ =	shalt  }
0x50: {  	_ =	shalt  }
0x51: {  	_ =	shalt  }
0x52: {  	_ =	shalt  }
0x53: {  	_ =	shalt  }
0x54: {  	_ =	shalt  }
0x55: {  	_ =	shalt  }
0x56: {  	_ =	shalt  }
0x57: {  	_ =	shalt  }
0x58: {  	_ =	shalt  }
0x59: {  	_ =	shalt  }
0x5a: {  	_ =	shalt  }
0x5b: {  	_ =	shalt  }
0x5c: {  	_ =	shalt  }
0x5d: {  	_ =	shalt  }
0x5e: {  	_ =	shalt  }
0x5f: {  	_ =	shalt  }
0x60: {  	_ =	shalt  }
0x61: {  	_ =	shalt  }
0x62: {  	_ =	shalt  }
0x63: {  	_ =	shalt  }
0x64: {  	_ =	shalt  }
0x65: {  	_ =	shalt  }
0x66: {  	_ =	shalt  }
0x67: {  	_ =	shalt  }
0x68: {  	_ =	shalt  }
0x69: {  	_ =	shalt  }
0x6a: {  	_ =	shalt  }
0x6b: {  	_ =	shalt  }
0x6c: {  	_ =	shalt  }
0x6d: {  	_ =	shalt  }
0x6e: {  	_ =	shalt  }
0x6f: {  	_ =	shalt  }
0x70: {  	_ =	shalt  }
0x71: {  	_ =	shalt  }
0x72: {  	_ =	shalt  }
0x73: {  	_ =	shalt  }
0x74: {  	_ =	shalt  }
0x75: {  	_ =	shalt  }
0x76: {  	_ =	shalt  }
0x77: {  	_ =	shalt  }
0x78: {  	_ =	shalt  }
0x79: {  	_ =	shalt  }
0x7a: {  	_ =	shalt  }
0x7b: {  	_ =	shalt  }
0x7c: {  	_ =	shalt  }
0x7d: {  	_ =	shalt  }
0x7e: {  	_ =	shalt  }
0x7f: {  	_ =	shalt  }
0x80: {  	_ =	shalt  }
0x81: {  	_ =	shalt  }
0x82: {  	_ =	shalt  }
0x83: {  	_ =	shalt  }
0x84: {  	_ =	shalt  }
0x85: {  	_ =	shalt  }
0x86: {  	_ =	shalt  }
0x87: {  	_ =	shalt  }
.Lfunc_end0:
.L_simem_size_0:
called_computation.1_lowered:
.L_overlay_start_0:
0x88: {  	s2 =	sld [smem:$0x3FD9]  }
0x89: {  	s3 =	sld [smem:$0x3FFE];
	_ =	sdelay $0x1  }
0x8a: {  	s1 =	srdreg.scid  }
0x8b: {  	s0 =	sand.u32 $0x1, s1  }
0x8c: {  	s16 =	sshll.u32 s0, $0xA;
	s2 =	sadd.s32 s3, s2  }
0x8d: {  	s2 =	sadd.s32 s2, s16  }
0x8e: {  	[smem:$0x3F90] =	sst s2  }
0x8f: {  	_ = 	snop  }
0x90: {  	(tm) =	ssettm $0x1  }
0x91: {  	s17 =	sld [smem:$0x3FFB];
	_ =	sdelay $0x3  }
0x92: {  	_ =	strace s17  }
0x93: {  	s2 =	sld [smem:$0x3FFC];
	_ =	sdelay $0x3  }
0x94: {  	_ =	strace s2  }
0x95: {  	s2 =	sld [smem:$0x3FFD];
	_ =	sdelay $0x3  }
0x96: {  	_ =	strace s2  }
0x97: {  	_ =	strace $0x8FFFFFFF  }
0x98: {  	s18 =	sld [smem:$0x3FDB];
	_ =	sdelay $0x1  }
0x99: {  	s19 =	simm.s32 $_scs_section_size  }
0x9a: {  	s4 =	simm.s32 $_size__tile_overlayer_lowered;
	s5 =	simm.s32 $_tile_overlayer_lowered  }
0x9b: {  	s22 =	simm.s32 $0x1BFF;
	s21 =	sshll.u32 s5, $0x1;
	s2 =	sadd.s32 s19, s18  }
0x9c: {  	s6 =	simm.s32 $0x0;
	s20 =	sshll.u32 s4, $0x1;
	s4 =	sadd.s32 s21, s2  }
0x9d: {  	[timem:s6], [sflag:s22] =	dma.local [hbm:s4], s20  }
0x9e: {  	_ =	swait.ge [sflag:s22], s20  }
0x9f: {  	s3 =	ssub.s32 $0x0, s20;
	[sflag:s22] =	ssyncset.done $0x0  }
0xa0: {  	[sflag:s22] =	ssyncadd.s32 s3;
	_ =	sdelay $0x1  }
0xa1: {  	s23 =	simm.s32 $0x1B8B  }
0xa2: {  	_ =	swait.ge [sflag:s23], $0x1  }
0xa3: {  	[sflag:s23] =	ssyncset.done $0x0  }
0xa4: {  	s25 =	simm.s32 $0x1B8E;
	s24 =	sld [smem:$0x3FFE];
	[sflag:s23] =	ssyncadd.s32 $0xFFFFFFFF  }
0xa5: {  	s26 =	simm.s32 $execute0_lowered;
	[smem:$0x3FD2] =	sst s25  }
0xa6: {  	s4 =	sshll.u32 s26, $0x1;
	_ =	strace $0x80000049;
	[dreg:$0x1] =	wrdreg $0xFFFFFFFF  }
0xa7: {  	s28 =	simm.s32 $_size_execute0_lowered;
	s2 =	sadd.s32 s2, s4;
	[dreg:$0x0] =	wrdreg $0x0  }
0xa8: {  	s4 =	sshll.u32 s28, $0x1;
	[dreg:$0x2] =	wrdreg s2  }
0xa9: {  	[dreg:$0x3] =	wrdreg s4  }
0xaa: {  	[dreg:$0x4] =	wrdreg $0xC0  }
0xab: {  	_ =	task [dreg:s6], $0x5FFFF  }
0xac: {  	[dreg:$0x1] =	wrdreg $0xFFFFFFFF  }
0xad: {  	[dreg:$0x0] =	wrdreg $0x60  }
0xae: {  	[dreg:$0x2] =	wrdreg s24  }
0xaf: {  	[dreg:$0x3] =	wrdreg $0x6A400  }
0xb0: {  	[dreg:$0x4] =	wrdreg $0x12E400  }
0xb1: {  	[dreg:$0x5] =	wrdreg $0x9  }
0xb2: {  	_ =	task.clear_ibuf [dreg:s6], $0x6FFFF;
	_ =	strace $0x90000049  }
0xb3: {  	s29 =	simm.s32 $0x9;
	_ =	strace $0x8000004B  }
0xb4: {  	_ =	swait.ge [sflag:s29], $0x1  }
0xb5: {  	[sflag:s29] =	ssyncadd.s32 $0xFFFFFFFF  }
0xb6: {  	_ =	strace $0x9000004B  }
0xb7: {  	_ =	sfence  }
0xb8: {  	s30 =	sld [smem:$0x0];
	_ =	sdelay $0x2  }
0xb9: {  	s31 =	sshll.u32 s1, $0xD;
	s1 =	sshrl.u32 s1, $0x2  }
0xba: {  	s3 =	sand.u32 $0x4000, s31;
	s1 =	sadd.s32 s1, s30  }
0xbb: {  	s0 =	sor.u32 s3, s0;
	s1 =	sshll.u32 s1, $0x11  }
0xbc: {  	s0 =	sor.u32 s1, s0  }
0xbd: {  	s0 =	sadd.s32 $0x8F2B, s0  }
0xbe: {  	[sflag:s0] =	ssyncadd.remote.s32 $0x1  }
0xbf: {  	_ =	sfence.sel $0xFFFF  }
0xc0: {  	[dreg:$0x0] =	wrdreg $0xFFFFFFFF;
	(pc) =	sbr.abs _section_cstart, $3  }
0xc1: {  	[dreg:$0x1] =	wrdreg $0xFFFFFFFF  }
0xc2: {  	_ =	task.clear_ibuf [dreg:s6], $0x2FFFF;
	_ =	strace $0x9FFFFFFF  }
0xc3: {  	(tm) =	ssettm $0x7FFFFFFF  }
tec
execute0_lowered:
.L_overlay_start_1:
0x0: {  	(tag) =	ssettag $0x1  }
0x1: {  	s0 =	rddreg [dreg:$0x0]  }
0x2: {  	s2 =	rddreg [dreg:$0x1]  }
0x3: {  	s3 =	rddreg [dreg:$0x2];
	s4 =	simm.s32 $0x0  }
0x4: {  	s13 =	stileid.u32;
	s1 =	srdreg.scid;
	s17 =	simm.s32 $0x4  }
0x5: {  	s19 =	simm.s32 $0x190;
	s20 =	simm.s32 $0x30D400;
	s22 =	simm.s32 $0x320  }
0x6: {  	s28 =	simm.s32 $0x2;
	s29 =	simm.s32 $0x5140;
	s30 =	simm.s32 $0x4B0  }
0x7: {  	s31 =	simm.s32 $0x0;
	[smem:$0x7FF] =	sst s4;
	s7 =	smul.u32 $0xC400, s13  }
0x8: {  	s1 =	sand.u32 $0x1, s1;
	s5 =	sadd.s32 $0xC42600, s0;
	s6 =	sadd.s32 $0xD05C00, s0  }
0x9: {  	s12 =	sshll.u32 s13, $0x1;
	s23 =	sshll.u32 s13, $0x6;
	_ =	strace $0x8000004A  }
0xa: {  	s8 =	smul.u32 $0xC4000, s1;
	s10 =	ssub.s32 $0x2, s1;
	s1 =	sor.u32 s1, s12  }
0xb: {  	s9 =	sshrl.u32 s7, $0x3;
	s11 =	sshrl.u32 s10, $0x1;
	s24 =	smul.u32 $0x186A0, s1  }
0xc: {  	s16 =	sadd.s32 s7, s2;
	s1 =	smul.u32 $0x30D40, s1;
	s9 =	sadd.s32 s9, s0  }
0xd: {  	s8 =	sadd.s32 s7, s8;
	s10 =	ssub.s32 s10, s11;
	s7 =	sadd.s32 s7, s3  }
0xe: {  	s16 =	sshrl.u32 s16, $0x3;
	s8 =	sshrl.u32 s8, $0x3;
	s25 =	sadd.s32 $0xB9A800, s9  }
0xf: {  	s9 =	sadd.s32 $0xD0C00, s9;
	s26 =	sshrl.u32 s24, $0x3;
	s11 =	sadd.s32 s6, s1  }
0x10: {  	s12 =	sadd.s32 $0x190, s24;
	s13 =	sadd.s32 $0x320, s24;
	s15 =	smax.u32 s10, $0x1  }
0x11: {  	s18 =	sshrl.u32 s7, $0x3;
	s24 =	simm.s32 $0x1;
	[dreg:$0x4] =	wrdreg s25  }
0x12: {  	s0 =	sadd.s32 s8, s0;
	s8 =	sor.u32 $0x1C04, s23;
	[dreg:$0x5] =	wrdreg s9  }
0x13: {  	s9 =	sadd.s32 s5, s26;
	s23 =	simm.s32 $0x1F40;
	s25 =	simm.s32 $0x3840  }
0x14: {  	s26 =	simm.s32 $0x3;
	[dreg:$0x6] =	wrdreg s9;
	s14 =	sadd.s32 $0xBB3000, s0  }
.LBB2_1:
0x15: {  	s0 =	rddreg [dreg:$0x4]  }
0x16: {  	[spmem:s16], [sflag:s8] =	dma.local [hbm:s0], $0x1880  }
0x17: {  	_ =	swait.ge [sflag:s17], $0x1880  }
0x18: {  	[sflag:s17] =	ssyncset.done $0x0  }
0x19: {  	s9 =	rddreg [dreg:$0x5];
	[sflag:s17] =	ssyncadd.s32 $0xFFFFE780  }
0x1a: {  	[spmem:s18], [sflag:s8] =	dma.local [hbm:s9], $0x1880  }
0x1b: {  	_ =	swait.ge [sflag:s17], $0x1880  }
0x1c: {  	[sflag:s17] =	ssyncset.done $0x0  }
0x1d: {  	[sflag:s17] =	ssyncadd.s32 $0xFFFFE780  }
0x1e: {  	[bflag:$0x0] =	sbarrier.arrive $0xFFFF  }
0x1f: {  	s10 =	rddreg [dreg:$0x6]  }
0x20: {  	[tilespmem:s4], [sflag:$0x1] =	stream.strided.gather [hbm4b:s10+s19], $0x320, s20, s19, $0x38;
	[tilespmem:$0x1F240] =	vst v63  }
0x21: {  	s21 =	simm.s32 $0x640;
	s0 =	simm.s32 $0x0  }
0x22: {  	[tilespmem:s21], [sflag:$0x1] =	stream.linear.gather [hbm4b:s11+s4], $0x1900, $0x38;
	[tilespmem:$0x1F240] =	vst v63  }
.LBB2_2:
0x23: {  	s1 =	smul.u32 $0x320, s0;
	_ =	sdelay $0x1  }
0x24: {  	s7 =	sadd.s32 s1, s12  }
0x25: {  	s9 =	sshrl.u32 s7, $0x3;
	s7 =	sshll.u32 s7, $0x1  }
0x26: {  	s9 =	sadd.s32 s5, s9;
	s7 =	sand.u32 $0x1FFFFFE0, s7  }
0x27: {  	[tilespmem:s22], [sflag:$0x2] =	stream.strided.gather [hbm4b:s9+s19], $0x320, s20, s19, $0x38;
	[tilespmem:$0x1F240] =	vst v63  }
0x28: {  	s7 =	sadd.s32 s6, s7  }
0x29: {  	[tilespmem:s23], [sflag:$0x2] =	stream.linear.gather [hbm4b:s7+s4], $0x1900, $0x38;
	[tilespmem:$0x1F240] =	vst v63  }
0x2a: {  	_ =	swait.ge [sflag:s24], $0x320  }
0x2b: {  	[sflag:s24] =	ssyncset.done $0x0  }
0x2c: {  	[sflag:s24] =	ssyncadd.s32 $0xFFFFFCE0  }
0x2d: {  	_ =	swait.ge [sflag:s24], $0x1900  }
0x2e: {  	[sflag:s24] =	ssyncset.done $0x0  }
0x2f: {  	[sflag:s24] =	ssyncadd.s32 $0xFFFFE700  }
0x30: {  	[tilespmem:s25], [sflag:$0x3] =	stream.indirect.gather [spmem:s2], $0x10, s4, s19, $0xb8;
	[tilespmem:$0x1F240] =	vst v63  }
0x31: {  	_ =	swait.ge [sflag:s26], $0x1900  }
0x32: {  	[sflag:s26] =	ssyncset.done $0x0  }
0x33: {  	s21 =	simm.s32 $0x3880;
	[sflag:s26] =	ssyncadd.s32 $0xFFFFE700  }
0x34: {  	s7 =	simm.s32 $0x680;
	v0 =	vld [tilespmem:s21+$0xFFFFFFC0]  }
0x35: {  	v1 =	vld [tilespmem:s7+$0xFFFFFFC0];
	_ =	sdelay $0x4  }
0x36: {  	v0 =	vadd.f32 v0, v1;
	_ =	sdelay $0x1  }
0x37: {  	v0 =	vmax.f32 v0, $0.0e+00  }
0x38: {  	[tilespmem:s21+$0xFFFFFFC0] =	vst v0;
	v0 =	vld [tilespmem:s21+$0xFFFFFFD0]  }
0x39: {  	v1 =	vld [tilespmem:s7+$0xFFFFFFD0];
	_ =	sdelay $0x4  }
0x3a: {  	v0 =	vadd.f32 v0, v1;
	_ =	sdelay $0x1  }
0x3b: {  	v0 =	vmax.f32 v0, $0.0e+00  }
0x3c: {  	[tilespmem:s21+$0xFFFFFFD0] =	vst v0;
	v0 =	vld [tilespmem:s21+$0xFFFFFFE0]  }
0x3d: {  	v1 =	vld [tilespmem:s7+$0xFFFFFFE0];
	_ =	sdelay $0x4  }
0x3e: {  	v0 =	vadd.f32 v0, v1;
	_ =	sdelay $0x1  }
0x3f: {  	v0 =	vmax.f32 v0, $0.0e+00  }
0x40: {  	[tilespmem:s21+$0xFFFFFFE0] =	vst v0;
	v0 =	vld [tilespmem:s21+$0xFFFFFFF0]  }
0x41: {  	v1 =	vld [tilespmem:s7+$0xFFFFFFF0];
	_ =	sdelay $0x4  }
0x42: {  	v0 =	vadd.f32 v0, v1;
	_ =	sdelay $0x1  }
0x43: {  	v0 =	vmax.f32 v0, $0.0e+00  }
0x44: {  	[tilespmem:s21+$0xFFFFFFF0] =	vst v0;
	v0 =	vld [tilespmem:s21+$0x0]  }
0x45: {  	v1 =	vld [tilespmem:s7+$0x0];
	_ =	sdelay $0x4  }
0x46: {  	v0 =	vadd.f32 v0, v1;
	_ =	sdelay $0x1  }
0x47: {  	v0 =	vmax.f32 v0, $0.0e+00  }
0x48: {  	[tilespmem:s21+$0x0] =	vst v0;
	v0 =	vld [tilespmem:s21+$0x10]  }
0x49: {  	v1 =	vld [tilespmem:s7+$0x10];
	_ =	sdelay $0x4  }
0x4a: {  	v0 =	vadd.f32 v0, v1;
	_ =	sdelay $0x1  }
0x4b: {  	v0 =	vmax.f32 v0, $0.0e+00  }
0x4c: {  	[tilespmem:s21+$0x10] =	vst v0;
	v0 =	vld [tilespmem:s21+$0x20]  }
0x4d: {  	v1 =	vld [tilespmem:s7+$0x20];
	_ =	sdelay $0x4  }
0x4e: {  	v0 =	vadd.f32 v0, v1;
	_ =	sdelay $0x1  }
0x4f: {  	v0 =	vmax.f32 v0, $0.0e+00  }
0x50: {  	[tilespmem:s21+$0x20] =	vst v0;
	v0 =	vld [tilespmem:s21+$0x30]  }
0x51: {  	v1 =	vld [tilespmem:s7+$0x30];
	_ =	sdelay $0x4  }
0x52: {  	v0 =	vadd.f32 v0, v1;
	_ =	sdelay $0x1  }
0x53: {  	s10 =	simm.s32 $0x3900;
	s9 =	simm.s32 $0x0;
	v0 =	vmax.f32 v0, $0.0e+00  }
.LBB2_3:
0x54: {  	v1 =	vld [tilespmem:s10+$0xFFFFFFC0];
	[tilespmem:s21+$0x30] =	vst v0;
	s7 =	sadd.s32 $0x80, s7;
	s21 =	smov.u32 s10  }
0x55: {  	s9 =	sadd.s32 $0x8, s9;
	v0 =	vld [tilespmem:s7+$0xFFFFFFC0]  }
0x56: {  	p0 =	slt.u32 s9, $0x188;
	_ =	sdelay $0x3  }
0x57: {  	v0 =	vadd.f32 v1, v0;
	_ =	sdelay $0x1  }
0x58: {  	v0 =	vmax.f32 v0, $0.0e+00  }
0x59: {  	[tilespmem:s10+$0xFFFFFFC0] =	vst v0;
	v0 =	vld [tilespmem:s10+$0xFFFFFFD0]  }
0x5a: {  	v1 =	vld [tilespmem:s7+$0xFFFFFFD0];
	_ =	sdelay $0x4  }
0x5b: {  	v0 =	vadd.f32 v0, v1;
	_ =	sdelay $0x1  }
0x5c: {  	v0 =	vmax.f32 v0, $0.0e+00  }
0x5d: {  	[tilespmem:s10+$0xFFFFFFD0] =	vst v0;
	v0 =	vld [tilespmem:s10+$0xFFFFFFE0]  }
0x5e: {  	v1 =	vld [tilespmem:s7+$0xFFFFFFE0];
	_ =	sdelay $0x4  }
0x5f: {  	v0 =	vadd.f32 v0, v1;
	_ =	sdelay $0x1  }
0x60: {  	v0 =	vmax.f32 v0, $0.0e+00  }
0x61: {  	[tilespmem:s10+$0xFFFFFFE0] =	vst v0;
	v0 =	vld [tilespmem:s10+$0xFFFFFFF0]  }
0x62: {  	v1 =	vld [tilespmem:s7+$0xFFFFFFF0];
	_ =	sdelay $0x4  }
0x63: {  	v0 =	vadd.f32 v0, v1;
	_ =	sdelay $0x1  }
0x64: {  	v0 =	vmax.f32 v0, $0.0e+00  }
0x65: {  	[tilespmem:s10+$0xFFFFFFF0] =	vst v0;
	v0 =	vld [tilespmem:s10+$0x0]  }
0x66: {  	v1 =	vld [tilespmem:s7+$0x0];
	_ =	sdelay $0x4  }
0x67: {  	v0 =	vadd.f32 v0, v1;
	_ =	sdelay $0x1  }
0x68: {  	v0 =	vmax.f32 v0, $0.0e+00  }
0x69: {  	[tilespmem:s10+$0x0] =	vst v0;
	v0 =	vld [tilespmem:s10+$0x10]  }
0x6a: {  	v1 =	vld [tilespmem:s7+$0x10];
	_ =	sdelay $0x4  }
0x6b: {  	v0 =	vadd.f32 v0, v1;
	_ =	sdelay $0x1  }
0x6c: {  	v0 =	vmax.f32 v0, $0.0e+00  }
0x6d: {  	[tilespmem:s10+$0x10] =	vst v0;
	v0 =	vld [tilespmem:s10+$0x20]  }
0x6e: {  	v1 =	vld [tilespmem:s7+$0x20];
	_ =	sdelay $0x4  }
0x6f: {  	v0 =	vadd.f32 v0, v1;
	_ =	sdelay $0x1  }
0x70: {  	v0 =	vmax.f32 v0, $0.0e+00  }
0x71: {  	[tilespmem:s10+$0x20] =	vst v0;
	v0 =	vld [tilespmem:s10+$0x30]  }
0x72: {  	v1 =	vld [tilespmem:s7+$0x30];
	_ =	sdelay $0x2  }
.Ltmp0:
0x73: {  	(pc) =	sbr.rel @p0 .LBB2_3-.Ltmp0, $3  }
0x74: {  	_ = 	snop  }
0x75: {  	v0 =	vadd.f32 v0, v1;
	_ =	sdelay $0x1  }
0x76: {  	s10 =	sadd.s32 $0x80, s10;
	v0 =	vmax.f32 v0, $0.0e+00  }
0x77: {  	[tilespmem:s21+$0x30] =	vst v0;
	p0 =	seq.s32 s0, $0x7C  }
0x78: {  	[spmem:s3] =	stream.indirect.scatter.add.f32 [tilespmem:s25], [sflag:$0x4], $0x10, s19, s19, $0xb8;
	[tilespmem:$0x1F240] =	vst v63  }
0x79: {  	s1 =	sadd.s32 @!p0 s1, s13;
	s9 =	simm.s32 @!p0 $0x190  }
0x7a: {  	s10 =	simm.s32 @!p0 $0x30D400;
	s21 =	simm.s32 @!p0 $0x0;
	_ =	swait.ge [sflag:s17], $0x1900  }
0x7b: {  	s7 =	sshrl.u32 @!p0 s1, $0x3;
	s1 =	sshll.u32 @!p0 s1, $0x1;
	[sflag:s17] =	ssyncset.done $0x0  }
0x7c: {  	s7 =	sadd.s32 @!p0 s5, s7;
	s1 =	sand.u32 @!p0 $0x1FFFFFC0, s1;
	[sflag:s17] =	ssyncadd.s32 $0xFFFFE700  }
0x7d: {  	[tilespmem:s21], [sflag:$0x1] =	stream.strided.gather @!p0 [hbm4b:s7+s9], $0x320, s10, s9, $0x38;
	[tilespmem:$0x1F240] =	vst v63  }
0x7e: {  	s1 =	sadd.s32 @!p0 s6, s1;
	s7 =	simm.s32 @!p0 $0x640  }
0x7f: {  	[tilespmem:s7], [sflag:$0x1] =	stream.linear.gather @!p0 [hbm4b:s1+s21], $0x1900, $0x38;
	[tilespmem:$0x1F240] =	vst v63  }
0x80: {  	_ =	swait.ge [sflag:s28], $0x320  }
0x81: {  	[sflag:s28] =	ssyncset.done $0x0  }
0x82: {  	[sflag:s28] =	ssyncadd.s32 $0xFFFFFCE0  }
0x83: {  	_ =	swait.ge [sflag:s28], $0x1900  }
0x84: {  	[sflag:s28] =	ssyncset.done $0x0  }
0x85: {  	[sflag:s28] =	ssyncadd.s32 $0xFFFFE700  }
0x86: {  	[tilespmem:s29], [sflag:$0x3] =	stream.indirect.gather [spmem:s2], $0x10, s22, s19, $0xb8;
	[tilespmem:$0x1F240] =	vst v63  }
0x87: {  	_ =	swait.ge [sflag:s26], $0x1900  }
0x88: {  	[sflag:s26] =	ssyncset.done $0x0  }
0x89: {  	s1 =	simm.s32 $0x5180;
	[sflag:s26] =	ssyncadd.s32 $0xFFFFE700  }
0x8a: {  	s21 =	simm.s32 $0x1F80;
	v0 =	vld [tilespmem:s1+$0xFFFFFFC0]  }
0x8b: {  	v1 =	vld [tilespmem:s21+$0xFFFFFFC0];
	_ =	sdelay $0x4  }
0x8c: {  	v0 =	vadd.f32 v0, v1;
	_ =	sdelay $0x1  }
0x8d: {  	v0 =	vmax.f32 v0, $0.0e+00  }
0x8e: {  	[tilespmem:s1+$0xFFFFFFC0] =	vst v0;
	v0 =	vld [tilespmem:s1+$0xFFFFFFD0]  }
0x8f: {  	v1 =	vld [tilespmem:s21+$0xFFFFFFD0];
	_ =	sdelay $0x4  }
0x90: {  	v0 =	vadd.f32 v0, v1;
	_ =	sdelay $0x1  }
0x91: {  	v0 =	vmax.f32 v0, $0.0e+00  }
0x92: {  	[tilespmem:s1+$0xFFFFFFD0] =	vst v0;
	v0 =	vld [tilespmem:s1+$0xFFFFFFE0]  }
0x93: {  	v1 =	vld [tilespmem:s21+$0xFFFFFFE0];
	_ =	sdelay $0x4  }
0x94: {  	v0 =	vadd.f32 v0, v1;
	_ =	sdelay $0x1  }
0x95: {  	v0 =	vmax.f32 v0, $0.0e+00  }
0x96: {  	[tilespmem:s1+$0xFFFFFFE0] =	vst v0;
	v0 =	vld [tilespmem:s1+$0xFFFFFFF0]  }
0x97: {  	v1 =	vld [tilespmem:s21+$0xFFFFFFF0];
	_ =	sdelay $0x4  }
0x98: {  	v0 =	vadd.f32 v0, v1;
	_ =	sdelay $0x1  }
0x99: {  	v0 =	vmax.f32 v0, $0.0e+00  }
0x9a: {  	[tilespmem:s1+$0xFFFFFFF0] =	vst v0;
	v0 =	vld [tilespmem:s1+$0x0]  }
0x9b: {  	v1 =	vld [tilespmem:s21+$0x0];
	_ =	sdelay $0x4  }
0x9c: {  	v0 =	vadd.f32 v0, v1;
	_ =	sdelay $0x1  }
0x9d: {  	v0 =	vmax.f32 v0, $0.0e+00  }
0x9e: {  	[tilespmem:s1+$0x0] =	vst v0;
	v0 =	vld [tilespmem:s1+$0x10]  }
0x9f: {  	v1 =	vld [tilespmem:s21+$0x10];
	_ =	sdelay $0x4  }
0xa0: {  	v0 =	vadd.f32 v0, v1;
	_ =	sdelay $0x1  }
0xa1: {  	v0 =	vmax.f32 v0, $0.0e+00  }
0xa2: {  	[tilespmem:s1+$0x10] =	vst v0;
	v0 =	vld [tilespmem:s1+$0x20]  }
0xa3: {  	v1 =	vld [tilespmem:s21+$0x20];
	_ =	sdelay $0x4  }
0xa4: {  	v0 =	vadd.f32 v0, v1;
	_ =	sdelay $0x1  }
0xa5: {  	v0 =	vmax.f32 v0, $0.0e+00  }
0xa6: {  	[tilespmem:s1+$0x20] =	vst v0;
	v0 =	vld [tilespmem:s1+$0x30]  }
0xa7: {  	v1 =	vld [tilespmem:s21+$0x30];
	_ =	sdelay $0x4  }
0xa8: {  	v0 =	vadd.f32 v0, v1;
	_ =	sdelay $0x1  }
0xa9: {  	s0 =	sadd.s32 $0x1, s0;
	s9 =	simm.s32 $0x5200;
	s7 =	simm.s32 $0x0;
	v0 =	vmax.f32 v0, $0.0e+00  }
.LBB2_5:
0xaa: {  	v1 =	vld [tilespmem:s9+$0xFFFFFFC0];
	[tilespmem:s1+$0x30] =	vst v0;
	s21 =	sadd.s32 $0x80, s21;
	s1 =	smov.u32 s9  }
0xab: {  	s7 =	sadd.s32 $0x8, s7;
	v0 =	vld [tilespmem:s21+$0xFFFFFFC0]  }
0xac: {  	p0 =	slt.u32 s7, $0x188;
	_ =	sdelay $0x3  }
0xad: {  	v0 =	vadd.f32 v1, v0;
	_ =	sdelay $0x1  }
0xae: {  	v0 =	vmax.f32 v0, $0.0e+00  }
0xaf: {  	[tilespmem:s9+$0xFFFFFFC0] =	vst v0;
	v0 =	vld [tilespmem:s9+$0xFFFFFFD0]  }
0xb0: {  	v1 =	vld [tilespmem:s21+$0xFFFFFFD0];
	_ =	sdelay $0x4  }
0xb1: {  	v0 =	vadd.f32 v0, v1;
	_ =	sdelay $0x1  }
0xb2: {  	v0 =	vmax.f32 v0, $0.0e+00  }
0xb3: {  	[tilespmem:s9+$0xFFFFFFD0] =	vst v0;
	v0 =	vld [tilespmem:s9+$0xFFFFFFE0]  }
0xb4: {  	v1 =	vld [tilespmem:s21+$0xFFFFFFE0];
	_ =	sdelay $0x4  }
0xb5: {  	v0 =	vadd.f32 v0, v1;
	_ =	sdelay $0x1  }
0xb6: {  	v0 =	vmax.f32 v0, $0.0e+00  }
0xb7: {  	[tilespmem:s9+$0xFFFFFFE0] =	vst v0;
	v0 =	vld [tilespmem:s9+$0xFFFFFFF0]  }
0xb8: {  	v1 =	vld [tilespmem:s21+$0xFFFFFFF0];
	_ =	sdelay $0x4  }
0xb9: {  	v0 =	vadd.f32 v0, v1;
	_ =	sdelay $0x1  }
0xba: {  	v0 =	vmax.f32 v0, $0.0e+00  }
0xbb: {  	[tilespmem:s9+$0xFFFFFFF0] =	vst v0;
	v0 =	vld [tilespmem:s9+$0x0]  }
0xbc: {  	v1 =	vld [tilespmem:s21+$0x0];
	_ =	sdelay $0x4  }
0xbd: {  	v0 =	vadd.f32 v0, v1;
	_ =	sdelay $0x1  }
0xbe: {  	v0 =	vmax.f32 v0, $0.0e+00  }
0xbf: {  	[tilespmem:s9+$0x0] =	vst v0;
	v0 =	vld [tilespmem:s9+$0x10]  }
0xc0: {  	v1 =	vld [tilespmem:s21+$0x10];
	_ =	sdelay $0x4  }
0xc1: {  	v0 =	vadd.f32 v0, v1;
	_ =	sdelay $0x1  }
0xc2: {  	v0 =	vmax.f32 v0, $0.0e+00  }
0xc3: {  	[tilespmem:s9+$0x10] =	vst v0;
	v0 =	vld [tilespmem:s9+$0x20]  }
0xc4: {  	v1 =	vld [tilespmem:s21+$0x20];
	_ =	sdelay $0x4  }
0xc5: {  	v0 =	vadd.f32 v0, v1;
	_ =	sdelay $0x1  }
0xc6: {  	v0 =	vmax.f32 v0, $0.0e+00  }
0xc7: {  	[tilespmem:s9+$0x20] =	vst v0;
	v0 =	vld [tilespmem:s9+$0x30]  }
0xc8: {  	v1 =	vld [tilespmem:s21+$0x30];
	_ =	sdelay $0x2  }
.Ltmp1:
0xc9: {  	(pc) =	sbr.rel @p0 .LBB2_5-.Ltmp1, $3  }
0xca: {  	_ = 	snop  }
0xcb: {  	v0 =	vadd.f32 v0, v1;
	_ =	sdelay $0x1  }
0xcc: {  	s9 =	sadd.s32 $0x80, s9;
	v0 =	vmax.f32 v0, $0.0e+00  }
0xcd: {  	p0 =	sne.s32 s0, $0x7D  }
.Ltmp2:
0xce: {  	[tilespmem:s1+$0x30] =	vst v0;
	(pc) =	sbr.rel @p0 .LBB2_2-.Ltmp2, $4  }
0xcf: {  	[spmem:s3] =	stream.indirect.scatter.add.f32 [tilespmem:s29], [sflag:$0x4], $0x10, s30, s19, $0xb8;
	[tilespmem:$0x1F240] =	vst v63  }
0xd0: {  	_ =	swait.ge [sflag:s17], $0x1900  }
0xd1: {  	[sflag:s17] =	ssyncset.done $0x0  }
0xd2: {  	[sflag:s17] =	ssyncadd.s32 $0xFFFFE700  }
0xd3: {  	s31 =	sadd.s32 $0x1, s31  }
0xd4: {  	p0 =	sne.s32 s31, s15  }
.Ltmp3:
0xd5: {  	[bflag:$0x0] =	sbarrier.arrive $0xFFFF;
	(pc) =	sbr.rel @p0 .LBB2_1-.Ltmp3, $4  }
0xd6: {  	[hbm:s14], [sflag:s8] =	dma.local [spmem:s18], $0x1880  }
0xd7: {  	_ =	swait.ge [sflag:s17], $0x1880  }
0xd8: {  	[sflag:s17] =	ssyncset.done $0x0  }
0xd9: {  	[sflag:s17] =	ssyncadd.s32 $0xFFFFE780  }
0xda: {  	_ =	sfence.sel $0x180000  }
0xdb: {  	[bflag:$0x0] =	sbarrier.arrive $0xFFFF  }
0xdc: {  	_ =	strace $0x9000004A  }
0xdd: {  	s0 =	stileid.u32;
	[bflag:$0x2] =	sbarrier.arrive $0xFFFF  }
0xde: {  	p0 =	sne.s32 s0, $0x0;
	s0 =	rddreg [dreg:$0x3]  }
0xdf: {  	s0 =	sadd.s32 @!p0 $0x100000, s0  }
0xe0: {  	[sflag:s0] =	ssyncadd.tile.s32 @!p0 $0x1;
	_ =	shalt  }
.Lfunc_end2:
_tile_overlayer_lowered:
.L_overlay_start_2:
0xe1: {  	(tag) =	ssettag $0x2  }
0xe2: {  	s0 =	rddreg [dreg:$0x0];
	s2 =	stileid.u32  }
0xe3: {  	s1 =	rddreg [dreg:$0x1];
	p0 =	sne.s32 s2, $0x0  }
0xe4: {  	s3 =	rddreg [dreg:$0x2];
	[bflag:$0x3] =	sbarrier.arrive $0xFFFF;
	s2 =	simm.s32 @!p0 $0x1C04  }
0xe5: {  	[timem:s3], [sflag:s2] =	dma.local @!p0 [hbm:s0], s1  }
0xe6: {  	s0 =	simm.s32 @!p0 $0x4  }
0xe7: {  	_ =	swait.ge @!p0 [sflag:s0], s1  }
0xe8: {  	s1 =	ssub.s32 @!p0 $0x0, s1;
	[sflag:s0] =	ssyncset.done @!p0 $0x0  }
0xe9: {  	[sflag:s0] =	ssyncadd.s32 @!p0 s1  }
0xea: {  	[bflag:$0x3] =	sbarrier.arrive $0xFFFF  }
0xeb: {  	_ =	shalt  }

// kernel: kernel.18.cloned.1.call-start
scs
__scs_entry_jumppad:
0x0: {  	(pc) =	sbr.rel $0x88, $3  }
0x1: {  	(tag) =	ssettag $0x0;
	lr =	simm.s32 $0x1  }
0x2: {  	[smem:$0x3F69] =	sst lr;
	_ =	strace $0xD0000000  }
0x3: {  	_ = 	snop  }
0x4: {  	_ = 	snop  }
0x5: {  	_ = 	snop  }
0x6: {  	_ = 	snop  }
0x7: {  	_ = 	snop  }
__scs_overlays_trampoline_lowered:
0x8: {  	[smem:$0x3F78] =	sst s0  }
0x9: {  	[smem:$0x3F79] =	sst s1  }
0xa: {  	[smem:$0x3F7A] =	sst s2  }
0xb: {  	[smem:$0x3F7B] =	sst s3  }
0xc: {  	[smem:$0x3F7C] =	sst s4  }
0xd: {  	[smem:$0x3F7D] =	sst s5  }
0xe: {  	[smem:$0x3F7E] =	sst s6  }
0xf: {  	[smem:$0x3F7F] =	sst s7  }
0x10: {  	[smem:$0x3F80] =	sst s8  }
0x11: {  	[smem:$0x3F81] =	sst s9;
	s0 =	simm.s32 @!p0 $0x0  }
0x12: {  	s1 =	sld [smem:$0x3F67];
	s0 =	simm.s32 @p0 $0x1  }
0x13: {  	[smem:$0x3F82] =	sst s0;
	s0 =	simm.s32 @!p1 $0x0  }
0x14: {  	s2 =	sld [smem:$0x3F66];
	s0 =	simm.s32 @p1 $0x1  }
0x15: {  	[smem:$0x3F83] =	sst s0;
	s0 =	simm.s32 @!p2 $0x0  }
0x16: {  	s3 =	sld [smem:$0x3FDB];
	s0 =	simm.s32 @p2 $0x1  }
0x17: {  	s4 =	simm.s32 $0x1BF5;
	[smem:$0x3F85] =	sst s0  }
0x18: {  	s0 =	sld [smem:$0x3F68];
	_ =	swait.ge [sflag:s4], $0x0  }
0x19: {  	s7 =	sld [smem:$0x3F69]  }
0x1a: {  	s8 =	sadd.s32 $0xFFFFE003, lr  }
0x1b: {  	s9 =	sadd.s32 $0xFFFFFEF7, lr;
	s5 =	simm.s32 $0xFFFFFFFF;
	p2 =	slt.u32 s8, $0xFFFFF086  }
0x1c: {  	p1 =	slt.u32 s9, $0xF7A;
	s5 =	simm.s32 @!p2 $0x0  }
0x1d: {  	s5 =	simm.s32 @p1 $0x1;
	p0 =	seq.s32 s7, s2  }
0x1e: {  	s7 =	smul.u32 @!p0 $0xF7A, s2;
	p2 =	seq.s32 @!p0 s5, $0x0  }
0x1f: {  	s9 =	smul.u32 $0xF7A, s1;
	s8 =	simm.s32 @!p0 $0x1BF5;
	p2 =	por !p2, p0  }
0x20: {  	[sflag:s8] =	ssyncset.s32 @!p0 $0xFFFFF086;
	s6 =	sadd.s32 @!p0 s3, s7;
	s7 =	simm.s32 @!p0 $0x108  }
0x21: {  	s3 =	sadd.s32 s3, s9;
	s6 =	sadd.s32 @!p0 $0x88, s6;
	s7 =	simm.s32 @p2 $0x1082  }
0x22: {  	[simem:s7], [sflag:s8] =	dma.local @!p0 [hbm:s6], $0xF7A  }
0x23: {  	s9 =	sor.u32 $0xD0000000, s2;
	s6 =	simm.s32 $0x108;
	_ =	swait.ge @!p0 [sflag:s8], $0x0  }
0x24: {  	s3 =	sadd.s32 $0x88, s3;
	s6 =	simm.s32 @!p1 $0x1082;
	[sflag:s4] =	ssyncset.s32 $0xFFFFF086  }
0x25: {  	[simem:s6], [sflag:s4] =	dma.local [hbm:s3], $0xF7A  }
0x26: {  	[smem:$0x3F69] =	sst s1;
	(tag) =	ssettag s2;
	_ =	strace s9  }
0x27: {  	s1 =	sld [smem:$0x3F79]  }
0x28: {  	s2 =	sld [smem:$0x3F7A]  }
0x29: {  	s4 =	sld [smem:$0x3F7C]  }
0x2a: {  	p0 =	seq.s32 s5, $0x0;
	s5 =	sld [smem:$0x3F7D]  }
0x2b: {  	s6 =	sld [smem:$0x3F7E]  }
0x2c: {  	s7 =	sld [smem:$0x3F7F]  }
0x2d: {  	s3 =	simm.s32 $0x108;
	s8 =	sld [smem:$0x3F80]  }
0x2e: {  	s3 =	simm.s32 @!p0 $0x1082;
	s9 =	sld [smem:$0x3F81]  }
0x2f: {  	lr =	sadd.s32 s0, s3;
	s0 =	sld [smem:$0x3F78]  }
0x30: {  	s3 =	sld [smem:$0x3F7B]  }
0x31: {  	[smem:$0x3F84] =	sst s10  }
0x32: {  	s10 =	sld [smem:$0x3F82];
	_ =	sdelay $0x3  }
0x33: {  	p0 =	seq.s32 s10, $0x1;
	s10 =	sld [smem:$0x3F84];
	_ =	sdelay $0x3  }
0x34: {  	[smem:$0x3F84] =	sst s10  }
0x35: {  	s10 =	sld [smem:$0x3F83];
	_ =	sdelay $0x3  }
0x36: {  	p1 =	seq.s32 s10, $0x1;
	s10 =	sld [smem:$0x3F84];
	_ =	sdelay $0x3  }
0x37: {  	[smem:$0x3F84] =	sst s10  }
0x38: {  	s10 =	sld [smem:$0x3F85]  }
0x39: {  	_ = 	snop;
	(pc) =	sbr.ind lr, $3  }
0x3a: {  	_ = 	snop  }
0x3b: {  	_ = 	snop  }
0x3c: {  	p2 =	seq.s32 s10, $0x1;
	s10 =	sld [smem:$0x3F84]  }
0x3d: {  	_ =	shalt  }
0x3e: {  	_ =	shalt  }
0x3f: {  	_ =	shalt  }
0x40: {  	_ =	shalt  }
0x41: {  	_ =	shalt  }
0x42: {  	_ =	shalt  }
0x43: {  	_ =	shalt  }
0x44: {  	_ =	shalt  }
0x45: {  	_ =	shalt  }
0x46: {  	_ =	shalt  }
0x47: {  	_ =	shalt  }
0x48: {  	_ =	shalt  }
0x49: {  	_ =	shalt  }
0x4a: {  	_ =	shalt  }
0x4b: {  	_ =	shalt  }
0x4c: {  	_ =	shalt  }
0x4d: {  	_ =	shalt  }
0x4e: {  	_ =	shalt  }
0x4f: {  	_ =	shalt  }
0x50: {  	_ =	shalt  }
0x51: {  	_ =	shalt  }
0x52: {  	_ =	shalt  }
0x53: {  	_ =	shalt  }
0x54: {  	_ =	shalt  }
0x55: {  	_ =	shalt  }
0x56: {  	_ =	shalt  }
0x57: {  	_ =	shalt  }
0x58: {  	_ =	shalt  }
0x59: {  	_ =	shalt  }
0x5a: {  	_ =	shalt  }
0x5b: {  	_ =	shalt  }
0x5c: {  	_ =	shalt  }
0x5d: {  	_ =	shalt  }
0x5e: {  	_ =	shalt  }
0x5f: {  	_ =	shalt  }
0x60: {  	_ =	shalt  }
0x61: {  	_ =	shalt  }
0x62: {  	_ =	shalt  }
0x63: {  	_ =	shalt  }
0x64: {  	_ =	shalt  }
0x65: {  	_ =	shalt  }
0x66: {  	_ =	shalt  }
0x67: {  	_ =	shalt  }
0x68: {  	_ =	shalt  }
0x69: {  	_ =	shalt  }
0x6a: {  	_ =	shalt  }
0x6b: {  	_ =	shalt  }
0x6c: {  	_ =	shalt  }
0x6d: {  	_ =	shalt  }
0x6e: {  	_ =	shalt  }
0x6f: {  	_ =	shalt  }
0x70: {  	_ =	shalt  }
0x71: {  	_ =	shalt  }
0x72: {  	_ =	shalt  }
0x73: {  	_ =	shalt  }
0x74: {  	_ =	shalt  }
0x75: {  	_ =	shalt  }
0x76: {  	_ =	shalt  }
0x77: {  	_ =	shalt  }
0x78: {  	_ =	shalt  }
0x79: {  	_ =	shalt  }
0x7a: {  	_ =	shalt  }
0x7b: {  	_ =	shalt  }
0x7c: {  	_ =	shalt  }
0x7d: {  	_ =	shalt  }
0x7e: {  	_ =	shalt  }
0x7f: {  	_ =	shalt  }
0x80: {  	_ =	shalt  }
0x81: {  	_ =	shalt  }
0x82: {  	_ =	shalt  }
0x83: {  	_ =	shalt  }
0x84: {  	_ =	shalt  }
0x85: {  	_ =	shalt  }
0x86: {  	_ =	shalt  }
0x87: {  	_ =	shalt  }
.Lfunc_end0:
.L_simem_size_0:
called_computation.2_lowered:
.L_overlay_start_0:
0x88: {  	s2 =	sld [smem:$0x3FD9]  }
0x89: {  	s3 =	sld [smem:$0x3FFE];
	_ =	sdelay $0x1  }
0x8a: {  	s1 =	srdreg.scid  }
0x8b: {  	s0 =	sand.u32 $0x1, s1  }
0x8c: {  	s16 =	sshll.u32 s0, $0xA;
	s2 =	sadd.s32 s3, s2  }
0x8d: {  	s2 =	sadd.s32 s2, s16  }
0x8e: {  	[smem:$0x3F90] =	sst s2  }
0x8f: {  	_ = 	snop  }
0x90: {  	(tm) =	ssettm $0x1  }
0x91: {  	s17 =	sld [smem:$0x3FFB];
	_ =	sdelay $0x3  }
0x92: {  	_ =	strace s17  }
0x93: {  	s2 =	sld [smem:$0x3FFC];
	_ =	sdelay $0x3  }
0x94: {  	_ =	strace s2  }
0x95: {  	s2 =	sld [smem:$0x3FFD];
	_ =	sdelay $0x3  }
0x96: {  	_ =	strace s2  }
0x97: {  	_ =	strace $0x8FFFFFFF  }
0x98: {  	s18 =	sld [smem:$0x3FDB];
	_ =	sdelay $0x1  }
0x99: {  	s19 =	simm.s32 $_scs_section_size  }
0x9a: {  	s4 =	simm.s32 $_size__tile_overlayer_lowered;
	s5 =	simm.s32 $_tile_overlayer_lowered  }
0x9b: {  	s22 =	simm.s32 $0x1BFF;
	s21 =	sshll.u32 s5, $0x1;
	s2 =	sadd.s32 s19, s18  }
0x9c: {  	s6 =	simm.s32 $0x0;
	s20 =	sshll.u32 s4, $0x1;
	s4 =	sadd.s32 s21, s2  }
0x9d: {  	[timem:s6], [sflag:s22] =	dma.local [hbm:s4], s20  }
0x9e: {  	_ =	swait.ge [sflag:s22], s20  }
0x9f: {  	s3 =	ssub.s32 $0x0, s20;
	[sflag:s22] =	ssyncset.done $0x0  }
0xa0: {  	[sflag:s22] =	ssyncadd.s32 s3;
	_ =	sdelay $0x1  }
0xa1: {  	s23 =	simm.s32 $0x1B8B  }
0xa2: {  	_ =	swait.ge [sflag:s23], $0x1  }
0xa3: {  	[sflag:s23] =	ssyncset.done $0x0  }
0xa4: {  	s25 =	simm.s32 $0x1B8E;
	s24 =	sld [smem:$0x3FFE];
	[sflag:s23] =	ssyncadd.s32 $0xFFFFFFFF  }
0xa5: {  	s26 =	simm.s32 $execute0_lowered;
	[smem:$0x3FD2] =	sst s25  }
0xa6: {  	s4 =	sshll.u32 s26, $0x1;
	_ =	strace $0x8000004C;
	[dreg:$0x1] =	wrdreg $0xFFFFFFFF  }
0xa7: {  	s28 =	simm.s32 $_size_execute0_lowered;
	s2 =	sadd.s32 s2, s4;
	[dreg:$0x0] =	wrdreg $0x0  }
0xa8: {  	s4 =	sshll.u32 s28, $0x1;
	[dreg:$0x2] =	wrdreg s2  }
0xa9: {  	[dreg:$0x3] =	wrdreg s4  }
0xaa: {  	[dreg:$0x4] =	wrdreg $0xC0  }
0xab: {  	_ =	task [dreg:s6], $0x5FFFF  }
0xac: {  	[dreg:$0x1] =	wrdreg $0xFFFFFFFF  }
0xad: {  	[dreg:$0x0] =	wrdreg $0x60  }
0xae: {  	[dreg:$0x2] =	wrdreg s24  }
0xaf: {  	[dreg:$0x3] =	wrdreg $0x6A400  }
0xb0: {  	[dreg:$0x4] =	wrdreg $0x12E400  }
0xb1: {  	[dreg:$0x5] =	wrdreg $0x9  }
0xb2: {  	_ =	task.clear_ibuf [dreg:s6], $0x6FFFF;
	_ =	strace $0x9000004C  }
0xb3: {  	s29 =	simm.s32 $0x9;
	_ =	strace $0x8000004E  }
0xb4: {  	_ =	swait.ge [sflag:s29], $0x1  }
0xb5: {  	[sflag:s29] =	ssyncadd.s32 $0xFFFFFFFF  }
0xb6: {  	_ =	strace $0x9000004E  }
0xb7: {  	_ =	sfence  }
0xb8: {  	s30 =	sld [smem:$0x0];
	_ =	sdelay $0x2  }
0xb9: {  	s31 =	sshll.u32 s1, $0xD;
	s1 =	sshrl.u32 s1, $0x2  }
0xba: {  	s3 =	sand.u32 $0x4000, s31;
	s1 =	sadd.s32 s1, s30  }
0xbb: {  	s0 =	sor.u32 s3, s0;
	s1 =	sshll.u32 s1, $0x11  }
0xbc: {  	s0 =	sor.u32 s1, s0  }
0xbd: {  	s0 =	sadd.s32 $0x8F2B, s0  }
0xbe: {  	[sflag:s0] =	ssyncadd.remote.s32 $0x1  }
0xbf: {  	_ =	sfence.sel $0xFFFF  }
0xc0: {  	[dreg:$0x0] =	wrdreg $0xFFFFFFFF;
	(pc) =	sbr.abs _section_cstart, $3  }
0xc1: {  	[dreg:$0x1] =	wrdreg $0xFFFFFFFF  }
0xc2: {  	_ =	task.clear_ibuf [dreg:s6], $0x2FFFF;
	_ =	strace $0x9FFFFFFF  }
0xc3: {  	(tm) =	ssettm $0x7FFFFFFF  }
tec
execute0_lowered:
.L_overlay_start_1:
0x0: {  	(tag) =	ssettag $0x1  }
0x1: {  	s0 =	rddreg [dreg:$0x0]  }
0x2: {  	s2 =	rddreg [dreg:$0x1]  }
0x3: {  	s3 =	rddreg [dreg:$0x2];
	s4 =	simm.s32 $0x0  }
0x4: {  	s13 =	stileid.u32;
	s1 =	srdreg.scid;
	s17 =	simm.s32 $0x4  }
0x5: {  	s19 =	simm.s32 $0x190;
	s20 =	simm.s32 $0x30D400;
	s22 =	simm.s32 $0x320  }
0x6: {  	s28 =	simm.s32 $0x2;
	s29 =	simm.s32 $0x5140;
	s30 =	simm.s32 $0x4B0  }
0x7: {  	s31 =	simm.s32 $0x0;
	[smem:$0x7FF] =	sst s4;
	s7 =	smul.u32 $0xC400, s13  }
0x8: {  	s1 =	sand.u32 $0x1, s1;
	s5 =	sadd.s32 $0xC42600, s0;
	s6 =	sadd.s32 $0x1ACA00, s0  }
0x9: {  	s12 =	sshll.u32 s13, $0x1;
	s23 =	sshll.u32 s13, $0x6;
	_ =	strace $0x8000004D  }
0xa: {  	s8 =	smul.u32 $0xC4000, s1;
	s10 =	ssub.s32 $0x2, s1;
	s1 =	sor.u32 s1, s12  }
0xb: {  	s9 =	sshrl.u32 s7, $0x3;
	s11 =	sshrl.u32 s10, $0x1;
	s24 =	smul.u32 $0x186A0, s1  }
0xc: {  	s16 =	sadd.s32 s7, s2;
	s1 =	smul.u32 $0x30D40, s1;
	s9 =	sadd.s32 s9, s0  }
0xd: {  	s8 =	sadd.s32 s7, s8;
	s10 =	ssub.s32 s10, s11;
	s7 =	sadd.s32 s7, s3  }
0xe: {  	s16 =	sshrl.u32 s16, $0x3;
	s8 =	sshrl.u32 s8, $0x3;
	s25 =	sadd.s32 $0xB99E00, s9  }
0xf: {  	s9 =	sadd.s32 $0xD0C00, s9;
	s26 =	sshrl.u32 s24, $0x3;
	s11 =	sadd.s32 s6, s1  }
0x10: {  	s12 =	sadd.s32 $0x190, s24;
	s13 =	sadd.s32 $0x320, s24;
	s15 =	smax.u32 s10, $0x1  }
0x11: {  	s18 =	sshrl.u32 s7, $0x3;
	s24 =	simm.s32 $0x1;
	[dreg:$0x4] =	wrdreg s25  }
0x12: {  	s0 =	sadd.s32 s8, s0;
	s8 =	sor.u32 $0x1C04, s23;
	[dreg:$0x5] =	wrdreg s9  }
0x13: {  	s9 =	sadd.s32 s5, s26;
	s23 =	simm.s32 $0x1F40;
	s25 =	simm.s32 $0x3840  }
0x14: {  	s26 =	simm.s32 $0x3;
	[dreg:$0x6] =	wrdreg s9;
	s14 =	sadd.s32 $0xBB2600, s0  }
.LBB2_1:
0x15: {  	s0 =	rddreg [dreg:$0x4]  }
0x16: {  	[spmem:s16], [sflag:s8] =	dma.local [hbm:s0], $0x1880  }
0x17: {  	_ =	swait.ge [sflag:s17], $0x1880  }
0x18: {  	[sflag:s17] =	ssyncset.done $0x0  }
0x19: {  	s9 =	rddreg [dreg:$0x5];
	[sflag:s17] =	ssyncadd.s32 $0xFFFFE780  }
0x1a: {  	[spmem:s18], [sflag:s8] =	dma.local [hbm:s9], $0x1880  }
0x1b: {  	_ =	swait.ge [sflag:s17], $0x1880  }
0x1c: {  	[sflag:s17] =	ssyncset.done $0x0  }
0x1d: {  	[sflag:s17] =	ssyncadd.s32 $0xFFFFE780  }
0x1e: {  	[bflag:$0x0] =	sbarrier.arrive $0xFFFF  }
0x1f: {  	s10 =	rddreg [dreg:$0x6]  }
0x20: {  	[tilespmem:s4], [sflag:$0x1] =	stream.strided.gather [hbm4b:s10+s19], $0x320, s20, s19, $0x38;
	[tilespmem:$0x1F240] =	vst v63  }
0x21: {  	s21 =	simm.s32 $0x640;
	s0 =	simm.s32 $0x0  }
0x22: {  	[tilespmem:s21], [sflag:$0x1] =	stream.linear.gather [hbm4b:s11+s4], $0x1900, $0x38;
	[tilespmem:$0x1F240] =	vst v63  }
.LBB2_2:
0x23: {  	s1 =	smul.u32 $0x320, s0;
	_ =	sdelay $0x1  }
0x24: {  	s7 =	sadd.s32 s1, s12  }
0x25: {  	s9 =	sshrl.u32 s7, $0x3;
	s7 =	sshll.u32 s7, $0x1  }
0x26: {  	s9 =	sadd.s32 s5, s9;
	s7 =	sand.u32 $0x1FFFFFE0, s7  }
0x27: {  	[tilespmem:s22], [sflag:$0x2] =	stream.strided.gather [hbm4b:s9+s19], $0x320, s20, s19, $0x38;
	[tilespmem:$0x1F240] =	vst v63  }
0x28: {  	s7 =	sadd.s32 s6, s7  }
0x29: {  	[tilespmem:s23], [sflag:$0x2] =	stream.linear.gather [hbm4b:s7+s4], $0x1900, $0x38;
	[tilespmem:$0x1F240] =	vst v63  }
0x2a: {  	_ =	swait.ge [sflag:s24], $0x320  }
0x2b: {  	[sflag:s24] =	ssyncset.done $0x0  }
0x2c: {  	[sflag:s24] =	ssyncadd.s32 $0xFFFFFCE0  }
0x2d: {  	_ =	swait.ge [sflag:s24], $0x1900  }
0x2e: {  	[sflag:s24] =	ssyncset.done $0x0  }
0x2f: {  	[sflag:s24] =	ssyncadd.s32 $0xFFFFE700  }
0x30: {  	[tilespmem:s25], [sflag:$0x3] =	stream.indirect.gather [spmem:s2], $0x10, s4, s19, $0xb8;
	[tilespmem:$0x1F240] =	vst v63  }
0x31: {  	_ =	swait.ge [sflag:s26], $0x1900  }
0x32: {  	[sflag:s26] =	ssyncset.done $0x0  }
0x33: {  	s21 =	simm.s32 $0x3880;
	[sflag:s26] =	ssyncadd.s32 $0xFFFFE700  }
0x34: {  	s7 =	simm.s32 $0x680;
	v0 =	vld [tilespmem:s21+$0xFFFFFFC0]  }
0x35: {  	v1 =	vld [tilespmem:s7+$0xFFFFFFC0];
	_ =	sdelay $0x4  }
0x36: {  	v0 =	vadd.f32 v0, v1;
	_ =	sdelay $0x1  }
0x37: {  	v0 =	vmax.f32 v0, $0.0e+00  }
0x38: {  	[tilespmem:s21+$0xFFFFFFC0] =	vst v0;
	v0 =	vld [tilespmem:s21+$0xFFFFFFD0]  }
0x39: {  	v1 =	vld [tilespmem:s7+$0xFFFFFFD0];
	_ =	sdelay $0x4  }
0x3a: {  	v0 =	vadd.f32 v0, v1;
	_ =	sdelay $0x1  }
0x3b: {  	v0 =	vmax.f32 v0, $0.0e+00  }
0x3c: {  	[tilespmem:s21+$0xFFFFFFD0] =	vst v0;
	v0 =	vld [tilespmem:s21+$0xFFFFFFE0]  }
0x3d: {  	v1 =	vld [tilespmem:s7+$0xFFFFFFE0];
	_ =	sdelay $0x4  }
0x3e: {  	v0 =	vadd.f32 v0, v1;
	_ =	sdelay $0x1  }
0x3f: {  	v0 =	vmax.f32 v0, $0.0e+00  }
0x40: {  	[tilespmem:s21+$0xFFFFFFE0] =	vst v0;
	v0 =	vld [tilespmem:s21+$0xFFFFFFF0]  }
0x41: {  	v1 =	vld [tilespmem:s7+$0xFFFFFFF0];
	_ =	sdelay $0x4  }
0x42: {  	v0 =	vadd.f32 v0, v1;
	_ =	sdelay $0x1  }
0x43: {  	v0 =	vmax.f32 v0, $0.0e+00  }
0x44: {  	[tilespmem:s21+$0xFFFFFFF0] =	vst v0;
	v0 =	vld [tilespmem:s21+$0x0]  }
0x45: {  	v1 =	vld [tilespmem:s7+$0x0];
	_ =	sdelay $0x4  }
0x46: {  	v0 =	vadd.f32 v0, v1;
	_ =	sdelay $0x1  }
0x47: {  	v0 =	vmax.f32 v0, $0.0e+00  }
0x48: {  	[tilespmem:s21+$0x0] =	vst v0;
	v0 =	vld [tilespmem:s21+$0x10]  }
0x49: {  	v1 =	vld [tilespmem:s7+$0x10];
	_ =	sdelay $0x4  }
0x4a: {  	v0 =	vadd.f32 v0, v1;
	_ =	sdelay $0x1  }
0x4b: {  	v0 =	vmax.f32 v0, $0.0e+00  }
0x4c: {  	[tilespmem:s21+$0x10] =	vst v0;
	v0 =	vld [tilespmem:s21+$0x20]  }
0x4d: {  	v1 =	vld [tilespmem:s7+$0x20];
	_ =	sdelay $0x4  }
0x4e: {  	v0 =	vadd.f32 v0, v1;
	_ =	sdelay $0x1  }
0x4f: {  	v0 =	vmax.f32 v0, $0.0e+00  }
0x50: {  	[tilespmem:s21+$0x20] =	vst v0;
	v0 =	vld [tilespmem:s21+$0x30]  }
0x51: {  	v1 =	vld [tilespmem:s7+$0x30];
	_ =	sdelay $0x4  }
0x52: {  	v0 =	vadd.f32 v0, v1;
	_ =	sdelay $0x1  }
0x53: {  	s10 =	simm.s32 $0x3900;
	s9 =	simm.s32 $0x0;
	v0 =	vmax.f32 v0, $0.0e+00  }
.LBB2_3:
0x54: {  	v1 =	vld [tilespmem:s10+$0xFFFFFFC0];
	[tilespmem:s21+$0x30] =	vst v0;
	s7 =	sadd.s32 $0x80, s7;
	s21 =	smov.u32 s10  }
0x55: {  	s9 =	sadd.s32 $0x8, s9;
	v0 =	vld [tilespmem:s7+$0xFFFFFFC0]  }
0x56: {  	p0 =	slt.u32 s9, $0x188;
	_ =	sdelay $0x3  }
0x57: {  	v0 =	vadd.f32 v1, v0;
	_ =	sdelay $0x1  }
0x58: {  	v0 =	vmax.f32 v0, $0.0e+00  }
0x59: {  	[tilespmem:s10+$0xFFFFFFC0] =	vst v0;
	v0 =	vld [tilespmem:s10+$0xFFFFFFD0]  }
0x5a: {  	v1 =	vld [tilespmem:s7+$0xFFFFFFD0];
	_ =	sdelay $0x4  }
0x5b: {  	v0 =	vadd.f32 v0, v1;
	_ =	sdelay $0x1  }
0x5c: {  	v0 =	vmax.f32 v0, $0.0e+00  }
0x5d: {  	[tilespmem:s10+$0xFFFFFFD0] =	vst v0;
	v0 =	vld [tilespmem:s10+$0xFFFFFFE0]  }
0x5e: {  	v1 =	vld [tilespmem:s7+$0xFFFFFFE0];
	_ =	sdelay $0x4  }
0x5f: {  	v0 =	vadd.f32 v0, v1;
	_ =	sdelay $0x1  }
0x60: {  	v0 =	vmax.f32 v0, $0.0e+00  }
0x61: {  	[tilespmem:s10+$0xFFFFFFE0] =	vst v0;
	v0 =	vld [tilespmem:s10+$0xFFFFFFF0]  }
0x62: {  	v1 =	vld [tilespmem:s7+$0xFFFFFFF0];
	_ =	sdelay $0x4  }
0x63: {  	v0 =	vadd.f32 v0, v1;
	_ =	sdelay $0x1  }
0x64: {  	v0 =	vmax.f32 v0, $0.0e+00  }
0x65: {  	[tilespmem:s10+$0xFFFFFFF0] =	vst v0;
	v0 =	vld [tilespmem:s10+$0x0]  }
0x66: {  	v1 =	vld [tilespmem:s7+$0x0];
	_ =	sdelay $0x4  }
0x67: {  	v0 =	vadd.f32 v0, v1;
	_ =	sdelay $0x1  }
0x68: {  	v0 =	vmax.f32 v0, $0.0e+00  }
0x69: {  	[tilespmem:s10+$0x0] =	vst v0;
	v0 =	vld [tilespmem:s10+$0x10]  }
0x6a: {  	v1 =	vld [tilespmem:s7+$0x10];
	_ =	sdelay $0x4  }
0x6b: {  	v0 =	vadd.f32 v0, v1;
	_ =	sdelay $0x1  }
0x6c: {  	v0 =	vmax.f32 v0, $0.0e+00  }
0x6d: {  	[tilespmem:s10+$0x10] =	vst v0;
	v0 =	vld [tilespmem:s10+$0x20]  }
0x6e: {  	v1 =	vld [tilespmem:s7+$0x20];
	_ =	sdelay $0x4  }
0x6f: {  	v0 =	vadd.f32 v0, v1;
	_ =	sdelay $0x1  }
0x70: {  	v0 =	vmax.f32 v0, $0.0e+00  }
0x71: {  	[tilespmem:s10+$0x20] =	vst v0;
	v0 =	vld [tilespmem:s10+$0x30]  }
0x72: {  	v1 =	vld [tilespmem:s7+$0x30];
	_ =	sdelay $0x2  }
.Ltmp0:
0x73: {  	(pc) =	sbr.rel @p0 .LBB2_3-.Ltmp0, $3  }
0x74: {  	_ = 	snop  }
0x75: {  	v0 =	vadd.f32 v0, v1;
	_ =	sdelay $0x1  }
0x76: {  	s10 =	sadd.s32 $0x80, s10;
	v0 =	vmax.f32 v0, $0.0e+00  }
0x77: {  	[tilespmem:s21+$0x30] =	vst v0;
	p0 =	seq.s32 s0, $0x7C  }
0x78: {  	[spmem:s3] =	stream.indirect.scatter.add.f32 [tilespmem:s25], [sflag:$0x4], $0x10, s19, s19, $0xb8;
	[tilespmem:$0x1F240] =	vst v63  }
0x79: {  	s1 =	sadd.s32 @!p0 s1, s13;
	s9 =	simm.s32 @!p0 $0x190  }
0x7a: {  	s10 =	simm.s32 @!p0 $0x30D400;
	s21 =	simm.s32 @!p0 $0x0;
	_ =	swait.ge [sflag:s17], $0x1900  }
0x7b: {  	s7 =	sshrl.u32 @!p0 s1, $0x3;
	s1 =	sshll.u32 @!p0 s1, $0x1;
	[sflag:s17] =	ssyncset.done $0x0  }
0x7c: {  	s7 =	sadd.s32 @!p0 s5, s7;
	s1 =	sand.u32 @!p0 $0x1FFFFFC0, s1;
	[sflag:s17] =	ssyncadd.s32 $0xFFFFE700  }
0x7d: {  	[tilespmem:s21], [sflag:$0x1] =	stream.strided.gather @!p0 [hbm4b:s7+s9], $0x320, s10, s9, $0x38;
	[tilespmem:$0x1F240] =	vst v63  }
0x7e: {  	s1 =	sadd.s32 @!p0 s6, s1;
	s7 =	simm.s32 @!p0 $0x640  }
0x7f: {  	[tilespmem:s7], [sflag:$0x1] =	stream.linear.gather @!p0 [hbm4b:s1+s21], $0x1900, $0x38;
	[tilespmem:$0x1F240] =	vst v63  }
0x80: {  	_ =	swait.ge [sflag:s28], $0x320  }
0x81: {  	[sflag:s28] =	ssyncset.done $0x0  }
0x82: {  	[sflag:s28] =	ssyncadd.s32 $0xFFFFFCE0  }
0x83: {  	_ =	swait.ge [sflag:s28], $0x1900  }
0x84: {  	[sflag:s28] =	ssyncset.done $0x0  }
0x85: {  	[sflag:s28] =	ssyncadd.s32 $0xFFFFE700  }
0x86: {  	[tilespmem:s29], [sflag:$0x3] =	stream.indirect.gather [spmem:s2], $0x10, s22, s19, $0xb8;
	[tilespmem:$0x1F240] =	vst v63  }
0x87: {  	_ =	swait.ge [sflag:s26], $0x1900  }
0x88: {  	[sflag:s26] =	ssyncset.done $0x0  }
0x89: {  	s1 =	simm.s32 $0x5180;
	[sflag:s26] =	ssyncadd.s32 $0xFFFFE700  }
0x8a: {  	s21 =	simm.s32 $0x1F80;
	v0 =	vld [tilespmem:s1+$0xFFFFFFC0]  }
0x8b: {  	v1 =	vld [tilespmem:s21+$0xFFFFFFC0];
	_ =	sdelay $0x4  }
0x8c: {  	v0 =	vadd.f32 v0, v1;
	_ =	sdelay $0x1  }
0x8d: {  	v0 =	vmax.f32 v0, $0.0e+00  }
0x8e: {  	[tilespmem:s1+$0xFFFFFFC0] =	vst v0;
	v0 =	vld [tilespmem:s1+$0xFFFFFFD0]  }
0x8f: {  	v1 =	vld [tilespmem:s21+$0xFFFFFFD0];
	_ =	sdelay $0x4  }
0x90: {  	v0 =	vadd.f32 v0, v1;
	_ =	sdelay $0x1  }
0x91: {  	v0 =	vmax.f32 v0, $0.0e+00  }
0x92: {  	[tilespmem:s1+$0xFFFFFFD0] =	vst v0;
	v0 =	vld [tilespmem:s1+$0xFFFFFFE0]  }
0x93: {  	v1 =	vld [tilespmem:s21+$0xFFFFFFE0];
	_ =	sdelay $0x4  }
0x94: {  	v0 =	vadd.f32 v0, v1;
	_ =	sdelay $0x1  }
0x95: {  	v0 =	vmax.f32 v0, $0.0e+00  }
0x96: {  	[tilespmem:s1+$0xFFFFFFE0] =	vst v0;
	v0 =	vld [tilespmem:s1+$0xFFFFFFF0]  }
0x97: {  	v1 =	vld [tilespmem:s21+$0xFFFFFFF0];
	_ =	sdelay $0x4  }
0x98: {  	v0 =	vadd.f32 v0, v1;
	_ =	sdelay $0x1  }
0x99: {  	v0 =	vmax.f32 v0, $0.0e+00  }
0x9a: {  	[tilespmem:s1+$0xFFFFFFF0] =	vst v0;
	v0 =	vld [tilespmem:s1+$0x0]  }
0x9b: {  	v1 =	vld [tilespmem:s21+$0x0];
	_ =	sdelay $0x4  }
0x9c: {  	v0 =	vadd.f32 v0, v1;
	_ =	sdelay $0x1  }
0x9d: {  	v0 =	vmax.f32 v0, $0.0e+00  }
0x9e: {  	[tilespmem:s1+$0x0] =	vst v0;
	v0 =	vld [tilespmem:s1+$0x10]  }
0x9f: {  	v1 =	vld [tilespmem:s21+$0x10];
	_ =	sdelay $0x4  }
0xa0: {  	v0 =	vadd.f32 v0, v1;
	_ =	sdelay $0x1  }
0xa1: {  	v0 =	vmax.f32 v0, $0.0e+00  }
0xa2: {  	[tilespmem:s1+$0x10] =	vst v0;
	v0 =	vld [tilespmem:s1+$0x20]  }
0xa3: {  	v1 =	vld [tilespmem:s21+$0x20];
	_ =	sdelay $0x4  }
0xa4: {  	v0 =	vadd.f32 v0, v1;
	_ =	sdelay $0x1  }
0xa5: {  	v0 =	vmax.f32 v0, $0.0e+00  }
0xa6: {  	[tilespmem:s1+$0x20] =	vst v0;
	v0 =	vld [tilespmem:s1+$0x30]  }
0xa7: {  	v1 =	vld [tilespmem:s21+$0x30];
	_ =	sdelay $0x4  }
0xa8: {  	v0 =	vadd.f32 v0, v1;
	_ =	sdelay $0x1  }
0xa9: {  	s0 =	sadd.s32 $0x1, s0;
	s9 =	simm.s32 $0x5200;
	s7 =	simm.s32 $0x0;
	v0 =	vmax.f32 v0, $0.0e+00  }
.LBB2_5:
0xaa: {  	v1 =	vld [tilespmem:s9+$0xFFFFFFC0];
	[tilespmem:s1+$0x30] =	vst v0;
	s21 =	sadd.s32 $0x80, s21;
	s1 =	smov.u32 s9  }
0xab: {  	s7 =	sadd.s32 $0x8, s7;
	v0 =	vld [tilespmem:s21+$0xFFFFFFC0]  }
0xac: {  	p0 =	slt.u32 s7, $0x188;
	_ =	sdelay $0x3  }
0xad: {  	v0 =	vadd.f32 v1, v0;
	_ =	sdelay $0x1  }
0xae: {  	v0 =	vmax.f32 v0, $0.0e+00  }
0xaf: {  	[tilespmem:s9+$0xFFFFFFC0] =	vst v0;
	v0 =	vld [tilespmem:s9+$0xFFFFFFD0]  }
0xb0: {  	v1 =	vld [tilespmem:s21+$0xFFFFFFD0];
	_ =	sdelay $0x4  }
0xb1: {  	v0 =	vadd.f32 v0, v1;
	_ =	sdelay $0x1  }
0xb2: {  	v0 =	vmax.f32 v0, $0.0e+00  }
0xb3: {  	[tilespmem:s9+$0xFFFFFFD0] =	vst v0;
	v0 =	vld [tilespmem:s9+$0xFFFFFFE0]  }
0xb4: {  	v1 =	vld [tilespmem:s21+$0xFFFFFFE0];
	_ =	sdelay $0x4  }
0xb5: {  	v0 =	vadd.f32 v0, v1;
	_ =	sdelay $0x1  }
0xb6: {  	v0 =	vmax.f32 v0, $0.0e+00  }
0xb7: {  	[tilespmem:s9+$0xFFFFFFE0] =	vst v0;
	v0 =	vld [tilespmem:s9+$0xFFFFFFF0]  }
0xb8: {  	v1 =	vld [tilespmem:s21+$0xFFFFFFF0];
	_ =	sdelay $0x4  }
0xb9: {  	v0 =	vadd.f32 v0, v1;
	_ =	sdelay $0x1  }
0xba: {  	v0 =	vmax.f32 v0, $0.0e+00  }
0xbb: {  	[tilespmem:s9+$0xFFFFFFF0] =	vst v0;
	v0 =	vld [tilespmem:s9+$0x0]  }
0xbc: {  	v1 =	vld [tilespmem:s21+$0x0];
	_ =	sdelay $0x4  }
0xbd: {  	v0 =	vadd.f32 v0, v1;
	_ =	sdelay $0x1  }
0xbe: {  	v0 =	vmax.f32 v0, $0.0e+00  }
0xbf: {  	[tilespmem:s9+$0x0] =	vst v0;
	v0 =	vld [tilespmem:s9+$0x10]  }
0xc0: {  	v1 =	vld [tilespmem:s21+$0x10];
	_ =	sdelay $0x4  }
0xc1: {  	v0 =	vadd.f32 v0, v1;
	_ =	sdelay $0x1  }
0xc2: {  	v0 =	vmax.f32 v0, $0.0e+00  }
0xc3: {  	[tilespmem:s9+$0x10] =	vst v0;
	v0 =	vld [tilespmem:s9+$0x20]  }
0xc4: {  	v1 =	vld [tilespmem:s21+$0x20];
	_ =	sdelay $0x4  }
0xc5: {  	v0 =	vadd.f32 v0, v1;
	_ =	sdelay $0x1  }
0xc6: {  	v0 =	vmax.f32 v0, $0.0e+00  }
0xc7: {  	[tilespmem:s9+$0x20] =	vst v0;
	v0 =	vld [tilespmem:s9+$0x30]  }
0xc8: {  	v1 =	vld [tilespmem:s21+$0x30];
	_ =	sdelay $0x2  }
.Ltmp1:
0xc9: {  	(pc) =	sbr.rel @p0 .LBB2_5-.Ltmp1, $3  }
0xca: {  	_ = 	snop  }
0xcb: {  	v0 =	vadd.f32 v0, v1;
	_ =	sdelay $0x1  }
0xcc: {  	s9 =	sadd.s32 $0x80, s9;
	v0 =	vmax.f32 v0, $0.0e+00  }
0xcd: {  	p0 =	sne.s32 s0, $0x7D  }
.Ltmp2:
0xce: {  	[tilespmem:s1+$0x30] =	vst v0;
	(pc) =	sbr.rel @p0 .LBB2_2-.Ltmp2, $4  }
0xcf: {  	[spmem:s3] =	stream.indirect.scatter.add.f32 [tilespmem:s29], [sflag:$0x4], $0x10, s30, s19, $0xb8;
	[tilespmem:$0x1F240] =	vst v63  }
0xd0: {  	_ =	swait.ge [sflag:s17], $0x1900  }
0xd1: {  	[sflag:s17] =	ssyncset.done $0x0  }
0xd2: {  	[sflag:s17] =	ssyncadd.s32 $0xFFFFE700  }
0xd3: {  	s31 =	sadd.s32 $0x1, s31  }
0xd4: {  	p0 =	sne.s32 s31, s15  }
.Ltmp3:
0xd5: {  	[bflag:$0x0] =	sbarrier.arrive $0xFFFF;
	(pc) =	sbr.rel @p0 .LBB2_1-.Ltmp3, $4  }
0xd6: {  	[hbm:s14], [sflag:s8] =	dma.local [spmem:s18], $0x1880  }
0xd7: {  	_ =	swait.ge [sflag:s17], $0x1880  }
0xd8: {  	[sflag:s17] =	ssyncset.done $0x0  }
0xd9: {  	[sflag:s17] =	ssyncadd.s32 $0xFFFFE780  }
0xda: {  	_ =	sfence.sel $0x180000  }
0xdb: {  	[bflag:$0x0] =	sbarrier.arrive $0xFFFF  }
0xdc: {  	_ =	strace $0x9000004D  }
0xdd: {  	s0 =	stileid.u32;
	[bflag:$0x2] =	sbarrier.arrive $0xFFFF  }
0xde: {  	p0 =	sne.s32 s0, $0x0;
	s0 =	rddreg [dreg:$0x3]  }
0xdf: {  	s0 =	sadd.s32 @!p0 $0x100000, s0  }
0xe0: {  	[sflag:s0] =	ssyncadd.tile.s32 @!p0 $0x1;
	_ =	shalt  }
.Lfunc_end2:
_tile_overlayer_lowered:
.L_overlay_start_2:
0xe1: {  	(tag) =	ssettag $0x2  }
0xe2: {  	s0 =	rddreg [dreg:$0x0];
	s2 =	stileid.u32  }
0xe3: {  	s1 =	rddreg [dreg:$0x1];
	p0 =	sne.s32 s2, $0x0  }
0xe4: {  	s3 =	rddreg [dreg:$0x2];
	[bflag:$0x3] =	sbarrier.arrive $0xFFFF;
	s2 =	simm.s32 @!p0 $0x1C04  }
0xe5: {  	[timem:s3], [sflag:s2] =	dma.local @!p0 [hbm:s0], s1  }
0xe6: {  	s0 =	simm.s32 @!p0 $0x4  }
0xe7: {  	_ =	swait.ge @!p0 [sflag:s0], s1  }
0xe8: {  	s1 =	ssub.s32 @!p0 $0x0, s1;
	[sflag:s0] =	ssyncset.done @!p0 $0x0  }
0xe9: {  	[sflag:s0] =	ssyncadd.s32 @!p0 s1  }
0xea: {  	[bflag:$0x3] =	sbarrier.arrive $0xFFFF  }
0xeb: {  	_ =	shalt  }

</sc_bundles>
